<compile_context>
chip_gen: v7x
topology: tpu7x:2x2x1
jax: 0.10.2.dev20260603
libtpu: 0.0.44.dev20260713+nightly
codegen_flags: <defaults>
</compile_context>

<pallas_src>
import functools
import jax
import jax.numpy as jnp
from jax import lax
from jax.experimental import pallas as pl
from jax.experimental.pallas import tpu as pltpu, tpu_sc as plsc

N_WORDS = 10000
N_SENTS = 500
N_EDGES = 320000
VOCAB = 50000
EMBED = 128
HID = 64
LSTM2 = 512
FFN_D = 256
N_ITER = 2
N_ETYPES = 40

_NC, _NS = 2, 16
_NW = _NC * _NS
_C = 80
_EPW = N_EDGES // _NW
_NCHUNK = _EPW // _C


def _sc_gather_rows(table, idx, n_rows, d):
    b_pad = ((n_rows + 8 * _NW - 1) // (8 * _NW)) * (8 * _NW)
    idx_p = jnp.zeros((b_pad,), jnp.int32).at[:n_rows].set(idx)
    b_per_w = b_pad // _NW
    mesh = plsc.VectorSubcoreMesh(core_axis_name="c", subcore_axis_name="s")

    @functools.partial(
        pl.kernel, mesh=mesh,
        out_type=jax.ShapeDtypeStruct((b_pad, d), jnp.float32),
        scratch_types=[
            pltpu.VMEM((b_per_w,), jnp.int32),
            pltpu.VMEM((b_per_w, d), jnp.float32),
            pltpu.SemaphoreType.DMA,
        ],
    )
    def k(table_hbm, idx_hbm, out_hbm, idx_v, rows_v, sem):
        wid = lax.axis_index("s") * _NC + lax.axis_index("c")
        base = wid * b_per_w
        pltpu.sync_copy(idx_hbm.at[pl.ds(base, b_per_w)], idx_v)
        pltpu.async_copy(table_hbm.at[idx_v], rows_v, sem).wait()
        pltpu.sync_copy(rows_v, out_hbm.at[pl.ds(base, b_per_w)])

    return k(table, idx_p)[:n_rows]


_GW = 128


def _make_edge_sc(n_src, ls_pad, ld_pad, agg_pad, out, nsplit):
    rows = agg_pad // nsplit
    stripe = rows // _NS
    n_work = _NW // nsplit
    epw = N_EDGES // n_work
    nchunk = epw // _C
    mesh = plsc.VectorSubcoreMesh(core_axis_name="c", subcore_axis_name="s")
    ncol = out // 16

    @functools.partial(
        pl.kernel, mesh=mesh,
        compiler_params=pltpu.CompilerParams(needs_layout_passes=False),
        out_type=[
            jax.ShapeDtypeStruct((_NC, rows, _GW), jnp.float32),
            jax.ShapeDtypeStruct((_NC, rows, 16), jnp.float32),
        ],
        scratch_types=[
            pltpu.VMEM((ls_pad,), jnp.float32),
            pltpu.VMEM((ld_pad,), jnp.float32),
            pltpu.VMEM((48,), jnp.float32),
            pltpu.VMEM((3 * _C,), jnp.int32),
            pltpu.VMEM((_C,), jnp.float32),
            pltpu.VMEM((_C,), jnp.int32),
            pltpu.VMEM((_C,), jnp.int32),
            pltpu.VMEM((_C,), jnp.int32),
            pltpu.VMEM((_C, _GW), jnp.float32),
            pltpu.VMEM((_C, _GW), jnp.float32),
            pltpu.VMEM((_C, 16), jnp.float32),
            pltpu.VMEM_SHARED((rows, _GW), jnp.float32),
            pltpu.VMEM_SHARED((rows, 16), jnp.float32),
            pltpu.SemaphoreType.DMA,
            pltpu.SemaphoreType.DMA,
        ],
    )
    def k(eidx_hbm, u_hbm, ls_hbm, ld_hbm, le_hbm, z1_hbm, z2_hbm,
          out_hbm, den_hbm,
          lstab, ldtab, letab, echunk, exbuf, sbuf, i2buf, dbuf,
          rows_s, rows_e, den_buf, agg_sh, den_sh, sem1, sem2):
        cid = lax.axis_index("c")
        sid = lax.axis_index("s")
        wid = sid * _NC + cid if nsplit == 1 else sid
        lo = jnp.int32(0) if nsplit == 1 else cid * jnp.int32(rows)
        pltpu.sync_copy(ls_hbm, lstab)
        pltpu.sync_copy(ld_hbm, ldtab)
        pltpu.sync_copy(le_hbm, letab)
        pltpu.sync_copy(z1_hbm.at[pl.ds(sid * stripe, stripe)],
                        agg_sh.at[pl.ds(sid * stripe, stripe)])
        pltpu.sync_copy(z2_hbm.at[pl.ds(sid * stripe, stripe)],
                        den_sh.at[pl.ds(sid * stripe, stripe)])
        plsc.subcore_barrier()

        ebase = wid * (nchunk * 3 * _C)

        def p2(c, _):
            pltpu.sync_copy(
                eidx_hbm.at[pl.ds(ebase + c * (3 * _C), 3 * _C)], echunk)

            def g1(g, _):
                sl = pl.ds(g * 16, 16)
                sv = echunk[pl.ds(g * 16, 16)]
                dv = echunk[pl.ds(_C + g * 16, 16)]
                tv = echunk[pl.ds(2 * _C + g * 16, 16)]
                av = plsc.load_gather(lstab, [sv])
                bv = plsc.load_gather(ldtab, [dv])
                cv = plsc.load_gather(letab, [tv])
                l = av + bv + cv
                l = jnp.where(l > 0, l, l * jnp.float32(0.2))
                e = jnp.exp(l)
                dl = dv - lo
                if nsplit > 1:
                    inr = (dl >= 0) & (dl < rows)
                    e = jnp.where(inr, e, jnp.float32(0.0))
                    dl = jnp.clip(dl, 0, rows - 1)
                exbuf[sl] = e
                sbuf[sl] = sv
                dbuf[sl] = dl
                i2buf[sl] = tv + jnp.int32(n_src)
                return 0
            lax.fori_loop(0, _C // 16, g1, 0)

            d1 = pltpu.async_copy(u_hbm.at[sbuf], rows_s, sem1)
            d2 = pltpu.async_copy(u_hbm.at[i2buf], rows_e, sem2)
            d1.wait()
            d2.wait()

            def wrow(i4, _):
                for u in range(4):
                    i = i4 * 4 + u
                    exb = plsc.load_gather(
                        exbuf, [jnp.full((16,), i, jnp.int32)])
                    den_buf[i, :] = exb
                    for j in range(ncol):
                        sl = pl.ds(j * 16, 16)
                        rows_s[i, sl] = exb * (rows_s[i, sl] + rows_e[i, sl])
                return 0
            lax.fori_loop(0, _C // 4, wrow, 0)
            pltpu.sync_copy(rows_s, agg_sh.at[dbuf], add=True)
            pltpu.sync_copy(den_buf, den_sh.at[dbuf], add=True)
            return 0
        lax.fori_loop(0, nchunk, p2, 0)

        plsc.subcore_barrier()
        pltpu.sync_copy(agg_sh.at[pl.ds(sid * stripe, stripe)],
                        out_hbm.at[cid, pl.ds(sid * stripe, stripe)])
        pltpu.sync_copy(den_sh.at[pl.ds(sid * stripe, stripe)],
                        den_hbm.at[cid, pl.ds(sid * stripe, stripe)])

    return k


def _make_prep_tc(n_src, n_dst, ls_pad, ld_pad, rows_pad, out, out_pad):
    del out_pad
    def body(src_ref, dst_ref, wsrc_ref, wdst_ref, we_ref, asrc_ref,
             adst_ref, ae_ref, wst_ref, u_ref, ls_ref, ld_ref, le_ref):
        zs = jnp.dot(src_ref[...], wsrc_ref[...],
                     preferred_element_type=jnp.float32)
        zet = jnp.dot(wst_ref[...], we_ref[...],
                      preferred_element_type=jnp.float32)
        ls = jnp.dot(zs, asrc_ref[...][:, None],
                     preferred_element_type=jnp.float32)
        wv = jnp.dot(wdst_ref[...], adst_ref[...][:, None],
                     preferred_element_type=jnp.float32)
        ld = jnp.dot(dst_ref[...], wv, preferred_element_type=jnp.float32)
        le = jnp.dot(zet, ae_ref[...][:, None],
                     preferred_element_type=jnp.float32)
        if out < _GW:
            zs = jnp.concatenate(
                [zs, jnp.zeros((n_src, _GW - out), jnp.float32)], axis=1)
            zet = jnp.concatenate(
                [zet, jnp.zeros((N_ETYPES, _GW - out), jnp.float32)], axis=1)
        parts = [zs, zet]
        extra = rows_pad - n_src - N_ETYPES
        if extra:
            parts.append(jnp.zeros((extra, _GW), jnp.float32))
        u_ref[...] = jnp.concatenate(parts, axis=0)

        def padrows(x, total):
            extra = total - x.shape[0]
            if not extra:
                return x
            return jnp.concatenate(
                [x, jnp.zeros((extra, 1), jnp.float32)], axis=0)

        ls_ref[...] = padrows(ls, ls_pad)
        ld_ref[...] = padrows(ld, ld_pad)
        le_ref[...] = padrows(le, 48)

    return pl.pallas_call(
        body,
        out_shape=[
            jax.ShapeDtypeStruct((rows_pad, _GW), jnp.float32),
            jax.ShapeDtypeStruct((ls_pad, 1), jnp.float32),
            jax.ShapeDtypeStruct((ld_pad, 1), jnp.float32),
            jax.ShapeDtypeStruct((48, 1), jnp.float32),
        ],
    )


def _make_finish_tc(n_dst, agg_pad, out, nsplit):
    def body(agg_ref, den_ref, wf1_ref, wf2_ref, out_ref):
        if nsplit == 1:
            a = agg_ref[0] + agg_ref[1]
            den = (den_ref[0] + den_ref[1])[:, 0:1]
        else:
            a = jnp.concatenate([agg_ref[0], agg_ref[1]], axis=0)
            den = jnp.concatenate([den_ref[0], den_ref[1]], axis=0)[:, 0:1]
        g = a[:, :out] / (den + jnp.float32(1e-9))
        h = jnp.where(g > 0, g, jnp.exp(g) - jnp.float32(1.0))
        f = jnp.maximum(
            jnp.dot(h, wf1_ref[...], preferred_element_type=jnp.float32),
            jnp.float32(0.0))
        out_ref[...] = h + jnp.dot(f, wf2_ref[...],
                                   preferred_element_type=jnp.float32)

    return pl.pallas_call(
        body,
        out_shape=jax.ShapeDtypeStruct((agg_pad, out), jnp.float32))


def _sent_proj(sent_feature, W_sent):
    def body(x_ref, w_ref, o_ref):
        o_ref[...] = jnp.dot(x_ref[...], w_ref[...],
                             preferred_element_type=jnp.float32)
    return pl.pallas_call(
        body, out_shape=jax.ShapeDtypeStruct((N_SENTS, HID), jnp.float32)
    )(sent_feature, W_sent)


_S2W = dict(n_src=N_SENTS, n_dst=N_WORDS, ls_pad=512, ld_pad=N_WORDS,
            agg_pad=10240, rows_pad=544, out=EMBED, nsplit=2)
_W2S = dict(n_src=N_WORDS, n_dst=N_SENTS, ls_pad=N_WORDS, ld_pad=512,
            agg_pad=512, rows_pad=N_WORDS + 48, out=HID, nsplit=1)

_EDGE_SC = {k: _make_edge_sc(c["n_src"], c["ls_pad"], c["ld_pad"],
                             c["agg_pad"], c["out"], c["nsplit"])
            for k, c in (("s2w", _S2W), ("w2s", _W2S))}
_PREP_TC = {k: _make_prep_tc(c["n_src"], c["n_dst"], c["ls_pad"], c["ld_pad"],
                             c["rows_pad"], c["out"], None)
            for k, c in (("s2w", _S2W), ("w2s", _W2S))}
_FIN_TC = {k: _make_finish_tc(c["n_dst"], c["agg_pad"], c["out"], c["nsplit"])
           for k, c in (("s2w", _S2W), ("w2s", _W2S))}


def _edge_slab(src_idx, dst_idx, lnk, nsplit):
    n_work = _NW // nsplit
    nchunk = N_EDGES // n_work // _C
    e = jnp.stack([src_idx, dst_idx, lnk], axis=0)
    e = e.reshape(3, n_work, nchunk, _C).transpose(1, 2, 0, 3)
    return e.reshape(-1)


def _gat_pass(kind, cfg, src_state, dst_state, p, eidx, z1, z2, ws_table):
    u, ls, ld, le = _PREP_TC[kind](
        src_state, dst_state, p["Wsrc"], p["Wdst"], p["We"],
        p["a_src"], p["a_dst"], p["a_e"], ws_table)
    agg2, den2 = _EDGE_SC[kind](eidx, u, ls.reshape(-1), ld.reshape(-1),
                                le.reshape(-1), z1, z2)
    out = _FIN_TC[kind](agg2, den2, p["Wf1"], p["Wf2"])
    return out[:cfg["n_dst"]]


def kernel(word_ids, edge_src, edge_dst, ws_link, sent_feature, word_table,
           ws_table, W_sent, p_w2s, p_s2w):
    word_state = _sc_gather_rows(word_table, word_ids, N_WORDS, EMBED)
    sent_state = _sent_proj(sent_feature, W_sent)
    eidx_w2s = _edge_slab(edge_src, edge_dst, ws_link, _W2S["nsplit"])
    eidx_s2w = _edge_slab(edge_dst, edge_src, ws_link, _S2W["nsplit"])
    z1_s2w = jnp.zeros((_S2W["agg_pad"] // _S2W["nsplit"], _GW), jnp.float32)
    z2_s2w = jnp.zeros((_S2W["agg_pad"] // _S2W["nsplit"], 16), jnp.float32)
    z1_w2s = jnp.zeros((_W2S["agg_pad"], _GW), jnp.float32)
    z2_w2s = jnp.zeros((_W2S["agg_pad"], 16), jnp.float32)

    word_state = _gat_pass("s2w", _S2W, sent_state, word_state, p_s2w,
                           eidx_s2w, z1_s2w, z2_s2w, ws_table)

    def it(_, carry):
        ws, ss = carry
        ss = _gat_pass("w2s", _W2S, ws, ss, p_w2s,
                       eidx_w2s, z1_w2s, z2_w2s, ws_table)
        ws = _gat_pass("s2w", _S2W, ss, ws, p_s2w,
                       eidx_s2w, z1_s2w, z2_s2w, ws_table)
        return (ws, ss)

    word_state, sent_state = lax.fori_loop(
        0, N_ITER, it, (word_state, sent_state))
    return word_state

# --- scband reference (transcript-rebuilt; emitter-appended) ---
"""Pipeline reference for scband-conv-encoder-30923764531881 (READ-ONLY COPY).

The authoritative reference and input builder live on the scoring server;
editing this copy changes nothing except your own understanding.
"""

import jax, jax.numpy as jnp
import numpy as np

N_WORDS = 10000
N_SENTS = 500
N_EDGES = 320000
VOCAB = 50000
EMBED = 128
HID = 64
EDGE_EMB = 50
LSTM2 = 512
FFN = 256
N_ITER = 2
N_ETYPES = 40


def _mk(key, shape):
    return jax.random.normal(key, shape, dtype=jnp.float32) * 0.05


def _mk_params(key, in_dim, out_dim):
    ks = jax.random.split(key, 8)
    return {
        "Wsrc": _mk(ks[0], (in_dim, out_dim)),
        "Wdst": _mk(ks[1], (out_dim, out_dim)),
        "We": _mk(ks[2], (EDGE_EMB, out_dim)),
        "a_src": _mk(ks[3], (out_dim,)),
        "a_dst": _mk(ks[4], (out_dim,)),
        "a_e": _mk(ks[5], (out_dim,)),
        "Wf1": _mk(ks[6], (out_dim, FFN)),
        "Wf2": _mk(ks[7], (FFN, out_dim)),
    }


def setup_inputs(seed: int = 0) -> dict:
    key = jax.random.key(seed)
    ks = jax.random.split(key, 12)
    inp = {}
    inp["word_ids"] = jax.random.randint(ks[0], (N_WORDS,), 0, VOCAB, dtype=jnp.int32)
    inp["edge_src"] = jax.random.randint(ks[1], (N_EDGES,), 0, N_WORDS, dtype=jnp.int32)
    inp["edge_dst"] = jax.random.randint(ks[2], (N_EDGES,), 0, N_SENTS, dtype=jnp.int32)
    inp["ws_link"] = jax.random.randint(ks[3], (N_EDGES,), 0, N_ETYPES, dtype=jnp.int32)
    inp["sent_feature"] = jax.random.normal(ks[4], (N_SENTS, LSTM2), dtype=jnp.float32)
    inp["word_table"] = _mk(ks[5], (VOCAB, EMBED))
    inp["ws_table"] = _mk(ks[6], (N_ETYPES, EDGE_EMB))
    inp["W_sent"] = _mk(ks[7], (LSTM2, HID))
    inp["p_w2s"] = _mk_params(ks[8], EMBED, HID)
    inp["p_s2w"] = _mk_params(ks[9], HID, EMBED)
    return inp


def _gat(src_state, dst_state, e_feat, p, src_idx, dst_idx, n_dst):
    zs = src_state @ p["Wsrc"]
    zd = dst_state @ p["Wdst"]
    ze = e_feat @ p["We"]
    hs = jnp.take(zs, src_idx, axis=0)
    hd = jnp.take(zd, dst_idx, axis=0)
    logits = jax.nn.leaky_relu(hs @ p["a_src"] + hd @ p["a_dst"] + ze @ p["a_e"], 0.2)
    m = jax.ops.segment_max(logits, dst_idx, num_segments=n_dst)
    m = jnp.where(jnp.isfinite(m), m, 0.0)
    ex = jnp.exp(logits - jnp.take(m, dst_idx, axis=0))
    den = jax.ops.segment_sum(ex, dst_idx, num_segments=n_dst)
    alpha = ex / (jnp.take(den, dst_idx, axis=0) + 1e-9)
    agg = jax.ops.segment_sum(alpha[:, None] * (hs + ze), dst_idx, num_segments=n_dst)
    h = jax.nn.elu(agg)
    ffn = jax.nn.relu(h @ p["Wf1"]) @ p["Wf2"]
    return h + ffn


def reference(word_ids, edge_src, edge_dst, ws_link, sent_feature, word_table, ws_table, W_sent, p_w2s, p_s2w):
    # set_wordNode_feature: embedding gather for word node ids
    word_state = jnp.take(word_table, word_ids, axis=0)
    # set_sentNode_feature: project local sentence features to ggcn hidden
    sent_state = sent_feature @ W_sent
    # set_wordSentEdge_feature: edge-type embedding gather
    e_feat = jnp.take(ws_table, ws_link, axis=0)
    # initial sent2word pass
    word_state = _gat(sent_state, word_state, e_feat, p_s2w, edge_dst, edge_src, N_WORDS)
    # ggcn_n_iter iterations of word2sent / sent2word GAT message passing
    for _ in range(N_ITER):
        sent_state = _gat(word_state, sent_state, e_feat, p_w2s, edge_src, edge_dst, N_SENTS)
        word_state = _gat(sent_state, word_state, e_feat, p_s2w, edge_dst, edge_src, N_WORDS)
    return word_state

if __name__ == "__main__":
    import jax
    _d = setup_inputs()
    print(jax.jit(kernel)(*tuple(_d.values())))

</pallas_src>

<mosaic_0001>
#map = affine_map<(d0, d1) -> (0)>
#map1 = affine_map<(d0, d1) -> (0, 0)>
#map2 = affine_map<(d0, d1) -> (0, 0, 0)>
module attributes {stable_mosaic.version = 14 : i64} {
  func.func @k(%arg0: i32, %arg1: i32, %arg2: memref<960000xi32, #tpu.memory_space<hbm>>, %arg3: memref<544x128xf32, #tpu.memory_space<hbm>>, %arg4: memref<512xf32, #tpu.memory_space<hbm>>, %arg5: memref<10000xf32, #tpu.memory_space<hbm>>, %arg6: memref<48xf32, #tpu.memory_space<hbm>>, %arg7: memref<5120x128xf32, #tpu.memory_space<hbm>>, %arg8: memref<5120x16xf32, #tpu.memory_space<hbm>>, %arg9: memref<2x5120x128xf32, #tpu.memory_space<hbm>>, %arg10: memref<2x5120x16xf32, #tpu.memory_space<hbm>>, %arg11: memref<512xf32, #tpu.memory_space<vmem>>, %arg12: memref<10000xf32, #tpu.memory_space<vmem>>, %arg13: memref<48xf32, #tpu.memory_space<vmem>>, %arg14: memref<240xi32, #tpu.memory_space<vmem>>, %arg15: memref<80xf32, #tpu.memory_space<vmem>>, %arg16: memref<80xi32, #tpu.memory_space<vmem>>, %arg17: memref<80xi32, #tpu.memory_space<vmem>>, %arg18: memref<80xi32, #tpu.memory_space<vmem>>, %arg19: memref<80x128xf32, #tpu.memory_space<vmem>>, %arg20: memref<80x128xf32, #tpu.memory_space<vmem>>, %arg21: memref<80x16xf32, #tpu.memory_space<vmem>>, %arg22: memref<5120x128xf32, #tpu.memory_space<vmem_shared>>, %arg23: memref<5120x16xf32, #tpu.memory_space<vmem_shared>>, %arg24: memref<!tpu.dma_semaphore, #tpu.memory_space<semaphore_mem>>, %arg25: memref<!tpu.dma_semaphore, #tpu.memory_space<semaphore_mem>>) attributes {dimension_semantics = [#tpu.dimension_semantics<core_parallel>, #tpu.dimension_semantics<subcore_parallel>], iteration_bounds = array<i64: 2, 16>, scalar_prefetch = 0 : i64, scratch_operands = 15 : i64, tpu.core_type = #tpu.core_type<sc_vector_subcore>, window_params = [{transform_indices = #map}, {transform_indices = #map1}, {transform_indices = #map}, {transform_indices = #map}, {transform_indices = #map}, {transform_indices = #map1}, {transform_indices = #map1}, {transform_indices = #map2}, {transform_indices = #map2}]} {
    %mul3A = arith.constant 5120 : i32
    %mul3A_0 = arith.muli %arg0, %mul3A : i32
    "tpu.region"() ({
      %run_scoped3A = tpu.sem_alloc : memref<!tpu.dma_semaphore, #tpu.memory_space<semaphore_mem>>
      tpu.enqueue_dma source(%arg4 : memref<512xf32, #tpu.memory_space<hbm>>) target(%arg11 : memref<512xf32, #tpu.memory_space<vmem>>) target_semaphore(%run_scoped3A : memref<!tpu.dma_semaphore, #tpu.memory_space<semaphore_mem>>)
      tpu.wait_dma2 semaphore(%run_scoped3A : memref<!tpu.dma_semaphore, #tpu.memory_space<semaphore_mem>>) src(%arg4 : memref<512xf32, #tpu.memory_space<hbm>>) dst(%arg11 : memref<512xf32, #tpu.memory_space<vmem>>)
      tpu.yield
    }) : () -> ()
    "tpu.region"() ({
      %run_scoped3A = tpu.sem_alloc : memref<!tpu.dma_semaphore, #tpu.memory_space<semaphore_mem>>
      tpu.enqueue_dma source(%arg5 : memref<10000xf32, #tpu.memory_space<hbm>>) target(%arg12 : memref<10000xf32, #tpu.memory_space<vmem>>) target_semaphore(%run_scoped3A : memref<!tpu.dma_semaphore, #tpu.memory_space<semaphore_mem>>)
      tpu.wait_dma2 semaphore(%run_scoped3A : memref<!tpu.dma_semaphore, #tpu.memory_space<semaphore_mem>>) src(%arg5 : memref<10000xf32, #tpu.memory_space<hbm>>) dst(%arg12 : memref<10000xf32, #tpu.memory_space<vmem>>)
      tpu.yield
    }) : () -> ()
    "tpu.region"() ({
      %run_scoped3A = tpu.sem_alloc : memref<!tpu.dma_semaphore, #tpu.memory_space<semaphore_mem>>
      tpu.enqueue_dma source(%arg6 : memref<48xf32, #tpu.memory_space<hbm>>) target(%arg13 : memref<48xf32, #tpu.memory_space<vmem>>) target_semaphore(%run_scoped3A : memref<!tpu.dma_semaphore, #tpu.memory_space<semaphore_mem>>)
      tpu.wait_dma2 semaphore(%run_scoped3A : memref<!tpu.dma_semaphore, #tpu.memory_space<semaphore_mem>>) src(%arg6 : memref<48xf32, #tpu.memory_space<hbm>>) dst(%arg13 : memref<48xf32, #tpu.memory_space<vmem>>)
      tpu.yield
    }) : () -> ()
    %mul3A_1 = arith.constant 320 : i32
    %mul3A_2 = arith.muli %arg1, %mul3A_1 : i32
    %mul3A_3 = arith.constant 320 : i32
    %mul3A_4 = arith.muli %arg1, %mul3A_3 : i32
    "tpu.region"() ({
      %run_scoped3A = tpu.sem_alloc : memref<!tpu.dma_semaphore, #tpu.memory_space<semaphore_mem>>
      %dma_start3A = arith.constant 0 : i32
      %dma_start3A_26 = tpu.memref_slice %arg22[%mul3A_4, %dma_start3A] : memref<5120x128xf32, #tpu.memory_space<vmem_shared>> -> memref<320x128xf32, #tpu.memory_space<vmem_shared>>
      %dma_start3A_27 = arith.constant 0 : i32
      %dma_start3A_28 = tpu.memref_slice %arg7[%mul3A_2, %dma_start3A_27] : memref<5120x128xf32, #tpu.memory_space<hbm>> -> memref<320x128xf32, #tpu.memory_space<hbm>>
      tpu.enqueue_dma source(%dma_start3A_28 : memref<320x128xf32, #tpu.memory_space<hbm>>) target(%dma_start3A_26 : memref<320x128xf32, #tpu.memory_space<vmem_shared>>) target_semaphore(%run_scoped3A : memref<!tpu.dma_semaphore, #tpu.memory_space<semaphore_mem>>)
      %dma_wait3A = arith.constant 0 : i32
      %dma_wait3A_29 = tpu.memref_slice %arg22[%mul3A_4, %dma_wait3A] : memref<5120x128xf32, #tpu.memory_space<vmem_shared>> -> memref<320x128xf32, #tpu.memory_space<vmem_shared>>
      %dma_wait3A_30 = arith.constant 0 : i32
      %dma_wait3A_31 = tpu.memref_slice %arg7[%mul3A_2, %dma_wait3A_30] : memref<5120x128xf32, #tpu.memory_space<hbm>> -> memref<320x128xf32, #tpu.memory_space<hbm>>
      tpu.wait_dma2 semaphore(%run_scoped3A : memref<!tpu.dma_semaphore, #tpu.memory_space<semaphore_mem>>) src(%dma_wait3A_31 : memref<320x128xf32, #tpu.memory_space<hbm>>) dst(%dma_wait3A_29 : memref<320x128xf32, #tpu.memory_space<vmem_shared>>)
      tpu.yield
    }) : () -> ()
    %mul3A_5 = arith.constant 320 : i32
    %mul3A_6 = arith.muli %arg1, %mul3A_5 : i32
    %mul3A_7 = arith.constant 320 : i32
    %mul3A_8 = arith.muli %arg1, %mul3A_7 : i32
    "tpu.region"() ({
      %run_scoped3A = tpu.sem_alloc : memref<!tpu.dma_semaphore, #tpu.memory_space<semaphore_mem>>
      %dma_start3A = arith.constant 0 : i32
      %dma_start3A_26 = tpu.memref_slice %arg23[%mul3A_8, %dma_start3A] : memref<5120x16xf32, #tpu.memory_space<vmem_shared>> -> memref<320x16xf32, #tpu.memory_space<vmem_shared>>
      %dma_start3A_27 = arith.constant 0 : i32
      %dma_start3A_28 = tpu.memref_slice %arg8[%mul3A_6, %dma_start3A_27] : memref<5120x16xf32, #tpu.memory_space<hbm>> -> memref<320x16xf32, #tpu.memory_space<hbm>>
      tpu.enqueue_dma source(%dma_start3A_28 : memref<320x16xf32, #tpu.memory_space<hbm>>) target(%dma_start3A_26 : memref<320x16xf32, #tpu.memory_space<vmem_shared>>) target_semaphore(%run_scoped3A : memref<!tpu.dma_semaphore, #tpu.memory_space<semaphore_mem>>)
      %dma_wait3A = arith.constant 0 : i32
      %dma_wait3A_29 = tpu.memref_slice %arg23[%mul3A_8, %dma_wait3A] : memref<5120x16xf32, #tpu.memory_space<vmem_shared>> -> memref<320x16xf32, #tpu.memory_space<vmem_shared>>
      %dma_wait3A_30 = arith.constant 0 : i32
      %dma_wait3A_31 = tpu.memref_slice %arg8[%mul3A_6, %dma_wait3A_30] : memref<5120x16xf32, #tpu.memory_space<hbm>> -> memref<320x16xf32, #tpu.memory_space<hbm>>
      tpu.wait_dma2 semaphore(%run_scoped3A : memref<!tpu.dma_semaphore, #tpu.memory_space<semaphore_mem>>) src(%dma_wait3A_31 : memref<320x16xf32, #tpu.memory_space<hbm>>) dst(%dma_wait3A_29 : memref<320x16xf32, #tpu.memory_space<vmem_shared>>)
      tpu.yield
    }) : () -> ()
    %barrier3A = arith.constant 0 : index
    tpu.barrier barrier_id(%barrier3A)
    %mul3A_9 = arith.constant 60000 : i32
    %mul3A_10 = arith.muli %arg1, %mul3A_9 : i32
    %scan3A = arith.constant 0 : i32
    %scan3A_11 = arith.constant 0 : i32
    %scan3A_12 = arith.constant 250 : i32
    %scan3A_13 = arith.addi %scan3A_11, %scan3A_12 : i32
    %scan3A_14 = arith.constant 1 : i32
    %scan3A_15 = scf.for %scan3A_26 = %scan3A_11 to %scan3A_13 step %scan3A_14 iter_args(%scan3A_27 = %scan3A) -> (i32)  : i32 {
      %mul3A_28 = arith.constant 240 : i32
      %mul3A_29 = arith.muli %scan3A_26, %mul3A_28 : i32
      %add3A = arith.addi %mul3A_10, %mul3A_29 : i32
      "tpu.region"() ({
        %run_scoped3A = tpu.sem_alloc : memref<!tpu.dma_semaphore, #tpu.memory_space<semaphore_mem>>
        %dma_start3A_55 = tpu.memref_slice %arg2[%add3A] : memref<960000xi32, #tpu.memory_space<hbm>> -> memref<240xi32, #tpu.memory_space<hbm>>
        %dma_start3A_56 = tpu.memref_slice %arg2[%add3A] : memref<960000xi32, #tpu.memory_space<hbm>> -> memref<240xi32, #tpu.memory_space<hbm>>
        tpu.enqueue_dma source(%dma_start3A_56 : memref<240xi32, #tpu.memory_space<hbm>>) target(%arg14 : memref<240xi32, #tpu.memory_space<vmem>>) target_semaphore(%run_scoped3A : memref<!tpu.dma_semaphore, #tpu.memory_space<semaphore_mem>>)
        %dma_wait3A_57 = tpu.memref_slice %arg2[%add3A] : memref<960000xi32, #tpu.memory_space<hbm>> -> memref<240xi32, #tpu.memory_space<hbm>>
        %dma_wait3A_58 = tpu.memref_slice %arg2[%add3A] : memref<960000xi32, #tpu.memory_space<hbm>> -> memref<240xi32, #tpu.memory_space<hbm>>
        tpu.wait_dma2 semaphore(%run_scoped3A : memref<!tpu.dma_semaphore, #tpu.memory_space<semaphore_mem>>) src(%dma_wait3A_58 : memref<240xi32, #tpu.memory_space<hbm>>) dst(%arg14 : memref<240xi32, #tpu.memory_space<vmem>>)
        tpu.yield
      }) : () -> ()
      %scan3A_30 = arith.constant 0 : i32
      %scan3A_31 = arith.constant 0 : i32
      %scan3A_32 = arith.constant 5 : i32
      %scan3A_33 = arith.addi %scan3A_31, %scan3A_32 : i32
      %scan3A_34 = arith.constant 1 : i32
      %scan3A_35 = scf.for %scan3A_55 = %scan3A_31 to %scan3A_33 step %scan3A_34 iter_args(%scan3A_56 = %scan3A_30) -> (i32)  : i32 {
        %mul3A_57 = arith.constant 16 : i32
        %mul3A_58 = arith.muli %scan3A_55, %mul3A_57 : i32
        %mul3A_59 = arith.constant 16 : i32
        %mul3A_60 = arith.muli %scan3A_55, %mul3A_59 : i32
        %get3A = arith.index_cast %mul3A_60 : i32 to index
        %get3A_61 = tpu.vector_load %arg14[%get3A] {strides = array<i32>} : memref<240xi32, #tpu.memory_space<vmem>>, vector<16xi32>,
        %mul3A_62 = arith.constant 16 : i32
        %mul3A_63 = arith.muli %scan3A_55, %mul3A_62 : i32
        %add3A_64 = arith.constant 80 : i32
        %add3A_65 = arith.addi %add3A_64, %mul3A_63 : i32
        %get3A_66 = arith.index_cast %add3A_65 : i32 to index
        %get3A_67 = tpu.vector_load %arg14[%get3A_66] {strides = array<i32>} : memref<240xi32, #tpu.memory_space<vmem>>, vector<16xi32>,
        %mul3A_68 = arith.constant 16 : i32
        %mul3A_69 = arith.muli %scan3A_55, %mul3A_68 : i32
        %add3A_70 = arith.constant 160 : i32
        %add3A_71 = arith.addi %add3A_70, %mul3A_69 : i32
        %get3A_72 = arith.index_cast %add3A_71 : i32 to index
        %get3A_73 = tpu.vector_load %arg14[%get3A_72] {strides = array<i32>} : memref<240xi32, #tpu.memory_space<vmem>>, vector<16xi32>,
        %gather3A = tpu.vector_load_idx %arg11[%get3A_61] : memref<512xf32, #tpu.memory_space<vmem>>[vector<16xi32>], vector<16xf32>,
        %gather3A_74 = tpu.vector_load_idx %arg12[%get3A_67] : memref<10000xf32, #tpu.memory_space<vmem>>[vector<16xi32>], vector<16xf32>,
        %gather3A_75 = tpu.vector_load_idx %arg13[%get3A_73] : memref<48xf32, #tpu.memory_space<vmem>>[vector<16xi32>], vector<16xf32>,
        %add3A_76 = arith.addf %gather3A, %gather3A_74 : vector<16xf32>
        %add3A_77 = arith.addf %add3A_76, %gather3A_75 : vector<16xf32>
        %gt3A = arith.constant 0.000000e+00 : f32
        %gt3A_78 = vector.broadcast %gt3A : f32 to vector<16xf32>
        %gt3A_79 = arith.cmpf ogt, %add3A_77, %gt3A_78 : vector<16xf32>
        %mul3A_80 = arith.constant 2.000000e-01 : f32
        %mul3A_81 = vector.broadcast %mul3A_80 : f32 to vector<16xf32>
        %mul3A_82 = arith.mulf %add3A_77, %mul3A_81 : vector<16xf32>
        %select_n3A = arith.select %gt3A_79, %add3A_77, %mul3A_82 : vector<16xi1>, vector<16xf32>
        %exp3A = math.exp %select_n3A : vector<16xf32>
        %sub3A = vector.broadcast %mul3A_0 : i32 to vector<16xi32>
        %sub3A_83 = arith.subi %get3A_67, %sub3A : vector<16xi32>
        %ge3A = arith.constant 0 : i32
        %ge3A_84 = vector.broadcast %ge3A : i32 to vector<16xi32>
        %ge3A_85 = arith.cmpi sge, %sub3A_83, %ge3A_84 : vector<16xi32>
        %lt3A = arith.constant 5120 : i32
        %lt3A_86 = vector.broadcast %lt3A : i32 to vector<16xi32>
        %lt3A_87 = arith.cmpi slt, %sub3A_83, %lt3A_86 : vector<16xi32>
        %and3A = arith.andi %ge3A_85, %lt3A_87 : vector<16xi1>
        %jit3A = arith.constant 0.000000e+00 : f32
        %broadcast_in_dim3A = vector.broadcast %jit3A : f32 to vector<16xf32>
        %select_n3A_88 = arith.select %and3A, %exp3A, %broadcast_in_dim3A : vector<16xi1>, vector<16xf32>
        %jit3A_89 = arith.constant 0 : i32
        %jit3A_90 = arith.constant 5119 : i32
        %max3A = vector.broadcast %jit3A_89 : i32 to vector<16xi32>
        %max3A_91 = arith.maxsi %max3A, %sub3A_83 : vector<16xi32>
        %min3A = vector.broadcast %jit3A_90 : i32 to vector<16xi32>
        %min3A_92 = arith.minsi %min3A, %max3A_91 : vector<16xi32>
        %swap3A = arith.index_cast %mul3A_58 : i32 to index
        %swap3A_93 = tpu.vector_load %arg15[%swap3A] {strides = array<i32>} : memref<80xf32, #tpu.memory_space<vmem>>, vector<16xf32>,
        tpu.vector_store %arg15[%swap3A], %select_n3A_88 {strides = array<i32>} : memref<80xf32, #tpu.memory_space<vmem>>, vector<16xf32>,
        %swap3A_94 = arith.index_cast %mul3A_58 : i32 to index
        %swap3A_95 = tpu.vector_load %arg16[%swap3A_94] {strides = array<i32>} : memref<80xi32, #tpu.memory_space<vmem>>, vector<16xi32>,
        tpu.vector_store %arg16[%swap3A_94], %get3A_61 {strides = array<i32>} : memref<80xi32, #tpu.memory_space<vmem>>, vector<16xi32>,
        %swap3A_96 = arith.index_cast %mul3A_58 : i32 to index
        %swap3A_97 = tpu.vector_load %arg18[%swap3A_96] {strides = array<i32>} : memref<80xi32, #tpu.memory_space<vmem>>, vector<16xi32>,
        tpu.vector_store %arg18[%swap3A_96], %min3A_92 {strides = array<i32>} : memref<80xi32, #tpu.memory_space<vmem>>, vector<16xi32>,
        %add3A_98 = arith.constant 500 : i32
        %add3A_99 = vector.broadcast %add3A_98 : i32 to vector<16xi32>
        %add3A_100 = arith.addi %get3A_73, %add3A_99 : vector<16xi32>
        %swap3A_101 = arith.index_cast %mul3A_58 : i32 to index
        %swap3A_102 = tpu.vector_load %arg17[%swap3A_101] {strides = array<i32>} : memref<80xi32, #tpu.memory_space<vmem>>, vector<16xi32>,
        tpu.vector_store %arg17[%swap3A_101], %add3A_100 {strides = array<i32>} : memref<80xi32, #tpu.memory_space<vmem>>, vector<16xi32>,
        %scan3A_103 = arith.constant 0 : i32
        scf.yield %scan3A_103 : i32
      }
      %scan3A_36 = arith.constant 5 : i32
      %dma_start3A = arith.constant 0 : i32
      %dma_start3A_37 = arith.constant 0 : i32
      %dma_start3A_38 = tpu.memref_slice %arg3[%dma_start3A, %dma_start3A_37] : memref<544x128xf32, #tpu.memory_space<hbm>> -> memref<544x128xf32, #tpu.memory_space<hbm>>
      tpu.enqueue_indirect_dma source(%dma_start3A_38 : memref<544x128xf32, #tpu.memory_space<hbm>>) target(%arg19 : memref<80x128xf32, #tpu.memory_space<vmem>>) offsets(%arg16 : memref<80xi32, #tpu.memory_space<vmem>>) semaphore(%arg24 : memref<!tpu.dma_semaphore, #tpu.memory_space<semaphore_mem>>)
      %dma_start3A_39 = arith.constant 0 : i32
      %dma_start3A_40 = arith.constant 0 : i32
      %dma_start3A_41 = tpu.memref_slice %arg3[%dma_start3A_39, %dma_start3A_40] : memref<544x128xf32, #tpu.memory_space<hbm>> -> memref<544x128xf32, #tpu.memory_space<hbm>>
      tpu.enqueue_indirect_dma source(%dma_start3A_41 : memref<544x128xf32, #tpu.memory_space<hbm>>) target(%arg20 : memref<80x128xf32, #tpu.memory_space<vmem>>) offsets(%arg17 : memref<80xi32, #tpu.memory_space<vmem>>) semaphore(%arg25 : memref<!tpu.dma_semaphore, #tpu.memory_space<semaphore_mem>>)
      %dma_wait3A = arith.constant 0 : i32
      %dma_wait3A_42 = arith.constant 0 : i32
      %dma_wait3A_43 = tpu.memref_slice %arg3[%dma_wait3A, %dma_wait3A_42] : memref<544x128xf32, #tpu.memory_space<hbm>> -> memref<544x128xf32, #tpu.memory_space<hbm>>
      tpu.wait_indirect_dma semaphore(%arg24 : memref<!tpu.dma_semaphore, #tpu.memory_space<semaphore_mem>>) src(%dma_wait3A_43 : memref<544x128xf32, #tpu.memory_space<hbm>>) dst(%arg19 : memref<80x128xf32, #tpu.memory_space<vmem>>)
      %dma_wait3A_44 = arith.constant 0 : i32
      %dma_wait3A_45 = arith.constant 0 : i32
      %dma_wait3A_46 = tpu.memref_slice %arg3[%dma_wait3A_44, %dma_wait3A_45] : memref<544x128xf32, #tpu.memory_space<hbm>> -> memref<544x128xf32, #tpu.memory_space<hbm>>
      tpu.wait_indirect_dma semaphore(%arg25 : memref<!tpu.dma_semaphore, #tpu.memory_space<semaphore_mem>>) src(%dma_wait3A_46 : memref<544x128xf32, #tpu.memory_space<hbm>>) dst(%arg20 : memref<80x128xf32, #tpu.memory_space<vmem>>)
      %scan3A_47 = arith.constant 0 : i32
      %scan3A_48 = arith.constant 0 : i32
      %scan3A_49 = arith.constant 20 : i32
      %scan3A_50 = arith.addi %scan3A_48, %scan3A_49 : i32
      %scan3A_51 = arith.constant 1 : i32
      %scan3A_52 = scf.for %scan3A_55 = %scan3A_48 to %scan3A_50 step %scan3A_51 iter_args(%scan3A_56 = %scan3A_47) -> (i32)  : i32 {
        %mul3A_57 = arith.constant 4 : i32
        %mul3A_58 = arith.muli %scan3A_55, %mul3A_57 : i32
        %add3A_59 = arith.constant 0 : i32
        %add3A_60 = arith.addi %mul3A_58, %add3A_59 : i32
        %broadcast_in_dim3A = vector.broadcast %add3A_60 : i32 to vector<16xi32>
        %gather3A = tpu.vector_load_idx %arg15[%broadcast_in_dim3A] : memref<80xf32, #tpu.memory_space<vmem>>[vector<16xi32>], vector<16xf32>,
        %swap3A = arith.index_cast %add3A_60 : i32 to index
        %swap3A_61 = arith.constant 0 : index
        %swap3A_62 = tpu.vector_load %arg21[%swap3A, %swap3A_61] {strides = array<i32>} : memref<80x16xf32, #tpu.memory_space<vmem>>, vector<16xf32>,
        tpu.vector_store %arg21[%swap3A, %swap3A_61], %gather3A {strides = array<i32>} : memref<80x16xf32, #tpu.memory_space<vmem>>, vector<16xf32>,
        %get3A = arith.index_cast %add3A_60 : i32 to index
        %get3A_63 = arith.constant 0 : index
        %get3A_64 = tpu.vector_load %arg19[%get3A, %get3A_63] {strides = array<i32>} : memref<80x128xf32, #tpu.memory_space<vmem>>, vector<16xf32>,
        %get3A_65 = arith.index_cast %add3A_60 : i32 to index
        %get3A_66 = arith.constant 0 : index
        %get3A_67 = tpu.vector_load %arg20[%get3A_65, %get3A_66] {strides = array<i32>} : memref<80x128xf32, #tpu.memory_space<vmem>>, vector<16xf32>,
        %add3A_68 = arith.addf %get3A_64, %get3A_67 : vector<16xf32>
        %mul3A_69 = arith.mulf %gather3A, %add3A_68 : vector<16xf32>
        %swap3A_70 = arith.index_cast %add3A_60 : i32 to index
        %swap3A_71 = arith.constant 0 : index
        %swap3A_72 = tpu.vector_load %arg19[%swap3A_70, %swap3A_71] {strides = array<i32>} : memref<80x128xf32, #tpu.memory_space<vmem>>, vector<16xf32>,
        tpu.vector_store %arg19[%swap3A_70, %swap3A_71], %mul3A_69 {strides = array<i32>} : memref<80x128xf32, #tpu.memory_space<vmem>>, vector<16xf32>,
        %get3A_73 = arith.index_cast %add3A_60 : i32 to index
        %get3A_74 = arith.constant 16 : index
        %get3A_75 = tpu.vector_load %arg19[%get3A_73, %get3A_74] {strides = array<i32>} : memref<80x128xf32, #tpu.memory_space<vmem>>, vector<16xf32>,
        %get3A_76 = arith.index_cast %add3A_60 : i32 to index
        %get3A_77 = arith.constant 16 : index
        %get3A_78 = tpu.vector_load %arg20[%get3A_76, %get3A_77] {strides = array<i32>} : memref<80x128xf32, #tpu.memory_space<vmem>>, vector<16xf32>,
        %add3A_79 = arith.addf %get3A_75, %get3A_78 : vector<16xf32>
        %mul3A_80 = arith.mulf %gather3A, %add3A_79 : vector<16xf32>
        %swap3A_81 = arith.index_cast %add3A_60 : i32 to index
        %swap3A_82 = arith.constant 16 : index
        %swap3A_83 = tpu.vector_load %arg19[%swap3A_81, %swap3A_82] {strides = array<i32>} : memref<80x128xf32, #tpu.memory_space<vmem>>, vector<16xf32>,
        tpu.vector_store %arg19[%swap3A_81, %swap3A_82], %mul3A_80 {strides = array<i32>} : memref<80x128xf32, #tpu.memory_space<vmem>>, vector<16xf32>,
        %get3A_84 = arith.index_cast %add3A_60 : i32 to index
        %get3A_85 = arith.constant 32 : index
        %get3A_86 = tpu.vector_load %arg19[%get3A_84, %get3A_85] {strides = array<i32>} : memref<80x128xf32, #tpu.memory_space<vmem>>, vector<16xf32>,
        %get3A_87 = arith.index_cast %add3A_60 : i32 to index
        %get3A_88 = arith.constant 32 : index
        %get3A_89 = tpu.vector_load %arg20[%get3A_87, %get3A_88] {strides = array<i32>} : memref<80x128xf32, #tpu.memory_space<vmem>>, vector<16xf32>,
        %add3A_90 = arith.addf %get3A_86, %get3A_89 : vector<16xf32>
        %mul3A_91 = arith.mulf %gather3A, %add3A_90 : vector<16xf32>
        %swap3A_92 = arith.index_cast %add3A_60 : i32 to index
        %swap3A_93 = arith.constant 32 : index
        %swap3A_94 = tpu.vector_load %arg19[%swap3A_92, %swap3A_93] {strides = array<i32>} : memref<80x128xf32, #tpu.memory_space<vmem>>, vector<16xf32>,
        tpu.vector_store %arg19[%swap3A_92, %swap3A_93], %mul3A_91 {strides = array<i32>} : memref<80x128xf32, #tpu.memory_space<vmem>>, vector<16xf32>,
        %get3A_95 = arith.index_cast %add3A_60 : i32 to index
        %get3A_96 = arith.constant 48 : index
        %get3A_97 = tpu.vector_load %arg19[%get3A_95, %get3A_96] {strides = array<i32>} : memref<80x128xf32, #tpu.memory_space<vmem>>, vector<16xf32>,
        %get3A_98 = arith.index_cast %add3A_60 : i32 to index
        %get3A_99 = arith.constant 48 : index
        %get3A_100 = tpu.vector_load %arg20[%get3A_98, %get3A_99] {strides = array<i32>} : memref<80x128xf32, #tpu.memory_space<vmem>>, vector<16xf32>,
        %add3A_101 = arith.addf %get3A_97, %get3A_100 : vector<16xf32>
        %mul3A_102 = arith.mulf %gather3A, %add3A_101 : vector<16xf32>
        %swap3A_103 = arith.index_cast %add3A_60 : i32 to index
        %swap3A_104 = arith.constant 48 : index
        %swap3A_105 = tpu.vector_load %arg19[%swap3A_103, %swap3A_104] {strides = array<i32>} : memref<80x128xf32, #tpu.memory_space<vmem>>, vector<16xf32>,
        tpu.vector_store %arg19[%swap3A_103, %swap3A_104], %mul3A_102 {strides = array<i32>} : memref<80x128xf32, #tpu.memory_space<vmem>>, vector<16xf32>,
        %get3A_106 = arith.index_cast %add3A_60 : i32 to index
        %get3A_107 = arith.constant 64 : index
        %get3A_108 = tpu.vector_load %arg19[%get3A_106, %get3A_107] {strides = array<i32>} : memref<80x128xf32, #tpu.memory_space<vmem>>, vector<16xf32>,
        %get3A_109 = arith.index_cast %add3A_60 : i32 to index
        %get3A_110 = arith.constant 64 : index
        %get3A_111 = tpu.vector_load %arg20[%get3A_109, %get3A_110] {strides = array<i32>} : memref<80x128xf32, #tpu.memory_space<vmem>>, vector<16xf32>,
        %add3A_112 = arith.addf %get3A_108, %get3A_111 : vector<16xf32>
        %mul3A_113 = arith.mulf %gather3A, %add3A_112 : vector<16xf32>
        %swap3A_114 = arith.index_cast %add3A_60 : i32 to index
        %swap3A_115 = arith.constant 64 : index
        %swap3A_116 = tpu.vector_load %arg19[%swap3A_114, %swap3A_115] {strides = array<i32>} : memref<80x128xf32, #tpu.memory_space<vmem>>, vector<16xf32>,
        tpu.vector_store %arg19[%swap3A_114, %swap3A_115], %mul3A_113 {strides = array<i32>} : memref<80x128xf32, #tpu.memory_space<vmem>>, vector<16xf32>,
        %get3A_117 = arith.index_cast %add3A_60 : i32 to index
        %get3A_118 = arith.constant 80 : index
        %get3A_119 = tpu.vector_load %arg19[%get3A_117, %get3A_118] {strides = array<i32>} : memref<80x128xf32, #tpu.memory_space<vmem>>, vector<16xf32>,
        %get3A_120 = arith.index_cast %add3A_60 : i32 to index
        %get3A_121 = arith.constant 80 : index
        %get3A_122 = tpu.vector_load %arg20[%get3A_120, %get3A_121] {strides = array<i32>} : memref<80x128xf32, #tpu.memory_space<vmem>>, vector<16xf32>,
        %add3A_123 = arith.addf %get3A_119, %get3A_122 : vector<16xf32>
        %mul3A_124 = arith.mulf %gather3A, %add3A_123 : vector<16xf32>
        %swap3A_125 = arith.index_cast %add3A_60 : i32 to index
        %swap3A_126 = arith.constant 80 : index
        %swap3A_127 = tpu.vector_load %arg19[%swap3A_125, %swap3A_126] {strides = array<i32>} : memref<80x128xf32, #tpu.memory_space<vmem>>, vector<16xf32>,
        tpu.vector_store %arg19[%swap3A_125, %swap3A_126], %mul3A_124 {strides = array<i32>} : memref<80x128xf32, #tpu.memory_space<vmem>>, vector<16xf32>,
        %get3A_128 = arith.index_cast %add3A_60 : i32 to index
        %get3A_129 = arith.constant 96 : index
        %get3A_130 = tpu.vector_load %arg19[%get3A_128, %get3A_129] {strides = array<i32>} : memref<80x128xf32, #tpu.memory_space<vmem>>, vector<16xf32>,
        %get3A_131 = arith.index_cast %add3A_60 : i32 to index
        %get3A_132 = arith.constant 96 : index
        %get3A_133 = tpu.vector_load %arg20[%get3A_131, %get3A_132] {strides = array<i32>} : memref<80x128xf32, #tpu.memory_space<vmem>>, vector<16xf32>,
        %add3A_134 = arith.addf %get3A_130, %get3A_133 : vector<16xf32>
        %mul3A_135 = arith.mulf %gather3A, %add3A_134 : vector<16xf32>
        %swap3A_136 = arith.index_cast %add3A_60 : i32 to index
        %swap3A_137 = arith.constant 96 : index
        %swap3A_138 = tpu.vector_load %arg19[%swap3A_136, %swap3A_137] {strides = array<i32>} : memref<80x128xf32, #tpu.memory_space<vmem>>, vector<16xf32>,
        tpu.vector_store %arg19[%swap3A_136, %swap3A_137], %mul3A_135 {strides = array<i32>} : memref<80x128xf32, #tpu.memory_space<vmem>>, vector<16xf32>,
        %get3A_139 = arith.index_cast %add3A_60 : i32 to index
        %get3A_140 = arith.constant 112 : index
        %get3A_141 = tpu.vector_load %arg19[%get3A_139, %get3A_140] {strides = array<i32>} : memref<80x128xf32, #tpu.memory_space<vmem>>, vector<16xf32>,
        %get3A_142 = arith.index_cast %add3A_60 : i32 to index
        %get3A_143 = arith.constant 112 : index
        %get3A_144 = tpu.vector_load %arg20[%get3A_142, %get3A_143] {strides = array<i32>} : memref<80x128xf32, #tpu.memory_space<vmem>>, vector<16xf32>,
        %add3A_145 = arith.addf %get3A_141, %get3A_144 : vector<16xf32>
        %mul3A_146 = arith.mulf %gather3A, %add3A_145 : vector<16xf32>
        %swap3A_147 = arith.index_cast %add3A_60 : i32 to index
        %swap3A_148 = arith.constant 112 : index
        %swap3A_149 = tpu.vector_load %arg19[%swap3A_147, %swap3A_148] {strides = array<i32>} : memref<80x128xf32, #tpu.memory_space<vmem>>, vector<16xf32>,
        tpu.vector_store %arg19[%swap3A_147, %swap3A_148], %mul3A_146 {strides = array<i32>} : memref<80x128xf32, #tpu.memory_space<vmem>>, vector<16xf32>,
        %mul3A_150 = arith.constant 4 : i32
        %mul3A_151 = arith.muli %scan3A_55, %mul3A_150 : i32
        %add3A_152 = arith.constant 1 : i32
        %add3A_153 = arith.addi %mul3A_151, %add3A_152 : i32
        %broadcast_in_dim3A_154 = vector.broadcast %add3A_153 : i32 to vector<16xi32>
        %gather3A_155 = tpu.vector_load_idx %arg15[%broadcast_in_dim3A_154] : memref<80xf32, #tpu.memory_space<vmem>>[vector<16xi32>], vector<16xf32>,
        %swap3A_156 = arith.index_cast %add3A_153 : i32 to index
        %swap3A_157 = arith.constant 0 : index
        %swap3A_158 = tpu.vector_load %arg21[%swap3A_156, %swap3A_157] {strides = array<i32>} : memref<80x16xf32, #tpu.memory_space<vmem>>, vector<16xf32>,
        tpu.vector_store %arg21[%swap3A_156, %swap3A_157], %gather3A_155 {strides = array<i32>} : memref<80x16xf32, #tpu.memory_space<vmem>>, vector<16xf32>,
        %get3A_159 = arith.index_cast %add3A_153 : i32 to index
        %get3A_160 = arith.constant 0 : index
        %get3A_161 = tpu.vector_load %arg19[%get3A_159, %get3A_160] {strides = array<i32>} : memref<80x128xf32, #tpu.memory_space<vmem>>, vector<16xf32>,
        %get3A_162 = arith.index_cast %add3A_153 : i32 to index
        %get3A_163 = arith.constant 0 : index
        %get3A_164 = tpu.vector_load %arg20[%get3A_162, %get3A_163] {strides = array<i32>} : memref<80x128xf32, #tpu.memory_space<vmem>>, vector<16xf32>,
        %add3A_165 = arith.addf %get3A_161, %get3A_164 : vector<16xf32>
        %mul3A_166 = arith.mulf %gather3A_155, %add3A_165 : vector<16xf32>
        %swap3A_167 = arith.index_cast %add3A_153 : i32 to index
        %swap3A_168 = arith.constant 0 : index
        %swap3A_169 = tpu.vector_load %arg19[%swap3A_167, %swap3A_168] {strides = array<i32>} : memref<80x128xf32, #tpu.memory_space<vmem>>, vector<16xf32>,
        tpu.vector_store %arg19[%swap3A_167, %swap3A_168], %mul3A_166 {strides = array<i32>} : memref<80x128xf32, #tpu.memory_space<vmem>>, vector<16xf32>,
        %get3A_170 = arith.index_cast %add3A_153 : i32 to index
        %get3A_171 = arith.constant 16 : index
        %get3A_172 = tpu.vector_load %arg19[%get3A_170, %get3A_171] {strides = array<i32>} : memref<80x128xf32, #tpu.memory_space<vmem>>, vector<16xf32>,
        %get3A_173 = arith.index_cast %add3A_153 : i32 to index
        %get3A_174 = arith.constant 16 : index
        %get3A_175 = tpu.vector_load %arg20[%get3A_173, %get3A_174] {strides = array<i32>} : memref<80x128xf32, #tpu.memory_space<vmem>>, vector<16xf32>,
        %add3A_176 = arith.addf %get3A_172, %get3A_175 : vector<16xf32>
        %mul3A_177 = arith.mulf %gather3A_155, %add3A_176 : vector<16xf32>
        %swap3A_178 = arith.index_cast %add3A_153 : i32 to index
        %swap3A_179 = arith.constant 16 : index
        %swap3A_180 = tpu.vector_load %arg19[%swap3A_178, %swap3A_179] {strides = array<i32>} : memref<80x128xf32, #tpu.memory_space<vmem>>, vector<16xf32>,
        tpu.vector_store %arg19[%swap3A_178, %swap3A_179], %mul3A_177 {strides = array<i32>} : memref<80x128xf32, #tpu.memory_space<vmem>>, vector<16xf32>,
        %get3A_181 = arith.index_cast %add3A_153 : i32 to index
        %get3A_182 = arith.constant 32 : index
        %get3A_183 = tpu.vector_load %arg19[%get3A_181, %get3A_182] {strides = array<i32>} : memref<80x128xf32, #tpu.memory_space<vmem>>, vector<16xf32>,
        %get3A_184 = arith.index_cast %add3A_153 : i32 to index
        %get3A_185 = arith.constant 32 : index
        %get3A_186 = tpu.vector_load %arg20[%get3A_184, %get3A_185] {strides = array<i32>} : memref<80x128xf32, #tpu.memory_space<vmem>>, vector<16xf32>,
        %add3A_187 = arith.addf %get3A_183, %get3A_186 : vector<16xf32>
        %mul3A_188 = arith.mulf %gather3A_155, %add3A_187 : vector<16xf32>
        %swap3A_189 = arith.index_cast %add3A_153 : i32 to index
        %swap3A_190 = arith.constant 32 : index
        %swap3A_191 = tpu.vector_load %arg19[%swap3A_189, %swap3A_190] {strides = array<i32>} : memref<80x128xf32, #tpu.memory_space<vmem>>, vector<16xf32>,
        tpu.vector_store %arg19[%swap3A_189, %swap3A_190], %mul3A_188 {strides = array<i32>} : memref<80x128xf32, #tpu.memory_space<vmem>>, vector<16xf32>,
        %get3A_192 = arith.index_cast %add3A_153 : i32 to index
        %get3A_193 = arith.constant 48 : index
        %get3A_194 = tpu.vector_load %arg19[%get3A_192, %get3A_193] {strides = array<i32>} : memref<80x128xf32, #tpu.memory_space<vmem>>, vector<16xf32>,
        %get3A_195 = arith.index_cast %add3A_153 : i32 to index
        %get3A_196 = arith.constant 48 : index
        %get3A_197 = tpu.vector_load %arg20[%get3A_195, %get3A_196] {strides = array<i32>} : memref<80x128xf32, #tpu.memory_space<vmem>>, vector<16xf32>,
        %add3A_198 = arith.addf %get3A_194, %get3A_197 : vector<16xf32>
        %mul3A_199 = arith.mulf %gather3A_155, %add3A_198 : vector<16xf32>
        %swap3A_200 = arith.index_cast %add3A_153 : i32 to index
        %swap3A_201 = arith.constant 48 : index
        %swap3A_202 = tpu.vector_load %arg19[%swap3A_200, %swap3A_201] {strides = array<i32>} : memref<80x128xf32, #tpu.memory_space<vmem>>, vector<16xf32>,
        tpu.vector_store %arg19[%swap3A_200, %swap3A_201], %mul3A_199 {strides = array<i32>} : memref<80x128xf32, #tpu.memory_space<vmem>>, vector<16xf32>,
        %get3A_203 = arith.index_cast %add3A_153 : i32 to index
        %get3A_204 = arith.constant 64 : index
        %get3A_205 = tpu.vector_load %arg19[%get3A_203, %get3A_204] {strides = array<i32>} : memref<80x128xf32, #tpu.memory_space<vmem>>, vector<16xf32>,
        %get3A_206 = arith.index_cast %add3A_153 : i32 to index
        %get3A_207 = arith.constant 64 : index
        %get3A_208 = tpu.vector_load %arg20[%get3A_206, %get3A_207] {strides = array<i32>} : memref<80x128xf32, #tpu.memory_space<vmem>>, vector<16xf32>,
        %add3A_209 = arith.addf %get3A_205, %get3A_208 : vector<16xf32>
        %mul3A_210 = arith.mulf %gather3A_155, %add3A_209 : vector<16xf32>
        %swap3A_211 = arith.index_cast %add3A_153 : i32 to index
        %swap3A_212 = arith.constant 64 : index
        %swap3A_213 = tpu.vector_load %arg19[%swap3A_211, %swap3A_212] {strides = array<i32>} : memref<80x128xf32, #tpu.memory_space<vmem>>, vector<16xf32>,
        tpu.vector_store %arg19[%swap3A_211, %swap3A_212], %mul3A_210 {strides = array<i32>} : memref<80x128xf32, #tpu.memory_space<vmem>>, vector<16xf32>,
        %get3A_214 = arith.index_cast %add3A_153 : i32 to index
        %get3A_215 = arith.constant 80 : index
        %get3A_216 = tpu.vector_load %arg19[%get3A_214, %get3A_215] {strides = array<i32>} : memref<80x128xf32, #tpu.memory_space<vmem>>, vector<16xf32>,
        %get3A_217 = arith.index_cast %add3A_153 : i32 to index
        %get3A_218 = arith.constant 80 : index
        %get3A_219 = tpu.vector_load %arg20[%get3A_217, %get3A_218] {strides = array<i32>} : memref<80x128xf32, #tpu.memory_space<vmem>>, vector<16xf32>,
        %add3A_220 = arith.addf %get3A_216, %get3A_219 : vector<16xf32>
        %mul3A_221 = arith.mulf %gather3A_155, %add3A_220 : vector<16xf32>
        %swap3A_222 = arith.index_cast %add3A_153 : i32 to index
        %swap3A_223 = arith.constant 80 : index
        %swap3A_224 = tpu.vector_load %arg19[%swap3A_222, %swap3A_223] {strides = array<i32>} : memref<80x128xf32, #tpu.memory_space<vmem>>, vector<16xf32>,
        tpu.vector_store %arg19[%swap3A_222, %swap3A_223], %mul3A_221 {strides = array<i32>} : memref<80x128xf32, #tpu.memory_space<vmem>>, vector<16xf32>,
        %get3A_225 = arith.index_cast %add3A_153 : i32 to index
        %get3A_226 = arith.constant 96 : index
        %get3A_227 = tpu.vector_load %arg19[%get3A_225, %get3A_226] {strides = array<i32>} : memref<80x128xf32, #tpu.memory_space<vmem>>, vector<16xf32>,
        %get3A_228 = arith.index_cast %add3A_153 : i32 to index
        %get3A_229 = arith.constant 96 : index
        %get3A_230 = tpu.vector_load %arg20[%get3A_228, %get3A_229] {strides = array<i32>} : memref<80x128xf32, #tpu.memory_space<vmem>>, vector<16xf32>,
        %add3A_231 = arith.addf %get3A_227, %get3A_230 : vector<16xf32>
        %mul3A_232 = arith.mulf %gather3A_155, %add3A_231 : vector<16xf32>
        %swap3A_233 = arith.index_cast %add3A_153 : i32 to index
        %swap3A_234 = arith.constant 96 : index
        %swap3A_235 = tpu.vector_load %arg19[%swap3A_233, %swap3A_234] {strides = array<i32>} : memref<80x128xf32, #tpu.memory_space<vmem>>, vector<16xf32>,
        tpu.vector_store %arg19[%swap3A_233, %swap3A_234], %mul3A_232 {strides = array<i32>} : memref<80x128xf32, #tpu.memory_space<vmem>>, vector<16xf32>,
        %get3A_236 = arith.index_cast %add3A_153 : i32 to index
        %get3A_237 = arith.constant 112 : index
        %get3A_238 = tpu.vector_load %arg19[%get3A_236, %get3A_237] {strides = array<i32>} : memref<80x128xf32, #tpu.memory_space<vmem>>, vector<16xf32>,
        %get3A_239 = arith.index_cast %add3A_153 : i32 to index
        %get3A_240 = arith.constant 112 : index
        %get3A_241 = tpu.vector_load %arg20[%get3A_239, %get3A_240] {strides = array<i32>} : memref<80x128xf32, #tpu.memory_space<vmem>>, vector<16xf32>,
        %add3A_242 = arith.addf %get3A_238, %get3A_241 : vector<16xf32>
        %mul3A_243 = arith.mulf %gather3A_155, %add3A_242 : vector<16xf32>
        %swap3A_244 = arith.index_cast %add3A_153 : i32 to index
        %swap3A_245 = arith.constant 112 : index
        %swap3A_246 = tpu.vector_load %arg19[%swap3A_244, %swap3A_245] {strides = array<i32>} : memref<80x128xf32, #tpu.memory_space<vmem>>, vector<16xf32>,
        tpu.vector_store %arg19[%swap3A_244, %swap3A_245], %mul3A_243 {strides = array<i32>} : memref<80x128xf32, #tpu.memory_space<vmem>>, vector<16xf32>,
        %mul3A_247 = arith.constant 4 : i32
        %mul3A_248 = arith.muli %scan3A_55, %mul3A_247 : i32
        %add3A_249 = arith.constant 2 : i32
        %add3A_250 = arith.addi %mul3A_248, %add3A_249 : i32
        %broadcast_in_dim3A_251 = vector.broadcast %add3A_250 : i32 to vector<16xi32>
        %gather3A_252 = tpu.vector_load_idx %arg15[%broadcast_in_dim3A_251] : memref<80xf32, #tpu.memory_space<vmem>>[vector<16xi32>], vector<16xf32>,
        %swap3A_253 = arith.index_cast %add3A_250 : i32 to index
        %swap3A_254 = arith.constant 0 : index
        %swap3A_255 = tpu.vector_load %arg21[%swap3A_253, %swap3A_254] {strides = array<i32>} : memref<80x16xf32, #tpu.memory_space<vmem>>, vector<16xf32>,
        tpu.vector_store %arg21[%swap3A_253, %swap3A_254], %gather3A_252 {strides = array<i32>} : memref<80x16xf32, #tpu.memory_space<vmem>>, vector<16xf32>,
        %get3A_256 = arith.index_cast %add3A_250 : i32 to index
        %get3A_257 = arith.constant 0 : index
        %get3A_258 = tpu.vector_load %arg19[%get3A_256, %get3A_257] {strides = array<i32>} : memref<80x128xf32, #tpu.memory_space<vmem>>, vector<16xf32>,
        %get3A_259 = arith.index_cast %add3A_250 : i32 to index
        %get3A_260 = arith.constant 0 : index
        %get3A_261 = tpu.vector_load %arg20[%get3A_259, %get3A_260] {strides = array<i32>} : memref<80x128xf32, #tpu.memory_space<vmem>>, vector<16xf32>,
        %add3A_262 = arith.addf %get3A_258, %get3A_261 : vector<16xf32>
        %mul3A_263 = arith.mulf %gather3A_252, %add3A_262 : vector<16xf32>
        %swap3A_264 = arith.index_cast %add3A_250 : i32 to index
        %swap3A_265 = arith.constant 0 : index
        %swap3A_266 = tpu.vector_load %arg19[%swap3A_264, %swap3A_265] {strides = array<i32>} : memref<80x128xf32, #tpu.memory_space<vmem>>, vector<16xf32>,
        tpu.vector_store %arg19[%swap3A_264, %swap3A_265], %mul3A_263 {strides = array<i32>} : memref<80x128xf32, #tpu.memory_space<vmem>>, vector<16xf32>,
        %get3A_267 = arith.index_cast %add3A_250 : i32 to index
        %get3A_268 = arith.constant 16 : index
        %get3A_269 = tpu.vector_load %arg19[%get3A_267, %get3A_268] {strides = array<i32>} : memref<80x128xf32, #tpu.memory_space<vmem>>, vector<16xf32>,
        %get3A_270 = arith.index_cast %add3A_250 : i32 to index
        %get3A_271 = arith.constant 16 : index
        %get3A_272 = tpu.vector_load %arg20[%get3A_270, %get3A_271] {strides = array<i32>} : memref<80x128xf32, #tpu.memory_space<vmem>>, vector<16xf32>,
        %add3A_273 = arith.addf %get3A_269, %get3A_272 : vector<16xf32>
        %mul3A_274 = arith.mulf %gather3A_252, %add3A_273 : vector<16xf32>
        %swap3A_275 = arith.index_cast %add3A_250 : i32 to index
        %swap3A_276 = arith.constant 16 : index
        %swap3A_277 = tpu.vector_load %arg19[%swap3A_275, %swap3A_276] {strides = array<i32>} : memref<80x128xf32, #tpu.memory_space<vmem>>, vector<16xf32>,
        tpu.vector_store %arg19[%swap3A_275, %swap3A_276], %mul3A_274 {strides = array<i32>} : memref<80x128xf32, #tpu.memory_space<vmem>>, vector<16xf32>,
        %get3A_278 = arith.index_cast %add3A_250 : i32 to index
        %get3A_279 = arith.constant 32 : index
        %get3A_280 = tpu.vector_load %arg19[%get3A_278, %get3A_279] {strides = array<i32>} : memref<80x128xf32, #tpu.memory_space<vmem>>, vector<16xf32>,
        %get3A_281 = arith.index_cast %add3A_250 : i32 to index
        %get3A_282 = arith.constant 32 : index
        %get3A_283 = tpu.vector_load %arg20[%get3A_281, %get3A_282] {strides = array<i32>} : memref<80x128xf32, #tpu.memory_space<vmem>>, vector<16xf32>,
        %add3A_284 = arith.addf %get3A_280, %get3A_283 : vector<16xf32>
        %mul3A_285 = arith.mulf %gather3A_252, %add3A_284 : vector<16xf32>
        %swap3A_286 = arith.index_cast %add3A_250 : i32 to index
        %swap3A_287 = arith.constant 32 : index
        %swap3A_288 = tpu.vector_load %arg19[%swap3A_286, %swap3A_287] {strides = array<i32>} : memref<80x128xf32, #tpu.memory_space<vmem>>, vector<16xf32>,
        tpu.vector_store %arg19[%swap3A_286, %swap3A_287], %mul3A_285 {strides = array<i32>} : memref<80x128xf32, #tpu.memory_space<vmem>>, vector<16xf32>,
        %get3A_289 = arith.index_cast %add3A_250 : i32 to index
        %get3A_290 = arith.constant 48 : index
        %get3A_291 = tpu.vector_load %arg19[%get3A_289, %get3A_290] {strides = array<i32>} : memref<80x128xf32, #tpu.memory_space<vmem>>, vector<16xf32>,
        %get3A_292 = arith.index_cast %add3A_250 : i32 to index
        %get3A_293 = arith.constant 48 : index
        %get3A_294 = tpu.vector_load %arg20[%get3A_292, %get3A_293] {strides = array<i32>} : memref<80x128xf32, #tpu.memory_space<vmem>>, vector<16xf32>,
        %add3A_295 = arith.addf %get3A_291, %get3A_294 : vector<16xf32>
        %mul3A_296 = arith.mulf %gather3A_252, %add3A_295 : vector<16xf32>
        %swap3A_297 = arith.index_cast %add3A_250 : i32 to index
        %swap3A_298 = arith.constant 48 : index
        %swap3A_299 = tpu.vector_load %arg19[%swap3A_297, %swap3A_298] {strides = array<i32>} : memref<80x128xf32, #tpu.memory_space<vmem>>, vector<16xf32>,
        tpu.vector_store %arg19[%swap3A_297, %swap3A_298], %mul3A_296 {strides = array<i32>} : memref<80x128xf32, #tpu.memory_space<vmem>>, vector<16xf32>,
        %get3A_300 = arith.index_cast %add3A_250 : i32 to index
        %get3A_301 = arith.constant 64 : index
        %get3A_302 = tpu.vector_load %arg19[%get3A_300, %get3A_301] {strides = array<i32>} : memref<80x128xf32, #tpu.memory_space<vmem>>, vector<16xf32>,
        %get3A_303 = arith.index_cast %add3A_250 : i32 to index
        %get3A_304 = arith.constant 64 : index
        %get3A_305 = tpu.vector_load %arg20[%get3A_303, %get3A_304] {strides = array<i32>} : memref<80x128xf32, #tpu.memory_space<vmem>>, vector<16xf32>,
        %add3A_306 = arith.addf %get3A_302, %get3A_305 : vector<16xf32>
        %mul3A_307 = arith.mulf %gather3A_252, %add3A_306 : vector<16xf32>
        %swap3A_308 = arith.index_cast %add3A_250 : i32 to index
        %swap3A_309 = arith.constant 64 : index
        %swap3A_310 = tpu.vector_load %arg19[%swap3A_308, %swap3A_309] {strides = array<i32>} : memref<80x128xf32, #tpu.memory_space<vmem>>, vector<16xf32>,
        tpu.vector_store %arg19[%swap3A_308, %swap3A_309], %mul3A_307 {strides = array<i32>} : memref<80x128xf32, #tpu.memory_space<vmem>>, vector<16xf32>,
        %get3A_311 = arith.index_cast %add3A_250 : i32 to index
        %get3A_312 = arith.constant 80 : index
        %get3A_313 = tpu.vector_load %arg19[%get3A_311, %get3A_312] {strides = array<i32>} : memref<80x128xf32, #tpu.memory_space<vmem>>, vector<16xf32>,
        %get3A_314 = arith.index_cast %add3A_250 : i32 to index
        %get3A_315 = arith.constant 80 : index
        %get3A_316 = tpu.vector_load %arg20[%get3A_314, %get3A_315] {strides = array<i32>} : memref<80x128xf32, #tpu.memory_space<vmem>>, vector<16xf32>,
        %add3A_317 = arith.addf %get3A_313, %get3A_316 : vector<16xf32>
        %mul3A_318 = arith.mulf %gather3A_252, %add3A_317 : vector<16xf32>
        %swap3A_319 = arith.index_cast %add3A_250 : i32 to index
        %swap3A_320 = arith.constant 80 : index
        %swap3A_321 = tpu.vector_load %arg19[%swap3A_319, %swap3A_320] {strides = array<i32>} : memref<80x128xf32, #tpu.memory_space<vmem>>, vector<16xf32>,
        tpu.vector_store %arg19[%swap3A_319, %swap3A_320], %mul3A_318 {strides = array<i32>} : memref<80x128xf32, #tpu.memory_space<vmem>>, vector<16xf32>,
        %get3A_322 = arith.index_cast %add3A_250 : i32 to index
        %get3A_323 = arith.constant 96 : index
        %get3A_324 = tpu.vector_load %arg19[%get3A_322, %get3A_323] {strides = array<i32>} : memref<80x128xf32, #tpu.memory_space<vmem>>, vector<16xf32>,
        %get3A_325 = arith.index_cast %add3A_250 : i32 to index
        %get3A_326 = arith.constant 96 : index
        %get3A_327 = tpu.vector_load %arg20[%get3A_325, %get3A_326] {strides = array<i32>} : memref<80x128xf32, #tpu.memory_space<vmem>>, vector<16xf32>,
        %add3A_328 = arith.addf %get3A_324, %get3A_327 : vector<16xf32>
        %mul3A_329 = arith.mulf %gather3A_252, %add3A_328 : vector<16xf32>
        %swap3A_330 = arith.index_cast %add3A_250 : i32 to index
        %swap3A_331 = arith.constant 96 : index
        %swap3A_332 = tpu.vector_load %arg19[%swap3A_330, %swap3A_331] {strides = array<i32>} : memref<80x128xf32, #tpu.memory_space<vmem>>, vector<16xf32>,
        tpu.vector_store %arg19[%swap3A_330, %swap3A_331], %mul3A_329 {strides = array<i32>} : memref<80x128xf32, #tpu.memory_space<vmem>>, vector<16xf32>,
        %get3A_333 = arith.index_cast %add3A_250 : i32 to index
        %get3A_334 = arith.constant 112 : index
        %get3A_335 = tpu.vector_load %arg19[%get3A_333, %get3A_334] {strides = array<i32>} : memref<80x128xf32, #tpu.memory_space<vmem>>, vector<16xf32>,
        %get3A_336 = arith.index_cast %add3A_250 : i32 to index
        %get3A_337 = arith.constant 112 : index
        %get3A_338 = tpu.vector_load %arg20[%get3A_336, %get3A_337] {strides = array<i32>} : memref<80x128xf32, #tpu.memory_space<vmem>>, vector<16xf32>,
        %add3A_339 = arith.addf %get3A_335, %get3A_338 : vector<16xf32>
        %mul3A_340 = arith.mulf %gather3A_252, %add3A_339 : vector<16xf32>
        %swap3A_341 = arith.index_cast %add3A_250 : i32 to index
        %swap3A_342 = arith.constant 112 : index
        %swap3A_343 = tpu.vector_load %arg19[%swap3A_341, %swap3A_342] {strides = array<i32>} : memref<80x128xf32, #tpu.memory_space<vmem>>, vector<16xf32>,
        tpu.vector_store %arg19[%swap3A_341, %swap3A_342], %mul3A_340 {strides = array<i32>} : memref<80x128xf32, #tpu.memory_space<vmem>>, vector<16xf32>,
        %mul3A_344 = arith.constant 4 : i32
        %mul3A_345 = arith.muli %scan3A_55, %mul3A_344 : i32
        %add3A_346 = arith.constant 3 : i32
        %add3A_347 = arith.addi %mul3A_345, %add3A_346 : i32
        %broadcast_in_dim3A_348 = vector.broadcast %add3A_347 : i32 to vector<16xi32>
        %gather3A_349 = tpu.vector_load_idx %arg15[%broadcast_in_dim3A_348] : memref<80xf32, #tpu.memory_space<vmem>>[vector<16xi32>], vector<16xf32>,
        %swap3A_350 = arith.index_cast %add3A_347 : i32 to index
        %swap3A_351 = arith.constant 0 : index
        %swap3A_352 = tpu.vector_load %arg21[%swap3A_350, %swap3A_351] {strides = array<i32>} : memref<80x16xf32, #tpu.memory_space<vmem>>, vector<16xf32>,
        tpu.vector_store %arg21[%swap3A_350, %swap3A_351], %gather3A_349 {strides = array<i32>} : memref<80x16xf32, #tpu.memory_space<vmem>>, vector<16xf32>,
        %get3A_353 = arith.index_cast %add3A_347 : i32 to index
        %get3A_354 = arith.constant 0 : index
        %get3A_355 = tpu.vector_load %arg19[%get3A_353, %get3A_354] {strides = array<i32>} : memref<80x128xf32, #tpu.memory_space<vmem>>, vector<16xf32>,
        %get3A_356 = arith.index_cast %add3A_347 : i32 to index
        %get3A_357 = arith.constant 0 : index
        %get3A_358 = tpu.vector_load %arg20[%get3A_356, %get3A_357] {strides = array<i32>} : memref<80x128xf32, #tpu.memory_space<vmem>>, vector<16xf32>,
        %add3A_359 = arith.addf %get3A_355, %get3A_358 : vector<16xf32>
        %mul3A_360 = arith.mulf %gather3A_349, %add3A_359 : vector<16xf32>
        %swap3A_361 = arith.index_cast %add3A_347 : i32 to index
        %swap3A_362 = arith.constant 0 : index
        %swap3A_363 = tpu.vector_load %arg19[%swap3A_361, %swap3A_362] {strides = array<i32>} : memref<80x128xf32, #tpu.memory_space<vmem>>, vector<16xf32>,
        tpu.vector_store %arg19[%swap3A_361, %swap3A_362], %mul3A_360 {strides = array<i32>} : memref<80x128xf32, #tpu.memory_space<vmem>>, vector<16xf32>,
        %get3A_364 = arith.index_cast %add3A_347 : i32 to index
        %get3A_365 = arith.constant 16 : index
        %get3A_366 = tpu.vector_load %arg19[%get3A_364, %get3A_365] {strides = array<i32>} : memref<80x128xf32, #tpu.memory_space<vmem>>, vector<16xf32>,
        %get3A_367 = arith.index_cast %add3A_347 : i32 to index
        %get3A_368 = arith.constant 16 : index
        %get3A_369 = tpu.vector_load %arg20[%get3A_367, %get3A_368] {strides = array<i32>} : memref<80x128xf32, #tpu.memory_space<vmem>>, vector<16xf32>,
        %add3A_370 = arith.addf %get3A_366, %get3A_369 : vector<16xf32>
        %mul3A_371 = arith.mulf %gather3A_349, %add3A_370 : vector<16xf32>
        %swap3A_372 = arith.index_cast %add3A_347 : i32 to index
        %swap3A_373 = arith.constant 16 : index
        %swap3A_374 = tpu.vector_load %arg19[%swap3A_372, %swap3A_373] {strides = array<i32>} : memref<80x128xf32, #tpu.memory_space<vmem>>, vector<16xf32>,
        tpu.vector_store %arg19[%swap3A_372, %swap3A_373], %mul3A_371 {strides = array<i32>} : memref<80x128xf32, #tpu.memory_space<vmem>>, vector<16xf32>,
        %get3A_375 = arith.index_cast %add3A_347 : i32 to index
        %get3A_376 = arith.constant 32 : index
        %get3A_377 = tpu.vector_load %arg19[%get3A_375, %get3A_376] {strides = array<i32>} : memref<80x128xf32, #tpu.memory_space<vmem>>, vector<16xf32>,
        %get3A_378 = arith.index_cast %add3A_347 : i32 to index
        %get3A_379 = arith.constant 32 : index
        %get3A_380 = tpu.vector_load %arg20[%get3A_378, %get3A_379] {strides = array<i32>} : memref<80x128xf32, #tpu.memory_space<vmem>>, vector<16xf32>,
        %add3A_381 = arith.addf %get3A_377, %get3A_380 : vector<16xf32>
        %mul3A_382 = arith.mulf %gather3A_349, %add3A_381 : vector<16xf32>
        %swap3A_383 = arith.index_cast %add3A_347 : i32 to index
        %swap3A_384 = arith.constant 32 : index
        %swap3A_385 = tpu.vector_load %arg19[%swap3A_383, %swap3A_384] {strides = array<i32>} : memref<80x128xf32, #tpu.memory_space<vmem>>, vector<16xf32>,
        tpu.vector_store %arg19[%swap3A_383, %swap3A_384], %mul3A_382 {strides = array<i32>} : memref<80x128xf32, #tpu.memory_space<vmem>>, vector<16xf32>,
        %get3A_386 = arith.index_cast %add3A_347 : i32 to index
        %get3A_387 = arith.constant 48 : index
        %get3A_388 = tpu.vector_load %arg19[%get3A_386, %get3A_387] {strides = array<i32>} : memref<80x128xf32, #tpu.memory_space<vmem>>, vector<16xf32>,
        %get3A_389 = arith.index_cast %add3A_347 : i32 to index
        %get3A_390 = arith.constant 48 : index
        %get3A_391 = tpu.vector_load %arg20[%get3A_389, %get3A_390] {strides = array<i32>} : memref<80x128xf32, #tpu.memory_space<vmem>>, vector<16xf32>,
        %add3A_392 = arith.addf %get3A_388, %get3A_391 : vector<16xf32>
        %mul3A_393 = arith.mulf %gather3A_349, %add3A_392 : vector<16xf32>
        %swap3A_394 = arith.index_cast %add3A_347 : i32 to index
        %swap3A_395 = arith.constant 48 : index
        %swap3A_396 = tpu.vector_load %arg19[%swap3A_394, %swap3A_395] {strides = array<i32>} : memref<80x128xf32, #tpu.memory_space<vmem>>, vector<16xf32>,
        tpu.vector_store %arg19[%swap3A_394, %swap3A_395], %mul3A_393 {strides = array<i32>} : memref<80x128xf32, #tpu.memory_space<vmem>>, vector<16xf32>,
        %get3A_397 = arith.index_cast %add3A_347 : i32 to index
        %get3A_398 = arith.constant 64 : index
        %get3A_399 = tpu.vector_load %arg19[%get3A_397, %get3A_398] {strides = array<i32>} : memref<80x128xf32, #tpu.memory_space<vmem>>, vector<16xf32>,
        %get3A_400 = arith.index_cast %add3A_347 : i32 to index
        %get3A_401 = arith.constant 64 : index
        %get3A_402 = tpu.vector_load %arg20[%get3A_400, %get3A_401] {strides = array<i32>} : memref<80x128xf32, #tpu.memory_space<vmem>>, vector<16xf32>,
        %add3A_403 = arith.addf %get3A_399, %get3A_402 : vector<16xf32>
        %mul3A_404 = arith.mulf %gather3A_349, %add3A_403 : vector<16xf32>
        %swap3A_405 = arith.index_cast %add3A_347 : i32 to index
        %swap3A_406 = arith.constant 64 : index
        %swap3A_407 = tpu.vector_load %arg19[%swap3A_405, %swap3A_406] {strides = array<i32>} : memref<80x128xf32, #tpu.memory_space<vmem>>, vector<16xf32>,
        tpu.vector_store %arg19[%swap3A_405, %swap3A_406], %mul3A_404 {strides = array<i32>} : memref<80x128xf32, #tpu.memory_space<vmem>>, vector<16xf32>,
        %get3A_408 = arith.index_cast %add3A_347 : i32 to index
        %get3A_409 = arith.constant 80 : index
        %get3A_410 = tpu.vector_load %arg19[%get3A_408, %get3A_409] {strides = array<i32>} : memref<80x128xf32, #tpu.memory_space<vmem>>, vector<16xf32>,
        %get3A_411 = arith.index_cast %add3A_347 : i32 to index
        %get3A_412 = arith.constant 80 : index
        %get3A_413 = tpu.vector_load %arg20[%get3A_411, %get3A_412] {strides = array<i32>} : memref<80x128xf32, #tpu.memory_space<vmem>>, vector<16xf32>,
        %add3A_414 = arith.addf %get3A_410, %get3A_413 : vector<16xf32>
        %mul3A_415 = arith.mulf %gather3A_349, %add3A_414 : vector<16xf32>
        %swap3A_416 = arith.index_cast %add3A_347 : i32 to index
        %swap3A_417 = arith.constant 80 : index
        %swap3A_418 = tpu.vector_load %arg19[%swap3A_416, %swap3A_417] {strides = array<i32>} : memref<80x128xf32, #tpu.memory_space<vmem>>, vector<16xf32>,
        tpu.vector_store %arg19[%swap3A_416, %swap3A_417], %mul3A_415 {strides = array<i32>} : memref<80x128xf32, #tpu.memory_space<vmem>>, vector<16xf32>,
        %get3A_419 = arith.index_cast %add3A_347 : i32 to index
        %get3A_420 = arith.constant 96 : index
        %get3A_421 = tpu.vector_load %arg19[%get3A_419, %get3A_420] {strides = array<i32>} : memref<80x128xf32, #tpu.memory_space<vmem>>, vector<16xf32>,
        %get3A_422 = arith.index_cast %add3A_347 : i32 to index
        %get3A_423 = arith.constant 96 : index
        %get3A_424 = tpu.vector_load %arg20[%get3A_422, %get3A_423] {strides = array<i32>} : memref<80x128xf32, #tpu.memory_space<vmem>>, vector<16xf32>,
        %add3A_425 = arith.addf %get3A_421, %get3A_424 : vector<16xf32>
        %mul3A_426 = arith.mulf %gather3A_349, %add3A_425 : vector<16xf32>
        %swap3A_427 = arith.index_cast %add3A_347 : i32 to index
        %swap3A_428 = arith.constant 96 : index
        %swap3A_429 = tpu.vector_load %arg19[%swap3A_427, %swap3A_428] {strides = array<i32>} : memref<80x128xf32, #tpu.memory_space<vmem>>, vector<16xf32>,
        tpu.vector_store %arg19[%swap3A_427, %swap3A_428], %mul3A_426 {strides = array<i32>} : memref<80x128xf32, #tpu.memory_space<vmem>>, vector<16xf32>,
        %get3A_430 = arith.index_cast %add3A_347 : i32 to index
        %get3A_431 = arith.constant 112 : index
        %get3A_432 = tpu.vector_load %arg19[%get3A_430, %get3A_431] {strides = array<i32>} : memref<80x128xf32, #tpu.memory_space<vmem>>, vector<16xf32>,
        %get3A_433 = arith.index_cast %add3A_347 : i32 to index
        %get3A_434 = arith.constant 112 : index
        %get3A_435 = tpu.vector_load %arg20[%get3A_433, %get3A_434] {strides = array<i32>} : memref<80x128xf32, #tpu.memory_space<vmem>>, vector<16xf32>,
        %add3A_436 = arith.addf %get3A_432, %get3A_435 : vector<16xf32>
        %mul3A_437 = arith.mulf %gather3A_349, %add3A_436 : vector<16xf32>
        %swap3A_438 = arith.index_cast %add3A_347 : i32 to index
        %swap3A_439 = arith.constant 112 : index
        %swap3A_440 = tpu.vector_load %arg19[%swap3A_438, %swap3A_439] {strides = array<i32>} : memref<80x128xf32, #tpu.memory_space<vmem>>, vector<16xf32>,
        tpu.vector_store %arg19[%swap3A_438, %swap3A_439], %mul3A_437 {strides = array<i32>} : memref<80x128xf32, #tpu.memory_space<vmem>>, vector<16xf32>,
        %scan3A_441 = arith.constant 0 : i32
        scf.yield %scan3A_441 : i32
      }
      %scan3A_53 = arith.constant 20 : i32
      "tpu.region"() ({
        %run_scoped3A = tpu.sem_alloc : memref<!tpu.dma_semaphore, #tpu.memory_space<semaphore_mem>>
        %dma_start3A_55 = arith.constant 0 : i32
        %dma_start3A_56 = arith.constant 0 : i32
        %dma_start3A_57 = tpu.memref_slice %arg22[%dma_start3A_55, %dma_start3A_56] : memref<5120x128xf32, #tpu.memory_space<vmem_shared>> -> memref<5120x128xf32, #tpu.memory_space<vmem_shared>>
        tpu.enqueue_indirect_dma source(%arg19 : memref<80x128xf32, #tpu.memory_space<vmem>>) target(%dma_start3A_57 : memref<5120x128xf32, #tpu.memory_space<vmem_shared>>) offsets(%arg18 : memref<80xi32, #tpu.memory_space<vmem>>) semaphore(%run_scoped3A : memref<!tpu.dma_semaphore, #tpu.memory_space<semaphore_mem>>) {add = true}
        %dma_wait3A_58 = arith.constant 0 : i32
        %dma_wait3A_59 = arith.constant 0 : i32
        %dma_wait3A_60 = tpu.memref_slice %arg22[%dma_wait3A_58, %dma_wait3A_59] : memref<5120x128xf32, #tpu.memory_space<vmem_shared>> -> memref<5120x128xf32, #tpu.memory_space<vmem_shared>>
        tpu.wait_indirect_dma semaphore(%run_scoped3A : memref<!tpu.dma_semaphore, #tpu.memory_space<semaphore_mem>>) src(%arg19 : memref<80x128xf32, #tpu.memory_space<vmem>>) dst(%dma_wait3A_60 : memref<5120x128xf32, #tpu.memory_space<vmem_shared>>)
        tpu.yield
      }) : () -> ()
      "tpu.region"() ({
        %run_scoped3A = tpu.sem_alloc : memref<!tpu.dma_semaphore, #tpu.memory_space<semaphore_mem>>
        %dma_start3A_55 = arith.constant 0 : i32
        %dma_start3A_56 = arith.constant 0 : i32
        %dma_start3A_57 = tpu.memref_slice %arg23[%dma_start3A_55, %dma_start3A_56] : memref<5120x16xf32, #tpu.memory_space<vmem_shared>> -> memref<5120x16xf32, #tpu.memory_space<vmem_shared>>
        tpu.enqueue_indirect_dma source(%arg21 : memref<80x16xf32, #tpu.memory_space<vmem>>) target(%dma_start3A_57 : memref<5120x16xf32, #tpu.memory_space<vmem_shared>>) offsets(%arg18 : memref<80xi32, #tpu.memory_space<vmem>>) semaphore(%run_scoped3A : memref<!tpu.dma_semaphore, #tpu.memory_space<semaphore_mem>>) {add = true}
        %dma_wait3A_58 = arith.constant 0 : i32
        %dma_wait3A_59 = arith.constant 0 : i32
        %dma_wait3A_60 = tpu.memref_slice %arg23[%dma_wait3A_58, %dma_wait3A_59] : memref<5120x16xf32, #tpu.memory_space<vmem_shared>> -> memref<5120x16xf32, #tpu.memory_space<vmem_shared>>
        tpu.wait_indirect_dma semaphore(%run_scoped3A : memref<!tpu.dma_semaphore, #tpu.memory_space<semaphore_mem>>) src(%arg21 : memref<80x16xf32, #tpu.memory_space<vmem>>) dst(%dma_wait3A_60 : memref<5120x16xf32, #tpu.memory_space<vmem_shared>>)
        tpu.yield
      }) : () -> ()
      %scan3A_54 = arith.constant 0 : i32
      scf.yield %scan3A_54 : i32
    }
    %scan3A_16 = arith.constant 250 : i32
    %barrier3A_17 = arith.constant 0 : index
    tpu.barrier barrier_id(%barrier3A_17)
    %mul3A_18 = arith.constant 320 : i32
    %mul3A_19 = arith.muli %arg1, %mul3A_18 : i32
    %mul3A_20 = arith.constant 320 : i32
    %mul3A_21 = arith.muli %arg1, %mul3A_20 : i32
    "tpu.region"() ({
      %run_scoped3A = tpu.sem_alloc : memref<!tpu.dma_semaphore, #tpu.memory_space<semaphore_mem>>
      %dma_start3A = arith.constant 0 : i32
      %dma_start3A_26 = tpu.memref_slice %arg9[%arg0, %mul3A_21, %dma_start3A] : memref<2x5120x128xf32, #tpu.memory_space<hbm>> -> memref<1x320x128xf32, #tpu.memory_space<hbm>>
      %dma_start3A_27 = tpu.memref_squeeze %dma_start3A_26 : memref<1x320x128xf32, #tpu.memory_space<hbm>> -> memref<320x128xf32, #tpu.memory_space<hbm>>
      %dma_start3A_28 = arith.constant 0 : i32
      %dma_start3A_29 = tpu.memref_slice %arg22[%mul3A_19, %dma_start3A_28] : memref<5120x128xf32, #tpu.memory_space<vmem_shared>> -> memref<320x128xf32, #tpu.memory_space<vmem_shared>>
      tpu.enqueue_dma source(%dma_start3A_29 : memref<320x128xf32, #tpu.memory_space<vmem_shared>>) target(%dma_start3A_27 : memref<320x128xf32, #tpu.memory_space<hbm>>) target_semaphore(%run_scoped3A : memref<!tpu.dma_semaphore, #tpu.memory_space<semaphore_mem>>)
      %dma_wait3A = arith.constant 0 : i32
      %dma_wait3A_30 = tpu.memref_slice %arg9[%arg0, %mul3A_21, %dma_wait3A] : memref<2x5120x128xf32, #tpu.memory_space<hbm>> -> memref<1x320x128xf32, #tpu.memory_space<hbm>>
      %dma_wait3A_31 = tpu.memref_squeeze %dma_wait3A_30 : memref<1x320x128xf32, #tpu.memory_space<hbm>> -> memref<320x128xf32, #tpu.memory_space<hbm>>
      %dma_wait3A_32 = arith.constant 0 : i32
      %dma_wait3A_33 = tpu.memref_slice %arg22[%mul3A_19, %dma_wait3A_32] : memref<5120x128xf32, #tpu.memory_space<vmem_shared>> -> memref<320x128xf32, #tpu.memory_space<vmem_shared>>
      tpu.wait_dma2 semaphore(%run_scoped3A : memref<!tpu.dma_semaphore, #tpu.memory_space<semaphore_mem>>) src(%dma_wait3A_33 : memref<320x128xf32, #tpu.memory_space<vmem_shared>>) dst(%dma_wait3A_31 : memref<320x128xf32, #tpu.memory_space<hbm>>)
      tpu.yield
    }) : () -> ()
    %mul3A_22 = arith.constant 320 : i32
    %mul3A_23 = arith.muli %arg1, %mul3A_22 : i32
    %mul3A_24 = arith.constant 320 : i32
    %mul3A_25 = arith.muli %arg1, %mul3A_24 : i32
    "tpu.region"() ({
      %run_scoped3A = tpu.sem_alloc : memref<!tpu.dma_semaphore, #tpu.memory_space<semaphore_mem>>
      %dma_start3A = arith.constant 0 : i32
      %dma_start3A_26 = tpu.memref_slice %arg10[%arg0, %mul3A_25, %dma_start3A] : memref<2x5120x16xf32, #tpu.memory_space<hbm>> -> memref<1x320x16xf32, #tpu.memory_space<hbm>>
      %dma_start3A_27 = tpu.memref_squeeze %dma_start3A_26 : memref<1x320x16xf32, #tpu.memory_space<hbm>> -> memref<320x16xf32, #tpu.memory_space<hbm>>
      %dma_start3A_28 = arith.constant 0 : i32
      %dma_start3A_29 = tpu.memref_slice %arg23[%mul3A_23, %dma_start3A_28] : memref<5120x16xf32, #tpu.memory_space<vmem_shared>> -> memref<320x16xf32, #tpu.memory_space<vmem_shared>>
      tpu.enqueue_dma source(%dma_start3A_29 : memref<320x16xf32, #tpu.memory_space<vmem_shared>>) target(%dma_start3A_27 : memref<320x16xf32, #tpu.memory_space<hbm>>) target_semaphore(%run_scoped3A : memref<!tpu.dma_semaphore, #tpu.memory_space<semaphore_mem>>)
      %dma_wait3A = arith.constant 0 : i32
      %dma_wait3A_30 = tpu.memref_slice %arg10[%arg0, %mul3A_25, %dma_wait3A] : memref<2x5120x16xf32, #tpu.memory_space<hbm>> -> memref<1x320x16xf32, #tpu.memory_space<hbm>>
      %dma_wait3A_31 = tpu.memref_squeeze %dma_wait3A_30 : memref<1x320x16xf32, #tpu.memory_space<hbm>> -> memref<320x16xf32, #tpu.memory_space<hbm>>
      %dma_wait3A_32 = arith.constant 0 : i32
      %dma_wait3A_33 = tpu.memref_slice %arg23[%mul3A_23, %dma_wait3A_32] : memref<5120x16xf32, #tpu.memory_space<vmem_shared>> -> memref<320x16xf32, #tpu.memory_space<vmem_shared>>
      tpu.wait_dma2 semaphore(%run_scoped3A : memref<!tpu.dma_semaphore, #tpu.memory_space<semaphore_mem>>) src(%dma_wait3A_33 : memref<320x16xf32, #tpu.memory_space<vmem_shared>>) dst(%dma_wait3A_31 : memref<320x16xf32, #tpu.memory_space<hbm>>)
      tpu.yield
    }) : () -> ()
    return
  }
}

#map = affine_map<(d0, d1) -> (0, 0)>
#map1 = affine_map<(d0, d1) -> (0)>
module attributes {stable_mosaic.version = 14 : i64} {
  func.func @k(%arg0: i32, %arg1: i32, %arg2: memref<50000x128xf32, #tpu.memory_space<hbm>>, %arg3: memref<10240xi32, #tpu.memory_space<hbm>>, %arg4: memref<10240x128xf32, #tpu.memory_space<hbm>>, %arg5: memref<320xi32, #tpu.memory_space<vmem>>, %arg6: memref<320x128xf32, #tpu.memory_space<vmem>>, %arg7: memref<!tpu.dma_semaphore, #tpu.memory_space<semaphore_mem>>) attributes {dimension_semantics = [#tpu.dimension_semantics<core_parallel>, #tpu.dimension_semantics<subcore_parallel>], iteration_bounds = array<i64: 2, 16>, scalar_prefetch = 0 : i64, scratch_operands = 3 : i64, tpu.core_type = #tpu.core_type<sc_vector_subcore>, window_params = [{transform_indices = #map}, {transform_indices = #map1}, {transform_indices = #map}]} {
    %mul3A = arith.constant 2 : i32
    %mul3A_0 = arith.muli %arg1, %mul3A : i32
    %add3A = arith.addi %mul3A_0, %arg0 : i32
    %mul3A_1 = arith.constant 320 : i32
    %mul3A_2 = arith.muli %add3A, %mul3A_1 : i32
    "tpu.region"() ({
      %run_scoped3A = tpu.sem_alloc : memref<!tpu.dma_semaphore, #tpu.memory_space<semaphore_mem>>
      %dma_start3A_7 = tpu.memref_slice %arg3[%mul3A_2] : memref<10240xi32, #tpu.memory_space<hbm>> -> memref<320xi32, #tpu.memory_space<hbm>>
      %dma_start3A_8 = tpu.memref_slice %arg3[%mul3A_2] : memref<10240xi32, #tpu.memory_space<hbm>> -> memref<320xi32, #tpu.memory_space<hbm>>
      tpu.enqueue_dma source(%dma_start3A_8 : memref<320xi32, #tpu.memory_space<hbm>>) target(%arg5 : memref<320xi32, #tpu.memory_space<vmem>>) target_semaphore(%run_scoped3A : memref<!tpu.dma_semaphore, #tpu.memory_space<semaphore_mem>>)
      %dma_wait3A_9 = tpu.memref_slice %arg3[%mul3A_2] : memref<10240xi32, #tpu.memory_space<hbm>> -> memref<320xi32, #tpu.memory_space<hbm>>
      %dma_wait3A_10 = tpu.memref_slice %arg3[%mul3A_2] : memref<10240xi32, #tpu.memory_space<hbm>> -> memref<320xi32, #tpu.memory_space<hbm>>
      tpu.wait_dma2 semaphore(%run_scoped3A : memref<!tpu.dma_semaphore, #tpu.memory_space<semaphore_mem>>) src(%dma_wait3A_10 : memref<320xi32, #tpu.memory_space<hbm>>) dst(%arg5 : memref<320xi32, #tpu.memory_space<vmem>>)
      tpu.yield
    }) : () -> ()
    %dma_start3A = arith.constant 0 : i32
    %dma_start3A_3 = arith.constant 0 : i32
    %dma_start3A_4 = tpu.memref_slice %arg2[%dma_start3A, %dma_start3A_3] : memref<50000x128xf32, #tpu.memory_space<hbm>> -> memref<50000x128xf32, #tpu.memory_space<hbm>>
    tpu.enqueue_indirect_dma source(%dma_start3A_4 : memref<50000x128xf32, #tpu.memory_space<hbm>>) target(%arg6 : memref<320x128xf32, #tpu.memory_space<vmem>>) offsets(%arg5 : memref<320xi32, #tpu.memory_space<vmem>>) semaphore(%arg7 : memref<!tpu.dma_semaphore, #tpu.memory_space<semaphore_mem>>)
    %dma_wait3A = arith.constant 0 : i32
    %dma_wait3A_5 = arith.constant 0 : i32
    %dma_wait3A_6 = tpu.memref_slice %arg2[%dma_wait3A, %dma_wait3A_5] : memref<50000x128xf32, #tpu.memory_space<hbm>> -> memref<50000x128xf32, #tpu.memory_space<hbm>>
    tpu.wait_indirect_dma semaphore(%arg7 : memref<!tpu.dma_semaphore, #tpu.memory_space<semaphore_mem>>) src(%dma_wait3A_6 : memref<50000x128xf32, #tpu.memory_space<hbm>>) dst(%arg6 : memref<320x128xf32, #tpu.memory_space<vmem>>)
    "tpu.region"() ({
      %run_scoped3A = tpu.sem_alloc : memref<!tpu.dma_semaphore, #tpu.memory_space<semaphore_mem>>
      %dma_start3A_7 = arith.constant 0 : i32
      %dma_start3A_8 = tpu.memref_slice %arg4[%mul3A_2, %dma_start3A_7] : memref<10240x128xf32, #tpu.memory_space<hbm>> -> memref<320x128xf32, #tpu.memory_space<hbm>>
      %dma_start3A_9 = arith.constant 0 : i32
      %dma_start3A_10 = tpu.memref_slice %arg4[%mul3A_2, %dma_start3A_9] : memref<10240x128xf32, #tpu.memory_space<hbm>> -> memref<320x128xf32, #tpu.memory_space<hbm>>
      tpu.enqueue_dma source(%arg6 : memref<320x128xf32, #tpu.memory_space<vmem>>) target(%dma_start3A_10 : memref<320x128xf32, #tpu.memory_space<hbm>>) target_semaphore(%run_scoped3A : memref<!tpu.dma_semaphore, #tpu.memory_space<semaphore_mem>>)
      %dma_wait3A_11 = arith.constant 0 : i32
      %dma_wait3A_12 = tpu.memref_slice %arg4[%mul3A_2, %dma_wait3A_11] : memref<10240x128xf32, #tpu.memory_space<hbm>> -> memref<320x128xf32, #tpu.memory_space<hbm>>
      %dma_wait3A_13 = arith.constant 0 : i32
      %dma_wait3A_14 = tpu.memref_slice %arg4[%mul3A_2, %dma_wait3A_13] : memref<10240x128xf32, #tpu.memory_space<hbm>> -> memref<320x128xf32, #tpu.memory_space<hbm>>
      tpu.wait_dma2 semaphore(%run_scoped3A : memref<!tpu.dma_semaphore, #tpu.memory_space<semaphore_mem>>) src(%arg6 : memref<320x128xf32, #tpu.memory_space<vmem>>) dst(%dma_wait3A_14 : memref<320x128xf32, #tpu.memory_space<hbm>>)
      tpu.yield
    }) : () -> ()
    return
  }
}

#map = affine_map<(d0, d1) -> (0)>
#map1 = affine_map<(d0, d1) -> (0, 0)>
#map2 = affine_map<(d0, d1) -> (0, 0, 0)>
module attributes {stable_mosaic.version = 14 : i64} {
  func.func @k(%arg0: i32, %arg1: i32, %arg2: memref<960000xi32, #tpu.memory_space<hbm>>, %arg3: memref<10048x128xf32, #tpu.memory_space<hbm>>, %arg4: memref<10000xf32, #tpu.memory_space<hbm>>, %arg5: memref<512xf32, #tpu.memory_space<hbm>>, %arg6: memref<48xf32, #tpu.memory_space<hbm>>, %arg7: memref<512x128xf32, #tpu.memory_space<hbm>>, %arg8: memref<512x16xf32, #tpu.memory_space<hbm>>, %arg9: memref<2x512x128xf32, #tpu.memory_space<hbm>>, %arg10: memref<2x512x16xf32, #tpu.memory_space<hbm>>, %arg11: memref<10000xf32, #tpu.memory_space<vmem>>, %arg12: memref<512xf32, #tpu.memory_space<vmem>>, %arg13: memref<48xf32, #tpu.memory_space<vmem>>, %arg14: memref<240xi32, #tpu.memory_space<vmem>>, %arg15: memref<80xf32, #tpu.memory_space<vmem>>, %arg16: memref<80xi32, #tpu.memory_space<vmem>>, %arg17: memref<80xi32, #tpu.memory_space<vmem>>, %arg18: memref<80xi32, #tpu.memory_space<vmem>>, %arg19: memref<80x128xf32, #tpu.memory_space<vmem>>, %arg20: memref<80x128xf32, #tpu.memory_space<vmem>>, %arg21: memref<80x16xf32, #tpu.memory_space<vmem>>, %arg22: memref<512x128xf32, #tpu.memory_space<vmem_shared>>, %arg23: memref<512x16xf32, #tpu.memory_space<vmem_shared>>, %arg24: memref<!tpu.dma_semaphore, #tpu.memory_space<semaphore_mem>>, %arg25: memref<!tpu.dma_semaphore, #tpu.memory_space<semaphore_mem>>) attributes {dimension_semantics = [#tpu.dimension_semantics<core_parallel>, #tpu.dimension_semantics<subcore_parallel>], iteration_bounds = array<i64: 2, 16>, scalar_prefetch = 0 : i64, scratch_operands = 15 : i64, tpu.core_type = #tpu.core_type<sc_vector_subcore>, window_params = [{transform_indices = #map}, {transform_indices = #map1}, {transform_indices = #map}, {transform_indices = #map}, {transform_indices = #map}, {transform_indices = #map1}, {transform_indices = #map1}, {transform_indices = #map2}, {transform_indices = #map2}]} {
    %mul3A = arith.constant 2 : i32
    %mul3A_0 = arith.muli %arg1, %mul3A : i32
    %add3A = arith.addi %mul3A_0, %arg0 : i32
    "tpu.region"() ({
      %run_scoped3A = tpu.sem_alloc : memref<!tpu.dma_semaphore, #tpu.memory_space<semaphore_mem>>
      tpu.enqueue_dma source(%arg4 : memref<10000xf32, #tpu.memory_space<hbm>>) target(%arg11 : memref<10000xf32, #tpu.memory_space<vmem>>) target_semaphore(%run_scoped3A : memref<!tpu.dma_semaphore, #tpu.memory_space<semaphore_mem>>)
      tpu.wait_dma2 semaphore(%run_scoped3A : memref<!tpu.dma_semaphore, #tpu.memory_space<semaphore_mem>>) src(%arg4 : memref<10000xf32, #tpu.memory_space<hbm>>) dst(%arg11 : memref<10000xf32, #tpu.memory_space<vmem>>)
      tpu.yield
    }) : () -> ()
    "tpu.region"() ({
      %run_scoped3A = tpu.sem_alloc : memref<!tpu.dma_semaphore, #tpu.memory_space<semaphore_mem>>
      tpu.enqueue_dma source(%arg5 : memref<512xf32, #tpu.memory_space<hbm>>) target(%arg12 : memref<512xf32, #tpu.memory_space<vmem>>) target_semaphore(%run_scoped3A : memref<!tpu.dma_semaphore, #tpu.memory_space<semaphore_mem>>)
      tpu.wait_dma2 semaphore(%run_scoped3A : memref<!tpu.dma_semaphore, #tpu.memory_space<semaphore_mem>>) src(%arg5 : memref<512xf32, #tpu.memory_space<hbm>>) dst(%arg12 : memref<512xf32, #tpu.memory_space<vmem>>)
      tpu.yield
    }) : () -> ()
    "tpu.region"() ({
      %run_scoped3A = tpu.sem_alloc : memref<!tpu.dma_semaphore, #tpu.memory_space<semaphore_mem>>
      tpu.enqueue_dma source(%arg6 : memref<48xf32, #tpu.memory_space<hbm>>) target(%arg13 : memref<48xf32, #tpu.memory_space<vmem>>) target_semaphore(%run_scoped3A : memref<!tpu.dma_semaphore, #tpu.memory_space<semaphore_mem>>)
      tpu.wait_dma2 semaphore(%run_scoped3A : memref<!tpu.dma_semaphore, #tpu.memory_space<semaphore_mem>>) src(%arg6 : memref<48xf32, #tpu.memory_space<hbm>>) dst(%arg13 : memref<48xf32, #tpu.memory_space<vmem>>)
      tpu.yield
    }) : () -> ()
    %mul3A_1 = arith.constant 32 : i32
    %mul3A_2 = arith.muli %arg1, %mul3A_1 : i32
    %mul3A_3 = arith.constant 32 : i32
    %mul3A_4 = arith.muli %arg1, %mul3A_3 : i32
    "tpu.region"() ({
      %run_scoped3A = tpu.sem_alloc : memref<!tpu.dma_semaphore, #tpu.memory_space<semaphore_mem>>
      %dma_start3A = arith.constant 0 : i32
      %dma_start3A_27 = tpu.memref_slice %arg22[%mul3A_4, %dma_start3A] : memref<512x128xf32, #tpu.memory_space<vmem_shared>> -> memref<32x128xf32, #tpu.memory_space<vmem_shared>>
      %dma_start3A_28 = arith.constant 0 : i32
      %dma_start3A_29 = tpu.memref_slice %arg7[%mul3A_2, %dma_start3A_28] : memref<512x128xf32, #tpu.memory_space<hbm>> -> memref<32x128xf32, #tpu.memory_space<hbm>>
      tpu.enqueue_dma source(%dma_start3A_29 : memref<32x128xf32, #tpu.memory_space<hbm>>) target(%dma_start3A_27 : memref<32x128xf32, #tpu.memory_space<vmem_shared>>) target_semaphore(%run_scoped3A : memref<!tpu.dma_semaphore, #tpu.memory_space<semaphore_mem>>)
      %dma_wait3A = arith.constant 0 : i32
      %dma_wait3A_30 = tpu.memref_slice %arg22[%mul3A_4, %dma_wait3A] : memref<512x128xf32, #tpu.memory_space<vmem_shared>> -> memref<32x128xf32, #tpu.memory_space<vmem_shared>>
      %dma_wait3A_31 = arith.constant 0 : i32
      %dma_wait3A_32 = tpu.memref_slice %arg7[%mul3A_2, %dma_wait3A_31] : memref<512x128xf32, #tpu.memory_space<hbm>> -> memref<32x128xf32, #tpu.memory_space<hbm>>
      tpu.wait_dma2 semaphore(%run_scoped3A : memref<!tpu.dma_semaphore, #tpu.memory_space<semaphore_mem>>) src(%dma_wait3A_32 : memref<32x128xf32, #tpu.memory_space<hbm>>) dst(%dma_wait3A_30 : memref<32x128xf32, #tpu.memory_space<vmem_shared>>)
      tpu.yield
    }) : () -> ()
    %mul3A_5 = arith.constant 32 : i32
    %mul3A_6 = arith.muli %arg1, %mul3A_5 : i32
    %mul3A_7 = arith.constant 32 : i32
    %mul3A_8 = arith.muli %arg1, %mul3A_7 : i32
    "tpu.region"() ({
      %run_scoped3A = tpu.sem_alloc : memref<!tpu.dma_semaphore, #tpu.memory_space<semaphore_mem>>
      %dma_start3A = arith.constant 0 : i32
      %dma_start3A_27 = tpu.memref_slice %arg23[%mul3A_8, %dma_start3A] : memref<512x16xf32, #tpu.memory_space<vmem_shared>> -> memref<32x16xf32, #tpu.memory_space<vmem_shared>>
      %dma_start3A_28 = arith.constant 0 : i32
      %dma_start3A_29 = tpu.memref_slice %arg8[%mul3A_6, %dma_start3A_28] : memref<512x16xf32, #tpu.memory_space<hbm>> -> memref<32x16xf32, #tpu.memory_space<hbm>>
      tpu.enqueue_dma source(%dma_start3A_29 : memref<32x16xf32, #tpu.memory_space<hbm>>) target(%dma_start3A_27 : memref<32x16xf32, #tpu.memory_space<vmem_shared>>) target_semaphore(%run_scoped3A : memref<!tpu.dma_semaphore, #tpu.memory_space<semaphore_mem>>)
      %dma_wait3A = arith.constant 0 : i32
      %dma_wait3A_30 = tpu.memref_slice %arg23[%mul3A_8, %dma_wait3A] : memref<512x16xf32, #tpu.memory_space<vmem_shared>> -> memref<32x16xf32, #tpu.memory_space<vmem_shared>>
      %dma_wait3A_31 = arith.constant 0 : i32
      %dma_wait3A_32 = tpu.memref_slice %arg8[%mul3A_6, %dma_wait3A_31] : memref<512x16xf32, #tpu.memory_space<hbm>> -> memref<32x16xf32, #tpu.memory_space<hbm>>
      tpu.wait_dma2 semaphore(%run_scoped3A : memref<!tpu.dma_semaphore, #tpu.memory_space<semaphore_mem>>) src(%dma_wait3A_32 : memref<32x16xf32, #tpu.memory_space<hbm>>) dst(%dma_wait3A_30 : memref<32x16xf32, #tpu.memory_space<vmem_shared>>)
      tpu.yield
    }) : () -> ()
    %barrier3A = arith.constant 0 : index
    tpu.barrier barrier_id(%barrier3A)
    %mul3A_9 = arith.constant 30000 : i32
    %mul3A_10 = arith.muli %add3A, %mul3A_9 : i32
    %scan3A = arith.constant 0 : i32
    %scan3A_11 = arith.constant 0 : i32
    %scan3A_12 = arith.constant 0 : i32
    %scan3A_13 = arith.constant 125 : i32
    %scan3A_14 = arith.addi %scan3A_12, %scan3A_13 : i32
    %scan3A_15 = arith.constant 1 : i32
    %scan3A_16 = scf.for %scan3A_27 = %scan3A_12 to %scan3A_14 step %scan3A_15 iter_args(%scan3A_28 = %scan3A_11) -> (i32)  : i32 {
      %mul3A_29 = arith.constant 240 : i32
      %mul3A_30 = arith.muli %scan3A_27, %mul3A_29 : i32
      %add3A_31 = arith.addi %mul3A_10, %mul3A_30 : i32
      "tpu.region"() ({
        %run_scoped3A = tpu.sem_alloc : memref<!tpu.dma_semaphore, #tpu.memory_space<semaphore_mem>>
        %dma_start3A_57 = tpu.memref_slice %arg2[%add3A_31] : memref<960000xi32, #tpu.memory_space<hbm>> -> memref<240xi32, #tpu.memory_space<hbm>>
        %dma_start3A_58 = tpu.memref_slice %arg2[%add3A_31] : memref<960000xi32, #tpu.memory_space<hbm>> -> memref<240xi32, #tpu.memory_space<hbm>>
        tpu.enqueue_dma source(%dma_start3A_58 : memref<240xi32, #tpu.memory_space<hbm>>) target(%arg14 : memref<240xi32, #tpu.memory_space<vmem>>) target_semaphore(%run_scoped3A : memref<!tpu.dma_semaphore, #tpu.memory_space<semaphore_mem>>)
        %dma_wait3A_59 = tpu.memref_slice %arg2[%add3A_31] : memref<960000xi32, #tpu.memory_space<hbm>> -> memref<240xi32, #tpu.memory_space<hbm>>
        %dma_wait3A_60 = tpu.memref_slice %arg2[%add3A_31] : memref<960000xi32, #tpu.memory_space<hbm>> -> memref<240xi32, #tpu.memory_space<hbm>>
        tpu.wait_dma2 semaphore(%run_scoped3A : memref<!tpu.dma_semaphore, #tpu.memory_space<semaphore_mem>>) src(%dma_wait3A_60 : memref<240xi32, #tpu.memory_space<hbm>>) dst(%arg14 : memref<240xi32, #tpu.memory_space<vmem>>)
        tpu.yield
      }) : () -> ()
      %scan3A_32 = arith.constant 0 : i32
      %scan3A_33 = arith.constant 0 : i32
      %scan3A_34 = arith.constant 5 : i32
      %scan3A_35 = arith.addi %scan3A_33, %scan3A_34 : i32
      %scan3A_36 = arith.constant 1 : i32
      %scan3A_37 = scf.for %scan3A_57 = %scan3A_33 to %scan3A_35 step %scan3A_36 iter_args(%scan3A_58 = %scan3A_32) -> (i32)  : i32 {
        %mul3A_59 = arith.constant 16 : i32
        %mul3A_60 = arith.muli %scan3A_57, %mul3A_59 : i32
        %mul3A_61 = arith.constant 16 : i32
        %mul3A_62 = arith.muli %scan3A_57, %mul3A_61 : i32
        %get3A = arith.index_cast %mul3A_62 : i32 to index
        %get3A_63 = tpu.vector_load %arg14[%get3A] {strides = array<i32>} : memref<240xi32, #tpu.memory_space<vmem>>, vector<16xi32>,
        %mul3A_64 = arith.constant 16 : i32
        %mul3A_65 = arith.muli %scan3A_57, %mul3A_64 : i32
        %add3A_66 = arith.constant 80 : i32
        %add3A_67 = arith.addi %add3A_66, %mul3A_65 : i32
        %get3A_68 = arith.index_cast %add3A_67 : i32 to index
        %get3A_69 = tpu.vector_load %arg14[%get3A_68] {strides = array<i32>} : memref<240xi32, #tpu.memory_space<vmem>>, vector<16xi32>,
        %mul3A_70 = arith.constant 16 : i32
        %mul3A_71 = arith.muli %scan3A_57, %mul3A_70 : i32
        %add3A_72 = arith.constant 160 : i32
        %add3A_73 = arith.addi %add3A_72, %mul3A_71 : i32
        %get3A_74 = arith.index_cast %add3A_73 : i32 to index
        %get3A_75 = tpu.vector_load %arg14[%get3A_74] {strides = array<i32>} : memref<240xi32, #tpu.memory_space<vmem>>, vector<16xi32>,
        %gather3A = tpu.vector_load_idx %arg11[%get3A_63] : memref<10000xf32, #tpu.memory_space<vmem>>[vector<16xi32>], vector<16xf32>,
        %gather3A_76 = tpu.vector_load_idx %arg12[%get3A_69] : memref<512xf32, #tpu.memory_space<vmem>>[vector<16xi32>], vector<16xf32>,
        %gather3A_77 = tpu.vector_load_idx %arg13[%get3A_75] : memref<48xf32, #tpu.memory_space<vmem>>[vector<16xi32>], vector<16xf32>,
        %add3A_78 = arith.addf %gather3A, %gather3A_76 : vector<16xf32>
        %add3A_79 = arith.addf %add3A_78, %gather3A_77 : vector<16xf32>
        %gt3A = arith.constant 0.000000e+00 : f32
        %gt3A_80 = vector.broadcast %gt3A : f32 to vector<16xf32>
        %gt3A_81 = arith.cmpf ogt, %add3A_79, %gt3A_80 : vector<16xf32>
        %mul3A_82 = arith.constant 2.000000e-01 : f32
        %mul3A_83 = vector.broadcast %mul3A_82 : f32 to vector<16xf32>
        %mul3A_84 = arith.mulf %add3A_79, %mul3A_83 : vector<16xf32>
        %select_n3A = arith.select %gt3A_81, %add3A_79, %mul3A_84 : vector<16xi1>, vector<16xf32>
        %exp3A = math.exp %select_n3A : vector<16xf32>
        %sub3A = vector.broadcast %scan3A : i32 to vector<16xi32>
        %sub3A_85 = arith.subi %get3A_69, %sub3A : vector<16xi32>
        %swap3A = arith.index_cast %mul3A_60 : i32 to index
        %swap3A_86 = tpu.vector_load %arg15[%swap3A] {strides = array<i32>} : memref<80xf32, #tpu.memory_space<vmem>>, vector<16xf32>,
        tpu.vector_store %arg15[%swap3A], %exp3A {strides = array<i32>} : memref<80xf32, #tpu.memory_space<vmem>>, vector<16xf32>,
        %swap3A_87 = arith.index_cast %mul3A_60 : i32 to index
        %swap3A_88 = tpu.vector_load %arg16[%swap3A_87] {strides = array<i32>} : memref<80xi32, #tpu.memory_space<vmem>>, vector<16xi32>,
        tpu.vector_store %arg16[%swap3A_87], %get3A_63 {strides = array<i32>} : memref<80xi32, #tpu.memory_space<vmem>>, vector<16xi32>,
        %swap3A_89 = arith.index_cast %mul3A_60 : i32 to index
        %swap3A_90 = tpu.vector_load %arg18[%swap3A_89] {strides = array<i32>} : memref<80xi32, #tpu.memory_space<vmem>>, vector<16xi32>,
        tpu.vector_store %arg18[%swap3A_89], %sub3A_85 {strides = array<i32>} : memref<80xi32, #tpu.memory_space<vmem>>, vector<16xi32>,
        %add3A_91 = arith.constant 10000 : i32
        %add3A_92 = vector.broadcast %add3A_91 : i32 to vector<16xi32>
        %add3A_93 = arith.addi %get3A_75, %add3A_92 : vector<16xi32>
        %swap3A_94 = arith.index_cast %mul3A_60 : i32 to index
        %swap3A_95 = tpu.vector_load %arg17[%swap3A_94] {strides = array<i32>} : memref<80xi32, #tpu.memory_space<vmem>>, vector<16xi32>,
        tpu.vector_store %arg17[%swap3A_94], %add3A_93 {strides = array<i32>} : memref<80xi32, #tpu.memory_space<vmem>>, vector<16xi32>,
        %scan3A_96 = arith.constant 0 : i32
        scf.yield %scan3A_96 : i32
      }
      %scan3A_38 = arith.constant 5 : i32
      %dma_start3A = arith.constant 0 : i32
      %dma_start3A_39 = arith.constant 0 : i32
      %dma_start3A_40 = tpu.memref_slice %arg3[%dma_start3A, %dma_start3A_39] : memref<10048x128xf32, #tpu.memory_space<hbm>> -> memref<10048x128xf32, #tpu.memory_space<hbm>>
      tpu.enqueue_indirect_dma source(%dma_start3A_40 : memref<10048x128xf32, #tpu.memory_space<hbm>>) target(%arg19 : memref<80x128xf32, #tpu.memory_space<vmem>>) offsets(%arg16 : memref<80xi32, #tpu.memory_space<vmem>>) semaphore(%arg24 : memref<!tpu.dma_semaphore, #tpu.memory_space<semaphore_mem>>)
      %dma_start3A_41 = arith.constant 0 : i32
      %dma_start3A_42 = arith.constant 0 : i32
      %dma_start3A_43 = tpu.memref_slice %arg3[%dma_start3A_41, %dma_start3A_42] : memref<10048x128xf32, #tpu.memory_space<hbm>> -> memref<10048x128xf32, #tpu.memory_space<hbm>>
      tpu.enqueue_indirect_dma source(%dma_start3A_43 : memref<10048x128xf32, #tpu.memory_space<hbm>>) target(%arg20 : memref<80x128xf32, #tpu.memory_space<vmem>>) offsets(%arg17 : memref<80xi32, #tpu.memory_space<vmem>>) semaphore(%arg25 : memref<!tpu.dma_semaphore, #tpu.memory_space<semaphore_mem>>)
      %dma_wait3A = arith.constant 0 : i32
      %dma_wait3A_44 = arith.constant 0 : i32
      %dma_wait3A_45 = tpu.memref_slice %arg3[%dma_wait3A, %dma_wait3A_44] : memref<10048x128xf32, #tpu.memory_space<hbm>> -> memref<10048x128xf32, #tpu.memory_space<hbm>>
      tpu.wait_indirect_dma semaphore(%arg24 : memref<!tpu.dma_semaphore, #tpu.memory_space<semaphore_mem>>) src(%dma_wait3A_45 : memref<10048x128xf32, #tpu.memory_space<hbm>>) dst(%arg19 : memref<80x128xf32, #tpu.memory_space<vmem>>)
      %dma_wait3A_46 = arith.constant 0 : i32
      %dma_wait3A_47 = arith.constant 0 : i32
      %dma_wait3A_48 = tpu.memref_slice %arg3[%dma_wait3A_46, %dma_wait3A_47] : memref<10048x128xf32, #tpu.memory_space<hbm>> -> memref<10048x128xf32, #tpu.memory_space<hbm>>
      tpu.wait_indirect_dma semaphore(%arg25 : memref<!tpu.dma_semaphore, #tpu.memory_space<semaphore_mem>>) src(%dma_wait3A_48 : memref<10048x128xf32, #tpu.memory_space<hbm>>) dst(%arg20 : memref<80x128xf32, #tpu.memory_space<vmem>>)
      %scan3A_49 = arith.constant 0 : i32
      %scan3A_50 = arith.constant 0 : i32
      %scan3A_51 = arith.constant 20 : i32
      %scan3A_52 = arith.addi %scan3A_50, %scan3A_51 : i32
      %scan3A_53 = arith.constant 1 : i32
      %scan3A_54 = scf.for %scan3A_57 = %scan3A_50 to %scan3A_52 step %scan3A_53 iter_args(%scan3A_58 = %scan3A_49) -> (i32)  : i32 {
        %mul3A_59 = arith.constant 4 : i32
        %mul3A_60 = arith.muli %scan3A_57, %mul3A_59 : i32
        %add3A_61 = arith.constant 0 : i32
        %add3A_62 = arith.addi %mul3A_60, %add3A_61 : i32
        %broadcast_in_dim3A = vector.broadcast %add3A_62 : i32 to vector<16xi32>
        %gather3A = tpu.vector_load_idx %arg15[%broadcast_in_dim3A] : memref<80xf32, #tpu.memory_space<vmem>>[vector<16xi32>], vector<16xf32>,
        %swap3A = arith.index_cast %add3A_62 : i32 to index
        %swap3A_63 = arith.constant 0 : index
        %swap3A_64 = tpu.vector_load %arg21[%swap3A, %swap3A_63] {strides = array<i32>} : memref<80x16xf32, #tpu.memory_space<vmem>>, vector<16xf32>,
        tpu.vector_store %arg21[%swap3A, %swap3A_63], %gather3A {strides = array<i32>} : memref<80x16xf32, #tpu.memory_space<vmem>>, vector<16xf32>,
        %get3A = arith.index_cast %add3A_62 : i32 to index
        %get3A_65 = arith.constant 0 : index
        %get3A_66 = tpu.vector_load %arg19[%get3A, %get3A_65] {strides = array<i32>} : memref<80x128xf32, #tpu.memory_space<vmem>>, vector<16xf32>,
        %get3A_67 = arith.index_cast %add3A_62 : i32 to index
        %get3A_68 = arith.constant 0 : index
        %get3A_69 = tpu.vector_load %arg20[%get3A_67, %get3A_68] {strides = array<i32>} : memref<80x128xf32, #tpu.memory_space<vmem>>, vector<16xf32>,
        %add3A_70 = arith.addf %get3A_66, %get3A_69 : vector<16xf32>
        %mul3A_71 = arith.mulf %gather3A, %add3A_70 : vector<16xf32>
        %swap3A_72 = arith.index_cast %add3A_62 : i32 to index
        %swap3A_73 = arith.constant 0 : index
        %swap3A_74 = tpu.vector_load %arg19[%swap3A_72, %swap3A_73] {strides = array<i32>} : memref<80x128xf32, #tpu.memory_space<vmem>>, vector<16xf32>,
        tpu.vector_store %arg19[%swap3A_72, %swap3A_73], %mul3A_71 {strides = array<i32>} : memref<80x128xf32, #tpu.memory_space<vmem>>, vector<16xf32>,
        %get3A_75 = arith.index_cast %add3A_62 : i32 to index
        %get3A_76 = arith.constant 16 : index
        %get3A_77 = tpu.vector_load %arg19[%get3A_75, %get3A_76] {strides = array<i32>} : memref<80x128xf32, #tpu.memory_space<vmem>>, vector<16xf32>,
        %get3A_78 = arith.index_cast %add3A_62 : i32 to index
        %get3A_79 = arith.constant 16 : index
        %get3A_80 = tpu.vector_load %arg20[%get3A_78, %get3A_79] {strides = array<i32>} : memref<80x128xf32, #tpu.memory_space<vmem>>, vector<16xf32>,
        %add3A_81 = arith.addf %get3A_77, %get3A_80 : vector<16xf32>
        %mul3A_82 = arith.mulf %gather3A, %add3A_81 : vector<16xf32>
        %swap3A_83 = arith.index_cast %add3A_62 : i32 to index
        %swap3A_84 = arith.constant 16 : index
        %swap3A_85 = tpu.vector_load %arg19[%swap3A_83, %swap3A_84] {strides = array<i32>} : memref<80x128xf32, #tpu.memory_space<vmem>>, vector<16xf32>,
        tpu.vector_store %arg19[%swap3A_83, %swap3A_84], %mul3A_82 {strides = array<i32>} : memref<80x128xf32, #tpu.memory_space<vmem>>, vector<16xf32>,
        %get3A_86 = arith.index_cast %add3A_62 : i32 to index
        %get3A_87 = arith.constant 32 : index
        %get3A_88 = tpu.vector_load %arg19[%get3A_86, %get3A_87] {strides = array<i32>} : memref<80x128xf32, #tpu.memory_space<vmem>>, vector<16xf32>,
        %get3A_89 = arith.index_cast %add3A_62 : i32 to index
        %get3A_90 = arith.constant 32 : index
        %get3A_91 = tpu.vector_load %arg20[%get3A_89, %get3A_90] {strides = array<i32>} : memref<80x128xf32, #tpu.memory_space<vmem>>, vector<16xf32>,
        %add3A_92 = arith.addf %get3A_88, %get3A_91 : vector<16xf32>
        %mul3A_93 = arith.mulf %gather3A, %add3A_92 : vector<16xf32>
        %swap3A_94 = arith.index_cast %add3A_62 : i32 to index
        %swap3A_95 = arith.constant 32 : index
        %swap3A_96 = tpu.vector_load %arg19[%swap3A_94, %swap3A_95] {strides = array<i32>} : memref<80x128xf32, #tpu.memory_space<vmem>>, vector<16xf32>,
        tpu.vector_store %arg19[%swap3A_94, %swap3A_95], %mul3A_93 {strides = array<i32>} : memref<80x128xf32, #tpu.memory_space<vmem>>, vector<16xf32>,
        %get3A_97 = arith.index_cast %add3A_62 : i32 to index
        %get3A_98 = arith.constant 48 : index
        %get3A_99 = tpu.vector_load %arg19[%get3A_97, %get3A_98] {strides = array<i32>} : memref<80x128xf32, #tpu.memory_space<vmem>>, vector<16xf32>,
        %get3A_100 = arith.index_cast %add3A_62 : i32 to index
        %get3A_101 = arith.constant 48 : index
        %get3A_102 = tpu.vector_load %arg20[%get3A_100, %get3A_101] {strides = array<i32>} : memref<80x128xf32, #tpu.memory_space<vmem>>, vector<16xf32>,
        %add3A_103 = arith.addf %get3A_99, %get3A_102 : vector<16xf32>
        %mul3A_104 = arith.mulf %gather3A, %add3A_103 : vector<16xf32>
        %swap3A_105 = arith.index_cast %add3A_62 : i32 to index
        %swap3A_106 = arith.constant 48 : index
        %swap3A_107 = tpu.vector_load %arg19[%swap3A_105, %swap3A_106] {strides = array<i32>} : memref<80x128xf32, #tpu.memory_space<vmem>>, vector<16xf32>,
        tpu.vector_store %arg19[%swap3A_105, %swap3A_106], %mul3A_104 {strides = array<i32>} : memref<80x128xf32, #tpu.memory_space<vmem>>, vector<16xf32>,
        %mul3A_108 = arith.constant 4 : i32
        %mul3A_109 = arith.muli %scan3A_57, %mul3A_108 : i32
        %add3A_110 = arith.constant 1 : i32
        %add3A_111 = arith.addi %mul3A_109, %add3A_110 : i32
        %broadcast_in_dim3A_112 = vector.broadcast %add3A_111 : i32 to vector<16xi32>
        %gather3A_113 = tpu.vector_load_idx %arg15[%broadcast_in_dim3A_112] : memref<80xf32, #tpu.memory_space<vmem>>[vector<16xi32>], vector<16xf32>,
        %swap3A_114 = arith.index_cast %add3A_111 : i32 to index
        %swap3A_115 = arith.constant 0 : index
        %swap3A_116 = tpu.vector_load %arg21[%swap3A_114, %swap3A_115] {strides = array<i32>} : memref<80x16xf32, #tpu.memory_space<vmem>>, vector<16xf32>,
        tpu.vector_store %arg21[%swap3A_114, %swap3A_115], %gather3A_113 {strides = array<i32>} : memref<80x16xf32, #tpu.memory_space<vmem>>, vector<16xf32>,
        %get3A_117 = arith.index_cast %add3A_111 : i32 to index
        %get3A_118 = arith.constant 0 : index
        %get3A_119 = tpu.vector_load %arg19[%get3A_117, %get3A_118] {strides = array<i32>} : memref<80x128xf32, #tpu.memory_space<vmem>>, vector<16xf32>,
        %get3A_120 = arith.index_cast %add3A_111 : i32 to index
        %get3A_121 = arith.constant 0 : index
        %get3A_122 = tpu.vector_load %arg20[%get3A_120, %get3A_121] {strides = array<i32>} : memref<80x128xf32, #tpu.memory_space<vmem>>, vector<16xf32>,
        %add3A_123 = arith.addf %get3A_119, %get3A_122 : vector<16xf32>
        %mul3A_124 = arith.mulf %gather3A_113, %add3A_123 : vector<16xf32>
        %swap3A_125 = arith.index_cast %add3A_111 : i32 to index
        %swap3A_126 = arith.constant 0 : index
        %swap3A_127 = tpu.vector_load %arg19[%swap3A_125, %swap3A_126] {strides = array<i32>} : memref<80x128xf32, #tpu.memory_space<vmem>>, vector<16xf32>,
        tpu.vector_store %arg19[%swap3A_125, %swap3A_126], %mul3A_124 {strides = array<i32>} : memref<80x128xf32, #tpu.memory_space<vmem>>, vector<16xf32>,
        %get3A_128 = arith.index_cast %add3A_111 : i32 to index
        %get3A_129 = arith.constant 16 : index
        %get3A_130 = tpu.vector_load %arg19[%get3A_128, %get3A_129] {strides = array<i32>} : memref<80x128xf32, #tpu.memory_space<vmem>>, vector<16xf32>,
        %get3A_131 = arith.index_cast %add3A_111 : i32 to index
        %get3A_132 = arith.constant 16 : index
        %get3A_133 = tpu.vector_load %arg20[%get3A_131, %get3A_132] {strides = array<i32>} : memref<80x128xf32, #tpu.memory_space<vmem>>, vector<16xf32>,
        %add3A_134 = arith.addf %get3A_130, %get3A_133 : vector<16xf32>
        %mul3A_135 = arith.mulf %gather3A_113, %add3A_134 : vector<16xf32>
        %swap3A_136 = arith.index_cast %add3A_111 : i32 to index
        %swap3A_137 = arith.constant 16 : index
        %swap3A_138 = tpu.vector_load %arg19[%swap3A_136, %swap3A_137] {strides = array<i32>} : memref<80x128xf32, #tpu.memory_space<vmem>>, vector<16xf32>,
        tpu.vector_store %arg19[%swap3A_136, %swap3A_137], %mul3A_135 {strides = array<i32>} : memref<80x128xf32, #tpu.memory_space<vmem>>, vector<16xf32>,
        %get3A_139 = arith.index_cast %add3A_111 : i32 to index
        %get3A_140 = arith.constant 32 : index
        %get3A_141 = tpu.vector_load %arg19[%get3A_139, %get3A_140] {strides = array<i32>} : memref<80x128xf32, #tpu.memory_space<vmem>>, vector<16xf32>,
        %get3A_142 = arith.index_cast %add3A_111 : i32 to index
        %get3A_143 = arith.constant 32 : index
        %get3A_144 = tpu.vector_load %arg20[%get3A_142, %get3A_143] {strides = array<i32>} : memref<80x128xf32, #tpu.memory_space<vmem>>, vector<16xf32>,
        %add3A_145 = arith.addf %get3A_141, %get3A_144 : vector<16xf32>
        %mul3A_146 = arith.mulf %gather3A_113, %add3A_145 : vector<16xf32>
        %swap3A_147 = arith.index_cast %add3A_111 : i32 to index
        %swap3A_148 = arith.constant 32 : index
        %swap3A_149 = tpu.vector_load %arg19[%swap3A_147, %swap3A_148] {strides = array<i32>} : memref<80x128xf32, #tpu.memory_space<vmem>>, vector<16xf32>,
        tpu.vector_store %arg19[%swap3A_147, %swap3A_148], %mul3A_146 {strides = array<i32>} : memref<80x128xf32, #tpu.memory_space<vmem>>, vector<16xf32>,
        %get3A_150 = arith.index_cast %add3A_111 : i32 to index
        %get3A_151 = arith.constant 48 : index
        %get3A_152 = tpu.vector_load %arg19[%get3A_150, %get3A_151] {strides = array<i32>} : memref<80x128xf32, #tpu.memory_space<vmem>>, vector<16xf32>,
        %get3A_153 = arith.index_cast %add3A_111 : i32 to index
        %get3A_154 = arith.constant 48 : index
        %get3A_155 = tpu.vector_load %arg20[%get3A_153, %get3A_154] {strides = array<i32>} : memref<80x128xf32, #tpu.memory_space<vmem>>, vector<16xf32>,
        %add3A_156 = arith.addf %get3A_152, %get3A_155 : vector<16xf32>
        %mul3A_157 = arith.mulf %gather3A_113, %add3A_156 : vector<16xf32>
        %swap3A_158 = arith.index_cast %add3A_111 : i32 to index
        %swap3A_159 = arith.constant 48 : index
        %swap3A_160 = tpu.vector_load %arg19[%swap3A_158, %swap3A_159] {strides = array<i32>} : memref<80x128xf32, #tpu.memory_space<vmem>>, vector<16xf32>,
        tpu.vector_store %arg19[%swap3A_158, %swap3A_159], %mul3A_157 {strides = array<i32>} : memref<80x128xf32, #tpu.memory_space<vmem>>, vector<16xf32>,
        %mul3A_161 = arith.constant 4 : i32
        %mul3A_162 = arith.muli %scan3A_57, %mul3A_161 : i32
        %add3A_163 = arith.constant 2 : i32
        %add3A_164 = arith.addi %mul3A_162, %add3A_163 : i32
        %broadcast_in_dim3A_165 = vector.broadcast %add3A_164 : i32 to vector<16xi32>
        %gather3A_166 = tpu.vector_load_idx %arg15[%broadcast_in_dim3A_165] : memref<80xf32, #tpu.memory_space<vmem>>[vector<16xi32>], vector<16xf32>,
        %swap3A_167 = arith.index_cast %add3A_164 : i32 to index
        %swap3A_168 = arith.constant 0 : index
        %swap3A_169 = tpu.vector_load %arg21[%swap3A_167, %swap3A_168] {strides = array<i32>} : memref<80x16xf32, #tpu.memory_space<vmem>>, vector<16xf32>,
        tpu.vector_store %arg21[%swap3A_167, %swap3A_168], %gather3A_166 {strides = array<i32>} : memref<80x16xf32, #tpu.memory_space<vmem>>, vector<16xf32>,
        %get3A_170 = arith.index_cast %add3A_164 : i32 to index
        %get3A_171 = arith.constant 0 : index
        %get3A_172 = tpu.vector_load %arg19[%get3A_170, %get3A_171] {strides = array<i32>} : memref<80x128xf32, #tpu.memory_space<vmem>>, vector<16xf32>,
        %get3A_173 = arith.index_cast %add3A_164 : i32 to index
        %get3A_174 = arith.constant 0 : index
        %get3A_175 = tpu.vector_load %arg20[%get3A_173, %get3A_174] {strides = array<i32>} : memref<80x128xf32, #tpu.memory_space<vmem>>, vector<16xf32>,
        %add3A_176 = arith.addf %get3A_172, %get3A_175 : vector<16xf32>
        %mul3A_177 = arith.mulf %gather3A_166, %add3A_176 : vector<16xf32>
        %swap3A_178 = arith.index_cast %add3A_164 : i32 to index
        %swap3A_179 = arith.constant 0 : index
        %swap3A_180 = tpu.vector_load %arg19[%swap3A_178, %swap3A_179] {strides = array<i32>} : memref<80x128xf32, #tpu.memory_space<vmem>>, vector<16xf32>,
        tpu.vector_store %arg19[%swap3A_178, %swap3A_179], %mul3A_177 {strides = array<i32>} : memref<80x128xf32, #tpu.memory_space<vmem>>, vector<16xf32>,
        %get3A_181 = arith.index_cast %add3A_164 : i32 to index
        %get3A_182 = arith.constant 16 : index
        %get3A_183 = tpu.vector_load %arg19[%get3A_181, %get3A_182] {strides = array<i32>} : memref<80x128xf32, #tpu.memory_space<vmem>>, vector<16xf32>,
        %get3A_184 = arith.index_cast %add3A_164 : i32 to index
        %get3A_185 = arith.constant 16 : index
        %get3A_186 = tpu.vector_load %arg20[%get3A_184, %get3A_185] {strides = array<i32>} : memref<80x128xf32, #tpu.memory_space<vmem>>, vector<16xf32>,
        %add3A_187 = arith.addf %get3A_183, %get3A_186 : vector<16xf32>
        %mul3A_188 = arith.mulf %gather3A_166, %add3A_187 : vector<16xf32>
        %swap3A_189 = arith.index_cast %add3A_164 : i32 to index
        %swap3A_190 = arith.constant 16 : index
        %swap3A_191 = tpu.vector_load %arg19[%swap3A_189, %swap3A_190] {strides = array<i32>} : memref<80x128xf32, #tpu.memory_space<vmem>>, vector<16xf32>,
        tpu.vector_store %arg19[%swap3A_189, %swap3A_190], %mul3A_188 {strides = array<i32>} : memref<80x128xf32, #tpu.memory_space<vmem>>, vector<16xf32>,
        %get3A_192 = arith.index_cast %add3A_164 : i32 to index
        %get3A_193 = arith.constant 32 : index
        %get3A_194 = tpu.vector_load %arg19[%get3A_192, %get3A_193] {strides = array<i32>} : memref<80x128xf32, #tpu.memory_space<vmem>>, vector<16xf32>,
        %get3A_195 = arith.index_cast %add3A_164 : i32 to index
        %get3A_196 = arith.constant 32 : index
        %get3A_197 = tpu.vector_load %arg20[%get3A_195, %get3A_196] {strides = array<i32>} : memref<80x128xf32, #tpu.memory_space<vmem>>, vector<16xf32>,
        %add3A_198 = arith.addf %get3A_194, %get3A_197 : vector<16xf32>
        %mul3A_199 = arith.mulf %gather3A_166, %add3A_198 : vector<16xf32>
        %swap3A_200 = arith.index_cast %add3A_164 : i32 to index
        %swap3A_201 = arith.constant 32 : index
        %swap3A_202 = tpu.vector_load %arg19[%swap3A_200, %swap3A_201] {strides = array<i32>} : memref<80x128xf32, #tpu.memory_space<vmem>>, vector<16xf32>,
        tpu.vector_store %arg19[%swap3A_200, %swap3A_201], %mul3A_199 {strides = array<i32>} : memref<80x128xf32, #tpu.memory_space<vmem>>, vector<16xf32>,
        %get3A_203 = arith.index_cast %add3A_164 : i32 to index
        %get3A_204 = arith.constant 48 : index
        %get3A_205 = tpu.vector_load %arg19[%get3A_203, %get3A_204] {strides = array<i32>} : memref<80x128xf32, #tpu.memory_space<vmem>>, vector<16xf32>,
        %get3A_206 = arith.index_cast %add3A_164 : i32 to index
        %get3A_207 = arith.constant 48 : index
        %get3A_208 = tpu.vector_load %arg20[%get3A_206, %get3A_207] {strides = array<i32>} : memref<80x128xf32, #tpu.memory_space<vmem>>, vector<16xf32>,
        %add3A_209 = arith.addf %get3A_205, %get3A_208 : vector<16xf32>
        %mul3A_210 = arith.mulf %gather3A_166, %add3A_209 : vector<16xf32>
        %swap3A_211 = arith.index_cast %add3A_164 : i32 to index
        %swap3A_212 = arith.constant 48 : index
        %swap3A_213 = tpu.vector_load %arg19[%swap3A_211, %swap3A_212] {strides = array<i32>} : memref<80x128xf32, #tpu.memory_space<vmem>>, vector<16xf32>,
        tpu.vector_store %arg19[%swap3A_211, %swap3A_212], %mul3A_210 {strides = array<i32>} : memref<80x128xf32, #tpu.memory_space<vmem>>, vector<16xf32>,
        %mul3A_214 = arith.constant 4 : i32
        %mul3A_215 = arith.muli %scan3A_57, %mul3A_214 : i32
        %add3A_216 = arith.constant 3 : i32
        %add3A_217 = arith.addi %mul3A_215, %add3A_216 : i32
        %broadcast_in_dim3A_218 = vector.broadcast %add3A_217 : i32 to vector<16xi32>
        %gather3A_219 = tpu.vector_load_idx %arg15[%broadcast_in_dim3A_218] : memref<80xf32, #tpu.memory_space<vmem>>[vector<16xi32>], vector<16xf32>,
        %swap3A_220 = arith.index_cast %add3A_217 : i32 to index
        %swap3A_221 = arith.constant 0 : index
        %swap3A_222 = tpu.vector_load %arg21[%swap3A_220, %swap3A_221] {strides = array<i32>} : memref<80x16xf32, #tpu.memory_space<vmem>>, vector<16xf32>,
        tpu.vector_store %arg21[%swap3A_220, %swap3A_221], %gather3A_219 {strides = array<i32>} : memref<80x16xf32, #tpu.memory_space<vmem>>, vector<16xf32>,
        %get3A_223 = arith.index_cast %add3A_217 : i32 to index
        %get3A_224 = arith.constant 0 : index
        %get3A_225 = tpu.vector_load %arg19[%get3A_223, %get3A_224] {strides = array<i32>} : memref<80x128xf32, #tpu.memory_space<vmem>>, vector<16xf32>,
        %get3A_226 = arith.index_cast %add3A_217 : i32 to index
        %get3A_227 = arith.constant 0 : index
        %get3A_228 = tpu.vector_load %arg20[%get3A_226, %get3A_227] {strides = array<i32>} : memref<80x128xf32, #tpu.memory_space<vmem>>, vector<16xf32>,
        %add3A_229 = arith.addf %get3A_225, %get3A_228 : vector<16xf32>
        %mul3A_230 = arith.mulf %gather3A_219, %add3A_229 : vector<16xf32>
        %swap3A_231 = arith.index_cast %add3A_217 : i32 to index
        %swap3A_232 = arith.constant 0 : index
        %swap3A_233 = tpu.vector_load %arg19[%swap3A_231, %swap3A_232] {strides = array<i32>} : memref<80x128xf32, #tpu.memory_space<vmem>>, vector<16xf32>,
        tpu.vector_store %arg19[%swap3A_231, %swap3A_232], %mul3A_230 {strides = array<i32>} : memref<80x128xf32, #tpu.memory_space<vmem>>, vector<16xf32>,
        %get3A_234 = arith.index_cast %add3A_217 : i32 to index
        %get3A_235 = arith.constant 16 : index
        %get3A_236 = tpu.vector_load %arg19[%get3A_234, %get3A_235] {strides = array<i32>} : memref<80x128xf32, #tpu.memory_space<vmem>>, vector<16xf32>,
        %get3A_237 = arith.index_cast %add3A_217 : i32 to index
        %get3A_238 = arith.constant 16 : index
        %get3A_239 = tpu.vector_load %arg20[%get3A_237, %get3A_238] {strides = array<i32>} : memref<80x128xf32, #tpu.memory_space<vmem>>, vector<16xf32>,
        %add3A_240 = arith.addf %get3A_236, %get3A_239 : vector<16xf32>
        %mul3A_241 = arith.mulf %gather3A_219, %add3A_240 : vector<16xf32>
        %swap3A_242 = arith.index_cast %add3A_217 : i32 to index
        %swap3A_243 = arith.constant 16 : index
        %swap3A_244 = tpu.vector_load %arg19[%swap3A_242, %swap3A_243] {strides = array<i32>} : memref<80x128xf32, #tpu.memory_space<vmem>>, vector<16xf32>,
        tpu.vector_store %arg19[%swap3A_242, %swap3A_243], %mul3A_241 {strides = array<i32>} : memref<80x128xf32, #tpu.memory_space<vmem>>, vector<16xf32>,
        %get3A_245 = arith.index_cast %add3A_217 : i32 to index
        %get3A_246 = arith.constant 32 : index
        %get3A_247 = tpu.vector_load %arg19[%get3A_245, %get3A_246] {strides = array<i32>} : memref<80x128xf32, #tpu.memory_space<vmem>>, vector<16xf32>,
        %get3A_248 = arith.index_cast %add3A_217 : i32 to index
        %get3A_249 = arith.constant 32 : index
        %get3A_250 = tpu.vector_load %arg20[%get3A_248, %get3A_249] {strides = array<i32>} : memref<80x128xf32, #tpu.memory_space<vmem>>, vector<16xf32>,
        %add3A_251 = arith.addf %get3A_247, %get3A_250 : vector<16xf32>
        %mul3A_252 = arith.mulf %gather3A_219, %add3A_251 : vector<16xf32>
        %swap3A_253 = arith.index_cast %add3A_217 : i32 to index
        %swap3A_254 = arith.constant 32 : index
        %swap3A_255 = tpu.vector_load %arg19[%swap3A_253, %swap3A_254] {strides = array<i32>} : memref<80x128xf32, #tpu.memory_space<vmem>>, vector<16xf32>,
        tpu.vector_store %arg19[%swap3A_253, %swap3A_254], %mul3A_252 {strides = array<i32>} : memref<80x128xf32, #tpu.memory_space<vmem>>, vector<16xf32>,
        %get3A_256 = arith.index_cast %add3A_217 : i32 to index
        %get3A_257 = arith.constant 48 : index
        %get3A_258 = tpu.vector_load %arg19[%get3A_256, %get3A_257] {strides = array<i32>} : memref<80x128xf32, #tpu.memory_space<vmem>>, vector<16xf32>,
        %get3A_259 = arith.index_cast %add3A_217 : i32 to index
        %get3A_260 = arith.constant 48 : index
        %get3A_261 = tpu.vector_load %arg20[%get3A_259, %get3A_260] {strides = array<i32>} : memref<80x128xf32, #tpu.memory_space<vmem>>, vector<16xf32>,
        %add3A_262 = arith.addf %get3A_258, %get3A_261 : vector<16xf32>
        %mul3A_263 = arith.mulf %gather3A_219, %add3A_262 : vector<16xf32>
        %swap3A_264 = arith.index_cast %add3A_217 : i32 to index
        %swap3A_265 = arith.constant 48 : index
        %swap3A_266 = tpu.vector_load %arg19[%swap3A_264, %swap3A_265] {strides = array<i32>} : memref<80x128xf32, #tpu.memory_space<vmem>>, vector<16xf32>,
        tpu.vector_store %arg19[%swap3A_264, %swap3A_265], %mul3A_263 {strides = array<i32>} : memref<80x128xf32, #tpu.memory_space<vmem>>, vector<16xf32>,
        %scan3A_267 = arith.constant 0 : i32
        scf.yield %scan3A_267 : i32
      }
      %scan3A_55 = arith.constant 20 : i32
      "tpu.region"() ({
        %run_scoped3A = tpu.sem_alloc : memref<!tpu.dma_semaphore, #tpu.memory_space<semaphore_mem>>
        %dma_start3A_57 = arith.constant 0 : i32
        %dma_start3A_58 = arith.constant 0 : i32
        %dma_start3A_59 = tpu.memref_slice %arg22[%dma_start3A_57, %dma_start3A_58] : memref<512x128xf32, #tpu.memory_space<vmem_shared>> -> memref<512x128xf32, #tpu.memory_space<vmem_shared>>
        tpu.enqueue_indirect_dma source(%arg19 : memref<80x128xf32, #tpu.memory_space<vmem>>) target(%dma_start3A_59 : memref<512x128xf32, #tpu.memory_space<vmem_shared>>) offsets(%arg18 : memref<80xi32, #tpu.memory_space<vmem>>) semaphore(%run_scoped3A : memref<!tpu.dma_semaphore, #tpu.memory_space<semaphore_mem>>) {add = true}
        %dma_wait3A_60 = arith.constant 0 : i32
        %dma_wait3A_61 = arith.constant 0 : i32
        %dma_wait3A_62 = tpu.memref_slice %arg22[%dma_wait3A_60, %dma_wait3A_61] : memref<512x128xf32, #tpu.memory_space<vmem_shared>> -> memref<512x128xf32, #tpu.memory_space<vmem_shared>>
        tpu.wait_indirect_dma semaphore(%run_scoped3A : memref<!tpu.dma_semaphore, #tpu.memory_space<semaphore_mem>>) src(%arg19 : memref<80x128xf32, #tpu.memory_space<vmem>>) dst(%dma_wait3A_62 : memref<512x128xf32, #tpu.memory_space<vmem_shared>>)
        tpu.yield
      }) : () -> ()
      "tpu.region"() ({
        %run_scoped3A = tpu.sem_alloc : memref<!tpu.dma_semaphore, #tpu.memory_space<semaphore_mem>>
        %dma_start3A_57 = arith.constant 0 : i32
        %dma_start3A_58 = arith.constant 0 : i32
        %dma_start3A_59 = tpu.memref_slice %arg23[%dma_start3A_57, %dma_start3A_58] : memref<512x16xf32, #tpu.memory_space<vmem_shared>> -> memref<512x16xf32, #tpu.memory_space<vmem_shared>>
        tpu.enqueue_indirect_dma source(%arg21 : memref<80x16xf32, #tpu.memory_space<vmem>>) target(%dma_start3A_59 : memref<512x16xf32, #tpu.memory_space<vmem_shared>>) offsets(%arg18 : memref<80xi32, #tpu.memory_space<vmem>>) semaphore(%run_scoped3A : memref<!tpu.dma_semaphore, #tpu.memory_space<semaphore_mem>>) {add = true}
        %dma_wait3A_60 = arith.constant 0 : i32
        %dma_wait3A_61 = arith.constant 0 : i32
        %dma_wait3A_62 = tpu.memref_slice %arg23[%dma_wait3A_60, %dma_wait3A_61] : memref<512x16xf32, #tpu.memory_space<vmem_shared>> -> memref<512x16xf32, #tpu.memory_space<vmem_shared>>
        tpu.wait_indirect_dma semaphore(%run_scoped3A : memref<!tpu.dma_semaphore, #tpu.memory_space<semaphore_mem>>) src(%arg21 : memref<80x16xf32, #tpu.memory_space<vmem>>) dst(%dma_wait3A_62 : memref<512x16xf32, #tpu.memory_space<vmem_shared>>)
        tpu.yield
      }) : () -> ()
      %scan3A_56 = arith.constant 0 : i32
      scf.yield %scan3A_56 : i32
    }
    %scan3A_17 = arith.constant 125 : i32
    %barrier3A_18 = arith.constant 0 : index
    tpu.barrier barrier_id(%barrier3A_18)
    %mul3A_19 = arith.constant 32 : i32
    %mul3A_20 = arith.muli %arg1, %mul3A_19 : i32
    %mul3A_21 = arith.constant 32 : i32
    %mul3A_22 = arith.muli %arg1, %mul3A_21 : i32
    "tpu.region"() ({
      %run_scoped3A = tpu.sem_alloc : memref<!tpu.dma_semaphore, #tpu.memory_space<semaphore_mem>>
      %dma_start3A = arith.constant 0 : i32
      %dma_start3A_27 = tpu.memref_slice %arg9[%arg0, %mul3A_22, %dma_start3A] : memref<2x512x128xf32, #tpu.memory_space<hbm>> -> memref<1x32x128xf32, #tpu.memory_space<hbm>>
      %dma_start3A_28 = tpu.memref_squeeze %dma_start3A_27 : memref<1x32x128xf32, #tpu.memory_space<hbm>> -> memref<32x128xf32, #tpu.memory_space<hbm>>
      %dma_start3A_29 = arith.constant 0 : i32
      %dma_start3A_30 = tpu.memref_slice %arg22[%mul3A_20, %dma_start3A_29] : memref<512x128xf32, #tpu.memory_space<vmem_shared>> -> memref<32x128xf32, #tpu.memory_space<vmem_shared>>
      tpu.enqueue_dma source(%dma_start3A_30 : memref<32x128xf32, #tpu.memory_space<vmem_shared>>) target(%dma_start3A_28 : memref<32x128xf32, #tpu.memory_space<hbm>>) target_semaphore(%run_scoped3A : memref<!tpu.dma_semaphore, #tpu.memory_space<semaphore_mem>>)
      %dma_wait3A = arith.constant 0 : i32
      %dma_wait3A_31 = tpu.memref_slice %arg9[%arg0, %mul3A_22, %dma_wait3A] : memref<2x512x128xf32, #tpu.memory_space<hbm>> -> memref<1x32x128xf32, #tpu.memory_space<hbm>>
      %dma_wait3A_32 = tpu.memref_squeeze %dma_wait3A_31 : memref<1x32x128xf32, #tpu.memory_space<hbm>> -> memref<32x128xf32, #tpu.memory_space<hbm>>
      %dma_wait3A_33 = arith.constant 0 : i32
      %dma_wait3A_34 = tpu.memref_slice %arg22[%mul3A_20, %dma_wait3A_33] : memref<512x128xf32, #tpu.memory_space<vmem_shared>> -> memref<32x128xf32, #tpu.memory_space<vmem_shared>>
      tpu.wait_dma2 semaphore(%run_scoped3A : memref<!tpu.dma_semaphore, #tpu.memory_space<semaphore_mem>>) src(%dma_wait3A_34 : memref<32x128xf32, #tpu.memory_space<vmem_shared>>) dst(%dma_wait3A_32 : memref<32x128xf32, #tpu.memory_space<hbm>>)
      tpu.yield
    }) : () -> ()
    %mul3A_23 = arith.constant 32 : i32
    %mul3A_24 = arith.muli %arg1, %mul3A_23 : i32
    %mul3A_25 = arith.constant 32 : i32
    %mul3A_26 = arith.muli %arg1, %mul3A_25 : i32
    "tpu.region"() ({
      %run_scoped3A = tpu.sem_alloc : memref<!tpu.dma_semaphore, #tpu.memory_space<semaphore_mem>>
      %dma_start3A = arith.constant 0 : i32
      %dma_start3A_27 = tpu.memref_slice %arg10[%arg0, %mul3A_26, %dma_start3A] : memref<2x512x16xf32, #tpu.memory_space<hbm>> -> memref<1x32x16xf32, #tpu.memory_space<hbm>>
      %dma_start3A_28 = tpu.memref_squeeze %dma_start3A_27 : memref<1x32x16xf32, #tpu.memory_space<hbm>> -> memref<32x16xf32, #tpu.memory_space<hbm>>
      %dma_start3A_29 = arith.constant 0 : i32
      %dma_start3A_30 = tpu.memref_slice %arg23[%mul3A_24, %dma_start3A_29] : memref<512x16xf32, #tpu.memory_space<vmem_shared>> -> memref<32x16xf32, #tpu.memory_space<vmem_shared>>
      tpu.enqueue_dma source(%dma_start3A_30 : memref<32x16xf32, #tpu.memory_space<vmem_shared>>) target(%dma_start3A_28 : memref<32x16xf32, #tpu.memory_space<hbm>>) target_semaphore(%run_scoped3A : memref<!tpu.dma_semaphore, #tpu.memory_space<semaphore_mem>>)
      %dma_wait3A = arith.constant 0 : i32
      %dma_wait3A_31 = tpu.memref_slice %arg10[%arg0, %mul3A_26, %dma_wait3A] : memref<2x512x16xf32, #tpu.memory_space<hbm>> -> memref<1x32x16xf32, #tpu.memory_space<hbm>>
      %dma_wait3A_32 = tpu.memref_squeeze %dma_wait3A_31 : memref<1x32x16xf32, #tpu.memory_space<hbm>> -> memref<32x16xf32, #tpu.memory_space<hbm>>
      %dma_wait3A_33 = arith.constant 0 : i32
      %dma_wait3A_34 = tpu.memref_slice %arg23[%mul3A_24, %dma_wait3A_33] : memref<512x16xf32, #tpu.memory_space<vmem_shared>> -> memref<32x16xf32, #tpu.memory_space<vmem_shared>>
      tpu.wait_dma2 semaphore(%run_scoped3A : memref<!tpu.dma_semaphore, #tpu.memory_space<semaphore_mem>>) src(%dma_wait3A_34 : memref<32x16xf32, #tpu.memory_space<vmem_shared>>) dst(%dma_wait3A_32 : memref<32x16xf32, #tpu.memory_space<hbm>>)
      tpu.yield
    }) : () -> ()
    return
  }
}

#map = affine_map<(d0, d1) -> (0)>
#map1 = affine_map<(d0, d1) -> (0, 0)>
#map2 = affine_map<(d0, d1) -> (0, 0, 0)>
module attributes {stable_mosaic.version = 14 : i64} {
  func.func @k(%arg0: i32, %arg1: i32, %arg2: memref<960000xi32, #tpu.memory_space<hbm>>, %arg3: memref<544x128xf32, #tpu.memory_space<hbm>>, %arg4: memref<512xf32, #tpu.memory_space<hbm>>, %arg5: memref<10000xf32, #tpu.memory_space<hbm>>, %arg6: memref<48xf32, #tpu.memory_space<hbm>>, %arg7: memref<5120x128xf32, #tpu.memory_space<hbm>>, %arg8: memref<5120x16xf32, #tpu.memory_space<hbm>>, %arg9: memref<2x5120x128xf32, #tpu.memory_space<hbm>>, %arg10: memref<2x5120x16xf32, #tpu.memory_space<hbm>>, %arg11: memref<512xf32, #tpu.memory_space<vmem>>, %arg12: memref<10000xf32, #tpu.memory_space<vmem>>, %arg13: memref<48xf32, #tpu.memory_space<vmem>>, %arg14: memref<240xi32, #tpu.memory_space<vmem>>, %arg15: memref<80xf32, #tpu.memory_space<vmem>>, %arg16: memref<80xi32, #tpu.memory_space<vmem>>, %arg17: memref<80xi32, #tpu.memory_space<vmem>>, %arg18: memref<80xi32, #tpu.memory_space<vmem>>, %arg19: memref<80x128xf32, #tpu.memory_space<vmem>>, %arg20: memref<80x128xf32, #tpu.memory_space<vmem>>, %arg21: memref<80x16xf32, #tpu.memory_space<vmem>>, %arg22: memref<5120x128xf32, #tpu.memory_space<vmem_shared>>, %arg23: memref<5120x16xf32, #tpu.memory_space<vmem_shared>>, %arg24: memref<!tpu.dma_semaphore, #tpu.memory_space<semaphore_mem>>, %arg25: memref<!tpu.dma_semaphore, #tpu.memory_space<semaphore_mem>>) attributes {dimension_semantics = [#tpu.dimension_semantics<core_parallel>, #tpu.dimension_semantics<subcore_parallel>], iteration_bounds = array<i64: 2, 16>, scalar_prefetch = 0 : i64, scratch_operands = 15 : i64, tpu.core_type = #tpu.core_type<sc_vector_subcore>, window_params = [{transform_indices = #map}, {transform_indices = #map1}, {transform_indices = #map}, {transform_indices = #map}, {transform_indices = #map}, {transform_indices = #map1}, {transform_indices = #map1}, {transform_indices = #map2}, {transform_indices = #map2}]} {
    %mul3A = arith.constant 5120 : i32
    %mul3A_0 = arith.muli %arg0, %mul3A : i32
    "tpu.region"() ({
      %run_scoped3A = tpu.sem_alloc : memref<!tpu.dma_semaphore, #tpu.memory_space<semaphore_mem>>
      tpu.enqueue_dma source(%arg4 : memref<512xf32, #tpu.memory_space<hbm>>) target(%arg11 : memref<512xf32, #tpu.memory_space<vmem>>) target_semaphore(%run_scoped3A : memref<!tpu.dma_semaphore, #tpu.memory_space<semaphore_mem>>)
      tpu.wait_dma2 semaphore(%run_scoped3A : memref<!tpu.dma_semaphore, #tpu.memory_space<semaphore_mem>>) src(%arg4 : memref<512xf32, #tpu.memory_space<hbm>>) dst(%arg11 : memref<512xf32, #tpu.memory_space<vmem>>)
      tpu.yield
    }) : () -> ()
    "tpu.region"() ({
      %run_scoped3A = tpu.sem_alloc : memref<!tpu.dma_semaphore, #tpu.memory_space<semaphore_mem>>
      tpu.enqueue_dma source(%arg5 : memref<10000xf32, #tpu.memory_space<hbm>>) target(%arg12 : memref<10000xf32, #tpu.memory_space<vmem>>) target_semaphore(%run_scoped3A : memref<!tpu.dma_semaphore, #tpu.memory_space<semaphore_mem>>)
      tpu.wait_dma2 semaphore(%run_scoped3A : memref<!tpu.dma_semaphore, #tpu.memory_space<semaphore_mem>>) src(%arg5 : memref<10000xf32, #tpu.memory_space<hbm>>) dst(%arg12 : memref<10000xf32, #tpu.memory_space<vmem>>)
      tpu.yield
    }) : () -> ()
    "tpu.region"() ({
      %run_scoped3A = tpu.sem_alloc : memref<!tpu.dma_semaphore, #tpu.memory_space<semaphore_mem>>
      tpu.enqueue_dma source(%arg6 : memref<48xf32, #tpu.memory_space<hbm>>) target(%arg13 : memref<48xf32, #tpu.memory_space<vmem>>) target_semaphore(%run_scoped3A : memref<!tpu.dma_semaphore, #tpu.memory_space<semaphore_mem>>)
      tpu.wait_dma2 semaphore(%run_scoped3A : memref<!tpu.dma_semaphore, #tpu.memory_space<semaphore_mem>>) src(%arg6 : memref<48xf32, #tpu.memory_space<hbm>>) dst(%arg13 : memref<48xf32, #tpu.memory_space<vmem>>)
      tpu.yield
    }) : () -> ()
    %mul3A_1 = arith.constant 320 : i32
    %mul3A_2 = arith.muli %arg1, %mul3A_1 : i32
    %mul3A_3 = arith.constant 320 : i32
    %mul3A_4 = arith.muli %arg1, %mul3A_3 : i32
    "tpu.region"() ({
      %run_scoped3A = tpu.sem_alloc : memref<!tpu.dma_semaphore, #tpu.memory_space<semaphore_mem>>
      %dma_start3A = arith.constant 0 : i32
      %dma_start3A_26 = tpu.memref_slice %arg22[%mul3A_4, %dma_start3A] : memref<5120x128xf32, #tpu.memory_space<vmem_shared>> -> memref<320x128xf32, #tpu.memory_space<vmem_shared>>
      %dma_start3A_27 = arith.constant 0 : i32
      %dma_start3A_28 = tpu.memref_slice %arg7[%mul3A_2, %dma_start3A_27] : memref<5120x128xf32, #tpu.memory_space<hbm>> -> memref<320x128xf32, #tpu.memory_space<hbm>>
      tpu.enqueue_dma source(%dma_start3A_28 : memref<320x128xf32, #tpu.memory_space<hbm>>) target(%dma_start3A_26 : memref<320x128xf32, #tpu.memory_space<vmem_shared>>) target_semaphore(%run_scoped3A : memref<!tpu.dma_semaphore, #tpu.memory_space<semaphore_mem>>)
      %dma_wait3A = arith.constant 0 : i32
      %dma_wait3A_29 = tpu.memref_slice %arg22[%mul3A_4, %dma_wait3A] : memref<5120x128xf32, #tpu.memory_space<vmem_shared>> -> memref<320x128xf32, #tpu.memory_space<vmem_shared>>
      %dma_wait3A_30 = arith.constant 0 : i32
      %dma_wait3A_31 = tpu.memref_slice %arg7[%mul3A_2, %dma_wait3A_30] : memref<5120x128xf32, #tpu.memory_space<hbm>> -> memref<320x128xf32, #tpu.memory_space<hbm>>
      tpu.wait_dma2 semaphore(%run_scoped3A : memref<!tpu.dma_semaphore, #tpu.memory_space<semaphore_mem>>) src(%dma_wait3A_31 : memref<320x128xf32, #tpu.memory_space<hbm>>) dst(%dma_wait3A_29 : memref<320x128xf32, #tpu.memory_space<vmem_shared>>)
      tpu.yield
    }) : () -> ()
    %mul3A_5 = arith.constant 320 : i32
    %mul3A_6 = arith.muli %arg1, %mul3A_5 : i32
    %mul3A_7 = arith.constant 320 : i32
    %mul3A_8 = arith.muli %arg1, %mul3A_7 : i32
    "tpu.region"() ({
      %run_scoped3A = tpu.sem_alloc : memref<!tpu.dma_semaphore, #tpu.memory_space<semaphore_mem>>
      %dma_start3A = arith.constant 0 : i32
      %dma_start3A_26 = tpu.memref_slice %arg23[%mul3A_8, %dma_start3A] : memref<5120x16xf32, #tpu.memory_space<vmem_shared>> -> memref<320x16xf32, #tpu.memory_space<vmem_shared>>
      %dma_start3A_27 = arith.constant 0 : i32
      %dma_start3A_28 = tpu.memref_slice %arg8[%mul3A_6, %dma_start3A_27] : memref<5120x16xf32, #tpu.memory_space<hbm>> -> memref<320x16xf32, #tpu.memory_space<hbm>>
      tpu.enqueue_dma source(%dma_start3A_28 : memref<320x16xf32, #tpu.memory_space<hbm>>) target(%dma_start3A_26 : memref<320x16xf32, #tpu.memory_space<vmem_shared>>) target_semaphore(%run_scoped3A : memref<!tpu.dma_semaphore, #tpu.memory_space<semaphore_mem>>)
      %dma_wait3A = arith.constant 0 : i32
      %dma_wait3A_29 = tpu.memref_slice %arg23[%mul3A_8, %dma_wait3A] : memref<5120x16xf32, #tpu.memory_space<vmem_shared>> -> memref<320x16xf32, #tpu.memory_space<vmem_shared>>
      %dma_wait3A_30 = arith.constant 0 : i32
      %dma_wait3A_31 = tpu.memref_slice %arg8[%mul3A_6, %dma_wait3A_30] : memref<5120x16xf32, #tpu.memory_space<hbm>> -> memref<320x16xf32, #tpu.memory_space<hbm>>
      tpu.wait_dma2 semaphore(%run_scoped3A : memref<!tpu.dma_semaphore, #tpu.memory_space<semaphore_mem>>) src(%dma_wait3A_31 : memref<320x16xf32, #tpu.memory_space<hbm>>) dst(%dma_wait3A_29 : memref<320x16xf32, #tpu.memory_space<vmem_shared>>)
      tpu.yield
    }) : () -> ()
    %barrier3A = arith.constant 0 : index
    tpu.barrier barrier_id(%barrier3A)
    %mul3A_9 = arith.constant 60000 : i32
    %mul3A_10 = arith.muli %arg1, %mul3A_9 : i32
    %scan3A = arith.constant 0 : i32
    %scan3A_11 = arith.constant 0 : i32
    %scan3A_12 = arith.constant 250 : i32
    %scan3A_13 = arith.addi %scan3A_11, %scan3A_12 : i32
    %scan3A_14 = arith.constant 1 : i32
    %scan3A_15 = scf.for %scan3A_26 = %scan3A_11 to %scan3A_13 step %scan3A_14 iter_args(%scan3A_27 = %scan3A) -> (i32)  : i32 {
      %mul3A_28 = arith.constant 240 : i32
      %mul3A_29 = arith.muli %scan3A_26, %mul3A_28 : i32
      %add3A = arith.addi %mul3A_10, %mul3A_29 : i32
      "tpu.region"() ({
        %run_scoped3A = tpu.sem_alloc : memref<!tpu.dma_semaphore, #tpu.memory_space<semaphore_mem>>
        %dma_start3A_55 = tpu.memref_slice %arg2[%add3A] : memref<960000xi32, #tpu.memory_space<hbm>> -> memref<240xi32, #tpu.memory_space<hbm>>
        %dma_start3A_56 = tpu.memref_slice %arg2[%add3A] : memref<960000xi32, #tpu.memory_space<hbm>> -> memref<240xi32, #tpu.memory_space<hbm>>
        tpu.enqueue_dma source(%dma_start3A_56 : memref<240xi32, #tpu.memory_space<hbm>>) target(%arg14 : memref<240xi32, #tpu.memory_space<vmem>>) target_semaphore(%run_scoped3A : memref<!tpu.dma_semaphore, #tpu.memory_space<semaphore_mem>>)
        %dma_wait3A_57 = tpu.memref_slice %arg2[%add3A] : memref<960000xi32, #tpu.memory_space<hbm>> -> memref<240xi32, #tpu.memory_space<hbm>>
        %dma_wait3A_58 = tpu.memref_slice %arg2[%add3A] : memref<960000xi32, #tpu.memory_space<hbm>> -> memref<240xi32, #tpu.memory_space<hbm>>
        tpu.wait_dma2 semaphore(%run_scoped3A : memref<!tpu.dma_semaphore, #tpu.memory_space<semaphore_mem>>) src(%dma_wait3A_58 : memref<240xi32, #tpu.memory_space<hbm>>) dst(%arg14 : memref<240xi32, #tpu.memory_space<vmem>>)
        tpu.yield
      }) : () -> ()
      %scan3A_30 = arith.constant 0 : i32
      %scan3A_31 = arith.constant 0 : i32
      %scan3A_32 = arith.constant 5 : i32
      %scan3A_33 = arith.addi %scan3A_31, %scan3A_32 : i32
      %scan3A_34 = arith.constant 1 : i32
      %scan3A_35 = scf.for %scan3A_55 = %scan3A_31 to %scan3A_33 step %scan3A_34 iter_args(%scan3A_56 = %scan3A_30) -> (i32)  : i32 {
        %mul3A_57 = arith.constant 16 : i32
        %mul3A_58 = arith.muli %scan3A_55, %mul3A_57 : i32
        %mul3A_59 = arith.constant 16 : i32
        %mul3A_60 = arith.muli %scan3A_55, %mul3A_59 : i32
        %get3A = arith.index_cast %mul3A_60 : i32 to index
        %get3A_61 = tpu.vector_load %arg14[%get3A] {strides = array<i32>} : memref<240xi32, #tpu.memory_space<vmem>>, vector<16xi32>,
        %mul3A_62 = arith.constant 16 : i32
        %mul3A_63 = arith.muli %scan3A_55, %mul3A_62 : i32
        %add3A_64 = arith.constant 80 : i32
        %add3A_65 = arith.addi %add3A_64, %mul3A_63 : i32
        %get3A_66 = arith.index_cast %add3A_65 : i32 to index
        %get3A_67 = tpu.vector_load %arg14[%get3A_66] {strides = array<i32>} : memref<240xi32, #tpu.memory_space<vmem>>, vector<16xi32>,
        %mul3A_68 = arith.constant 16 : i32
        %mul3A_69 = arith.muli %scan3A_55, %mul3A_68 : i32
        %add3A_70 = arith.constant 160 : i32
        %add3A_71 = arith.addi %add3A_70, %mul3A_69 : i32
        %get3A_72 = arith.index_cast %add3A_71 : i32 to index
        %get3A_73 = tpu.vector_load %arg14[%get3A_72] {strides = array<i32>} : memref<240xi32, #tpu.memory_space<vmem>>, vector<16xi32>,
        %gather3A = tpu.vector_load_idx %arg11[%get3A_61] : memref<512xf32, #tpu.memory_space<vmem>>[vector<16xi32>], vector<16xf32>,
        %gather3A_74 = tpu.vector_load_idx %arg12[%get3A_67] : memref<10000xf32, #tpu.memory_space<vmem>>[vector<16xi32>], vector<16xf32>,
        %gather3A_75 = tpu.vector_load_idx %arg13[%get3A_73] : memref<48xf32, #tpu.memory_space<vmem>>[vector<16xi32>], vector<16xf32>,
        %add3A_76 = arith.addf %gather3A, %gather3A_74 : vector<16xf32>
        %add3A_77 = arith.addf %add3A_76, %gather3A_75 : vector<16xf32>
        %gt3A = arith.constant 0.000000e+00 : f32
        %gt3A_78 = vector.broadcast %gt3A : f32 to vector<16xf32>
        %gt3A_79 = arith.cmpf ogt, %add3A_77, %gt3A_78 : vector<16xf32>
        %mul3A_80 = arith.constant 2.000000e-01 : f32
        %mul3A_81 = vector.broadcast %mul3A_80 : f32 to vector<16xf32>
        %mul3A_82 = arith.mulf %add3A_77, %mul3A_81 : vector<16xf32>
        %select_n3A = arith.select %gt3A_79, %add3A_77, %mul3A_82 : vector<16xi1>, vector<16xf32>
        %exp3A = math.exp %select_n3A : vector<16xf32>
        %sub3A = vector.broadcast %mul3A_0 : i32 to vector<16xi32>
        %sub3A_83 = arith.subi %get3A_67, %sub3A : vector<16xi32>
        %ge3A = arith.constant 0 : i32
        %ge3A_84 = vector.broadcast %ge3A : i32 to vector<16xi32>
        %ge3A_85 = arith.cmpi sge, %sub3A_83, %ge3A_84 : vector<16xi32>
        %lt3A = arith.constant 5120 : i32
        %lt3A_86 = vector.broadcast %lt3A : i32 to vector<16xi32>
        %lt3A_87 = arith.cmpi slt, %sub3A_83, %lt3A_86 : vector<16xi32>
        %and3A = arith.andi %ge3A_85, %lt3A_87 : vector<16xi1>
        %jit3A = arith.constant 0.000000e+00 : f32
        %broadcast_in_dim3A = vector.broadcast %jit3A : f32 to vector<16xf32>
        %select_n3A_88 = arith.select %and3A, %exp3A, %broadcast_in_dim3A : vector<16xi1>, vector<16xf32>
        %jit3A_89 = arith.constant 0 : i32
        %jit3A_90 = arith.constant 5119 : i32
        %max3A = vector.broadcast %jit3A_89 : i32 to vector<16xi32>
        %max3A_91 = arith.maxsi %max3A, %sub3A_83 : vector<16xi32>
        %min3A = vector.broadcast %jit3A_90 : i32 to vector<16xi32>
        %min3A_92 = arith.minsi %min3A, %max3A_91 : vector<16xi32>
        %swap3A = arith.index_cast %mul3A_58 : i32 to index
        %swap3A_93 = tpu.vector_load %arg15[%swap3A] {strides = array<i32>} : memref<80xf32, #tpu.memory_space<vmem>>, vector<16xf32>,
        tpu.vector_store %arg15[%swap3A], %select_n3A_88 {strides = array<i32>} : memref<80xf32, #tpu.memory_space<vmem>>, vector<16xf32>,
        %swap3A_94 = arith.index_cast %mul3A_58 : i32 to index
        %swap3A_95 = tpu.vector_load %arg16[%swap3A_94] {strides = array<i32>} : memref<80xi32, #tpu.memory_space<vmem>>, vector<16xi32>,
        tpu.vector_store %arg16[%swap3A_94], %get3A_61 {strides = array<i32>} : memref<80xi32, #tpu.memory_space<vmem>>, vector<16xi32>,
        %swap3A_96 = arith.index_cast %mul3A_58 : i32 to index
        %swap3A_97 = tpu.vector_load %arg18[%swap3A_96] {strides = array<i32>} : memref<80xi32, #tpu.memory_space<vmem>>, vector<16xi32>,
        tpu.vector_store %arg18[%swap3A_96], %min3A_92 {strides = array<i32>} : memref<80xi32, #tpu.memory_space<vmem>>, vector<16xi32>,
        %add3A_98 = arith.constant 500 : i32
        %add3A_99 = vector.broadcast %add3A_98 : i32 to vector<16xi32>
        %add3A_100 = arith.addi %get3A_73, %add3A_99 : vector<16xi32>
        %swap3A_101 = arith.index_cast %mul3A_58 : i32 to index
        %swap3A_102 = tpu.vector_load %arg17[%swap3A_101] {strides = array<i32>} : memref<80xi32, #tpu.memory_space<vmem>>, vector<16xi32>,
        tpu.vector_store %arg17[%swap3A_101], %add3A_100 {strides = array<i32>} : memref<80xi32, #tpu.memory_space<vmem>>, vector<16xi32>,
        %scan3A_103 = arith.constant 0 : i32
        scf.yield %scan3A_103 : i32
      }
      %scan3A_36 = arith.constant 5 : i32
      %dma_start3A = arith.constant 0 : i32
      %dma_start3A_37 = arith.constant 0 : i32
      %dma_start3A_38 = tpu.memref_slice %arg3[%dma_start3A, %dma_start3A_37] : memref<544x128xf32, #tpu.memory_space<hbm>> -> memref<544x128xf32, #tpu.memory_space<hbm>>
      tpu.enqueue_indirect_dma source(%dma_start3A_38 : memref<544x128xf32, #tpu.memory_space<hbm>>) target(%arg19 : memref<80x128xf32, #tpu.memory_space<vmem>>) offsets(%arg16 : memref<80xi32, #tpu.memory_space<vmem>>) semaphore(%arg24 : memref<!tpu.dma_semaphore, #tpu.memory_space<semaphore_mem>>)
      %dma_start3A_39 = arith.constant 0 : i32
      %dma_start3A_40 = arith.constant 0 : i32
      %dma_start3A_41 = tpu.memref_slice %arg3[%dma_start3A_39, %dma_start3A_40] : memref<544x128xf32, #tpu.memory_space<hbm>> -> memref<544x128xf32, #tpu.memory_space<hbm>>
      tpu.enqueue_indirect_dma source(%dma_start3A_41 : memref<544x128xf32, #tpu.memory_space<hbm>>) target(%arg20 : memref<80x128xf32, #tpu.memory_space<vmem>>) offsets(%arg17 : memref<80xi32, #tpu.memory_space<vmem>>) semaphore(%arg25 : memref<!tpu.dma_semaphore, #tpu.memory_space<semaphore_mem>>)
      %dma_wait3A = arith.constant 0 : i32
      %dma_wait3A_42 = arith.constant 0 : i32
      %dma_wait3A_43 = tpu.memref_slice %arg3[%dma_wait3A, %dma_wait3A_42] : memref<544x128xf32, #tpu.memory_space<hbm>> -> memref<544x128xf32, #tpu.memory_space<hbm>>
      tpu.wait_indirect_dma semaphore(%arg24 : memref<!tpu.dma_semaphore, #tpu.memory_space<semaphore_mem>>) src(%dma_wait3A_43 : memref<544x128xf32, #tpu.memory_space<hbm>>) dst(%arg19 : memref<80x128xf32, #tpu.memory_space<vmem>>)
      %dma_wait3A_44 = arith.constant 0 : i32
      %dma_wait3A_45 = arith.constant 0 : i32
      %dma_wait3A_46 = tpu.memref_slice %arg3[%dma_wait3A_44, %dma_wait3A_45] : memref<544x128xf32, #tpu.memory_space<hbm>> -> memref<544x128xf32, #tpu.memory_space<hbm>>
      tpu.wait_indirect_dma semaphore(%arg25 : memref<!tpu.dma_semaphore, #tpu.memory_space<semaphore_mem>>) src(%dma_wait3A_46 : memref<544x128xf32, #tpu.memory_space<hbm>>) dst(%arg20 : memref<80x128xf32, #tpu.memory_space<vmem>>)
      %scan3A_47 = arith.constant 0 : i32
      %scan3A_48 = arith.constant 0 : i32
      %scan3A_49 = arith.constant 20 : i32
      %scan3A_50 = arith.addi %scan3A_48, %scan3A_49 : i32
      %scan3A_51 = arith.constant 1 : i32
      %scan3A_52 = scf.for %scan3A_55 = %scan3A_48 to %scan3A_50 step %scan3A_51 iter_args(%scan3A_56 = %scan3A_47) -> (i32)  : i32 {
        %mul3A_57 = arith.constant 4 : i32
        %mul3A_58 = arith.muli %scan3A_55, %mul3A_57 : i32
        %add3A_59 = arith.constant 0 : i32
        %add3A_60 = arith.addi %mul3A_58, %add3A_59 : i32
        %broadcast_in_dim3A = vector.broadcast %add3A_60 : i32 to vector<16xi32>
        %gather3A = tpu.vector_load_idx %arg15[%broadcast_in_dim3A] : memref<80xf32, #tpu.memory_space<vmem>>[vector<16xi32>], vector<16xf32>,
        %swap3A = arith.index_cast %add3A_60 : i32 to index
        %swap3A_61 = arith.constant 0 : index
        %swap3A_62 = tpu.vector_load %arg21[%swap3A, %swap3A_61] {strides = array<i32>} : memref<80x16xf32, #tpu.memory_space<vmem>>, vector<16xf32>,
        tpu.vector_store %arg21[%swap3A, %swap3A_61], %gather3A {strides = array<i32>} : memref<80x16xf32, #tpu.memory_space<vmem>>, vector<16xf32>,
        %get3A = arith.index_cast %add3A_60 : i32 to index
        %get3A_63 = arith.constant 0 : index
        %get3A_64 = tpu.vector_load %arg19[%get3A, %get3A_63] {strides = array<i32>} : memref<80x128xf32, #tpu.memory_space<vmem>>, vector<16xf32>,
        %get3A_65 = arith.index_cast %add3A_60 : i32 to index
        %get3A_66 = arith.constant 0 : index
        %get3A_67 = tpu.vector_load %arg20[%get3A_65, %get3A_66] {strides = array<i32>} : memref<80x128xf32, #tpu.memory_space<vmem>>, vector<16xf32>,
        %add3A_68 = arith.addf %get3A_64, %get3A_67 : vector<16xf32>
        %mul3A_69 = arith.mulf %gather3A, %add3A_68 : vector<16xf32>
        %swap3A_70 = arith.index_cast %add3A_60 : i32 to index
        %swap3A_71 = arith.constant 0 : index
        %swap3A_72 = tpu.vector_load %arg19[%swap3A_70, %swap3A_71] {strides = array<i32>} : memref<80x128xf32, #tpu.memory_space<vmem>>, vector<16xf32>,
        tpu.vector_store %arg19[%swap3A_70, %swap3A_71], %mul3A_69 {strides = array<i32>} : memref<80x128xf32, #tpu.memory_space<vmem>>, vector<16xf32>,
        %get3A_73 = arith.index_cast %add3A_60 : i32 to index
        %get3A_74 = arith.constant 16 : index
        %get3A_75 = tpu.vector_load %arg19[%get3A_73, %get3A_74] {strides = array<i32>} : memref<80x128xf32, #tpu.memory_space<vmem>>, vector<16xf32>,
        %get3A_76 = arith.index_cast %add3A_60 : i32 to index
        %get3A_77 = arith.constant 16 : index
        %get3A_78 = tpu.vector_load %arg20[%get3A_76, %get3A_77] {strides = array<i32>} : memref<80x128xf32, #tpu.memory_space<vmem>>, vector<16xf32>,
        %add3A_79 = arith.addf %get3A_75, %get3A_78 : vector<16xf32>
        %mul3A_80 = arith.mulf %gather3A, %add3A_79 : vector<16xf32>
        %swap3A_81 = arith.index_cast %add3A_60 : i32 to index
        %swap3A_82 = arith.constant 16 : index
        %swap3A_83 = tpu.vector_load %arg19[%swap3A_81, %swap3A_82] {strides = array<i32>} : memref<80x128xf32, #tpu.memory_space<vmem>>, vector<16xf32>,
        tpu.vector_store %arg19[%swap3A_81, %swap3A_82], %mul3A_80 {strides = array<i32>} : memref<80x128xf32, #tpu.memory_space<vmem>>, vector<16xf32>,
        %get3A_84 = arith.index_cast %add3A_60 : i32 to index
        %get3A_85 = arith.constant 32 : index
        %get3A_86 = tpu.vector_load %arg19[%get3A_84, %get3A_85] {strides = array<i32>} : memref<80x128xf32, #tpu.memory_space<vmem>>, vector<16xf32>,
        %get3A_87 = arith.index_cast %add3A_60 : i32 to index
        %get3A_88 = arith.constant 32 : index
        %get3A_89 = tpu.vector_load %arg20[%get3A_87, %get3A_88] {strides = array<i32>} : memref<80x128xf32, #tpu.memory_space<vmem>>, vector<16xf32>,
        %add3A_90 = arith.addf %get3A_86, %get3A_89 : vector<16xf32>
        %mul3A_91 = arith.mulf %gather3A, %add3A_90 : vector<16xf32>
        %swap3A_92 = arith.index_cast %add3A_60 : i32 to index
        %swap3A_93 = arith.constant 32 : index
        %swap3A_94 = tpu.vector_load %arg19[%swap3A_92, %swap3A_93] {strides = array<i32>} : memref<80x128xf32, #tpu.memory_space<vmem>>, vector<16xf32>,
        tpu.vector_store %arg19[%swap3A_92, %swap3A_93], %mul3A_91 {strides = array<i32>} : memref<80x128xf32, #tpu.memory_space<vmem>>, vector<16xf32>,
        %get3A_95 = arith.index_cast %add3A_60 : i32 to index
        %get3A_96 = arith.constant 48 : index
        %get3A_97 = tpu.vector_load %arg19[%get3A_95, %get3A_96] {strides = array<i32>} : memref<80x128xf32, #tpu.memory_space<vmem>>, vector<16xf32>,
        %get3A_98 = arith.index_cast %add3A_60 : i32 to index
        %get3A_99 = arith.constant 48 : index
        %get3A_100 = tpu.vector_load %arg20[%get3A_98, %get3A_99] {strides = array<i32>} : memref<80x128xf32, #tpu.memory_space<vmem>>, vector<16xf32>,
        %add3A_101 = arith.addf %get3A_97, %get3A_100 : vector<16xf32>
        %mul3A_102 = arith.mulf %gather3A, %add3A_101 : vector<16xf32>
        %swap3A_103 = arith.index_cast %add3A_60 : i32 to index
        %swap3A_104 = arith.constant 48 : index
        %swap3A_105 = tpu.vector_load %arg19[%swap3A_103, %swap3A_104] {strides = array<i32>} : memref<80x128xf32, #tpu.memory_space<vmem>>, vector<16xf32>,
        tpu.vector_store %arg19[%swap3A_103, %swap3A_104], %mul3A_102 {strides = array<i32>} : memref<80x128xf32, #tpu.memory_space<vmem>>, vector<16xf32>,
        %get3A_106 = arith.index_cast %add3A_60 : i32 to index
        %get3A_107 = arith.constant 64 : index
        %get3A_108 = tpu.vector_load %arg19[%get3A_106, %get3A_107] {strides = array<i32>} : memref<80x128xf32, #tpu.memory_space<vmem>>, vector<16xf32>,
        %get3A_109 = arith.index_cast %add3A_60 : i32 to index
        %get3A_110 = arith.constant 64 : index
        %get3A_111 = tpu.vector_load %arg20[%get3A_109, %get3A_110] {strides = array<i32>} : memref<80x128xf32, #tpu.memory_space<vmem>>, vector<16xf32>,
        %add3A_112 = arith.addf %get3A_108, %get3A_111 : vector<16xf32>
        %mul3A_113 = arith.mulf %gather3A, %add3A_112 : vector<16xf32>
        %swap3A_114 = arith.index_cast %add3A_60 : i32 to index
        %swap3A_115 = arith.constant 64 : index
        %swap3A_116 = tpu.vector_load %arg19[%swap3A_114, %swap3A_115] {strides = array<i32>} : memref<80x128xf32, #tpu.memory_space<vmem>>, vector<16xf32>,
        tpu.vector_store %arg19[%swap3A_114, %swap3A_115], %mul3A_113 {strides = array<i32>} : memref<80x128xf32, #tpu.memory_space<vmem>>, vector<16xf32>,
        %get3A_117 = arith.index_cast %add3A_60 : i32 to index
        %get3A_118 = arith.constant 80 : index
        %get3A_119 = tpu.vector_load %arg19[%get3A_117, %get3A_118] {strides = array<i32>} : memref<80x128xf32, #tpu.memory_space<vmem>>, vector<16xf32>,
        %get3A_120 = arith.index_cast %add3A_60 : i32 to index
        %get3A_121 = arith.constant 80 : index
        %get3A_122 = tpu.vector_load %arg20[%get3A_120, %get3A_121] {strides = array<i32>} : memref<80x128xf32, #tpu.memory_space<vmem>>, vector<16xf32>,
        %add3A_123 = arith.addf %get3A_119, %get3A_122 : vector<16xf32>
        %mul3A_124 = arith.mulf %gather3A, %add3A_123 : vector<16xf32>
        %swap3A_125 = arith.index_cast %add3A_60 : i32 to index
        %swap3A_126 = arith.constant 80 : index
        %swap3A_127 = tpu.vector_load %arg19[%swap3A_125, %swap3A_126] {strides = array<i32>} : memref<80x128xf32, #tpu.memory_space<vmem>>, vector<16xf32>,
        tpu.vector_store %arg19[%swap3A_125, %swap3A_126], %mul3A_124 {strides = array<i32>} : memref<80x128xf32, #tpu.memory_space<vmem>>, vector<16xf32>,
        %get3A_128 = arith.index_cast %add3A_60 : i32 to index
        %get3A_129 = arith.constant 96 : index
        %get3A_130 = tpu.vector_load %arg19[%get3A_128, %get3A_129] {strides = array<i32>} : memref<80x128xf32, #tpu.memory_space<vmem>>, vector<16xf32>,
        %get3A_131 = arith.index_cast %add3A_60 : i32 to index
        %get3A_132 = arith.constant 96 : index
        %get3A_133 = tpu.vector_load %arg20[%get3A_131, %get3A_132] {strides = array<i32>} : memref<80x128xf32, #tpu.memory_space<vmem>>, vector<16xf32>,
        %add3A_134 = arith.addf %get3A_130, %get3A_133 : vector<16xf32>
        %mul3A_135 = arith.mulf %gather3A, %add3A_134 : vector<16xf32>
        %swap3A_136 = arith.index_cast %add3A_60 : i32 to index
        %swap3A_137 = arith.constant 96 : index
        %swap3A_138 = tpu.vector_load %arg19[%swap3A_136, %swap3A_137] {strides = array<i32>} : memref<80x128xf32, #tpu.memory_space<vmem>>, vector<16xf32>,
        tpu.vector_store %arg19[%swap3A_136, %swap3A_137], %mul3A_135 {strides = array<i32>} : memref<80x128xf32, #tpu.memory_space<vmem>>, vector<16xf32>,
        %get3A_139 = arith.index_cast %add3A_60 : i32 to index
        %get3A_140 = arith.constant 112 : index
        %get3A_141 = tpu.vector_load %arg19[%get3A_139, %get3A_140] {strides = array<i32>} : memref<80x128xf32, #tpu.memory_space<vmem>>, vector<16xf32>,
        %get3A_142 = arith.index_cast %add3A_60 : i32 to index
        %get3A_143 = arith.constant 112 : index
        %get3A_144 = tpu.vector_load %arg20[%get3A_142, %get3A_143] {strides = array<i32>} : memref<80x128xf32, #tpu.memory_space<vmem>>, vector<16xf32>,
        %add3A_145 = arith.addf %get3A_141, %get3A_144 : vector<16xf32>
        %mul3A_146 = arith.mulf %gather3A, %add3A_145 : vector<16xf32>
        %swap3A_147 = arith.index_cast %add3A_60 : i32 to index
        %swap3A_148 = arith.constant 112 : index
        %swap3A_149 = tpu.vector_load %arg19[%swap3A_147, %swap3A_148] {strides = array<i32>} : memref<80x128xf32, #tpu.memory_space<vmem>>, vector<16xf32>,
        tpu.vector_store %arg19[%swap3A_147, %swap3A_148], %mul3A_146 {strides = array<i32>} : memref<80x128xf32, #tpu.memory_space<vmem>>, vector<16xf32>,
        %mul3A_150 = arith.constant 4 : i32
        %mul3A_151 = arith.muli %scan3A_55, %mul3A_150 : i32
        %add3A_152 = arith.constant 1 : i32
        %add3A_153 = arith.addi %mul3A_151, %add3A_152 : i32
        %broadcast_in_dim3A_154 = vector.broadcast %add3A_153 : i32 to vector<16xi32>
        %gather3A_155 = tpu.vector_load_idx %arg15[%broadcast_in_dim3A_154] : memref<80xf32, #tpu.memory_space<vmem>>[vector<16xi32>], vector<16xf32>,
        %swap3A_156 = arith.index_cast %add3A_153 : i32 to index
        %swap3A_157 = arith.constant 0 : index
        %swap3A_158 = tpu.vector_load %arg21[%swap3A_156, %swap3A_157] {strides = array<i32>} : memref<80x16xf32, #tpu.memory_space<vmem>>, vector<16xf32>,
        tpu.vector_store %arg21[%swap3A_156, %swap3A_157], %gather3A_155 {strides = array<i32>} : memref<80x16xf32, #tpu.memory_space<vmem>>, vector<16xf32>,
        %get3A_159 = arith.index_cast %add3A_153 : i32 to index
        %get3A_160 = arith.constant 0 : index
        %get3A_161 = tpu.vector_load %arg19[%get3A_159, %get3A_160] {strides = array<i32>} : memref<80x128xf32, #tpu.memory_space<vmem>>, vector<16xf32>,
        %get3A_162 = arith.index_cast %add3A_153 : i32 to index
        %get3A_163 = arith.constant 0 : index
        %get3A_164 = tpu.vector_load %arg20[%get3A_162, %get3A_163] {strides = array<i32>} : memref<80x128xf32, #tpu.memory_space<vmem>>, vector<16xf32>,
        %add3A_165 = arith.addf %get3A_161, %get3A_164 : vector<16xf32>
        %mul3A_166 = arith.mulf %gather3A_155, %add3A_165 : vector<16xf32>
        %swap3A_167 = arith.index_cast %add3A_153 : i32 to index
        %swap3A_168 = arith.constant 0 : index
        %swap3A_169 = tpu.vector_load %arg19[%swap3A_167, %swap3A_168] {strides = array<i32>} : memref<80x128xf32, #tpu.memory_space<vmem>>, vector<16xf32>,
        tpu.vector_store %arg19[%swap3A_167, %swap3A_168], %mul3A_166 {strides = array<i32>} : memref<80x128xf32, #tpu.memory_space<vmem>>, vector<16xf32>,
        %get3A_170 = arith.index_cast %add3A_153 : i32 to index
        %get3A_171 = arith.constant 16 : index
        %get3A_172 = tpu.vector_load %arg19[%get3A_170, %get3A_171] {strides = array<i32>} : memref<80x128xf32, #tpu.memory_space<vmem>>, vector<16xf32>,
        %get3A_173 = arith.index_cast %add3A_153 : i32 to index
        %get3A_174 = arith.constant 16 : index
        %get3A_175 = tpu.vector_load %arg20[%get3A_173, %get3A_174] {strides = array<i32>} : memref<80x128xf32, #tpu.memory_space<vmem>>, vector<16xf32>,
        %add3A_176 = arith.addf %get3A_172, %get3A_175 : vector<16xf32>
        %mul3A_177 = arith.mulf %gather3A_155, %add3A_176 : vector<16xf32>
        %swap3A_178 = arith.index_cast %add3A_153 : i32 to index
        %swap3A_179 = arith.constant 16 : index
        %swap3A_180 = tpu.vector_load %arg19[%swap3A_178, %swap3A_179] {strides = array<i32>} : memref<80x128xf32, #tpu.memory_space<vmem>>, vector<16xf32>,
        tpu.vector_store %arg19[%swap3A_178, %swap3A_179], %mul3A_177 {strides = array<i32>} : memref<80x128xf32, #tpu.memory_space<vmem>>, vector<16xf32>,
        %get3A_181 = arith.index_cast %add3A_153 : i32 to index
        %get3A_182 = arith.constant 32 : index
        %get3A_183 = tpu.vector_load %arg19[%get3A_181, %get3A_182] {strides = array<i32>} : memref<80x128xf32, #tpu.memory_space<vmem>>, vector<16xf32>,
        %get3A_184 = arith.index_cast %add3A_153 : i32 to index
        %get3A_185 = arith.constant 32 : index
        %get3A_186 = tpu.vector_load %arg20[%get3A_184, %get3A_185] {strides = array<i32>} : memref<80x128xf32, #tpu.memory_space<vmem>>, vector<16xf32>,
        %add3A_187 = arith.addf %get3A_183, %get3A_186 : vector<16xf32>
        %mul3A_188 = arith.mulf %gather3A_155, %add3A_187 : vector<16xf32>
        %swap3A_189 = arith.index_cast %add3A_153 : i32 to index
        %swap3A_190 = arith.constant 32 : index
        %swap3A_191 = tpu.vector_load %arg19[%swap3A_189, %swap3A_190] {strides = array<i32>} : memref<80x128xf32, #tpu.memory_space<vmem>>, vector<16xf32>,
        tpu.vector_store %arg19[%swap3A_189, %swap3A_190], %mul3A_188 {strides = array<i32>} : memref<80x128xf32, #tpu.memory_space<vmem>>, vector<16xf32>,
        %get3A_192 = arith.index_cast %add3A_153 : i32 to index
        %get3A_193 = arith.constant 48 : index
        %get3A_194 = tpu.vector_load %arg19[%get3A_192, %get3A_193] {strides = array<i32>} : memref<80x128xf32, #tpu.memory_space<vmem>>, vector<16xf32>,
        %get3A_195 = arith.index_cast %add3A_153 : i32 to index
        %get3A_196 = arith.constant 48 : index
        %get3A_197 = tpu.vector_load %arg20[%get3A_195, %get3A_196] {strides = array<i32>} : memref<80x128xf32, #tpu.memory_space<vmem>>, vector<16xf32>,
        %add3A_198 = arith.addf %get3A_194, %get3A_197 : vector<16xf32>
        %mul3A_199 = arith.mulf %gather3A_155, %add3A_198 : vector<16xf32>
        %swap3A_200 = arith.index_cast %add3A_153 : i32 to index
        %swap3A_201 = arith.constant 48 : index
        %swap3A_202 = tpu.vector_load %arg19[%swap3A_200, %swap3A_201] {strides = array<i32>} : memref<80x128xf32, #tpu.memory_space<vmem>>, vector<16xf32>,
        tpu.vector_store %arg19[%swap3A_200, %swap3A_201], %mul3A_199 {strides = array<i32>} : memref<80x128xf32, #tpu.memory_space<vmem>>, vector<16xf32>,
        %get3A_203 = arith.index_cast %add3A_153 : i32 to index
        %get3A_204 = arith.constant 64 : index
        %get3A_205 = tpu.vector_load %arg19[%get3A_203, %get3A_204] {strides = array<i32>} : memref<80x128xf32, #tpu.memory_space<vmem>>, vector<16xf32>,
        %get3A_206 = arith.index_cast %add3A_153 : i32 to index
        %get3A_207 = arith.constant 64 : index
        %get3A_208 = tpu.vector_load %arg20[%get3A_206, %get3A_207] {strides = array<i32>} : memref<80x128xf32, #tpu.memory_space<vmem>>, vector<16xf32>,
        %add3A_209 = arith.addf %get3A_205, %get3A_208 : vector<16xf32>
        %mul3A_210 = arith.mulf %gather3A_155, %add3A_209 : vector<16xf32>
        %swap3A_211 = arith.index_cast %add3A_153 : i32 to index
        %swap3A_212 = arith.constant 64 : index
        %swap3A_213 = tpu.vector_load %arg19[%swap3A_211, %swap3A_212] {strides = array<i32>} : memref<80x128xf32, #tpu.memory_space<vmem>>, vector<16xf32>,
        tpu.vector_store %arg19[%swap3A_211, %swap3A_212], %mul3A_210 {strides = array<i32>} : memref<80x128xf32, #tpu.memory_space<vmem>>, vector<16xf32>,
        %get3A_214 = arith.index_cast %add3A_153 : i32 to index
        %get3A_215 = arith.constant 80 : index
        %get3A_216 = tpu.vector_load %arg19[%get3A_214, %get3A_215] {strides = array<i32>} : memref<80x128xf32, #tpu.memory_space<vmem>>, vector<16xf32>,
        %get3A_217 = arith.index_cast %add3A_153 : i32 to index
        %get3A_218 = arith.constant 80 : index
        %get3A_219 = tpu.vector_load %arg20[%get3A_217, %get3A_218] {strides = array<i32>} : memref<80x128xf32, #tpu.memory_space<vmem>>, vector<16xf32>,
        %add3A_220 = arith.addf %get3A_216, %get3A_219 : vector<16xf32>
        %mul3A_221 = arith.mulf %gather3A_155, %add3A_220 : vector<16xf32>
        %swap3A_222 = arith.index_cast %add3A_153 : i32 to index
        %swap3A_223 = arith.constant 80 : index
        %swap3A_224 = tpu.vector_load %arg19[%swap3A_222, %swap3A_223] {strides = array<i32>} : memref<80x128xf32, #tpu.memory_space<vmem>>, vector<16xf32>,
        tpu.vector_store %arg19[%swap3A_222, %swap3A_223], %mul3A_221 {strides = array<i32>} : memref<80x128xf32, #tpu.memory_space<vmem>>, vector<16xf32>,
        %get3A_225 = arith.index_cast %add3A_153 : i32 to index
        %get3A_226 = arith.constant 96 : index
        %get3A_227 = tpu.vector_load %arg19[%get3A_225, %get3A_226] {strides = array<i32>} : memref<80x128xf32, #tpu.memory_space<vmem>>, vector<16xf32>,
        %get3A_228 = arith.index_cast %add3A_153 : i32 to index
        %get3A_229 = arith.constant 96 : index
        %get3A_230 = tpu.vector_load %arg20[%get3A_228, %get3A_229] {strides = array<i32>} : memref<80x128xf32, #tpu.memory_space<vmem>>, vector<16xf32>,
        %add3A_231 = arith.addf %get3A_227, %get3A_230 : vector<16xf32>
        %mul3A_232 = arith.mulf %gather3A_155, %add3A_231 : vector<16xf32>
        %swap3A_233 = arith.index_cast %add3A_153 : i32 to index
        %swap3A_234 = arith.constant 96 : index
        %swap3A_235 = tpu.vector_load %arg19[%swap3A_233, %swap3A_234] {strides = array<i32>} : memref<80x128xf32, #tpu.memory_space<vmem>>, vector<16xf32>,
        tpu.vector_store %arg19[%swap3A_233, %swap3A_234], %mul3A_232 {strides = array<i32>} : memref<80x128xf32, #tpu.memory_space<vmem>>, vector<16xf32>,
        %get3A_236 = arith.index_cast %add3A_153 : i32 to index
        %get3A_237 = arith.constant 112 : index
        %get3A_238 = tpu.vector_load %arg19[%get3A_236, %get3A_237] {strides = array<i32>} : memref<80x128xf32, #tpu.memory_space<vmem>>, vector<16xf32>,
        %get3A_239 = arith.index_cast %add3A_153 : i32 to index
        %get3A_240 = arith.constant 112 : index
        %get3A_241 = tpu.vector_load %arg20[%get3A_239, %get3A_240] {strides = array<i32>} : memref<80x128xf32, #tpu.memory_space<vmem>>, vector<16xf32>,
        %add3A_242 = arith.addf %get3A_238, %get3A_241 : vector<16xf32>
        %mul3A_243 = arith.mulf %gather3A_155, %add3A_242 : vector<16xf32>
        %swap3A_244 = arith.index_cast %add3A_153 : i32 to index
        %swap3A_245 = arith.constant 112 : index
        %swap3A_246 = tpu.vector_load %arg19[%swap3A_244, %swap3A_245] {strides = array<i32>} : memref<80x128xf32, #tpu.memory_space<vmem>>, vector<16xf32>,
        tpu.vector_store %arg19[%swap3A_244, %swap3A_245], %mul3A_243 {strides = array<i32>} : memref<80x128xf32, #tpu.memory_space<vmem>>, vector<16xf32>,
        %mul3A_247 = arith.constant 4 : i32
        %mul3A_248 = arith.muli %scan3A_55, %mul3A_247 : i32
        %add3A_249 = arith.constant 2 : i32
        %add3A_250 = arith.addi %mul3A_248, %add3A_249 : i32
        %broadcast_in_dim3A_251 = vector.broadcast %add3A_250 : i32 to vector<16xi32>
        %gather3A_252 = tpu.vector_load_idx %arg15[%broadcast_in_dim3A_251] : memref<80xf32, #tpu.memory_space<vmem>>[vector<16xi32>], vector<16xf32>,
        %swap3A_253 = arith.index_cast %add3A_250 : i32 to index
        %swap3A_254 = arith.constant 0 : index
        %swap3A_255 = tpu.vector_load %arg21[%swap3A_253, %swap3A_254] {strides = array<i32>} : memref<80x16xf32, #tpu.memory_space<vmem>>, vector<16xf32>,
        tpu.vector_store %arg21[%swap3A_253, %swap3A_254], %gather3A_252 {strides = array<i32>} : memref<80x16xf32, #tpu.memory_space<vmem>>, vector<16xf32>,
        %get3A_256 = arith.index_cast %add3A_250 : i32 to index
        %get3A_257 = arith.constant 0 : index
        %get3A_258 = tpu.vector_load %arg19[%get3A_256, %get3A_257] {strides = array<i32>} : memref<80x128xf32, #tpu.memory_space<vmem>>, vector<16xf32>,
        %get3A_259 = arith.index_cast %add3A_250 : i32 to index
        %get3A_260 = arith.constant 0 : index
        %get3A_261 = tpu.vector_load %arg20[%get3A_259, %get3A_260] {strides = array<i32>} : memref<80x128xf32, #tpu.memory_space<vmem>>, vector<16xf32>,
        %add3A_262 = arith.addf %get3A_258, %get3A_261 : vector<16xf32>
        %mul3A_263 = arith.mulf %gather3A_252, %add3A_262 : vector<16xf32>
        %swap3A_264 = arith.index_cast %add3A_250 : i32 to index
        %swap3A_265 = arith.constant 0 : index
        %swap3A_266 = tpu.vector_load %arg19[%swap3A_264, %swap3A_265] {strides = array<i32>} : memref<80x128xf32, #tpu.memory_space<vmem>>, vector<16xf32>,
        tpu.vector_store %arg19[%swap3A_264, %swap3A_265], %mul3A_263 {strides = array<i32>} : memref<80x128xf32, #tpu.memory_space<vmem>>, vector<16xf32>,
        %get3A_267 = arith.index_cast %add3A_250 : i32 to index
        %get3A_268 = arith.constant 16 : index
        %get3A_269 = tpu.vector_load %arg19[%get3A_267, %get3A_268] {strides = array<i32>} : memref<80x128xf32, #tpu.memory_space<vmem>>, vector<16xf32>,
        %get3A_270 = arith.index_cast %add3A_250 : i32 to index
        %get3A_271 = arith.constant 16 : index
        %get3A_272 = tpu.vector_load %arg20[%get3A_270, %get3A_271] {strides = array<i32>} : memref<80x128xf32, #tpu.memory_space<vmem>>, vector<16xf32>,
        %add3A_273 = arith.addf %get3A_269, %get3A_272 : vector<16xf32>
        %mul3A_274 = arith.mulf %gather3A_252, %add3A_273 : vector<16xf32>
        %swap3A_275 = arith.index_cast %add3A_250 : i32 to index
        %swap3A_276 = arith.constant 16 : index
        %swap3A_277 = tpu.vector_load %arg19[%swap3A_275, %swap3A_276] {strides = array<i32>} : memref<80x128xf32, #tpu.memory_space<vmem>>, vector<16xf32>,
        tpu.vector_store %arg19[%swap3A_275, %swap3A_276], %mul3A_274 {strides = array<i32>} : memref<80x128xf32, #tpu.memory_space<vmem>>, vector<16xf32>,
        %get3A_278 = arith.index_cast %add3A_250 : i32 to index
        %get3A_279 = arith.constant 32 : index
        %get3A_280 = tpu.vector_load %arg19[%get3A_278, %get3A_279] {strides = array<i32>} : memref<80x128xf32, #tpu.memory_space<vmem>>, vector<16xf32>,
        %get3A_281 = arith.index_cast %add3A_250 : i32 to index
        %get3A_282 = arith.constant 32 : index
        %get3A_283 = tpu.vector_load %arg20[%get3A_281, %get3A_282] {strides = array<i32>} : memref<80x128xf32, #tpu.memory_space<vmem>>, vector<16xf32>,
        %add3A_284 = arith.addf %get3A_280, %get3A_283 : vector<16xf32>
        %mul3A_285 = arith.mulf %gather3A_252, %add3A_284 : vector<16xf32>
        %swap3A_286 = arith.index_cast %add3A_250 : i32 to index
        %swap3A_287 = arith.constant 32 : index
        %swap3A_288 = tpu.vector_load %arg19[%swap3A_286, %swap3A_287] {strides = array<i32>} : memref<80x128xf32, #tpu.memory_space<vmem>>, vector<16xf32>,
        tpu.vector_store %arg19[%swap3A_286, %swap3A_287], %mul3A_285 {strides = array<i32>} : memref<80x128xf32, #tpu.memory_space<vmem>>, vector<16xf32>,
        %get3A_289 = arith.index_cast %add3A_250 : i32 to index
        %get3A_290 = arith.constant 48 : index
        %get3A_291 = tpu.vector_load %arg19[%get3A_289, %get3A_290] {strides = array<i32>} : memref<80x128xf32, #tpu.memory_space<vmem>>, vector<16xf32>,
        %get3A_292 = arith.index_cast %add3A_250 : i32 to index
        %get3A_293 = arith.constant 48 : index
        %get3A_294 = tpu.vector_load %arg20[%get3A_292, %get3A_293] {strides = array<i32>} : memref<80x128xf32, #tpu.memory_space<vmem>>, vector<16xf32>,
        %add3A_295 = arith.addf %get3A_291, %get3A_294 : vector<16xf32>
        %mul3A_296 = arith.mulf %gather3A_252, %add3A_295 : vector<16xf32>
        %swap3A_297 = arith.index_cast %add3A_250 : i32 to index
        %swap3A_298 = arith.constant 48 : index
        %swap3A_299 = tpu.vector_load %arg19[%swap3A_297, %swap3A_298] {strides = array<i32>} : memref<80x128xf32, #tpu.memory_space<vmem>>, vector<16xf32>,
        tpu.vector_store %arg19[%swap3A_297, %swap3A_298], %mul3A_296 {strides = array<i32>} : memref<80x128xf32, #tpu.memory_space<vmem>>, vector<16xf32>,
        %get3A_300 = arith.index_cast %add3A_250 : i32 to index
        %get3A_301 = arith.constant 64 : index
        %get3A_302 = tpu.vector_load %arg19[%get3A_300, %get3A_301] {strides = array<i32>} : memref<80x128xf32, #tpu.memory_space<vmem>>, vector<16xf32>,
        %get3A_303 = arith.index_cast %add3A_250 : i32 to index
        %get3A_304 = arith.constant 64 : index
        %get3A_305 = tpu.vector_load %arg20[%get3A_303, %get3A_304] {strides = array<i32>} : memref<80x128xf32, #tpu.memory_space<vmem>>, vector<16xf32>,
        %add3A_306 = arith.addf %get3A_302, %get3A_305 : vector<16xf32>
        %mul3A_307 = arith.mulf %gather3A_252, %add3A_306 : vector<16xf32>
        %swap3A_308 = arith.index_cast %add3A_250 : i32 to index
        %swap3A_309 = arith.constant 64 : index
        %swap3A_310 = tpu.vector_load %arg19[%swap3A_308, %swap3A_309] {strides = array<i32>} : memref<80x128xf32, #tpu.memory_space<vmem>>, vector<16xf32>,
        tpu.vector_store %arg19[%swap3A_308, %swap3A_309], %mul3A_307 {strides = array<i32>} : memref<80x128xf32, #tpu.memory_space<vmem>>, vector<16xf32>,
        %get3A_311 = arith.index_cast %add3A_250 : i32 to index
        %get3A_312 = arith.constant 80 : index
        %get3A_313 = tpu.vector_load %arg19[%get3A_311, %get3A_312] {strides = array<i32>} : memref<80x128xf32, #tpu.memory_space<vmem>>, vector<16xf32>,
        %get3A_314 = arith.index_cast %add3A_250 : i32 to index
        %get3A_315 = arith.constant 80 : index
        %get3A_316 = tpu.vector_load %arg20[%get3A_314, %get3A_315] {strides = array<i32>} : memref<80x128xf32, #tpu.memory_space<vmem>>, vector<16xf32>,
        %add3A_317 = arith.addf %get3A_313, %get3A_316 : vector<16xf32>
        %mul3A_318 = arith.mulf %gather3A_252, %add3A_317 : vector<16xf32>
        %swap3A_319 = arith.index_cast %add3A_250 : i32 to index
        %swap3A_320 = arith.constant 80 : index
        %swap3A_321 = tpu.vector_load %arg19[%swap3A_319, %swap3A_320] {strides = array<i32>} : memref<80x128xf32, #tpu.memory_space<vmem>>, vector<16xf32>,
        tpu.vector_store %arg19[%swap3A_319, %swap3A_320], %mul3A_318 {strides = array<i32>} : memref<80x128xf32, #tpu.memory_space<vmem>>, vector<16xf32>,
        %get3A_322 = arith.index_cast %add3A_250 : i32 to index
        %get3A_323 = arith.constant 96 : index
        %get3A_324 = tpu.vector_load %arg19[%get3A_322, %get3A_323] {strides = array<i32>} : memref<80x128xf32, #tpu.memory_space<vmem>>, vector<16xf32>,
        %get3A_325 = arith.index_cast %add3A_250 : i32 to index
        %get3A_326 = arith.constant 96 : index
        %get3A_327 = tpu.vector_load %arg20[%get3A_325, %get3A_326] {strides = array<i32>} : memref<80x128xf32, #tpu.memory_space<vmem>>, vector<16xf32>,
        %add3A_328 = arith.addf %get3A_324, %get3A_327 : vector<16xf32>
        %mul3A_329 = arith.mulf %gather3A_252, %add3A_328 : vector<16xf32>
        %swap3A_330 = arith.index_cast %add3A_250 : i32 to index
        %swap3A_331 = arith.constant 96 : index
        %swap3A_332 = tpu.vector_load %arg19[%swap3A_330, %swap3A_331] {strides = array<i32>} : memref<80x128xf32, #tpu.memory_space<vmem>>, vector<16xf32>,
        tpu.vector_store %arg19[%swap3A_330, %swap3A_331], %mul3A_329 {strides = array<i32>} : memref<80x128xf32, #tpu.memory_space<vmem>>, vector<16xf32>,
        %get3A_333 = arith.index_cast %add3A_250 : i32 to index
        %get3A_334 = arith.constant 112 : index
        %get3A_335 = tpu.vector_load %arg19[%get3A_333, %get3A_334] {strides = array<i32>} : memref<80x128xf32, #tpu.memory_space<vmem>>, vector<16xf32>,
        %get3A_336 = arith.index_cast %add3A_250 : i32 to index
        %get3A_337 = arith.constant 112 : index
        %get3A_338 = tpu.vector_load %arg20[%get3A_336, %get3A_337] {strides = array<i32>} : memref<80x128xf32, #tpu.memory_space<vmem>>, vector<16xf32>,
        %add3A_339 = arith.addf %get3A_335, %get3A_338 : vector<16xf32>
        %mul3A_340 = arith.mulf %gather3A_252, %add3A_339 : vector<16xf32>
        %swap3A_341 = arith.index_cast %add3A_250 : i32 to index
        %swap3A_342 = arith.constant 112 : index
        %swap3A_343 = tpu.vector_load %arg19[%swap3A_341, %swap3A_342] {strides = array<i32>} : memref<80x128xf32, #tpu.memory_space<vmem>>, vector<16xf32>,
        tpu.vector_store %arg19[%swap3A_341, %swap3A_342], %mul3A_340 {strides = array<i32>} : memref<80x128xf32, #tpu.memory_space<vmem>>, vector<16xf32>,
        %mul3A_344 = arith.constant 4 : i32
        %mul3A_345 = arith.muli %scan3A_55, %mul3A_344 : i32
        %add3A_346 = arith.constant 3 : i32
        %add3A_347 = arith.addi %mul3A_345, %add3A_346 : i32
        %broadcast_in_dim3A_348 = vector.broadcast %add3A_347 : i32 to vector<16xi32>
        %gather3A_349 = tpu.vector_load_idx %arg15[%broadcast_in_dim3A_348] : memref<80xf32, #tpu.memory_space<vmem>>[vector<16xi32>], vector<16xf32>,
        %swap3A_350 = arith.index_cast %add3A_347 : i32 to index
        %swap3A_351 = arith.constant 0 : index
        %swap3A_352 = tpu.vector_load %arg21[%swap3A_350, %swap3A_351] {strides = array<i32>} : memref<80x16xf32, #tpu.memory_space<vmem>>, vector<16xf32>,
        tpu.vector_store %arg21[%swap3A_350, %swap3A_351], %gather3A_349 {strides = array<i32>} : memref<80x16xf32, #tpu.memory_space<vmem>>, vector<16xf32>,
        %get3A_353 = arith.index_cast %add3A_347 : i32 to index
        %get3A_354 = arith.constant 0 : index
        %get3A_355 = tpu.vector_load %arg19[%get3A_353, %get3A_354] {strides = array<i32>} : memref<80x128xf32, #tpu.memory_space<vmem>>, vector<16xf32>,
        %get3A_356 = arith.index_cast %add3A_347 : i32 to index
        %get3A_357 = arith.constant 0 : index
        %get3A_358 = tpu.vector_load %arg20[%get3A_356, %get3A_357] {strides = array<i32>} : memref<80x128xf32, #tpu.memory_space<vmem>>, vector<16xf32>,
        %add3A_359 = arith.addf %get3A_355, %get3A_358 : vector<16xf32>
        %mul3A_360 = arith.mulf %gather3A_349, %add3A_359 : vector<16xf32>
        %swap3A_361 = arith.index_cast %add3A_347 : i32 to index
        %swap3A_362 = arith.constant 0 : index
        %swap3A_363 = tpu.vector_load %arg19[%swap3A_361, %swap3A_362] {strides = array<i32>} : memref<80x128xf32, #tpu.memory_space<vmem>>, vector<16xf32>,
        tpu.vector_store %arg19[%swap3A_361, %swap3A_362], %mul3A_360 {strides = array<i32>} : memref<80x128xf32, #tpu.memory_space<vmem>>, vector<16xf32>,
        %get3A_364 = arith.index_cast %add3A_347 : i32 to index
        %get3A_365 = arith.constant 16 : index
        %get3A_366 = tpu.vector_load %arg19[%get3A_364, %get3A_365] {strides = array<i32>} : memref<80x128xf32, #tpu.memory_space<vmem>>, vector<16xf32>,
        %get3A_367 = arith.index_cast %add3A_347 : i32 to index
        %get3A_368 = arith.constant 16 : index
        %get3A_369 = tpu.vector_load %arg20[%get3A_367, %get3A_368] {strides = array<i32>} : memref<80x128xf32, #tpu.memory_space<vmem>>, vector<16xf32>,
        %add3A_370 = arith.addf %get3A_366, %get3A_369 : vector<16xf32>
        %mul3A_371 = arith.mulf %gather3A_349, %add3A_370 : vector<16xf32>
        %swap3A_372 = arith.index_cast %add3A_347 : i32 to index
        %swap3A_373 = arith.constant 16 : index
        %swap3A_374 = tpu.vector_load %arg19[%swap3A_372, %swap3A_373] {strides = array<i32>} : memref<80x128xf32, #tpu.memory_space<vmem>>, vector<16xf32>,
        tpu.vector_store %arg19[%swap3A_372, %swap3A_373], %mul3A_371 {strides = array<i32>} : memref<80x128xf32, #tpu.memory_space<vmem>>, vector<16xf32>,
        %get3A_375 = arith.index_cast %add3A_347 : i32 to index
        %get3A_376 = arith.constant 32 : index
        %get3A_377 = tpu.vector_load %arg19[%get3A_375, %get3A_376] {strides = array<i32>} : memref<80x128xf32, #tpu.memory_space<vmem>>, vector<16xf32>,
        %get3A_378 = arith.index_cast %add3A_347 : i32 to index
        %get3A_379 = arith.constant 32 : index
        %get3A_380 = tpu.vector_load %arg20[%get3A_378, %get3A_379] {strides = array<i32>} : memref<80x128xf32, #tpu.memory_space<vmem>>, vector<16xf32>,
        %add3A_381 = arith.addf %get3A_377, %get3A_380 : vector<16xf32>
        %mul3A_382 = arith.mulf %gather3A_349, %add3A_381 : vector<16xf32>
        %swap3A_383 = arith.index_cast %add3A_347 : i32 to index
        %swap3A_384 = arith.constant 32 : index
        %swap3A_385 = tpu.vector_load %arg19[%swap3A_383, %swap3A_384] {strides = array<i32>} : memref<80x128xf32, #tpu.memory_space<vmem>>, vector<16xf32>,
        tpu.vector_store %arg19[%swap3A_383, %swap3A_384], %mul3A_382 {strides = array<i32>} : memref<80x128xf32, #tpu.memory_space<vmem>>, vector<16xf32>,
        %get3A_386 = arith.index_cast %add3A_347 : i32 to index
        %get3A_387 = arith.constant 48 : index
        %get3A_388 = tpu.vector_load %arg19[%get3A_386, %get3A_387] {strides = array<i32>} : memref<80x128xf32, #tpu.memory_space<vmem>>, vector<16xf32>,
        %get3A_389 = arith.index_cast %add3A_347 : i32 to index
        %get3A_390 = arith.constant 48 : index
        %get3A_391 = tpu.vector_load %arg20[%get3A_389, %get3A_390] {strides = array<i32>} : memref<80x128xf32, #tpu.memory_space<vmem>>, vector<16xf32>,
        %add3A_392 = arith.addf %get3A_388, %get3A_391 : vector<16xf32>
        %mul3A_393 = arith.mulf %gather3A_349, %add3A_392 : vector<16xf32>
        %swap3A_394 = arith.index_cast %add3A_347 : i32 to index
        %swap3A_395 = arith.constant 48 : index
        %swap3A_396 = tpu.vector_load %arg19[%swap3A_394, %swap3A_395] {strides = array<i32>} : memref<80x128xf32, #tpu.memory_space<vmem>>, vector<16xf32>,
        tpu.vector_store %arg19[%swap3A_394, %swap3A_395], %mul3A_393 {strides = array<i32>} : memref<80x128xf32, #tpu.memory_space<vmem>>, vector<16xf32>,
        %get3A_397 = arith.index_cast %add3A_347 : i32 to index
        %get3A_398 = arith.constant 64 : index
        %get3A_399 = tpu.vector_load %arg19[%get3A_397, %get3A_398] {strides = array<i32>} : memref<80x128xf32, #tpu.memory_space<vmem>>, vector<16xf32>,
        %get3A_400 = arith.index_cast %add3A_347 : i32 to index
        %get3A_401 = arith.constant 64 : index
        %get3A_402 = tpu.vector_load %arg20[%get3A_400, %get3A_401] {strides = array<i32>} : memref<80x128xf32, #tpu.memory_space<vmem>>, vector<16xf32>,
        %add3A_403 = arith.addf %get3A_399, %get3A_402 : vector<16xf32>
        %mul3A_404 = arith.mulf %gather3A_349, %add3A_403 : vector<16xf32>
        %swap3A_405 = arith.index_cast %add3A_347 : i32 to index
        %swap3A_406 = arith.constant 64 : index
        %swap3A_407 = tpu.vector_load %arg19[%swap3A_405, %swap3A_406] {strides = array<i32>} : memref<80x128xf32, #tpu.memory_space<vmem>>, vector<16xf32>,
        tpu.vector_store %arg19[%swap3A_405, %swap3A_406], %mul3A_404 {strides = array<i32>} : memref<80x128xf32, #tpu.memory_space<vmem>>, vector<16xf32>,
        %get3A_408 = arith.index_cast %add3A_347 : i32 to index
        %get3A_409 = arith.constant 80 : index
        %get3A_410 = tpu.vector_load %arg19[%get3A_408, %get3A_409] {strides = array<i32>} : memref<80x128xf32, #tpu.memory_space<vmem>>, vector<16xf32>,
        %get3A_411 = arith.index_cast %add3A_347 : i32 to index
        %get3A_412 = arith.constant 80 : index
        %get3A_413 = tpu.vector_load %arg20[%get3A_411, %get3A_412] {strides = array<i32>} : memref<80x128xf32, #tpu.memory_space<vmem>>, vector<16xf32>,
        %add3A_414 = arith.addf %get3A_410, %get3A_413 : vector<16xf32>
        %mul3A_415 = arith.mulf %gather3A_349, %add3A_414 : vector<16xf32>
        %swap3A_416 = arith.index_cast %add3A_347 : i32 to index
        %swap3A_417 = arith.constant 80 : index
        %swap3A_418 = tpu.vector_load %arg19[%swap3A_416, %swap3A_417] {strides = array<i32>} : memref<80x128xf32, #tpu.memory_space<vmem>>, vector<16xf32>,
        tpu.vector_store %arg19[%swap3A_416, %swap3A_417], %mul3A_415 {strides = array<i32>} : memref<80x128xf32, #tpu.memory_space<vmem>>, vector<16xf32>,
        %get3A_419 = arith.index_cast %add3A_347 : i32 to index
        %get3A_420 = arith.constant 96 : index
        %get3A_421 = tpu.vector_load %arg19[%get3A_419, %get3A_420] {strides = array<i32>} : memref<80x128xf32, #tpu.memory_space<vmem>>, vector<16xf32>,
        %get3A_422 = arith.index_cast %add3A_347 : i32 to index
        %get3A_423 = arith.constant 96 : index
        %get3A_424 = tpu.vector_load %arg20[%get3A_422, %get3A_423] {strides = array<i32>} : memref<80x128xf32, #tpu.memory_space<vmem>>, vector<16xf32>,
        %add3A_425 = arith.addf %get3A_421, %get3A_424 : vector<16xf32>
        %mul3A_426 = arith.mulf %gather3A_349, %add3A_425 : vector<16xf32>
        %swap3A_427 = arith.index_cast %add3A_347 : i32 to index
        %swap3A_428 = arith.constant 96 : index
        %swap3A_429 = tpu.vector_load %arg19[%swap3A_427, %swap3A_428] {strides = array<i32>} : memref<80x128xf32, #tpu.memory_space<vmem>>, vector<16xf32>,
        tpu.vector_store %arg19[%swap3A_427, %swap3A_428], %mul3A_426 {strides = array<i32>} : memref<80x128xf32, #tpu.memory_space<vmem>>, vector<16xf32>,
        %get3A_430 = arith.index_cast %add3A_347 : i32 to index
        %get3A_431 = arith.constant 112 : index
        %get3A_432 = tpu.vector_load %arg19[%get3A_430, %get3A_431] {strides = array<i32>} : memref<80x128xf32, #tpu.memory_space<vmem>>, vector<16xf32>,
        %get3A_433 = arith.index_cast %add3A_347 : i32 to index
        %get3A_434 = arith.constant 112 : index
        %get3A_435 = tpu.vector_load %arg20[%get3A_433, %get3A_434] {strides = array<i32>} : memref<80x128xf32, #tpu.memory_space<vmem>>, vector<16xf32>,
        %add3A_436 = arith.addf %get3A_432, %get3A_435 : vector<16xf32>
        %mul3A_437 = arith.mulf %gather3A_349, %add3A_436 : vector<16xf32>
        %swap3A_438 = arith.index_cast %add3A_347 : i32 to index
        %swap3A_439 = arith.constant 112 : index
        %swap3A_440 = tpu.vector_load %arg19[%swap3A_438, %swap3A_439] {strides = array<i32>} : memref<80x128xf32, #tpu.memory_space<vmem>>, vector<16xf32>,
        tpu.vector_store %arg19[%swap3A_438, %swap3A_439], %mul3A_437 {strides = array<i32>} : memref<80x128xf32, #tpu.memory_space<vmem>>, vector<16xf32>,
        %scan3A_441 = arith.constant 0 : i32
        scf.yield %scan3A_441 : i32
      }
      %scan3A_53 = arith.constant 20 : i32
      "tpu.region"() ({
        %run_scoped3A = tpu.sem_alloc : memref<!tpu.dma_semaphore, #tpu.memory_space<semaphore_mem>>
        %dma_start3A_55 = arith.constant 0 : i32
        %dma_start3A_56 = arith.constant 0 : i32
        %dma_start3A_57 = tpu.memref_slice %arg22[%dma_start3A_55, %dma_start3A_56] : memref<5120x128xf32, #tpu.memory_space<vmem_shared>> -> memref<5120x128xf32, #tpu.memory_space<vmem_shared>>
        tpu.enqueue_indirect_dma source(%arg19 : memref<80x128xf32, #tpu.memory_space<vmem>>) target(%dma_start3A_57 : memref<5120x128xf32, #tpu.memory_space<vmem_shared>>) offsets(%arg18 : memref<80xi32, #tpu.memory_space<vmem>>) semaphore(%run_scoped3A : memref<!tpu.dma_semaphore, #tpu.memory_space<semaphore_mem>>) {add = true}
        %dma_wait3A_58 = arith.constant 0 : i32
        %dma_wait3A_59 = arith.constant 0 : i32
        %dma_wait3A_60 = tpu.memref_slice %arg22[%dma_wait3A_58, %dma_wait3A_59] : memref<5120x128xf32, #tpu.memory_space<vmem_shared>> -> memref<5120x128xf32, #tpu.memory_space<vmem_shared>>
        tpu.wait_indirect_dma semaphore(%run_scoped3A : memref<!tpu.dma_semaphore, #tpu.memory_space<semaphore_mem>>) src(%arg19 : memref<80x128xf32, #tpu.memory_space<vmem>>) dst(%dma_wait3A_60 : memref<5120x128xf32, #tpu.memory_space<vmem_shared>>)
        tpu.yield
      }) : () -> ()
      "tpu.region"() ({
        %run_scoped3A = tpu.sem_alloc : memref<!tpu.dma_semaphore, #tpu.memory_space<semaphore_mem>>
        %dma_start3A_55 = arith.constant 0 : i32
        %dma_start3A_56 = arith.constant 0 : i32
        %dma_start3A_57 = tpu.memref_slice %arg23[%dma_start3A_55, %dma_start3A_56] : memref<5120x16xf32, #tpu.memory_space<vmem_shared>> -> memref<5120x16xf32, #tpu.memory_space<vmem_shared>>
        tpu.enqueue_indirect_dma source(%arg21 : memref<80x16xf32, #tpu.memory_space<vmem>>) target(%dma_start3A_57 : memref<5120x16xf32, #tpu.memory_space<vmem_shared>>) offsets(%arg18 : memref<80xi32, #tpu.memory_space<vmem>>) semaphore(%run_scoped3A : memref<!tpu.dma_semaphore, #tpu.memory_space<semaphore_mem>>) {add = true}
        %dma_wait3A_58 = arith.constant 0 : i32
        %dma_wait3A_59 = arith.constant 0 : i32
        %dma_wait3A_60 = tpu.memref_slice %arg23[%dma_wait3A_58, %dma_wait3A_59] : memref<5120x16xf32, #tpu.memory_space<vmem_shared>> -> memref<5120x16xf32, #tpu.memory_space<vmem_shared>>
        tpu.wait_indirect_dma semaphore(%run_scoped3A : memref<!tpu.dma_semaphore, #tpu.memory_space<semaphore_mem>>) src(%arg21 : memref<80x16xf32, #tpu.memory_space<vmem>>) dst(%dma_wait3A_60 : memref<5120x16xf32, #tpu.memory_space<vmem_shared>>)
        tpu.yield
      }) : () -> ()
      %scan3A_54 = arith.constant 0 : i32
      scf.yield %scan3A_54 : i32
    }
    %scan3A_16 = arith.constant 250 : i32
    %barrier3A_17 = arith.constant 0 : index
    tpu.barrier barrier_id(%barrier3A_17)
    %mul3A_18 = arith.constant 320 : i32
    %mul3A_19 = arith.muli %arg1, %mul3A_18 : i32
    %mul3A_20 = arith.constant 320 : i32
    %mul3A_21 = arith.muli %arg1, %mul3A_20 : i32
    "tpu.region"() ({
      %run_scoped3A = tpu.sem_alloc : memref<!tpu.dma_semaphore, #tpu.memory_space<semaphore_mem>>
      %dma_start3A = arith.constant 0 : i32
      %dma_start3A_26 = tpu.memref_slice %arg9[%arg0, %mul3A_21, %dma_start3A] : memref<2x5120x128xf32, #tpu.memory_space<hbm>> -> memref<1x320x128xf32, #tpu.memory_space<hbm>>
      %dma_start3A_27 = tpu.memref_squeeze %dma_start3A_26 : memref<1x320x128xf32, #tpu.memory_space<hbm>> -> memref<320x128xf32, #tpu.memory_space<hbm>>
      %dma_start3A_28 = arith.constant 0 : i32
      %dma_start3A_29 = tpu.memref_slice %arg22[%mul3A_19, %dma_start3A_28] : memref<5120x128xf32, #tpu.memory_space<vmem_shared>> -> memref<320x128xf32, #tpu.memory_space<vmem_shared>>
      tpu.enqueue_dma source(%dma_start3A_29 : memref<320x128xf32, #tpu.memory_space<vmem_shared>>) target(%dma_start3A_27 : memref<320x128xf32, #tpu.memory_space<hbm>>) target_semaphore(%run_scoped3A : memref<!tpu.dma_semaphore, #tpu.memory_space<semaphore_mem>>)
      %dma_wait3A = arith.constant 0 : i32
      %dma_wait3A_30 = tpu.memref_slice %arg9[%arg0, %mul3A_21, %dma_wait3A] : memref<2x5120x128xf32, #tpu.memory_space<hbm>> -> memref<1x320x128xf32, #tpu.memory_space<hbm>>
      %dma_wait3A_31 = tpu.memref_squeeze %dma_wait3A_30 : memref<1x320x128xf32, #tpu.memory_space<hbm>> -> memref<320x128xf32, #tpu.memory_space<hbm>>
      %dma_wait3A_32 = arith.constant 0 : i32
      %dma_wait3A_33 = tpu.memref_slice %arg22[%mul3A_19, %dma_wait3A_32] : memref<5120x128xf32, #tpu.memory_space<vmem_shared>> -> memref<320x128xf32, #tpu.memory_space<vmem_shared>>
      tpu.wait_dma2 semaphore(%run_scoped3A : memref<!tpu.dma_semaphore, #tpu.memory_space<semaphore_mem>>) src(%dma_wait3A_33 : memref<320x128xf32, #tpu.memory_space<vmem_shared>>) dst(%dma_wait3A_31 : memref<320x128xf32, #tpu.memory_space<hbm>>)
      tpu.yield
    }) : () -> ()
    %mul3A_22 = arith.constant 320 : i32
    %mul3A_23 = arith.muli %arg1, %mul3A_22 : i32
    %mul3A_24 = arith.constant 320 : i32
    %mul3A_25 = arith.muli %arg1, %mul3A_24 : i32
    "tpu.region"() ({
      %run_scoped3A = tpu.sem_alloc : memref<!tpu.dma_semaphore, #tpu.memory_space<semaphore_mem>>
      %dma_start3A = arith.constant 0 : i32
      %dma_start3A_26 = tpu.memref_slice %arg10[%arg0, %mul3A_25, %dma_start3A] : memref<2x5120x16xf32, #tpu.memory_space<hbm>> -> memref<1x320x16xf32, #tpu.memory_space<hbm>>
      %dma_start3A_27 = tpu.memref_squeeze %dma_start3A_26 : memref<1x320x16xf32, #tpu.memory_space<hbm>> -> memref<320x16xf32, #tpu.memory_space<hbm>>
      %dma_start3A_28 = arith.constant 0 : i32
      %dma_start3A_29 = tpu.memref_slice %arg23[%mul3A_23, %dma_start3A_28] : memref<5120x16xf32, #tpu.memory_space<vmem_shared>> -> memref<320x16xf32, #tpu.memory_space<vmem_shared>>
      tpu.enqueue_dma source(%dma_start3A_29 : memref<320x16xf32, #tpu.memory_space<vmem_shared>>) target(%dma_start3A_27 : memref<320x16xf32, #tpu.memory_space<hbm>>) target_semaphore(%run_scoped3A : memref<!tpu.dma_semaphore, #tpu.memory_space<semaphore_mem>>)
      %dma_wait3A = arith.constant 0 : i32
      %dma_wait3A_30 = tpu.memref_slice %arg10[%arg0, %mul3A_25, %dma_wait3A] : memref<2x5120x16xf32, #tpu.memory_space<hbm>> -> memref<1x320x16xf32, #tpu.memory_space<hbm>>
      %dma_wait3A_31 = tpu.memref_squeeze %dma_wait3A_30 : memref<1x320x16xf32, #tpu.memory_space<hbm>> -> memref<320x16xf32, #tpu.memory_space<hbm>>
      %dma_wait3A_32 = arith.constant 0 : i32
      %dma_wait3A_33 = tpu.memref_slice %arg23[%mul3A_23, %dma_wait3A_32] : memref<5120x16xf32, #tpu.memory_space<vmem_shared>> -> memref<320x16xf32, #tpu.memory_space<vmem_shared>>
      tpu.wait_dma2 semaphore(%run_scoped3A : memref<!tpu.dma_semaphore, #tpu.memory_space<semaphore_mem>>) src(%dma_wait3A_33 : memref<320x16xf32, #tpu.memory_space<vmem_shared>>) dst(%dma_wait3A_31 : memref<320x16xf32, #tpu.memory_space<hbm>>)
      tpu.yield
    }) : () -> ()
    return
  }
}

module attributes {stable_mosaic.version = 14 : i64} {
  func.func @body(%arg0: memref<500x512xf32, #tpu.memory_space<vmem>>, %arg1: memref<512x64xf32, #tpu.memory_space<vmem>>, %arg2: memref<500x64xf32, #tpu.memory_space<vmem>>) attributes {dimension_semantics = [], scalar_prefetch = 0 : i64, scratch_operands = 0 : i64, tpu.core_type = #tpu.core_type<tc>} {
    %get3A = arith.constant 0 : index
    %get3A_0 = arith.constant 0 : index
    %get3A_1 = vector.load %arg0[%get3A, %get3A_0] : memref<500x512xf32, #tpu.memory_space<vmem>>, vector<500x512xf32>
    %get3A_2 = arith.constant 0 : index
    %get3A_3 = arith.constant 0 : index
    %get3A_4 = vector.load %arg1[%get3A_2, %get3A_3] : memref<512x64xf32, #tpu.memory_space<vmem>>, vector<512x64xf32>
    %dot_general3A = arith.constant dense<0.000000e+00> : vector<500x64xf32>
    %dot_general3A_5 = tpu.matmul %get3A_1, %get3A_4, %dot_general3A {dimension_numbers = #tpu.dot_dimension_numbers<[1], [0], [0], [1], [0, 0, 1, 1], [], []>, transpose_lhs_hint = false} : vector<500x512xf32>, vector<512x64xf32>, vector<500x64xf32> -> vector<500x64xf32>
    %swap3A = arith.constant 0 : index
    %swap3A_6 = arith.constant 0 : index
    %swap3A_7 = vector.load %arg2[%swap3A, %swap3A_6] : memref<500x64xf32, #tpu.memory_space<vmem>>, vector<500x64xf32>
    tpu.vector_store %arg2[%swap3A, %swap3A_6], %dot_general3A_5 {strides = array<i32>} : memref<500x64xf32, #tpu.memory_space<vmem>>, vector<500x64xf32>,
    return
  }
}

module attributes {stable_mosaic.version = 14 : i64} {
  func.func @body(%arg0: memref<500x64xf32, #tpu.memory_space<vmem>>, %arg1: memref<10000x128xf32, #tpu.memory_space<vmem>>, %arg2: memref<64x128xf32, #tpu.memory_space<vmem>>, %arg3: memref<128x128xf32, #tpu.memory_space<vmem>>, %arg4: memref<50x128xf32, #tpu.memory_space<vmem>>, %arg5: memref<128xf32, #tpu.memory_space<vmem>>, %arg6: memref<128xf32, #tpu.memory_space<vmem>>, %arg7: memref<128xf32, #tpu.memory_space<vmem>>, %arg8: memref<40x50xf32, #tpu.memory_space<vmem>>, %arg9: memref<544x128xf32, #tpu.memory_space<vmem>>, %arg10: memref<512x1xf32, #tpu.memory_space<vmem>>, %arg11: memref<10000x1xf32, #tpu.memory_space<vmem>>, %arg12: memref<48x1xf32, #tpu.memory_space<vmem>>) attributes {dimension_semantics = [], scalar_prefetch = 0 : i64, scratch_operands = 0 : i64, tpu.core_type = #tpu.core_type<tc>} {
    %get3A = arith.constant 0 : index
    %get3A_0 = arith.constant 0 : index
    %get3A_1 = vector.load %arg0[%get3A, %get3A_0] : memref<500x64xf32, #tpu.memory_space<vmem>>, vector<500x64xf32>
    %get3A_2 = arith.constant 0 : index
    %get3A_3 = arith.constant 0 : index
    %get3A_4 = vector.load %arg2[%get3A_2, %get3A_3] : memref<64x128xf32, #tpu.memory_space<vmem>>, vector<64x128xf32>
    %dot_general3A = arith.constant dense<0.000000e+00> : vector<500x128xf32>
    %dot_general3A_5 = tpu.matmul %get3A_1, %get3A_4, %dot_general3A {dimension_numbers = #tpu.dot_dimension_numbers<[1], [0], [0], [1], [0, 0, 1, 1], [], []>, transpose_lhs_hint = false} : vector<500x64xf32>, vector<64x128xf32>, vector<500x128xf32> -> vector<500x128xf32>
    %get3A_6 = arith.constant 0 : index
    %get3A_7 = arith.constant 0 : index
    %get3A_8 = vector.load %arg8[%get3A_6, %get3A_7] : memref<40x50xf32, #tpu.memory_space<vmem>>, vector<40x50xf32>
    %get3A_9 = arith.constant 0 : index
    %get3A_10 = arith.constant 0 : index
    %get3A_11 = vector.load %arg4[%get3A_9, %get3A_10] : memref<50x128xf32, #tpu.memory_space<vmem>>, vector<50x128xf32>
    %dot_general3A_12 = arith.constant dense<0.000000e+00> : vector<40x128xf32>
    %dot_general3A_13 = tpu.matmul %get3A_8, %get3A_11, %dot_general3A_12 {dimension_numbers = #tpu.dot_dimension_numbers<[1], [0], [0], [1], [0, 0, 1, 1], [], []>, transpose_lhs_hint = false} : vector<40x50xf32>, vector<50x128xf32>, vector<40x128xf32> -> vector<40x128xf32>
    %get3A_14 = arith.constant 0 : index
    %get3A_15 = vector.load %arg5[%get3A_14] : memref<128xf32, #tpu.memory_space<vmem>>, vector<128xf32>
    %broadcast_in_dim3A = vector.shape_cast %get3A_15 : vector<128xf32> to vector<128x1xf32>
    %dot_general3A_16 = arith.constant dense<0.000000e+00> : vector<500x1xf32>
    %dot_general3A_17 = tpu.matmul %dot_general3A_5, %broadcast_in_dim3A, %dot_general3A_16 {dimension_numbers = #tpu.dot_dimension_numbers<[1], [0], [0], [1], [0, 0, 1, 1], [], []>, transpose_lhs_hint = false} : vector<500x128xf32>, vector<128x1xf32>, vector<500x1xf32> -> vector<500x1xf32>
    %get3A_18 = arith.constant 0 : index
    %get3A_19 = arith.constant 0 : index
    %get3A_20 = vector.load %arg3[%get3A_18, %get3A_19] : memref<128x128xf32, #tpu.memory_space<vmem>>, vector<128x128xf32>
    %get3A_21 = arith.constant 0 : index
    %get3A_22 = vector.load %arg6[%get3A_21] : memref<128xf32, #tpu.memory_space<vmem>>, vector<128xf32>
    %broadcast_in_dim3A_23 = vector.shape_cast %get3A_22 : vector<128xf32> to vector<128x1xf32>
    %dot_general3A_24 = arith.constant dense<0.000000e+00> : vector<128x1xf32>
    %dot_general3A_25 = tpu.matmul %get3A_20, %broadcast_in_dim3A_23, %dot_general3A_24 {dimension_numbers = #tpu.dot_dimension_numbers<[1], [0], [0], [1], [0, 0, 1, 1], [], []>, transpose_lhs_hint = false} : vector<128x128xf32>, vector<128x1xf32>, vector<128x1xf32> -> vector<128x1xf32>
    %get3A_26 = arith.constant 0 : index
    %get3A_27 = arith.constant 0 : index
    %get3A_28 = vector.load %arg1[%get3A_26, %get3A_27] : memref<10000x128xf32, #tpu.memory_space<vmem>>, vector<10000x128xf32>
    %dot_general3A_29 = arith.constant dense<0.000000e+00> : vector<10000x1xf32>
    %dot_general3A_30 = tpu.matmul %get3A_28, %dot_general3A_25, %dot_general3A_29 {dimension_numbers = #tpu.dot_dimension_numbers<[1], [0], [0], [1], [0, 0, 1, 1], [], []>, transpose_lhs_hint = false} : vector<10000x128xf32>, vector<128x1xf32>, vector<10000x1xf32> -> vector<10000x1xf32>
    %get3A_31 = arith.constant 0 : index
    %get3A_32 = vector.load %arg7[%get3A_31] : memref<128xf32, #tpu.memory_space<vmem>>, vector<128xf32>
    %broadcast_in_dim3A_33 = vector.shape_cast %get3A_32 : vector<128xf32> to vector<128x1xf32>
    %dot_general3A_34 = arith.constant dense<0.000000e+00> : vector<40x1xf32>
    %dot_general3A_35 = tpu.matmul %dot_general3A_13, %broadcast_in_dim3A_33, %dot_general3A_34 {dimension_numbers = #tpu.dot_dimension_numbers<[1], [0], [0], [1], [0, 0, 1, 1], [], []>, transpose_lhs_hint = false} : vector<40x128xf32>, vector<128x1xf32>, vector<40x1xf32> -> vector<40x1xf32>
    %broadcast_in_dim3A_36 = arith.constant 0.000000e+00 : f32
    %broadcast_in_dim3A_37 = vector.broadcast %broadcast_in_dim3A_36 : f32 to vector<4x128xf32>
    %concatenate3A = tpu.concatenate %dot_general3A_5, %dot_general3A_13, %broadcast_in_dim3A_37 in 0 : vector<500x128xf32>, vector<40x128xf32>, vector<4x128xf32> -> vector<544x128xf32>
    %swap3A = arith.constant 0 : index
    %swap3A_38 = arith.constant 0 : index
    %swap3A_39 = vector.load %arg9[%swap3A, %swap3A_38] : memref<544x128xf32, #tpu.memory_space<vmem>>, vector<544x128xf32>
    tpu.vector_store %arg9[%swap3A, %swap3A_38], %concatenate3A {strides = array<i32>} : memref<544x128xf32, #tpu.memory_space<vmem>>, vector<544x128xf32>,
    %broadcast_in_dim3A_40 = arith.constant 0.000000e+00 : f32
    %broadcast_in_dim3A_41 = vector.broadcast %broadcast_in_dim3A_40 : f32 to vector<12x1xf32>
    %concatenate3A_42 = tpu.concatenate %dot_general3A_17, %broadcast_in_dim3A_41 in 0 : vector<500x1xf32>, vector<12x1xf32> -> vector<512x1xf32>
    %swap3A_43 = arith.constant 0 : index
    %swap3A_44 = arith.constant 0 : index
    %swap3A_45 = vector.load %arg10[%swap3A_43, %swap3A_44] : memref<512x1xf32, #tpu.memory_space<vmem>>, vector<512x1xf32>
    tpu.vector_store %arg10[%swap3A_43, %swap3A_44], %concatenate3A_42 {strides = array<i32>} : memref<512x1xf32, #tpu.memory_space<vmem>>, vector<512x1xf32>,
    %swap3A_46 = arith.constant 0 : index
    %swap3A_47 = arith.constant 0 : index
    %swap3A_48 = vector.load %arg11[%swap3A_46, %swap3A_47] : memref<10000x1xf32, #tpu.memory_space<vmem>>, vector<10000x1xf32>
    tpu.vector_store %arg11[%swap3A_46, %swap3A_47], %dot_general3A_30 {strides = array<i32>} : memref<10000x1xf32, #tpu.memory_space<vmem>>, vector<10000x1xf32>,
    %broadcast_in_dim3A_49 = arith.constant 0.000000e+00 : f32
    %broadcast_in_dim3A_50 = vector.broadcast %broadcast_in_dim3A_49 : f32 to vector<8x1xf32>
    %concatenate3A_51 = tpu.concatenate %dot_general3A_35, %broadcast_in_dim3A_50 in 0 : vector<40x1xf32>, vector<8x1xf32> -> vector<48x1xf32>
    %swap3A_52 = arith.constant 0 : index
    %swap3A_53 = arith.constant 0 : index
    %swap3A_54 = vector.load %arg12[%swap3A_52, %swap3A_53] : memref<48x1xf32, #tpu.memory_space<vmem>>, vector<48x1xf32>
    tpu.vector_store %arg12[%swap3A_52, %swap3A_53], %concatenate3A_51 {strides = array<i32>} : memref<48x1xf32, #tpu.memory_space<vmem>>, vector<48x1xf32>,
    return
  }
}

module attributes {stable_mosaic.version = 14 : i64} {
  func.func @body(%arg0: memref<2x5120x128xf32, #tpu.memory_space<vmem>>, %arg1: memref<2x5120x16xf32, #tpu.memory_space<vmem>>, %arg2: memref<128x256xf32, #tpu.memory_space<vmem>>, %arg3: memref<256x128xf32, #tpu.memory_space<vmem>>, %arg4: memref<10240x128xf32, #tpu.memory_space<vmem>>) attributes {dimension_semantics = [], scalar_prefetch = 0 : i64, scratch_operands = 0 : i64, tpu.core_type = #tpu.core_type<tc>} {
    %get3A = arith.constant 0 : index
    %get3A_0 = arith.constant 0 : index
    %get3A_1 = arith.constant 0 : index
    %get3A_2 = vector.load %arg0[%get3A, %get3A_0, %get3A_1] : memref<2x5120x128xf32, #tpu.memory_space<vmem>>, vector<1x5120x128xf32>
    %get3A_3 = vector.shape_cast %get3A_2 : vector<1x5120x128xf32> to vector<5120x128xf32>
    %get3A_4 = arith.constant 1 : index
    %get3A_5 = arith.constant 0 : index
    %get3A_6 = arith.constant 0 : index
    %get3A_7 = vector.load %arg0[%get3A_4, %get3A_5, %get3A_6] : memref<2x5120x128xf32, #tpu.memory_space<vmem>>, vector<1x5120x128xf32>
    %get3A_8 = vector.shape_cast %get3A_7 : vector<1x5120x128xf32> to vector<5120x128xf32>
    %concatenate3A = tpu.concatenate %get3A_3, %get3A_8 in 0 : vector<5120x128xf32>, vector<5120x128xf32> -> vector<10240x128xf32>
    %get3A_9 = arith.constant 0 : index
    %get3A_10 = arith.constant 0 : index
    %get3A_11 = arith.constant 0 : index
    %get3A_12 = vector.load %arg1[%get3A_9, %get3A_10, %get3A_11] : memref<2x5120x16xf32, #tpu.memory_space<vmem>>, vector<1x5120x16xf32>
    %get3A_13 = vector.shape_cast %get3A_12 : vector<1x5120x16xf32> to vector<5120x16xf32>
    %get3A_14 = arith.constant 1 : index
    %get3A_15 = arith.constant 0 : index
    %get3A_16 = arith.constant 0 : index
    %get3A_17 = vector.load %arg1[%get3A_14, %get3A_15, %get3A_16] : memref<2x5120x16xf32, #tpu.memory_space<vmem>>, vector<1x5120x16xf32>
    %get3A_18 = vector.shape_cast %get3A_17 : vector<1x5120x16xf32> to vector<5120x16xf32>
    %concatenate3A_19 = tpu.concatenate %get3A_13, %get3A_18 in 0 : vector<5120x16xf32>, vector<5120x16xf32> -> vector<10240x16xf32>
    %slice3A = vector.extract_strided_slice %concatenate3A_19 {offsets = [0, 0], sizes = [10240, 1], strides = [1, 1]} : vector<10240x16xf32> to vector<10240x1xf32>
    %add3A = arith.constant 9.99999971E-10 : f32
    %add3A_20 = vector.broadcast %add3A : f32 to vector<10240x1xf32>
    %add3A_21 = arith.addf %slice3A, %add3A_20 : vector<10240x1xf32>
    %div3A = vector.broadcast %add3A_21 : vector<10240x1xf32> to vector<10240x128xf32>
    %div3A_22 = arith.divf %concatenate3A, %div3A : vector<10240x128xf32>
    %gt3A = arith.constant 0.000000e+00 : f32
    %gt3A_23 = vector.broadcast %gt3A : f32 to vector<10240x128xf32>
    %gt3A_24 = arith.cmpf ogt, %div3A_22, %gt3A_23 : vector<10240x128xf32>
    %exp3A = math.exp %div3A_22 : vector<10240x128xf32>
    %sub3A = arith.constant 1.000000e+00 : f32
    %sub3A_25 = vector.broadcast %sub3A : f32 to vector<10240x128xf32>
    %sub3A_26 = arith.subf %exp3A, %sub3A_25 : vector<10240x128xf32>
    %select_n3A = arith.select %gt3A_24, %div3A_22, %sub3A_26 : vector<10240x128xi1>, vector<10240x128xf32>
    %get3A_27 = arith.constant 0 : index
    %get3A_28 = arith.constant 0 : index
    %get3A_29 = vector.load %arg2[%get3A_27, %get3A_28] : memref<128x256xf32, #tpu.memory_space<vmem>>, vector<128x256xf32>
    %dot_general3A = arith.constant dense<0.000000e+00> : vector<10240x256xf32>
    %dot_general3A_30 = tpu.matmul %select_n3A, %get3A_29, %dot_general3A {dimension_numbers = #tpu.dot_dimension_numbers<[1], [0], [0], [1], [0, 0, 1, 1], [], []>, transpose_lhs_hint = false} : vector<10240x128xf32>, vector<128x256xf32>, vector<10240x256xf32> -> vector<10240x256xf32>
    %max3A = arith.constant 0.000000e+00 : f32
    %max3A_31 = vector.broadcast %max3A : f32 to vector<10240x256xf32>
    %max3A_32 = arith.maximumf %dot_general3A_30, %max3A_31 : vector<10240x256xf32>
    %get3A_33 = arith.constant 0 : index
    %get3A_34 = arith.constant 0 : index
    %get3A_35 = vector.load %arg3[%get3A_33, %get3A_34] : memref<256x128xf32, #tpu.memory_space<vmem>>, vector<256x128xf32>
    %dot_general3A_36 = arith.constant dense<0.000000e+00> : vector<10240x128xf32>
    %dot_general3A_37 = tpu.matmul %max3A_32, %get3A_35, %dot_general3A_36 {dimension_numbers = #tpu.dot_dimension_numbers<[1], [0], [0], [1], [0, 0, 1, 1], [], []>, transpose_lhs_hint = false} : vector<10240x256xf32>, vector<256x128xf32>, vector<10240x128xf32> -> vector<10240x128xf32>
    %add3A_38 = arith.addf %select_n3A, %dot_general3A_37 : vector<10240x128xf32>
    %swap3A = arith.constant 0 : index
    %swap3A_39 = arith.constant 0 : index
    %swap3A_40 = vector.load %arg4[%swap3A, %swap3A_39] : memref<10240x128xf32, #tpu.memory_space<vmem>>, vector<10240x128xf32>
    tpu.vector_store %arg4[%swap3A, %swap3A_39], %add3A_38 {strides = array<i32>} : memref<10240x128xf32, #tpu.memory_space<vmem>>, vector<10240x128xf32>,
    return
  }
}

module attributes {stable_mosaic.version = 14 : i64} {
  func.func @body(%arg0: memref<10000x128xf32, #tpu.memory_space<vmem>>, %arg1: memref<500x64xf32, #tpu.memory_space<vmem>>, %arg2: memref<128x64xf32, #tpu.memory_space<vmem>>, %arg3: memref<64x64xf32, #tpu.memory_space<vmem>>, %arg4: memref<50x64xf32, #tpu.memory_space<vmem>>, %arg5: memref<64xf32, #tpu.memory_space<vmem>>, %arg6: memref<64xf32, #tpu.memory_space<vmem>>, %arg7: memref<64xf32, #tpu.memory_space<vmem>>, %arg8: memref<40x50xf32, #tpu.memory_space<vmem>>, %arg9: memref<10048x128xf32, #tpu.memory_space<vmem>>, %arg10: memref<10000x1xf32, #tpu.memory_space<vmem>>, %arg11: memref<512x1xf32, #tpu.memory_space<vmem>>, %arg12: memref<48x1xf32, #tpu.memory_space<vmem>>) attributes {dimension_semantics = [], scalar_prefetch = 0 : i64, scratch_operands = 0 : i64, tpu.core_type = #tpu.core_type<tc>} {
    %get3A = arith.constant 0 : index
    %get3A_0 = arith.constant 0 : index
    %get3A_1 = vector.load %arg0[%get3A, %get3A_0] : memref<10000x128xf32, #tpu.memory_space<vmem>>, vector<10000x128xf32>
    %get3A_2 = arith.constant 0 : index
    %get3A_3 = arith.constant 0 : index
    %get3A_4 = vector.load %arg2[%get3A_2, %get3A_3] : memref<128x64xf32, #tpu.memory_space<vmem>>, vector<128x64xf32>
    %dot_general3A = arith.constant dense<0.000000e+00> : vector<10000x64xf32>
    %dot_general3A_5 = tpu.matmul %get3A_1, %get3A_4, %dot_general3A {dimension_numbers = #tpu.dot_dimension_numbers<[1], [0], [0], [1], [0, 0, 1, 1], [], []>, transpose_lhs_hint = false} : vector<10000x128xf32>, vector<128x64xf32>, vector<10000x64xf32> -> vector<10000x64xf32>
    %get3A_6 = arith.constant 0 : index
    %get3A_7 = arith.constant 0 : index
    %get3A_8 = vector.load %arg8[%get3A_6, %get3A_7] : memref<40x50xf32, #tpu.memory_space<vmem>>, vector<40x50xf32>
    %get3A_9 = arith.constant 0 : index
    %get3A_10 = arith.constant 0 : index
    %get3A_11 = vector.load %arg4[%get3A_9, %get3A_10] : memref<50x64xf32, #tpu.memory_space<vmem>>, vector<50x64xf32>
    %dot_general3A_12 = arith.constant dense<0.000000e+00> : vector<40x64xf32>
    %dot_general3A_13 = tpu.matmul %get3A_8, %get3A_11, %dot_general3A_12 {dimension_numbers = #tpu.dot_dimension_numbers<[1], [0], [0], [1], [0, 0, 1, 1], [], []>, transpose_lhs_hint = false} : vector<40x50xf32>, vector<50x64xf32>, vector<40x64xf32> -> vector<40x64xf32>
    %get3A_14 = arith.constant 0 : index
    %get3A_15 = vector.load %arg5[%get3A_14] : memref<64xf32, #tpu.memory_space<vmem>>, vector<64xf32>
    %broadcast_in_dim3A = vector.shape_cast %get3A_15 : vector<64xf32> to vector<64x1xf32>
    %dot_general3A_16 = arith.constant dense<0.000000e+00> : vector<10000x1xf32>
    %dot_general3A_17 = tpu.matmul %dot_general3A_5, %broadcast_in_dim3A, %dot_general3A_16 {dimension_numbers = #tpu.dot_dimension_numbers<[1], [0], [0], [1], [0, 0, 1, 1], [], []>, transpose_lhs_hint = false} : vector<10000x64xf32>, vector<64x1xf32>, vector<10000x1xf32> -> vector<10000x1xf32>
    %get3A_18 = arith.constant 0 : index
    %get3A_19 = arith.constant 0 : index
    %get3A_20 = vector.load %arg3[%get3A_18, %get3A_19] : memref<64x64xf32, #tpu.memory_space<vmem>>, vector<64x64xf32>
    %get3A_21 = arith.constant 0 : index
    %get3A_22 = vector.load %arg6[%get3A_21] : memref<64xf32, #tpu.memory_space<vmem>>, vector<64xf32>
    %broadcast_in_dim3A_23 = vector.shape_cast %get3A_22 : vector<64xf32> to vector<64x1xf32>
    %dot_general3A_24 = arith.constant dense<0.000000e+00> : vector<64x1xf32>
    %dot_general3A_25 = tpu.matmul %get3A_20, %broadcast_in_dim3A_23, %dot_general3A_24 {dimension_numbers = #tpu.dot_dimension_numbers<[1], [0], [0], [1], [0, 0, 1, 1], [], []>, transpose_lhs_hint = false} : vector<64x64xf32>, vector<64x1xf32>, vector<64x1xf32> -> vector<64x1xf32>
    %get3A_26 = arith.constant 0 : index
    %get3A_27 = arith.constant 0 : index
    %get3A_28 = vector.load %arg1[%get3A_26, %get3A_27] : memref<500x64xf32, #tpu.memory_space<vmem>>, vector<500x64xf32>
    %dot_general3A_29 = arith.constant dense<0.000000e+00> : vector<500x1xf32>
    %dot_general3A_30 = tpu.matmul %get3A_28, %dot_general3A_25, %dot_general3A_29 {dimension_numbers = #tpu.dot_dimension_numbers<[1], [0], [0], [1], [0, 0, 1, 1], [], []>, transpose_lhs_hint = false} : vector<500x64xf32>, vector<64x1xf32>, vector<500x1xf32> -> vector<500x1xf32>
    %get3A_31 = arith.constant 0 : index
    %get3A_32 = vector.load %arg7[%get3A_31] : memref<64xf32, #tpu.memory_space<vmem>>, vector<64xf32>
    %broadcast_in_dim3A_33 = vector.shape_cast %get3A_32 : vector<64xf32> to vector<64x1xf32>
    %dot_general3A_34 = arith.constant dense<0.000000e+00> : vector<40x1xf32>
    %dot_general3A_35 = tpu.matmul %dot_general3A_13, %broadcast_in_dim3A_33, %dot_general3A_34 {dimension_numbers = #tpu.dot_dimension_numbers<[1], [0], [0], [1], [0, 0, 1, 1], [], []>, transpose_lhs_hint = false} : vector<40x64xf32>, vector<64x1xf32>, vector<40x1xf32> -> vector<40x1xf32>
    %broadcast_in_dim3A_36 = arith.constant 0.000000e+00 : f32
    %broadcast_in_dim3A_37 = vector.broadcast %broadcast_in_dim3A_36 : f32 to vector<10000x64xf32>
    %concatenate3A = tpu.concatenate %dot_general3A_5, %broadcast_in_dim3A_37 in 1 : vector<10000x64xf32>, vector<10000x64xf32> -> vector<10000x128xf32>
    %broadcast_in_dim3A_38 = arith.constant 0.000000e+00 : f32
    %broadcast_in_dim3A_39 = vector.broadcast %broadcast_in_dim3A_38 : f32 to vector<40x64xf32>
    %concatenate3A_40 = tpu.concatenate %dot_general3A_13, %broadcast_in_dim3A_39 in 1 : vector<40x64xf32>, vector<40x64xf32> -> vector<40x128xf32>
    %broadcast_in_dim3A_41 = arith.constant 0.000000e+00 : f32
    %broadcast_in_dim3A_42 = vector.broadcast %broadcast_in_dim3A_41 : f32 to vector<8x128xf32>
    %concatenate3A_43 = tpu.concatenate %concatenate3A, %concatenate3A_40, %broadcast_in_dim3A_42 in 0 : vector<10000x128xf32>, vector<40x128xf32>, vector<8x128xf32> -> vector<10048x128xf32>
    %swap3A = arith.constant 0 : index
    %swap3A_44 = arith.constant 0 : index
    %swap3A_45 = vector.load %arg9[%swap3A, %swap3A_44] : memref<10048x128xf32, #tpu.memory_space<vmem>>, vector<10048x128xf32>
    tpu.vector_store %arg9[%swap3A, %swap3A_44], %concatenate3A_43 {strides = array<i32>} : memref<10048x128xf32, #tpu.memory_space<vmem>>, vector<10048x128xf32>,
    %swap3A_46 = arith.constant 0 : index
    %swap3A_47 = arith.constant 0 : index
    %swap3A_48 = vector.load %arg10[%swap3A_46, %swap3A_47] : memref<10000x1xf32, #tpu.memory_space<vmem>>, vector<10000x1xf32>
    tpu.vector_store %arg10[%swap3A_46, %swap3A_47], %dot_general3A_17 {strides = array<i32>} : memref<10000x1xf32, #tpu.memory_space<vmem>>, vector<10000x1xf32>,
    %broadcast_in_dim3A_49 = arith.constant 0.000000e+00 : f32
    %broadcast_in_dim3A_50 = vector.broadcast %broadcast_in_dim3A_49 : f32 to vector<12x1xf32>
    %concatenate3A_51 = tpu.concatenate %dot_general3A_30, %broadcast_in_dim3A_50 in 0 : vector<500x1xf32>, vector<12x1xf32> -> vector<512x1xf32>
    %swap3A_52 = arith.constant 0 : index
    %swap3A_53 = arith.constant 0 : index
    %swap3A_54 = vector.load %arg11[%swap3A_52, %swap3A_53] : memref<512x1xf32, #tpu.memory_space<vmem>>, vector<512x1xf32>
    tpu.vector_store %arg11[%swap3A_52, %swap3A_53], %concatenate3A_51 {strides = array<i32>} : memref<512x1xf32, #tpu.memory_space<vmem>>, vector<512x1xf32>,
    %broadcast_in_dim3A_55 = arith.constant 0.000000e+00 : f32
    %broadcast_in_dim3A_56 = vector.broadcast %broadcast_in_dim3A_55 : f32 to vector<8x1xf32>
    %concatenate3A_57 = tpu.concatenate %dot_general3A_35, %broadcast_in_dim3A_56 in 0 : vector<40x1xf32>, vector<8x1xf32> -> vector<48x1xf32>
    %swap3A_58 = arith.constant 0 : index
    %swap3A_59 = arith.constant 0 : index
    %swap3A_60 = vector.load %arg12[%swap3A_58, %swap3A_59] : memref<48x1xf32, #tpu.memory_space<vmem>>, vector<48x1xf32>
    tpu.vector_store %arg12[%swap3A_58, %swap3A_59], %concatenate3A_57 {strides = array<i32>} : memref<48x1xf32, #tpu.memory_space<vmem>>, vector<48x1xf32>,
    return
  }
}

module attributes {stable_mosaic.version = 14 : i64} {
  func.func @body(%arg0: memref<2x512x128xf32, #tpu.memory_space<vmem>>, %arg1: memref<2x512x16xf32, #tpu.memory_space<vmem>>, %arg2: memref<64x256xf32, #tpu.memory_space<vmem>>, %arg3: memref<256x64xf32, #tpu.memory_space<vmem>>, %arg4: memref<512x64xf32, #tpu.memory_space<vmem>>) attributes {dimension_semantics = [], scalar_prefetch = 0 : i64, scratch_operands = 0 : i64, tpu.core_type = #tpu.core_type<tc>} {
    %get3A = arith.constant 0 : index
    %get3A_0 = arith.constant 0 : index
    %get3A_1 = arith.constant 0 : index
    %get3A_2 = vector.load %arg0[%get3A, %get3A_0, %get3A_1] : memref<2x512x128xf32, #tpu.memory_space<vmem>>, vector<1x512x128xf32>
    %get3A_3 = vector.shape_cast %get3A_2 : vector<1x512x128xf32> to vector<512x128xf32>
    %get3A_4 = arith.constant 1 : index
    %get3A_5 = arith.constant 0 : index
    %get3A_6 = arith.constant 0 : index
    %get3A_7 = vector.load %arg0[%get3A_4, %get3A_5, %get3A_6] : memref<2x512x128xf32, #tpu.memory_space<vmem>>, vector<1x512x128xf32>
    %get3A_8 = vector.shape_cast %get3A_7 : vector<1x512x128xf32> to vector<512x128xf32>
    %add3A = arith.addf %get3A_3, %get3A_8 : vector<512x128xf32>
    %get3A_9 = arith.constant 0 : index
    %get3A_10 = arith.constant 0 : index
    %get3A_11 = arith.constant 0 : index
    %get3A_12 = vector.load %arg1[%get3A_9, %get3A_10, %get3A_11] : memref<2x512x16xf32, #tpu.memory_space<vmem>>, vector<1x512x16xf32>
    %get3A_13 = vector.shape_cast %get3A_12 : vector<1x512x16xf32> to vector<512x16xf32>
    %get3A_14 = arith.constant 1 : index
    %get3A_15 = arith.constant 0 : index
    %get3A_16 = arith.constant 0 : index
    %get3A_17 = vector.load %arg1[%get3A_14, %get3A_15, %get3A_16] : memref<2x512x16xf32, #tpu.memory_space<vmem>>, vector<1x512x16xf32>
    %get3A_18 = vector.shape_cast %get3A_17 : vector<1x512x16xf32> to vector<512x16xf32>
    %add3A_19 = arith.addf %get3A_13, %get3A_18 : vector<512x16xf32>
    %slice3A = vector.extract_strided_slice %add3A_19 {offsets = [0, 0], sizes = [512, 1], strides = [1, 1]} : vector<512x16xf32> to vector<512x1xf32>
    %slice3A_20 = vector.extract_strided_slice %add3A {offsets = [0, 0], sizes = [512, 64], strides = [1, 1]} : vector<512x128xf32> to vector<512x64xf32>
    %add3A_21 = arith.constant 9.99999971E-10 : f32
    %add3A_22 = vector.broadcast %add3A_21 : f32 to vector<512x1xf32>
    %add3A_23 = arith.addf %slice3A, %add3A_22 : vector<512x1xf32>
    %div3A = vector.broadcast %add3A_23 : vector<512x1xf32> to vector<512x64xf32>
    %div3A_24 = arith.divf %slice3A_20, %div3A : vector<512x64xf32>
    %gt3A = arith.constant 0.000000e+00 : f32
    %gt3A_25 = vector.broadcast %gt3A : f32 to vector<512x64xf32>
    %gt3A_26 = arith.cmpf ogt, %div3A_24, %gt3A_25 : vector<512x64xf32>
    %exp3A = math.exp %div3A_24 : vector<512x64xf32>
    %sub3A = arith.constant 1.000000e+00 : f32
    %sub3A_27 = vector.broadcast %sub3A : f32 to vector<512x64xf32>
    %sub3A_28 = arith.subf %exp3A, %sub3A_27 : vector<512x64xf32>
    %select_n3A = arith.select %gt3A_26, %div3A_24, %sub3A_28 : vector<512x64xi1>, vector<512x64xf32>
    %get3A_29 = arith.constant 0 : index
    %get3A_30 = arith.constant 0 : index
    %get3A_31 = vector.load %arg2[%get3A_29, %get3A_30] : memref<64x256xf32, #tpu.memory_space<vmem>>, vector<64x256xf32>
    %dot_general3A = arith.constant dense<0.000000e+00> : vector<512x256xf32>
    %dot_general3A_32 = tpu.matmul %select_n3A, %get3A_31, %dot_general3A {dimension_numbers = #tpu.dot_dimension_numbers<[1], [0], [0], [1], [0, 0, 1, 1], [], []>, transpose_lhs_hint = false} : vector<512x64xf32>, vector<64x256xf32>, vector<512x256xf32> -> vector<512x256xf32>
    %max3A = arith.constant 0.000000e+00 : f32
    %max3A_33 = vector.broadcast %max3A : f32 to vector<512x256xf32>
    %max3A_34 = arith.maximumf %dot_general3A_32, %max3A_33 : vector<512x256xf32>
    %get3A_35 = arith.constant 0 : index
    %get3A_36 = arith.constant 0 : index
    %get3A_37 = vector.load %arg3[%get3A_35, %get3A_36] : memref<256x64xf32, #tpu.memory_space<vmem>>, vector<256x64xf32>
    %dot_general3A_38 = arith.constant dense<0.000000e+00> : vector<512x64xf32>
    %dot_general3A_39 = tpu.matmul %max3A_34, %get3A_37, %dot_general3A_38 {dimension_numbers = #tpu.dot_dimension_numbers<[1], [0], [0], [1], [0, 0, 1, 1], [], []>, transpose_lhs_hint = false} : vector<512x256xf32>, vector<256x64xf32>, vector<512x64xf32> -> vector<512x64xf32>
    %add3A_40 = arith.addf %select_n3A, %dot_general3A_39 : vector<512x64xf32>
    %swap3A = arith.constant 0 : index
    %swap3A_41 = arith.constant 0 : index
    %swap3A_42 = vector.load %arg4[%swap3A, %swap3A_41] : memref<512x64xf32, #tpu.memory_space<vmem>>, vector<512x64xf32>
    tpu.vector_store %arg4[%swap3A, %swap3A_41], %add3A_40 {strides = array<i32>} : memref<512x64xf32, #tpu.memory_space<vmem>>, vector<512x64xf32>,
    return
  }
}

module attributes {stable_mosaic.version = 14 : i64} {
  func.func @body(%arg0: memref<500x64xf32, #tpu.memory_space<vmem>>, %arg1: memref<10000x128xf32, #tpu.memory_space<vmem>>, %arg2: memref<64x128xf32, #tpu.memory_space<vmem>>, %arg3: memref<128x128xf32, #tpu.memory_space<vmem>>, %arg4: memref<50x128xf32, #tpu.memory_space<vmem>>, %arg5: memref<128xf32, #tpu.memory_space<vmem>>, %arg6: memref<128xf32, #tpu.memory_space<vmem>>, %arg7: memref<128xf32, #tpu.memory_space<vmem>>, %arg8: memref<40x50xf32, #tpu.memory_space<vmem>>, %arg9: memref<544x128xf32, #tpu.memory_space<vmem>>, %arg10: memref<512x1xf32, #tpu.memory_space<vmem>>, %arg11: memref<10000x1xf32, #tpu.memory_space<vmem>>, %arg12: memref<48x1xf32, #tpu.memory_space<vmem>>) attributes {dimension_semantics = [], scalar_prefetch = 0 : i64, scratch_operands = 0 : i64, tpu.core_type = #tpu.core_type<tc>} {
    %get3A = arith.constant 0 : index
    %get3A_0 = arith.constant 0 : index
    %get3A_1 = vector.load %arg0[%get3A, %get3A_0] : memref<500x64xf32, #tpu.memory_space<vmem>>, vector<500x64xf32>
    %get3A_2 = arith.constant 0 : index
    %get3A_3 = arith.constant 0 : index
    %get3A_4 = vector.load %arg2[%get3A_2, %get3A_3] : memref<64x128xf32, #tpu.memory_space<vmem>>, vector<64x128xf32>
    %dot_general3A = arith.constant dense<0.000000e+00> : vector<500x128xf32>
    %dot_general3A_5 = tpu.matmul %get3A_1, %get3A_4, %dot_general3A {dimension_numbers = #tpu.dot_dimension_numbers<[1], [0], [0], [1], [0, 0, 1, 1], [], []>, transpose_lhs_hint = false} : vector<500x64xf32>, vector<64x128xf32>, vector<500x128xf32> -> vector<500x128xf32>
    %get3A_6 = arith.constant 0 : index
    %get3A_7 = arith.constant 0 : index
    %get3A_8 = vector.load %arg8[%get3A_6, %get3A_7] : memref<40x50xf32, #tpu.memory_space<vmem>>, vector<40x50xf32>
    %get3A_9 = arith.constant 0 : index
    %get3A_10 = arith.constant 0 : index
    %get3A_11 = vector.load %arg4[%get3A_9, %get3A_10] : memref<50x128xf32, #tpu.memory_space<vmem>>, vector<50x128xf32>
    %dot_general3A_12 = arith.constant dense<0.000000e+00> : vector<40x128xf32>
    %dot_general3A_13 = tpu.matmul %get3A_8, %get3A_11, %dot_general3A_12 {dimension_numbers = #tpu.dot_dimension_numbers<[1], [0], [0], [1], [0, 0, 1, 1], [], []>, transpose_lhs_hint = false} : vector<40x50xf32>, vector<50x128xf32>, vector<40x128xf32> -> vector<40x128xf32>
    %get3A_14 = arith.constant 0 : index
    %get3A_15 = vector.load %arg5[%get3A_14] : memref<128xf32, #tpu.memory_space<vmem>>, vector<128xf32>
    %broadcast_in_dim3A = vector.shape_cast %get3A_15 : vector<128xf32> to vector<128x1xf32>
    %dot_general3A_16 = arith.constant dense<0.000000e+00> : vector<500x1xf32>
    %dot_general3A_17 = tpu.matmul %dot_general3A_5, %broadcast_in_dim3A, %dot_general3A_16 {dimension_numbers = #tpu.dot_dimension_numbers<[1], [0], [0], [1], [0, 0, 1, 1], [], []>, transpose_lhs_hint = false} : vector<500x128xf32>, vector<128x1xf32>, vector<500x1xf32> -> vector<500x1xf32>
    %get3A_18 = arith.constant 0 : index
    %get3A_19 = arith.constant 0 : index
    %get3A_20 = vector.load %arg3[%get3A_18, %get3A_19] : memref<128x128xf32, #tpu.memory_space<vmem>>, vector<128x128xf32>
    %get3A_21 = arith.constant 0 : index
    %get3A_22 = vector.load %arg6[%get3A_21] : memref<128xf32, #tpu.memory_space<vmem>>, vector<128xf32>
    %broadcast_in_dim3A_23 = vector.shape_cast %get3A_22 : vector<128xf32> to vector<128x1xf32>
    %dot_general3A_24 = arith.constant dense<0.000000e+00> : vector<128x1xf32>
    %dot_general3A_25 = tpu.matmul %get3A_20, %broadcast_in_dim3A_23, %dot_general3A_24 {dimension_numbers = #tpu.dot_dimension_numbers<[1], [0], [0], [1], [0, 0, 1, 1], [], []>, transpose_lhs_hint = false} : vector<128x128xf32>, vector<128x1xf32>, vector<128x1xf32> -> vector<128x1xf32>
    %get3A_26 = arith.constant 0 : index
    %get3A_27 = arith.constant 0 : index
    %get3A_28 = vector.load %arg1[%get3A_26, %get3A_27] : memref<10000x128xf32, #tpu.memory_space<vmem>>, vector<10000x128xf32>
    %dot_general3A_29 = arith.constant dense<0.000000e+00> : vector<10000x1xf32>
    %dot_general3A_30 = tpu.matmul %get3A_28, %dot_general3A_25, %dot_general3A_29 {dimension_numbers = #tpu.dot_dimension_numbers<[1], [0], [0], [1], [0, 0, 1, 1], [], []>, transpose_lhs_hint = false} : vector<10000x128xf32>, vector<128x1xf32>, vector<10000x1xf32> -> vector<10000x1xf32>
    %get3A_31 = arith.constant 0 : index
    %get3A_32 = vector.load %arg7[%get3A_31] : memref<128xf32, #tpu.memory_space<vmem>>, vector<128xf32>
    %broadcast_in_dim3A_33 = vector.shape_cast %get3A_32 : vector<128xf32> to vector<128x1xf32>
    %dot_general3A_34 = arith.constant dense<0.000000e+00> : vector<40x1xf32>
    %dot_general3A_35 = tpu.matmul %dot_general3A_13, %broadcast_in_dim3A_33, %dot_general3A_34 {dimension_numbers = #tpu.dot_dimension_numbers<[1], [0], [0], [1], [0, 0, 1, 1], [], []>, transpose_lhs_hint = false} : vector<40x128xf32>, vector<128x1xf32>, vector<40x1xf32> -> vector<40x1xf32>
    %broadcast_in_dim3A_36 = arith.constant 0.000000e+00 : f32
    %broadcast_in_dim3A_37 = vector.broadcast %broadcast_in_dim3A_36 : f32 to vector<4x128xf32>
    %concatenate3A = tpu.concatenate %dot_general3A_5, %dot_general3A_13, %broadcast_in_dim3A_37 in 0 : vector<500x128xf32>, vector<40x128xf32>, vector<4x128xf32> -> vector<544x128xf32>
    %swap3A = arith.constant 0 : index
    %swap3A_38 = arith.constant 0 : index
    %swap3A_39 = vector.load %arg9[%swap3A, %swap3A_38] : memref<544x128xf32, #tpu.memory_space<vmem>>, vector<544x128xf32>
    tpu.vector_store %arg9[%swap3A, %swap3A_38], %concatenate3A {strides = array<i32>} : memref<544x128xf32, #tpu.memory_space<vmem>>, vector<544x128xf32>,
    %broadcast_in_dim3A_40 = arith.constant 0.000000e+00 : f32
    %broadcast_in_dim3A_41 = vector.broadcast %broadcast_in_dim3A_40 : f32 to vector<12x1xf32>
    %concatenate3A_42 = tpu.concatenate %dot_general3A_17, %broadcast_in_dim3A_41 in 0 : vector<500x1xf32>, vector<12x1xf32> -> vector<512x1xf32>
    %swap3A_43 = arith.constant 0 : index
    %swap3A_44 = arith.constant 0 : index
    %swap3A_45 = vector.load %arg10[%swap3A_43, %swap3A_44] : memref<512x1xf32, #tpu.memory_space<vmem>>, vector<512x1xf32>
    tpu.vector_store %arg10[%swap3A_43, %swap3A_44], %concatenate3A_42 {strides = array<i32>} : memref<512x1xf32, #tpu.memory_space<vmem>>, vector<512x1xf32>,
    %swap3A_46 = arith.constant 0 : index
    %swap3A_47 = arith.constant 0 : index
    %swap3A_48 = vector.load %arg11[%swap3A_46, %swap3A_47] : memref<10000x1xf32, #tpu.memory_space<vmem>>, vector<10000x1xf32>
    tpu.vector_store %arg11[%swap3A_46, %swap3A_47], %dot_general3A_30 {strides = array<i32>} : memref<10000x1xf32, #tpu.memory_space<vmem>>, vector<10000x1xf32>,
    %broadcast_in_dim3A_49 = arith.constant 0.000000e+00 : f32
    %broadcast_in_dim3A_50 = vector.broadcast %broadcast_in_dim3A_49 : f32 to vector<8x1xf32>
    %concatenate3A_51 = tpu.concatenate %dot_general3A_35, %broadcast_in_dim3A_50 in 0 : vector<40x1xf32>, vector<8x1xf32> -> vector<48x1xf32>
    %swap3A_52 = arith.constant 0 : index
    %swap3A_53 = arith.constant 0 : index
    %swap3A_54 = vector.load %arg12[%swap3A_52, %swap3A_53] : memref<48x1xf32, #tpu.memory_space<vmem>>, vector<48x1xf32>
    tpu.vector_store %arg12[%swap3A_52, %swap3A_53], %concatenate3A_51 {strides = array<i32>} : memref<48x1xf32, #tpu.memory_space<vmem>>, vector<48x1xf32>,
    return
  }
}

</mosaic_0001>

<sc_bundles>
// kernel: closed_call.23.cloned.1.call-start
scs
__scs_entry_jumppad:
0x0: {  	(pc) =	sbr.rel $0x88, $3  }
0x1: {  	(tag) =	ssettag $0x0;
	lr =	simm.s32 $0x1  }
0x2: {  	[smem:$0x3F89] =	sst lr;
	_ =	strace $0xD0000000  }
0x3: {  	_ = 	snop  }
0x4: {  	_ = 	snop  }
0x5: {  	_ = 	snop  }
0x6: {  	_ = 	snop  }
0x7: {  	_ = 	snop  }
__scs_overlays_trampoline_lowered:
0x8: {  	[smem:$0x3F98] =	sst s0  }
0x9: {  	[smem:$0x3F99] =	sst s1  }
0xa: {  	[smem:$0x3F9A] =	sst s2  }
0xb: {  	[smem:$0x3F9B] =	sst s3  }
0xc: {  	[smem:$0x3F9C] =	sst s4  }
0xd: {  	[smem:$0x3F9D] =	sst s5  }
0xe: {  	[smem:$0x3F9E] =	sst s6  }
0xf: {  	[smem:$0x3F9F] =	sst s7  }
0x10: {  	[smem:$0x3FA0] =	sst s8  }
0x11: {  	[smem:$0x3FA1] =	sst s9;
	s0 =	simm.s32 @!p0 $0x0  }
0x12: {  	s1 =	sld [smem:$0x3F87];
	s0 =	simm.s32 @p0 $0x1  }
0x13: {  	[smem:$0x3FA2] =	sst s0;
	s0 =	simm.s32 @!p1 $0x0  }
0x14: {  	s2 =	sld [smem:$0x3F86];
	s0 =	simm.s32 @p1 $0x1  }
0x15: {  	[smem:$0x3FA3] =	sst s0;
	s0 =	simm.s32 @!p2 $0x0  }
0x16: {  	s3 =	sld [smem:$0x3FDB];
	s0 =	simm.s32 @p2 $0x1  }
0x17: {  	s4 =	simm.s32 $0x1BF5;
	[smem:$0x3FA5] =	sst s0  }
0x18: {  	s0 =	sld [smem:$0x3F88];
	_ =	swait.ge [sflag:s4], $0x0  }
0x19: {  	s7 =	sld [smem:$0x3F89]  }
0x1a: {  	s8 =	sadd.s32 $0xFFFFE003, lr  }
0x1b: {  	s9 =	sadd.s32 $0xFFFFFEF7, lr;
	s5 =	simm.s32 $0xFFFFFFFF;
	p2 =	slt.u32 s8, $0xFFFFF086  }
0x1c: {  	p1 =	slt.u32 s9, $0xF7A;
	s5 =	simm.s32 @!p2 $0x0  }
0x1d: {  	s5 =	simm.s32 @p1 $0x1;
	p0 =	seq.s32 s7, s2  }
0x1e: {  	s7 =	smul.u32 @!p0 $0xF7A, s2;
	p2 =	seq.s32 @!p0 s5, $0x0  }
0x1f: {  	s9 =	smul.u32 $0xF7A, s1;
	s8 =	simm.s32 @!p0 $0x1BF5;
	p2 =	por !p2, p0  }
0x20: {  	[sflag:s8] =	ssyncset.s32 @!p0 $0xFFFFF086;
	s6 =	sadd.s32 @!p0 s3, s7;
	s7 =	simm.s32 @!p0 $0x108  }
0x21: {  	s3 =	sadd.s32 s3, s9;
	s6 =	sadd.s32 @!p0 $0x88, s6;
	s7 =	simm.s32 @p2 $0x1082  }
0x22: {  	[simem:s7], [sflag:s8] =	dma.local @!p0 [hbm:s6], $0xF7A  }
0x23: {  	s9 =	sor.u32 $0xD0000000, s2;
	s6 =	simm.s32 $0x108;
	_ =	swait.ge @!p0 [sflag:s8], $0x0  }
0x24: {  	s3 =	sadd.s32 $0x88, s3;
	s6 =	simm.s32 @!p1 $0x1082;
	[sflag:s4] =	ssyncset.s32 $0xFFFFF086  }
0x25: {  	[simem:s6], [sflag:s4] =	dma.local [hbm:s3], $0xF7A  }
0x26: {  	[smem:$0x3F89] =	sst s1;
	(tag) =	ssettag s2;
	_ =	strace s9  }
0x27: {  	s1 =	sld [smem:$0x3F99]  }
0x28: {  	s2 =	sld [smem:$0x3F9A]  }
0x29: {  	s4 =	sld [smem:$0x3F9C]  }
0x2a: {  	p0 =	seq.s32 s5, $0x0;
	s5 =	sld [smem:$0x3F9D]  }
0x2b: {  	s6 =	sld [smem:$0x3F9E]  }
0x2c: {  	s7 =	sld [smem:$0x3F9F]  }
0x2d: {  	s3 =	simm.s32 $0x108;
	s8 =	sld [smem:$0x3FA0]  }
0x2e: {  	s3 =	simm.s32 @!p0 $0x1082;
	s9 =	sld [smem:$0x3FA1]  }
0x2f: {  	lr =	sadd.s32 s0, s3;
	s0 =	sld [smem:$0x3F98]  }
0x30: {  	s3 =	sld [smem:$0x3F9B]  }
0x31: {  	[smem:$0x3FA4] =	sst s10  }
0x32: {  	s10 =	sld [smem:$0x3FA2];
	_ =	sdelay $0x3  }
0x33: {  	p0 =	seq.s32 s10, $0x1;
	s10 =	sld [smem:$0x3FA4];
	_ =	sdelay $0x3  }
0x34: {  	[smem:$0x3FA4] =	sst s10  }
0x35: {  	s10 =	sld [smem:$0x3FA3];
	_ =	sdelay $0x3  }
0x36: {  	p1 =	seq.s32 s10, $0x1;
	s10 =	sld [smem:$0x3FA4];
	_ =	sdelay $0x3  }
0x37: {  	[smem:$0x3FA4] =	sst s10  }
0x38: {  	s10 =	sld [smem:$0x3FA5]  }
0x39: {  	_ = 	snop;
	(pc) =	sbr.ind lr, $3  }
0x3a: {  	_ = 	snop  }
0x3b: {  	_ = 	snop  }
0x3c: {  	p2 =	seq.s32 s10, $0x1;
	s10 =	sld [smem:$0x3FA4]  }
0x3d: {  	_ =	shalt  }
0x3e: {  	_ =	shalt  }
0x3f: {  	_ =	shalt  }
0x40: {  	_ =	shalt  }
0x41: {  	_ =	shalt  }
0x42: {  	_ =	shalt  }
0x43: {  	_ =	shalt  }
0x44: {  	_ =	shalt  }
0x45: {  	_ =	shalt  }
0x46: {  	_ =	shalt  }
0x47: {  	_ =	shalt  }
0x48: {  	_ =	shalt  }
0x49: {  	_ =	shalt  }
0x4a: {  	_ =	shalt  }
0x4b: {  	_ =	shalt  }
0x4c: {  	_ =	shalt  }
0x4d: {  	_ =	shalt  }
0x4e: {  	_ =	shalt  }
0x4f: {  	_ =	shalt  }
0x50: {  	_ =	shalt  }
0x51: {  	_ =	shalt  }
0x52: {  	_ =	shalt  }
0x53: {  	_ =	shalt  }
0x54: {  	_ =	shalt  }
0x55: {  	_ =	shalt  }
0x56: {  	_ =	shalt  }
0x57: {  	_ =	shalt  }
0x58: {  	_ =	shalt  }
0x59: {  	_ =	shalt  }
0x5a: {  	_ =	shalt  }
0x5b: {  	_ =	shalt  }
0x5c: {  	_ =	shalt  }
0x5d: {  	_ =	shalt  }
0x5e: {  	_ =	shalt  }
0x5f: {  	_ =	shalt  }
0x60: {  	_ =	shalt  }
0x61: {  	_ =	shalt  }
0x62: {  	_ =	shalt  }
0x63: {  	_ =	shalt  }
0x64: {  	_ =	shalt  }
0x65: {  	_ =	shalt  }
0x66: {  	_ =	shalt  }
0x67: {  	_ =	shalt  }
0x68: {  	_ =	shalt  }
0x69: {  	_ =	shalt  }
0x6a: {  	_ =	shalt  }
0x6b: {  	_ =	shalt  }
0x6c: {  	_ =	shalt  }
0x6d: {  	_ =	shalt  }
0x6e: {  	_ =	shalt  }
0x6f: {  	_ =	shalt  }
0x70: {  	_ =	shalt  }
0x71: {  	_ =	shalt  }
0x72: {  	_ =	shalt  }
0x73: {  	_ =	shalt  }
0x74: {  	_ =	shalt  }
0x75: {  	_ =	shalt  }
0x76: {  	_ =	shalt  }
0x77: {  	_ =	shalt  }
0x78: {  	_ =	shalt  }
0x79: {  	_ =	shalt  }
0x7a: {  	_ =	shalt  }
0x7b: {  	_ =	shalt  }
0x7c: {  	_ =	shalt  }
0x7d: {  	_ =	shalt  }
0x7e: {  	_ =	shalt  }
0x7f: {  	_ =	shalt  }
0x80: {  	_ =	shalt  }
0x81: {  	_ =	shalt  }
0x82: {  	_ =	shalt  }
0x83: {  	_ =	shalt  }
0x84: {  	_ =	shalt  }
0x85: {  	_ =	shalt  }
0x86: {  	_ =	shalt  }
0x87: {  	_ =	shalt  }
.Lfunc_end0:
.L_simem_size_0:
called_computation_lowered:
.L_overlay_start_0:
0x88: {  	s2 =	sld [smem:$0x3FD9]  }
0x89: {  	s3 =	sld [smem:$0x3FFE];
	_ =	sdelay $0x1  }
0x8a: {  	s1 =	srdreg.scid  }
0x8b: {  	s0 =	sand.u32 $0x1, s1  }
0x8c: {  	s16 =	sshll.u32 s0, $0xA;
	s2 =	sadd.s32 s3, s2  }
0x8d: {  	s2 =	sadd.s32 s2, s16  }
0x8e: {  	[smem:$0x3FB0] =	sst s2  }
0x8f: {  	_ = 	snop  }
0x90: {  	(tm) =	ssettm $0x1  }
0x91: {  	s17 =	sld [smem:$0x3FFB];
	_ =	sdelay $0x3  }
0x92: {  	_ =	strace s17  }
0x93: {  	s2 =	sld [smem:$0x3FFC];
	_ =	sdelay $0x3  }
0x94: {  	_ =	strace s2  }
0x95: {  	s2 =	sld [smem:$0x3FFD];
	_ =	sdelay $0x3  }
0x96: {  	_ =	strace s2  }
0x97: {  	_ =	strace $0x8FFFFFFF  }
0x98: {  	s18 =	sld [smem:$0x3FDB];
	_ =	sdelay $0x1  }
0x99: {  	s19 =	simm.s32 $_scs_section_size  }
0x9a: {  	s4 =	simm.s32 $_size__tile_overlayer_lowered;
	s5 =	simm.s32 $_tile_overlayer_lowered  }
0x9b: {  	s22 =	simm.s32 $0x1BFF;
	s21 =	sshll.u32 s5, $0x1;
	s2 =	sadd.s32 s19, s18  }
0x9c: {  	s6 =	simm.s32 $0x0;
	s20 =	sshll.u32 s4, $0x1;
	s4 =	sadd.s32 s21, s2  }
0x9d: {  	[timem:s6], [sflag:s22] =	dma.local [hbm:s4], s20  }
0x9e: {  	_ =	swait.ge [sflag:s22], s20  }
0x9f: {  	s3 =	ssub.s32 $0x0, s20;
	[sflag:s22] =	ssyncset.done $0x0  }
0xa0: {  	[sflag:s22] =	ssyncadd.s32 s3;
	_ =	sdelay $0x1  }
0xa1: {  	s23 =	simm.s32 $0x1B8B  }
0xa2: {  	_ =	swait.ge [sflag:s23], $0x1  }
0xa3: {  	[sflag:s23] =	ssyncset.done $0x0  }
0xa4: {  	s25 =	simm.s32 $0x1B8E;
	s24 =	sld [smem:$0x3FFE];
	[sflag:s23] =	ssyncadd.s32 $0xFFFFFFFF  }
0xa5: {  	s26 =	simm.s32 $execute0_lowered;
	[smem:$0x3FD2] =	sst s25  }
0xa6: {  	s4 =	sshll.u32 s26, $0x1;
	_ =	strace $0x8000004C;
	[dreg:$0x1] =	wrdreg $0xFFFFFFFF  }
0xa7: {  	s28 =	simm.s32 $_size_execute0_lowered;
	s2 =	sadd.s32 s2, s4;
	[dreg:$0x0] =	wrdreg $0x0  }
0xa8: {  	s4 =	sshll.u32 s28, $0x1;
	[dreg:$0x2] =	wrdreg s2  }
0xa9: {  	[dreg:$0x3] =	wrdreg s4  }
0xaa: {  	[dreg:$0x4] =	wrdreg $0xC0  }
0xab: {  	_ =	task [dreg:s6], $0x5FFFF  }
0xac: {  	[dreg:$0x1] =	wrdreg $0xFFFFFFFF  }
0xad: {  	[dreg:$0x0] =	wrdreg $0x60  }
0xae: {  	[dreg:$0x2] =	wrdreg s24  }
0xaf: {  	[dreg:$0x3] =	wrdreg $0xA5000  }
0xb0: {  	[dreg:$0x4] =	wrdreg $0xB5000  }
0xb1: {  	[dreg:$0x5] =	wrdreg $0x9  }
0xb2: {  	_ =	task.clear_ibuf [dreg:s6], $0x6FFFF;
	_ =	strace $0x9000004C  }
0xb3: {  	s29 =	simm.s32 $0x9;
	_ =	strace $0x8000004E  }
0xb4: {  	_ =	swait.ge [sflag:s29], $0x1  }
0xb5: {  	[sflag:s29] =	ssyncadd.s32 $0xFFFFFFFF  }
0xb6: {  	_ =	strace $0x9000004E  }
0xb7: {  	_ =	sfence  }
0xb8: {  	s30 =	sld [smem:$0x0];
	_ =	sdelay $0x2  }
0xb9: {  	s31 =	sshll.u32 s1, $0xD;
	s1 =	sshrl.u32 s1, $0x2  }
0xba: {  	s3 =	sand.u32 $0x4000, s31;
	s1 =	sadd.s32 s1, s30  }
0xbb: {  	s0 =	sor.u32 s3, s0;
	s1 =	sshll.u32 s1, $0x11  }
0xbc: {  	s0 =	sor.u32 s1, s0  }
0xbd: {  	s0 =	sadd.s32 $0x8F2B, s0  }
0xbe: {  	[sflag:s0] =	ssyncadd.remote.s32 $0x1  }
0xbf: {  	_ =	sfence.sel $0xFFFF  }
0xc0: {  	[dreg:$0x0] =	wrdreg $0xFFFFFFFF;
	(pc) =	sbr.abs _section_cstart, $3  }
0xc1: {  	[dreg:$0x1] =	wrdreg $0xFFFFFFFF  }
0xc2: {  	_ =	task.clear_ibuf [dreg:s6], $0x2FFFF;
	_ =	strace $0x9FFFFFFF  }
0xc3: {  	(tm) =	ssettm $0x7FFFFFFF  }
tec
execute0_lowered:
.L_overlay_start_1:
0x0: {  	(tag) =	ssettag $0x1  }
0x1: {  	s0 =	rddreg [dreg:$0x0]  }
0x2: {  	s1 =	rddreg [dreg:$0x1]  }
0x3: {  	s2 =	rddreg [dreg:$0x2]  }
0x4: {  	s3 =	simm.s32 $0x0;
	s19 =	srdreg.scid;
	s13 =	stileid.u32  }
0x5: {  	s16 =	simm.s32 $0x3;
	s17 =	simm.s32 $0x2780;
	s28 =	simm.s32 $0x5500  }
0x6: {  	s29 =	simm.s32 $0x1;
	s30 =	simm.s32 $0x2;
	s31 =	simm.s32 $0x2B00  }
0x7: {  	[smem:$0x7FF] =	sst s3;
	s4 =	sadd.s32 $0x3600, s0;
	s5 =	sadd.s32 $0x20C00, s0  }
0x8: {  	s6 =	sadd.s32 $0x48000, s0;
	s18 =	sadd.s32 $0x48600, s0;
	s7 =	sadd.s32 $0x48800, s0  }
0x9: {  	s20 =	sshll.u32 s13, $0x9;
	_ =	strace $0x8000004D;
	[dreg:$0x4] =	wrdreg s6  }
0xa: {  	s8 =	sshll.u32 s13, $0xC;
	s12 =	sshll.u32 s13, $0x1;
	[dreg:$0x5] =	wrdreg s18  }
0xb: {  	s26 =	sshll.u32 s13, $0x6;
	[dreg:$0x6] =	wrdreg s7;
	s6 =	sand.u32 $0x1, s19  }
0xc: {  	s7 =	sadd.s32 s20, s0;
	s22 =	sadd.s32 s8, s1;
	s18 =	simm.s32 $0x2980  }
0xd: {  	s19 =	sor.u32 $0x1C03, s26;
	s26 =	simm.s32 $0x2C00;
	s9 =	sshll.u32 s6, $0x10  }
0xe: {  	s10 =	ssub.s32 $0x2, s6;
	s6 =	sor.u32 s6, s12;
	s23 =	sadd.s32 $0x48A00, s7  }
0xf: {  	s7 =	sadd.s32 $0x4AA00, s7;
	s9 =	sor.u32 s8, s9;
	[dreg:$0x7] =	wrdreg s23  }
0x10: {  	s11 =	sshrl.u32 s10, $0x1;
	s8 =	sadd.s32 s8, s2;
	[dreg:$0x8] =	wrdreg s7  }
0x11: {  	s12 =	smul.u32 $0x7530, s6;
	s23 =	simm.s32 $0x50;
	s6 =	simm.s32 $0x7D00  }
0x12: {  	s7 =	simm.s32 $0x0;
	s21 =	ssub.s32 s10, s11;
	s10 =	sshrl.u32 s8, $0x3  }
0x13: {  	s9 =	sshrl.u32 s9, $0x3;
	s25 =	smax.u32 s21, $0x1;
	[dreg:$0xd] =	wrdreg s10  }
0x14: {  	s0 =	sadd.s32 s9, s0;
	s9 =	sshrl.u32 s22, $0x3;
	[dreg:$0xb] =	wrdreg s25  }
0x15: {  	s22 =	simm.s32 $0x2A00;
	s24 =	sadd.s32 $0x4CA00, s0;
	[dreg:$0xc] =	wrdreg s9  }
0x16: {  	s0 =	sadd.s32 $0x50A00, s0;
	s25 =	simm.s32 $0x2D00;
	[dreg:$0x9] =	wrdreg s24  }
0x17: {  	[dreg:$0xa] =	wrdreg s0;
	s24 =	simm.s32 $0x2B80;
	s0 =	simm.s32 $0x2C80  }
.LBB2_1:
0x18: {  	s8 =	rddreg [dreg:$0x4]  }
0x19: {  	[tilespmem:s3], [sflag:$0x3] =	stream.linear.gather [hbm4b:s8+s3], $0x2780, $0x38;
	[tilespmem:$0xB700] =	vst v63  }
0x1a: {  	_ =	swait.ge [sflag:s16], $0x2780  }
0x1b: {  	[sflag:s16] =	ssyncset.done $0x0  }
0x1c: {  	s14 =	rddreg [dreg:$0x5];
	[sflag:s16] =	ssyncadd.s32 $0xFFFFD880  }
0x1d: {  	[tilespmem:s17], [sflag:$0x3] =	stream.linear.gather [hbm4b:s14+s3], $0x200, $0x38;
	[tilespmem:$0xB700] =	vst v63  }
0x1e: {  	_ =	swait.ge [sflag:s16], $0x200  }
0x1f: {  	[sflag:s16] =	ssyncset.done $0x0  }
0x20: {  	s15 =	rddreg [dreg:$0x6];
	[sflag:s16] =	ssyncadd.s32 $0xFFFFFE00  }
0x21: {  	[tilespmem:s18], [sflag:$0x3] =	stream.linear.gather [hbm4b:s15+s3], $0x80, $0x38;
	[tilespmem:$0xB700] =	vst v63  }
0x22: {  	_ =	swait.ge [sflag:s16], $0x80  }
0x23: {  	[sflag:s16] =	ssyncset.done $0x0  }
0x24: {  	s20 =	rddreg [dreg:$0x7];
	[sflag:s16] =	ssyncadd.s32 $0xFFFFFF80  }
0x25: {  	[spmem:s9], [sflag:s19] =	dma.local [hbm:s20], $0x200  }
0x26: {  	_ =	swait.ge [sflag:s16], $0x200  }
0x27: {  	[sflag:s16] =	ssyncset.done $0x0  }
0x28: {  	s21 =	rddreg [dreg:$0x8];
	[sflag:s16] =	ssyncadd.s32 $0xFFFFFE00  }
0x29: {  	[spmem:s10], [sflag:s19] =	dma.local [hbm:s21], $0x200  }
0x2a: {  	_ =	swait.ge [sflag:s16], $0x200  }
0x2b: {  	[sflag:s16] =	ssyncset.done $0x0  }
0x2c: {  	[sflag:s16] =	ssyncadd.s32 $0xFFFFFE00  }
0x2d: {  	s8 =	simm.s32 $0x0;
	[bflag:$0x0] =	sbarrier.arrive $0xFFFF  }
.LBB2_2:
0x2e: {  	s9 =	smul.u32 $0xF0, s8;
	_ =	sdelay $0x1  }
0x2f: {  	s9 =	sadd.s32 s12, s9  }
0x30: {  	s9 =	sshrl.u32 s9, $0x3  }
0x31: {  	s11 =	simm.s32 $0x3;
	s9 =	sadd.s32 s4, s9  }
0x32: {  	[tilespmem:s22], [sflag:$0x3] =	stream.linear.gather [hbm4b:s9+s3], $0xF0, $0x38;
	[tilespmem:$0xB700] =	vst v63  }
0x33: {  	_ =	swait.ge [sflag:s11], $0xF0  }
0x34: {  	[sflag:s11] =	ssyncset.done $0x0  }
0x35: {  	[sflag:s11] =	ssyncadd.s32 $0xFFFFFF10  }
0x36: {  	v0 =	vld [tilespmem:$0x2A00]  }
0x37: {  	v1 =	vld [tilespmem:$0x2A50];
	_ =	sdelay $0x1  }
0x38: {  	v2 =	vld [tilespmem:$0x2AA0];
	_ =	sdelay $0x4  }
0x39: {  	v3 =	vld.idx.msk [tilespmem:v0+s3+$0x0], $0xffff  }
0x3a: {  	v4 =	vld.idx.msk [tilespmem:v1+s17+$0x0], $0xffff;
	_ =	sdelay $0x1  }
0x3b: {  	v5 =	vld.idx.msk [tilespmem:v2+s18+$0x0], $0xffff;
	_ =	sdelay $0x2  }
0x3c: {  	v3 =	vadd.f32 v4, v3;
	_ =	sdelay $0x1  }
0x3d: {  	v3 =	vadd.f32 v5, v3;
	_ =	sdelay $0x1  }
0x3e: {  	v4 =	vmul.f32 $2.000000030e-01, v3  }
0x3f: {  	vm0 =	vgt.f32 v3, $0.0e+00  }
0x40: {  	v3 =	vsel vm0, v3, v4  }
0x41: {  	v3 =	vmul.f32 $1.442695020e+00, v3;
	_ =	sdelay $0x1  }
0x42: {  	(erf) = vpow2.f32 v3;
	_ =	sdelay $0x2  }
0x43: {  	v3 =	vld [tilespmem:$0x2A10]  }
0x44: {  	v4 =	vld [tilespmem:$0x2A60];
	_ =	sdelay $0x1  }
0x45: {  	v6 =	vld [tilespmem:$0x2AB0]  }
0x46: {  	[tilespmem:$0x2B80] =	vst v0  }
0x47: {  	[tilespmem:$0x2C80] =	vst v1;
	v0 =	vadd.s32 $0x2710, v2  }
0x48: {  	[tilespmem:$0x2C00] =	vst v0;
	v5 =	vpop (erf)  }
0x49: {  	[tilespmem:$0x2B00] =	vst v5  }
0x4a: {  	v0 =	vld.idx.msk [tilespmem:v3+s3+$0x0], $0xffff  }
0x4b: {  	v1 =	vld.idx.msk [tilespmem:v4+s17+$0x0], $0xffff;
	_ =	sdelay $0x1  }
0x4c: {  	v2 =	vld.idx.msk [tilespmem:v6+s18+$0x0], $0xffff;
	_ =	sdelay $0x2  }
0x4d: {  	v0 =	vadd.f32 v1, v0;
	_ =	sdelay $0x1  }
0x4e: {  	v0 =	vadd.f32 v2, v0;
	_ =	sdelay $0x1  }
0x4f: {  	v1 =	vmul.f32 $2.000000030e-01, v0  }
0x50: {  	vm12 =	vgt.f32 v0, $0.0e+00  }
0x51: {  	v0 =	vsel vm12, v0, v1  }
0x52: {  	v0 =	vmul.f32 $1.442695020e+00, v0;
	_ =	sdelay $0x1  }
0x53: {  	(erf) = vpow2.f32 v0;
	_ =	sdelay $0x3  }
0x54: {  	v0 =	vld [tilespmem:$0x2A20]  }
0x55: {  	v1 =	vld [tilespmem:$0x2A70];
	_ =	sdelay $0x1  }
0x56: {  	v5 =	vld [tilespmem:$0x2AC0]  }
0x57: {  	[tilespmem:$0x2B90] =	vst v3  }
0x58: {  	[tilespmem:$0x2C90] =	vst v4;
	v2 =	vpop (erf)  }
0x59: {  	[tilespmem:$0x2B10] =	vst v2;
	v2 =	vadd.s32 $0x2710, v6  }
0x5a: {  	[tilespmem:$0x2C10] =	vst v2  }
0x5b: {  	v2 =	vld.idx.msk [tilespmem:v0+s3+$0x0], $0xffff  }
0x5c: {  	v3 =	vld.idx.msk [tilespmem:v1+s17+$0x0], $0xffff;
	_ =	sdelay $0x1  }
0x5d: {  	v4 =	vld.idx.msk [tilespmem:v5+s18+$0x0], $0xffff;
	_ =	sdelay $0x2  }
0x5e: {  	v2 =	vadd.f32 v3, v2;
	_ =	sdelay $0x1  }
0x5f: {  	v2 =	vadd.f32 v4, v2;
	_ =	sdelay $0x1  }
0x60: {  	v3 =	vmul.f32 $2.000000030e-01, v2  }
0x61: {  	vm13 =	vgt.f32 v2, $0.0e+00  }
0x62: {  	v2 =	vsel vm13, v2, v3  }
0x63: {  	v2 =	vmul.f32 $1.442695020e+00, v2;
	_ =	sdelay $0x1  }
0x64: {  	(erf) = vpow2.f32 v2;
	_ =	sdelay $0x2  }
0x65: {  	v2 =	vld [tilespmem:$0x2A30]  }
0x66: {  	v3 =	vld [tilespmem:$0x2A80];
	_ =	sdelay $0x1  }
0x67: {  	v63 =	vld [tilespmem:$0x2AD0]  }
0x68: {  	[tilespmem:$0x2BA0] =	vst v0  }
0x69: {  	[tilespmem:$0x2CA0] =	vst v1;
	v0 =	vadd.s32 $0x2710, v5  }
0x6a: {  	[tilespmem:$0x2C20] =	vst v0;
	v4 =	vpop (erf)  }
0x6b: {  	[tilespmem:$0x2B20] =	vst v4  }
0x6c: {  	v0 =	vld.idx.msk [tilespmem:v2+s3+$0x0], $0xffff  }
0x6d: {  	v1 =	vld.idx.msk [tilespmem:v3+s17+$0x0], $0xffff;
	_ =	sdelay $0x1  }
0x6e: {  	v4 =	vld.idx.msk [tilespmem:v63+s18+$0x0], $0xffff;
	_ =	sdelay $0x2  }
0x6f: {  	v0 =	vadd.f32 v1, v0;
	_ =	sdelay $0x1  }
0x70: {  	v0 =	vadd.f32 v4, v0;
	_ =	sdelay $0x1  }
0x71: {  	v1 =	vmul.f32 $2.000000030e-01, v0  }
0x72: {  	vm14 =	vgt.f32 v0, $0.0e+00  }
0x73: {  	v0 =	vsel vm14, v0, v1  }
0x74: {  	v0 =	vmul.f32 $1.442695020e+00, v0;
	_ =	sdelay $0x1  }
0x75: {  	(erf) = vpow2.f32 v0;
	_ =	sdelay $0x2  }
0x76: {  	v0 =	vld [tilespmem:$0x2A40]  }
0x77: {  	v1 =	vld [tilespmem:$0x2A90];
	_ =	sdelay $0x1  }
0x78: {  	v5 =	vld [tilespmem:$0x2AE0]  }
0x79: {  	[tilespmem:$0x2BB0] =	vst v2  }
0x7a: {  	[tilespmem:$0x2CB0] =	vst v3;
	v2 =	vadd.s32 $0x2710, v63  }
0x7b: {  	[tilespmem:$0x2C30] =	vst v2;
	v4 =	vpop (erf)  }
0x7c: {  	[tilespmem:$0x2B30] =	vst v4  }
0x7d: {  	v2 =	vld.idx.msk [tilespmem:v0+s3+$0x0], $0xffff  }
0x7e: {  	v3 =	vld.idx.msk [tilespmem:v1+s17+$0x0], $0xffff;
	_ =	sdelay $0x1  }
0x7f: {  	v4 =	vld.idx.msk [tilespmem:v5+s18+$0x0], $0xffff;
	_ =	sdelay $0x2  }
0x80: {  	v2 =	vadd.f32 v3, v2;
	_ =	sdelay $0x1  }
0x81: {  	v2 =	vadd.f32 v4, v2;
	_ =	sdelay $0x1  }
0x82: {  	v3 =	vmul.f32 $2.000000030e-01, v2  }
0x83: {  	vm15 =	vgt.f32 v2, $0.0e+00  }
0x84: {  	v2 =	vsel vm15, v2, v3  }
0x85: {  	v2 =	vmul.f32 $1.442695020e+00, v2;
	_ =	sdelay $0x1  }
0x86: {  	(erf) = vpow2.f32 v2;
	_ =	sdelay $0x6  }
0x87: {  	[tilespmem:$0x2BC0] =	vst v0  }
0x88: {  	[tilespmem:$0x2CC0] =	vst v1;
	v0 =	vadd.s32 $0x2710, v5  }
0x89: {  	[tilespmem:$0x2C40] =	vst v0;
	v2 =	vpop (erf)  }
0x8a: {  	s15 =	simm.s32 $0x0;
	[tilespmem:$0x2B40] =	vst v2  }
0x8b: {  	[tilespmem:s25], [sflag:$0x1] =	stream.indirect.gather [hbm4b:s5+s23], $0x80, s24, s23, $0xb8;
	[tilespmem:$0xB700] =	vst v63  }
0x8c: {  	v0 =	vmov s15  }
0x8d: {  	v0 =	vand.u32 $0xFFFFFFFC, v0;
	[tilespmem:s28], [sflag:$0x2] =	stream.indirect.gather [hbm4b:s5+s23], $0x80, s26, s23, $0xb8;
	[tilespmem:$0xB700] =	vst v63  }
0x8e: {  	v0 =	vbroadcast v0, $0x0;
	_ =	swait.ge [sflag:s29], $0x2800  }
0x8f: {  	[sflag:s29] =	ssyncset.done $0x0  }
0x90: {  	[sflag:s29] =	ssyncadd.s32 $0xFFFFD800  }
0x91: {  	_ =	swait.ge [sflag:s30], $0x2800  }
0x92: {  	[sflag:s30] =	ssyncset.done $0x0  }
0x93: {  	[sflag:s30] =	ssyncadd.s32 $0xFFFFD800  }
0x94: {  	v0 =	vld.idx.msk [tilespmem:v0+s31+$0x0], $0xffff;
	_ =	sdelay $0x3  }
0x95: {  	s9 =	simm.s32 $0x7E00  }
0x96: {  	s10 =	simm.s32 $0x2E00;
	[tilespmem:s9+$0xFFFFFF00] =	vst v0  }
0x97: {  	s14 =	simm.s32 $0x5600;
	v1 =	vld [tilespmem:s10+$0xFFFFFF00]  }
0x98: {  	v2 =	vld [tilespmem:s14+$0xFFFFFF00];
	_ =	sdelay $0x4  }
0x99: {  	v1 =	vadd.f32 v2, v1;
	_ =	sdelay $0x1  }
0x9a: {  	v1 =	vmul.f32 v1, v0;
	_ =	sdelay $0x1  }
0x9b: {  	[tilespmem:s10+$0xFFFFFF00] =	vst v1;
	v1 =	vld [tilespmem:s10+$0xFFFFFF10]  }
0x9c: {  	v2 =	vld [tilespmem:s14+$0xFFFFFF10];
	_ =	sdelay $0x4  }
0x9d: {  	v1 =	vadd.f32 v2, v1;
	_ =	sdelay $0x1  }
0x9e: {  	v1 =	vmul.f32 v1, v0;
	_ =	sdelay $0x1  }
0x9f: {  	[tilespmem:s10+$0xFFFFFF10] =	vst v1;
	v1 =	vld [tilespmem:s10+$0xFFFFFF20]  }
0xa0: {  	v2 =	vld [tilespmem:s14+$0xFFFFFF20];
	_ =	sdelay $0x4  }
0xa1: {  	v1 =	vadd.f32 v2, v1;
	_ =	sdelay $0x1  }
0xa2: {  	v1 =	vmul.f32 v1, v0;
	_ =	sdelay $0x1  }
0xa3: {  	[tilespmem:s10+$0xFFFFFF20] =	vst v1;
	v1 =	vld [tilespmem:s10+$0xFFFFFF30]  }
0xa4: {  	v2 =	vld [tilespmem:s14+$0xFFFFFF30]  }
0xa5: {  	s13 =	simm.s32 $0x1  }
0xa6: {  	v3 =	vmov s13  }
0xa7: {  	v3 =	vand.u32 $0xFFFFFFFD, v3  }
0xa8: {  	v3 =	vbroadcast v3, $0x0  }
0xa9: {  	v1 =	vadd.f32 v2, v1;
	_ =	sdelay $0x1  }
0xaa: {  	v0 =	vmul.f32 v1, v0;
	_ =	sdelay $0x1  }
0xab: {  	[tilespmem:s10+$0xFFFFFF30] =	vst v0  }
0xac: {  	v0 =	vld.idx.msk [tilespmem:v3+s31+$0x0], $0xffff;
	_ =	sdelay $0x4  }
0xad: {  	[tilespmem:s9+$0xFFFFFF80] =	vst v0  }
0xae: {  	v1 =	vld [tilespmem:s10+$0xFFFFFF80]  }
0xaf: {  	v2 =	vld [tilespmem:s14+$0xFFFFFF80];
	_ =	sdelay $0x4  }
0xb0: {  	v1 =	vadd.f32 v2, v1;
	_ =	sdelay $0x1  }
0xb1: {  	v1 =	vmul.f32 v1, v0;
	_ =	sdelay $0x1  }
0xb2: {  	v2 =	vld [tilespmem:s10+$0xFFFFFF90];
	[tilespmem:s10+$0xFFFFFF80] =	vst v1  }
0xb3: {  	v1 =	vld [tilespmem:s14+$0xFFFFFF90];
	_ =	sdelay $0x4  }
0xb4: {  	v1 =	vadd.f32 v1, v2;
	_ =	sdelay $0x1  }
0xb5: {  	v1 =	vmul.f32 v1, v0;
	_ =	sdelay $0x1  }
0xb6: {  	v2 =	vld [tilespmem:s10+$0xFFFFFFA0];
	[tilespmem:s10+$0xFFFFFF90] =	vst v1  }
0xb7: {  	v1 =	vld [tilespmem:s14+$0xFFFFFFA0];
	_ =	sdelay $0x4  }
0xb8: {  	v1 =	vadd.f32 v1, v2;
	_ =	sdelay $0x1  }
0xb9: {  	v1 =	vmul.f32 v1, v0;
	_ =	sdelay $0x1  }
0xba: {  	v2 =	vld [tilespmem:s10+$0xFFFFFFB0];
	[tilespmem:s10+$0xFFFFFFA0] =	vst v1  }
0xbb: {  	v1 =	vld [tilespmem:s14+$0xFFFFFFB0]  }
0xbc: {  	s20 =	simm.s32 $0x2  }
0xbd: {  	v3 =	vmov s20  }
0xbe: {  	v3 =	vand.u32 $0xFFFFFFFE, v3  }
0xbf: {  	v3 =	vbroadcast v3, $0x0  }
0xc0: {  	v1 =	vadd.f32 v1, v2;
	_ =	sdelay $0x1  }
0xc1: {  	v0 =	vmul.f32 v1, v0;
	_ =	sdelay $0x1  }
0xc2: {  	[tilespmem:s10+$0xFFFFFFB0] =	vst v0  }
0xc3: {  	v0 =	vld.idx.msk [tilespmem:v3+s31+$0x0], $0xffff;
	_ =	sdelay $0x4  }
0xc4: {  	[tilespmem:s9+$0x0] =	vst v0  }
0xc5: {  	v1 =	vld [tilespmem:s10+$0x0]  }
0xc6: {  	v2 =	vld [tilespmem:s14+$0x0];
	_ =	sdelay $0x4  }
0xc7: {  	v1 =	vadd.f32 v2, v1;
	_ =	sdelay $0x1  }
0xc8: {  	v1 =	vmul.f32 v1, v0;
	_ =	sdelay $0x1  }
0xc9: {  	v2 =	vld [tilespmem:s10+$0x10];
	[tilespmem:s10+$0x0] =	vst v1  }
0xca: {  	v1 =	vld [tilespmem:s14+$0x10];
	_ =	sdelay $0x4  }
0xcb: {  	v1 =	vadd.f32 v1, v2;
	_ =	sdelay $0x1  }
0xcc: {  	v1 =	vmul.f32 v1, v0;
	_ =	sdelay $0x1  }
0xcd: {  	v2 =	vld [tilespmem:s10+$0x20];
	[tilespmem:s10+$0x10] =	vst v1  }
0xce: {  	v1 =	vld [tilespmem:s14+$0x20];
	_ =	sdelay $0x4  }
0xcf: {  	v1 =	vadd.f32 v1, v2;
	_ =	sdelay $0x1  }
0xd0: {  	v1 =	vmul.f32 v1, v0;
	_ =	sdelay $0x1  }
0xd1: {  	v2 =	vld [tilespmem:s10+$0x30];
	[tilespmem:s10+$0x20] =	vst v1  }
0xd2: {  	v1 =	vld [tilespmem:s14+$0x30];
	_ =	sdelay $0x4  }
0xd3: {  	v3 =	vmov s11;
	v1 =	vadd.f32 v1, v2;
	_ =	sdelay $0x1  }
0xd4: {  	v0 =	vmul.f32 v1, v0;
	_ =	sdelay $0x1  }
0xd5: {  	[tilespmem:s10+$0x30] =	vst v0  }
0xd6: {  	v0 =	vld.idx.msk [tilespmem:v3+s31+$0x0], $0xffff;
	_ =	sdelay $0x4  }
0xd7: {  	[tilespmem:s9+$0x80] =	vst v0  }
0xd8: {  	v1 =	vld [tilespmem:s10+$0x80]  }
0xd9: {  	v2 =	vld [tilespmem:s14+$0x80];
	_ =	sdelay $0x4  }
0xda: {  	v1 =	vadd.f32 v2, v1;
	_ =	sdelay $0x1  }
0xdb: {  	v4 =	vmul.f32 v1, v0;
	_ =	sdelay $0x1  }
0xdc: {  	v2 =	vld [tilespmem:s10+$0x90];
	[tilespmem:s10+$0x80] =	vst v4  }
0xdd: {  	v4 =	vld [tilespmem:s14+$0x90];
	_ =	sdelay $0x4  }
0xde: {  	v2 =	vadd.f32 v4, v2;
	_ =	sdelay $0x1  }
0xdf: {  	v2 =	vmul.f32 v2, v0;
	_ =	sdelay $0x1  }
0xe0: {  	v3 =	vld [tilespmem:s10+$0xA0];
	[tilespmem:s10+$0x90] =	vst v2  }
0xe1: {  	v2 =	vld [tilespmem:s14+$0xA0];
	_ =	sdelay $0x4  }
0xe2: {  	v2 =	vadd.f32 v2, v3;
	_ =	sdelay $0x1  }
0xe3: {  	v2 =	vmul.f32 v2, v0  }
0xe4: {  	s21 =	simm.s32 $0x4  }
0xe5: {  	v1 =	vld [tilespmem:s10+$0xB0];
	v3 =	vmov s21;
	[tilespmem:s10+$0xA0] =	vst v2  }
0xe6: {  	v2 =	vand.u32 $0xFFFFFFFC, v3;
	v3 =	vld [tilespmem:s14+$0xB0];
	_ =	sdelay $0x1  }
0xe7: {  	s15 =	simm.s32 $0xB  }
0xe8: {  	s13 =	simm.s32 $0x7;
	s11 =	simm.s32 $0x5800;
	v2 =	vbroadcast v2, $0x0;
	s14 =	simm.s32 $0x2E00  }
.LBB2_3:
0xe9: {  	s9 =	sadd.s32 $0x200, s9  }
0xea: {  	v1 =	vadd.f32 v3, v1;
	s10 =	sadd.s32 $0x200, s10;
	s20 =	smov.u32 s15;
	s21 =	sadd.s32 $0x4, s15  }
0xeb: {  	p0 =	sne.s32 s15, $0x4F  }
0xec: {  	v0 =	vmul.f32 v1, v0;
	_ =	sdelay $0x1  }
0xed: {  	[tilespmem:s14+$0xB0] =	vst v0;
	s14 =	smov.u32 s10  }
0xee: {  	v0 =	vld.idx.msk [tilespmem:v2+s31+$0x0], $0xffff;
	_ =	sdelay $0x5  }
0xef: {  	[tilespmem:s9+$0xFFFFFF00] =	vst v0  }
0xf0: {  	v1 =	vld [tilespmem:s10+$0xFFFFFF00]  }
0xf1: {  	v2 =	vld [tilespmem:s11+$0xFFFFFF00];
	_ =	sdelay $0x4  }
0xf2: {  	v1 =	vadd.f32 v2, v1;
	_ =	sdelay $0x1  }
0xf3: {  	v1 =	vmul.f32 v1, v0;
	_ =	sdelay $0x1  }
0xf4: {  	[tilespmem:s10+$0xFFFFFF00] =	vst v1;
	v1 =	vld [tilespmem:s10+$0xFFFFFF10]  }
0xf5: {  	v2 =	vld [tilespmem:s11+$0xFFFFFF10];
	_ =	sdelay $0x4  }
0xf6: {  	v1 =	vadd.f32 v2, v1;
	_ =	sdelay $0x1  }
0xf7: {  	v1 =	vmul.f32 v1, v0;
	_ =	sdelay $0x1  }
0xf8: {  	[tilespmem:s10+$0xFFFFFF10] =	vst v1;
	v1 =	vld [tilespmem:s10+$0xFFFFFF20]  }
0xf9: {  	v2 =	vld [tilespmem:s11+$0xFFFFFF20];
	_ =	sdelay $0x4  }
0xfa: {  	v1 =	vadd.f32 v2, v1;
	_ =	sdelay $0x1  }
0xfb: {  	v1 =	vmul.f32 v1, v0;
	_ =	sdelay $0x1  }
0xfc: {  	[tilespmem:s10+$0xFFFFFF20] =	vst v1;
	v1 =	vld [tilespmem:s10+$0xFFFFFF30]  }
0xfd: {  	s15 =	sadd.s32 $0xFFFFFFFE, s13;
	v2 =	vld [tilespmem:s11+$0xFFFFFF30]  }
0xfe: {  	v3 =	vmov s15  }
0xff: {  	v3 =	vand.u32 $0xFFFFFFFD, v3  }
0x100: {  	v3 =	vbroadcast v3, $0x0;
	_ =	sdelay $0x1  }
0x101: {  	v1 =	vadd.f32 v2, v1;
	_ =	sdelay $0x1  }
0x102: {  	v0 =	vmul.f32 v1, v0;
	_ =	sdelay $0x1  }
0x103: {  	[tilespmem:s10+$0xFFFFFF30] =	vst v0  }
0x104: {  	v0 =	vld.idx.msk [tilespmem:v3+s31+$0x0], $0xffff;
	_ =	sdelay $0x5  }
0x105: {  	[tilespmem:s9+$0xFFFFFF80] =	vst v0  }
0x106: {  	v1 =	vld [tilespmem:s10+$0xFFFFFF80]  }
0x107: {  	v2 =	vld [tilespmem:s11+$0xFFFFFF80];
	_ =	sdelay $0x4  }
0x108: {  	v1 =	vadd.f32 v2, v1;
	_ =	sdelay $0x1  }
0x109: {  	v1 =	vmul.f32 v1, v0  }
0x10a: {  	v2 =	vld [tilespmem:s10+$0xFFFFFF90]  }
0x10b: {  	[tilespmem:s10+$0xFFFFFF80] =	vst v1  }
0x10c: {  	v1 =	vld [tilespmem:s11+$0xFFFFFF90];
	_ =	sdelay $0x4  }
0x10d: {  	v1 =	vadd.f32 v1, v2;
	_ =	sdelay $0x1  }
0x10e: {  	v1 =	vmul.f32 v1, v0  }
0x10f: {  	v2 =	vld [tilespmem:s10+$0xFFFFFFA0]  }
0x110: {  	[tilespmem:s10+$0xFFFFFF90] =	vst v1  }
0x111: {  	v1 =	vld [tilespmem:s11+$0xFFFFFFA0];
	_ =	sdelay $0x4  }
0x112: {  	v1 =	vadd.f32 v1, v2;
	_ =	sdelay $0x1  }
0x113: {  	v1 =	vmul.f32 v1, v0  }
0x114: {  	v2 =	vld [tilespmem:s10+$0xFFFFFFB0]  }
0x115: {  	s15 =	sadd.s32 $0xFFFFFFFF, s13;
	[tilespmem:s10+$0xFFFFFFA0] =	vst v1  }
0x116: {  	v3 =	vmov s15;
	v1 =	vld [tilespmem:s11+$0xFFFFFFB0]  }
0x117: {  	v3 =	vand.u32 $0xFFFFFFFE, v3  }
0x118: {  	v3 =	vbroadcast v3, $0x0;
	_ =	sdelay $0x2  }
0x119: {  	v1 =	vadd.f32 v1, v2;
	_ =	sdelay $0x1  }
0x11a: {  	v0 =	vmul.f32 v1, v0;
	_ =	sdelay $0x1  }
0x11b: {  	[tilespmem:s10+$0xFFFFFFB0] =	vst v0  }
0x11c: {  	v0 =	vld.idx.msk [tilespmem:v3+s31+$0x0], $0xffff;
	_ =	sdelay $0x5  }
0x11d: {  	[tilespmem:s9+$0x0] =	vst v0  }
0x11e: {  	v1 =	vld [tilespmem:s10+$0x0]  }
0x11f: {  	v2 =	vld [tilespmem:s11+$0x0];
	_ =	sdelay $0x4  }
0x120: {  	v1 =	vadd.f32 v2, v1;
	_ =	sdelay $0x1  }
0x121: {  	v1 =	vmul.f32 v1, v0;
	v2 =	vld [tilespmem:s10+$0x10];
	_ =	sdelay $0x1  }
0x122: {  	[tilespmem:s10+$0x0] =	vst v1  }
0x123: {  	v1 =	vld [tilespmem:s11+$0x10];
	_ =	sdelay $0x4  }
0x124: {  	v1 =	vadd.f32 v1, v2;
	_ =	sdelay $0x1  }
0x125: {  	v1 =	vmul.f32 v1, v0;
	v2 =	vld [tilespmem:s10+$0x20];
	_ =	sdelay $0x1  }
0x126: {  	[tilespmem:s10+$0x10] =	vst v1  }
0x127: {  	v1 =	vld [tilespmem:s11+$0x20];
	_ =	sdelay $0x4  }
0x128: {  	v1 =	vadd.f32 v1, v2;
	_ =	sdelay $0x1  }
0x129: {  	v1 =	vmul.f32 v1, v0;
	v2 =	vld [tilespmem:s10+$0x30];
	_ =	sdelay $0x1  }
0x12a: {  	[tilespmem:s10+$0x20] =	vst v1  }
0x12b: {  	v1 =	vld [tilespmem:s11+$0x30];
	_ =	sdelay $0x1  }
0x12c: {  	v3 =	vmov s13;
	s13 =	smov.u32 s20;
	_ =	sdelay $0x2  }
0x12d: {  	v1 =	vadd.f32 v1, v2;
	_ =	sdelay $0x1  }
0x12e: {  	v0 =	vmul.f32 v1, v0;
	_ =	sdelay $0x1  }
0x12f: {  	[tilespmem:s10+$0x30] =	vst v0  }
0x130: {  	v0 =	vld.idx.msk [tilespmem:v3+s31+$0x0], $0xffff;
	_ =	sdelay $0x5  }
0x131: {  	[tilespmem:s9+$0x80] =	vst v0  }
0x132: {  	v2 =	vld [tilespmem:s10+$0x80]  }
0x133: {  	v3 =	vld [tilespmem:s11+$0x80]  }
0x134: {  	v4 =	vld [tilespmem:s10+$0x90]  }
0x135: {  	v5 =	vld [tilespmem:s10+$0xA0]  }
0x136: {  	v1 =	vld [tilespmem:s10+$0xB0];
	_ =	sdelay $0x1  }
0x137: {  	v2 =	vadd.f32 v3, v2;
	_ =	sdelay $0x1  }
0x138: {  	v2 =	vmul.f32 v2, v0;
	_ =	sdelay $0x1  }
0x139: {  	[tilespmem:s10+$0x80] =	vst v2  }
0x13a: {  	v2 =	vld [tilespmem:s11+$0x90];
	_ =	sdelay $0x4  }
0x13b: {  	v2 =	vadd.f32 v2, v4;
	_ =	sdelay $0x1  }
0x13c: {  	v2 =	vmul.f32 v2, v0;
	_ =	sdelay $0x1  }
0x13d: {  	[tilespmem:s10+$0x90] =	vst v2  }
0x13e: {  	v2 =	vld [tilespmem:s11+$0xA0];
	_ =	sdelay $0x4  }
0x13f: {  	v2 =	vadd.f32 v2, v5;
	_ =	sdelay $0x1  }
0x140: {  	v2 =	vmul.f32 v2, v0;
	_ =	sdelay $0x1  }
0x141: {  	[tilespmem:s10+$0xA0] =	vst v2  }
.Ltmp0:
0x142: {  	v3 =	vld [tilespmem:s11+$0xB0];
	(pc) =	sbr.rel @p0 .LBB2_3-.Ltmp0, $4  }
0x143: {  	s15 =	sadd.s32 $0xFFFFFFFD, s13  }
0x144: {  	v2 =	vmov s15  }
0x145: {  	v2 =	vand.u32 $0xFFFFFFFC, v2  }
0x146: {  	s15 =	smov.u32 s21;
	s11 =	sadd.s32 $0x200, s11;
	v2 =	vbroadcast v2, $0x0  }
0x147: {  	v1 =	vadd.f32 v3, v1;
	_ =	sdelay $0x1  }
0x148: {  	v0 =	vmul.f32 v1, v0;
	_ =	sdelay $0x1  }
0x149: {  	[tilespmem:s14+$0xB0] =	vst v0  }
0x14a: {  	v0 =	vld.idx.msk [tilespmem:v2+s31+$0x0], $0xffff;
	_ =	sdelay $0x3  }
0x14b: {  	s9 =	sadd.s32 $0x200, s9  }
0x14c: {  	s15 =	sadd.s32 $0x200, s10;
	[tilespmem:s9+$0xFFFFFF00] =	vst v0  }
0x14d: {  	v38 =	vld [tilespmem:s15+$0xFFFFFF00]  }
0x14e: {  	v39 =	vld [tilespmem:s11+$0xFFFFFF00];
	_ =	sdelay $0x4  }
0x14f: {  	v1 =	vadd.f32 v39, v38;
	_ =	sdelay $0x1  }
0x150: {  	v1 =	vmul.f32 v1, v0;
	_ =	sdelay $0x1  }
0x151: {  	v40 =	vld [tilespmem:s15+$0xFFFFFF10];
	[tilespmem:s15+$0xFFFFFF00] =	vst v1  }
0x152: {  	v41 =	vld [tilespmem:s11+$0xFFFFFF10];
	_ =	sdelay $0x4  }
0x153: {  	v1 =	vadd.f32 v41, v40;
	_ =	sdelay $0x1  }
0x154: {  	v1 =	vmul.f32 v1, v0;
	_ =	sdelay $0x1  }
0x155: {  	v42 =	vld [tilespmem:s15+$0xFFFFFF20];
	[tilespmem:s15+$0xFFFFFF10] =	vst v1  }
0x156: {  	v43 =	vld [tilespmem:s11+$0xFFFFFF20];
	_ =	sdelay $0x4  }
0x157: {  	v1 =	vadd.f32 v43, v42;
	_ =	sdelay $0x1  }
0x158: {  	v1 =	vmul.f32 v1, v0;
	_ =	sdelay $0x1  }
0x159: {  	v44 =	vld [tilespmem:s15+$0xFFFFFF30];
	[tilespmem:s15+$0xFFFFFF20] =	vst v1  }
0x15a: {  	v45 =	vld [tilespmem:s11+$0xFFFFFF30]  }
0x15b: {  	s20 =	sadd.s32 $0xFFFFFFFE, s13  }
0x15c: {  	v46 =	vmov s20  }
0x15d: {  	v3 =	vand.u32 $0xFFFFFFFD, v46  }
0x15e: {  	v3 =	vbroadcast v3, $0x0  }
0x15f: {  	v1 =	vadd.f32 v45, v44;
	_ =	sdelay $0x1  }
0x160: {  	v0 =	vmul.f32 v1, v0;
	_ =	sdelay $0x1  }
0x161: {  	[tilespmem:s15+$0xFFFFFF30] =	vst v0  }
0x162: {  	v0 =	vld.idx.msk [tilespmem:v3+s31+$0x0], $0xffff;
	_ =	sdelay $0x4  }
0x163: {  	[tilespmem:s9+$0xFFFFFF80] =	vst v0  }
0x164: {  	v47 =	vld [tilespmem:s15+$0xFFFFFF80]  }
0x165: {  	v48 =	vld [tilespmem:s11+$0xFFFFFF80];
	_ =	sdelay $0x4  }
0x166: {  	v1 =	vadd.f32 v48, v47;
	_ =	sdelay $0x1  }
0x167: {  	v1 =	vmul.f32 v1, v0;
	_ =	sdelay $0x1  }
0x168: {  	v49 =	vld [tilespmem:s15+$0xFFFFFF90];
	[tilespmem:s15+$0xFFFFFF80] =	vst v1  }
0x169: {  	v1 =	vld [tilespmem:s11+$0xFFFFFF90];
	_ =	sdelay $0x4  }
0x16a: {  	v1 =	vadd.f32 v1, v49;
	_ =	sdelay $0x1  }
0x16b: {  	v1 =	vmul.f32 v1, v0;
	_ =	sdelay $0x1  }
0x16c: {  	v50 =	vld [tilespmem:s15+$0xFFFFFFA0];
	[tilespmem:s15+$0xFFFFFF90] =	vst v1  }
0x16d: {  	v1 =	vld [tilespmem:s11+$0xFFFFFFA0];
	_ =	sdelay $0x4  }
0x16e: {  	v1 =	vadd.f32 v1, v50;
	_ =	sdelay $0x1  }
0x16f: {  	v1 =	vmul.f32 v1, v0;
	_ =	sdelay $0x1  }
0x170: {  	v51 =	vld [tilespmem:s15+$0xFFFFFFB0];
	[tilespmem:s15+$0xFFFFFFA0] =	vst v1  }
0x171: {  	v1 =	vld [tilespmem:s11+$0xFFFFFFB0]  }
0x172: {  	s21 =	sadd.s32 $0xFFFFFFFF, s13  }
0x173: {  	v52 =	vmov s21  }
0x174: {  	v3 =	vand.u32 $0xFFFFFFFE, v52  }
0x175: {  	v3 =	vbroadcast v3, $0x0  }
0x176: {  	v1 =	vadd.f32 v1, v51;
	_ =	sdelay $0x1  }
0x177: {  	v0 =	vmul.f32 v1, v0;
	_ =	sdelay $0x1  }
0x178: {  	[tilespmem:s15+$0xFFFFFFB0] =	vst v0  }
0x179: {  	v0 =	vld.idx.msk [tilespmem:v3+s31+$0x0], $0xffff;
	_ =	sdelay $0x4  }
0x17a: {  	[tilespmem:s9+$0x0] =	vst v0  }
0x17b: {  	v53 =	vld [tilespmem:s15+$0x0]  }
0x17c: {  	v54 =	vld [tilespmem:s11+$0x0];
	_ =	sdelay $0x4  }
0x17d: {  	v1 =	vadd.f32 v54, v53;
	_ =	sdelay $0x1  }
0x17e: {  	v1 =	vmul.f32 v1, v0;
	_ =	sdelay $0x1  }
0x17f: {  	v55 =	vld [tilespmem:s15+$0x10];
	[tilespmem:s15+$0x0] =	vst v1  }
0x180: {  	v1 =	vld [tilespmem:s11+$0x10];
	_ =	sdelay $0x4  }
0x181: {  	v1 =	vadd.f32 v1, v55;
	_ =	sdelay $0x1  }
0x182: {  	v1 =	vmul.f32 v1, v0;
	_ =	sdelay $0x1  }
0x183: {  	v56 =	vld [tilespmem:s15+$0x20];
	[tilespmem:s15+$0x10] =	vst v1  }
0x184: {  	v1 =	vld [tilespmem:s11+$0x20];
	_ =	sdelay $0x4  }
0x185: {  	v1 =	vadd.f32 v1, v56;
	_ =	sdelay $0x1  }
0x186: {  	v1 =	vmul.f32 v1, v0;
	_ =	sdelay $0x1  }
0x187: {  	v57 =	vld [tilespmem:s15+$0x30];
	[tilespmem:s15+$0x20] =	vst v1  }
0x188: {  	v1 =	vld [tilespmem:s11+$0x30];
	_ =	sdelay $0x4  }
0x189: {  	v58 =	vmov s13;
	v1 =	vadd.f32 v1, v57;
	_ =	sdelay $0x1  }
0x18a: {  	v0 =	vmul.f32 v1, v0;
	_ =	sdelay $0x1  }
0x18b: {  	[tilespmem:s15+$0x30] =	vst v0  }
0x18c: {  	v0 =	vld.idx.msk [tilespmem:v58+s31+$0x0], $0xffff;
	_ =	sdelay $0x4  }
0x18d: {  	[tilespmem:s9+$0x80] =	vst v0  }
0x18e: {  	v59 =	vld [tilespmem:s15+$0x80]  }
0x18f: {  	v60 =	vld [tilespmem:s11+$0x80];
	_ =	sdelay $0x4  }
0x190: {  	v1 =	vadd.f32 v60, v59;
	_ =	sdelay $0x1  }
0x191: {  	v1 =	vmul.f32 v1, v0;
	_ =	sdelay $0x1  }
0x192: {  	v61 =	vld [tilespmem:s15+$0x90];
	[tilespmem:s15+$0x80] =	vst v1  }
0x193: {  	v1 =	vld [tilespmem:s11+$0x90];
	_ =	sdelay $0x4  }
0x194: {  	v1 =	vadd.f32 v1, v61;
	_ =	sdelay $0x1  }
0x195: {  	v1 =	vmul.f32 v1, v0;
	_ =	sdelay $0x1  }
0x196: {  	v62 =	vld [tilespmem:s15+$0xA0];
	[tilespmem:s15+$0x90] =	vst v1  }
0x197: {  	v1 =	vld [tilespmem:s11+$0xA0];
	_ =	sdelay $0x4  }
0x198: {  	v1 =	vadd.f32 v1, v62;
	_ =	sdelay $0x1  }
0x199: {  	v1 =	vmul.f32 v1, v0;
	_ =	sdelay $0x1  }
0x19a: {  	v63 =	vld [tilespmem:s15+$0xB0];
	[tilespmem:s15+$0xA0] =	vst v1  }
0x19b: {  	v1 =	vld [tilespmem:s11+$0xB0];
	_ =	sdelay $0x4  }
0x19c: {  	v1 =	vadd.f32 v1, v63;
	_ =	sdelay $0x1  }
0x19d: {  	v0 =	vmul.f32 v1, v0;
	_ =	sdelay $0x1  }
0x19e: {  	[tilespmem:s15+$0xB0] =	vst v0  }
0x19f: {  	[spmem:s1] =	stream.indirect.scatter.add.f32 [tilespmem:s25], [sflag:$0x3], $0x80, s0, s23, $0xb8;
	[tilespmem:$0xB700] =	vst v63  }
0x1a0: {  	s8 =	sadd.s32 $0x1, s8;
	_ =	swait.ge [sflag:s16], $0x2800  }
0x1a1: {  	p0 =	sne.s32 s8, $0x7D;
	[sflag:s16] =	ssyncset.done $0x0  }
.Ltmp1:
0x1a2: {  	[sflag:s16] =	ssyncadd.s32 $0xFFFFD800;
	(pc) =	sbr.rel @p0 .LBB2_2-.Ltmp1, $4  }
0x1a3: {  	[spmem:s2] =	stream.indirect.scatter.add.f32 [tilespmem:s6], [sflag:$0x3], $0x10, s0, s23, $0xb8;
	[tilespmem:$0xB700] =	vst v63  }
0x1a4: {  	_ =	swait.ge [sflag:s16], $0x500  }
0x1a5: {  	[sflag:s16] =	ssyncset.done $0x0  }
0x1a6: {  	[sflag:s16] =	ssyncadd.s32 $0xFFFFFB00  }
0x1a7: {  	[bflag:$0x0] =	sbarrier.arrive $0xFFFF  }
0x1a8: {  	s8 =	rddreg [dreg:$0x9]  }
0x1a9: {  	s9 =	rddreg [dreg:$0xc]  }
0x1aa: {  	[hbm:s8], [sflag:s19] =	dma.local [spmem:s9], $0x200  }
0x1ab: {  	_ =	swait.ge [sflag:s16], $0x200  }
0x1ac: {  	[sflag:s16] =	ssyncset.done $0x0;
	s20 =	rddreg [dreg:$0xa]  }
0x1ad: {  	s10 =	rddreg [dreg:$0xd];
	[sflag:s16] =	ssyncadd.s32 $0xFFFFFE00  }
0x1ae: {  	[hbm:s20], [sflag:s19] =	dma.local [spmem:s10], $0x200  }
0x1af: {  	_ =	swait.ge [sflag:s16], $0x200  }
0x1b0: {  	s7 =	sadd.s32 $0x1, s7;
	s21 =	rddreg [dreg:$0xb]  }
0x1b1: {  	p0 =	sne.s32 s7, s21  }
.Ltmp2:
0x1b2: {  	_ = 	snop;
	(pc) =	sbr.rel @p0 .LBB2_1-.Ltmp2, $3  }
0x1b3: {  	_ =	sdelay $0x1  }
0x1b4: {  	[sflag:s16] =	ssyncset.done $0x0  }
0x1b5: {  	[sflag:s16] =	ssyncadd.s32 $0xFFFFFE00  }
0x1b6: {  	_ =	sfence.sel $0x180000  }
0x1b7: {  	[bflag:$0x0] =	sbarrier.arrive $0xFFFF  }
0x1b8: {  	_ =	strace $0x9000004D  }
0x1b9: {  	s0 =	stileid.u32;
	[bflag:$0x2] =	sbarrier.arrive $0xFFFF  }
0x1ba: {  	p0 =	sne.s32 s0, $0x0;
	s0 =	rddreg [dreg:$0x3]  }
0x1bb: {  	s0 =	sadd.s32 @!p0 $0x100000, s0  }
0x1bc: {  	[sflag:s0] =	ssyncadd.tile.s32 @!p0 $0x1;
	_ =	shalt  }
.Lfunc_end2:
_tile_overlayer_lowered:
.L_overlay_start_2:
0x1bd: {  	(tag) =	ssettag $0x2  }
0x1be: {  	s0 =	rddreg [dreg:$0x0];
	s2 =	stileid.u32  }
0x1bf: {  	s1 =	rddreg [dreg:$0x1];
	p0 =	sne.s32 s2, $0x0  }
0x1c0: {  	s3 =	rddreg [dreg:$0x2];
	[bflag:$0x3] =	sbarrier.arrive $0xFFFF;
	s2 =	simm.s32 @!p0 $0x1C03  }
0x1c1: {  	[timem:s3], [sflag:s2] =	dma.local @!p0 [hbm:s0], s1  }
0x1c2: {  	s0 =	simm.s32 @!p0 $0x3  }
0x1c3: {  	_ =	swait.ge @!p0 [sflag:s0], s1  }
0x1c4: {  	s1 =	ssub.s32 @!p0 $0x0, s1;
	[sflag:s0] =	ssyncset.done @!p0 $0x0  }
0x1c5: {  	[sflag:s0] =	ssyncadd.s32 @!p0 s1  }
0x1c6: {  	[bflag:$0x3] =	sbarrier.arrive $0xFFFF  }
0x1c7: {  	_ =	shalt  }

// kernel: closed_call.26.cloned.1.call-start
scs
__scs_entry_jumppad:
0x0: {  	(pc) =	sbr.rel $0x88, $3  }
0x1: {  	(tag) =	ssettag $0x0;
	lr =	simm.s32 $0x1  }
0x2: {  	[smem:$0x3F89] =	sst lr;
	_ =	strace $0xD0000000  }
0x3: {  	_ = 	snop  }
0x4: {  	_ = 	snop  }
0x5: {  	_ = 	snop  }
0x6: {  	_ = 	snop  }
0x7: {  	_ = 	snop  }
__scs_overlays_trampoline_lowered:
0x8: {  	[smem:$0x3F98] =	sst s0  }
0x9: {  	[smem:$0x3F99] =	sst s1  }
0xa: {  	[smem:$0x3F9A] =	sst s2  }
0xb: {  	[smem:$0x3F9B] =	sst s3  }
0xc: {  	[smem:$0x3F9C] =	sst s4  }
0xd: {  	[smem:$0x3F9D] =	sst s5  }
0xe: {  	[smem:$0x3F9E] =	sst s6  }
0xf: {  	[smem:$0x3F9F] =	sst s7  }
0x10: {  	[smem:$0x3FA0] =	sst s8  }
0x11: {  	[smem:$0x3FA1] =	sst s9;
	s0 =	simm.s32 @!p0 $0x0  }
0x12: {  	s1 =	sld [smem:$0x3F87];
	s0 =	simm.s32 @p0 $0x1  }
0x13: {  	[smem:$0x3FA2] =	sst s0;
	s0 =	simm.s32 @!p1 $0x0  }
0x14: {  	s2 =	sld [smem:$0x3F86];
	s0 =	simm.s32 @p1 $0x1  }
0x15: {  	[smem:$0x3FA3] =	sst s0;
	s0 =	simm.s32 @!p2 $0x0  }
0x16: {  	s3 =	sld [smem:$0x3FDB];
	s0 =	simm.s32 @p2 $0x1  }
0x17: {  	s4 =	simm.s32 $0x1BF5;
	[smem:$0x3FA5] =	sst s0  }
0x18: {  	s0 =	sld [smem:$0x3F88];
	_ =	swait.ge [sflag:s4], $0x0  }
0x19: {  	s7 =	sld [smem:$0x3F89]  }
0x1a: {  	s8 =	sadd.s32 $0xFFFFE003, lr  }
0x1b: {  	s9 =	sadd.s32 $0xFFFFFEF7, lr;
	s5 =	simm.s32 $0xFFFFFFFF;
	p2 =	slt.u32 s8, $0xFFFFF086  }
0x1c: {  	p1 =	slt.u32 s9, $0xF7A;
	s5 =	simm.s32 @!p2 $0x0  }
0x1d: {  	s5 =	simm.s32 @p1 $0x1;
	p0 =	seq.s32 s7, s2  }
0x1e: {  	s7 =	smul.u32 @!p0 $0xF7A, s2;
	p2 =	seq.s32 @!p0 s5, $0x0  }
0x1f: {  	s9 =	smul.u32 $0xF7A, s1;
	s8 =	simm.s32 @!p0 $0x1BF5;
	p2 =	por !p2, p0  }
0x20: {  	[sflag:s8] =	ssyncset.s32 @!p0 $0xFFFFF086;
	s6 =	sadd.s32 @!p0 s3, s7;
	s7 =	simm.s32 @!p0 $0x108  }
0x21: {  	s3 =	sadd.s32 s3, s9;
	s6 =	sadd.s32 @!p0 $0x88, s6;
	s7 =	simm.s32 @p2 $0x1082  }
0x22: {  	[simem:s7], [sflag:s8] =	dma.local @!p0 [hbm:s6], $0xF7A  }
0x23: {  	s9 =	sor.u32 $0xD0000000, s2;
	s6 =	simm.s32 $0x108;
	_ =	swait.ge @!p0 [sflag:s8], $0x0  }
0x24: {  	s3 =	sadd.s32 $0x88, s3;
	s6 =	simm.s32 @!p1 $0x1082;
	[sflag:s4] =	ssyncset.s32 $0xFFFFF086  }
0x25: {  	[simem:s6], [sflag:s4] =	dma.local [hbm:s3], $0xF7A  }
0x26: {  	[smem:$0x3F89] =	sst s1;
	(tag) =	ssettag s2;
	_ =	strace s9  }
0x27: {  	s1 =	sld [smem:$0x3F99]  }
0x28: {  	s2 =	sld [smem:$0x3F9A]  }
0x29: {  	s4 =	sld [smem:$0x3F9C]  }
0x2a: {  	p0 =	seq.s32 s5, $0x0;
	s5 =	sld [smem:$0x3F9D]  }
0x2b: {  	s6 =	sld [smem:$0x3F9E]  }
0x2c: {  	s7 =	sld [smem:$0x3F9F]  }
0x2d: {  	s3 =	simm.s32 $0x108;
	s8 =	sld [smem:$0x3FA0]  }
0x2e: {  	s3 =	simm.s32 @!p0 $0x1082;
	s9 =	sld [smem:$0x3FA1]  }
0x2f: {  	lr =	sadd.s32 s0, s3;
	s0 =	sld [smem:$0x3F98]  }
0x30: {  	s3 =	sld [smem:$0x3F9B]  }
0x31: {  	[smem:$0x3FA4] =	sst s10  }
0x32: {  	s10 =	sld [smem:$0x3FA2];
	_ =	sdelay $0x3  }
0x33: {  	p0 =	seq.s32 s10, $0x1;
	s10 =	sld [smem:$0x3FA4];
	_ =	sdelay $0x3  }
0x34: {  	[smem:$0x3FA4] =	sst s10  }
0x35: {  	s10 =	sld [smem:$0x3FA3];
	_ =	sdelay $0x3  }
0x36: {  	p1 =	seq.s32 s10, $0x1;
	s10 =	sld [smem:$0x3FA4];
	_ =	sdelay $0x3  }
0x37: {  	[smem:$0x3FA4] =	sst s10  }
0x38: {  	s10 =	sld [smem:$0x3FA5]  }
0x39: {  	_ = 	snop;
	(pc) =	sbr.ind lr, $3  }
0x3a: {  	_ = 	snop  }
0x3b: {  	_ = 	snop  }
0x3c: {  	p2 =	seq.s32 s10, $0x1;
	s10 =	sld [smem:$0x3FA4]  }
0x3d: {  	_ =	shalt  }
0x3e: {  	_ =	shalt  }
0x3f: {  	_ =	shalt  }
0x40: {  	_ =	shalt  }
0x41: {  	_ =	shalt  }
0x42: {  	_ =	shalt  }
0x43: {  	_ =	shalt  }
0x44: {  	_ =	shalt  }
0x45: {  	_ =	shalt  }
0x46: {  	_ =	shalt  }
0x47: {  	_ =	shalt  }
0x48: {  	_ =	shalt  }
0x49: {  	_ =	shalt  }
0x4a: {  	_ =	shalt  }
0x4b: {  	_ =	shalt  }
0x4c: {  	_ =	shalt  }
0x4d: {  	_ =	shalt  }
0x4e: {  	_ =	shalt  }
0x4f: {  	_ =	shalt  }
0x50: {  	_ =	shalt  }
0x51: {  	_ =	shalt  }
0x52: {  	_ =	shalt  }
0x53: {  	_ =	shalt  }
0x54: {  	_ =	shalt  }
0x55: {  	_ =	shalt  }
0x56: {  	_ =	shalt  }
0x57: {  	_ =	shalt  }
0x58: {  	_ =	shalt  }
0x59: {  	_ =	shalt  }
0x5a: {  	_ =	shalt  }
0x5b: {  	_ =	shalt  }
0x5c: {  	_ =	shalt  }
0x5d: {  	_ =	shalt  }
0x5e: {  	_ =	shalt  }
0x5f: {  	_ =	shalt  }
0x60: {  	_ =	shalt  }
0x61: {  	_ =	shalt  }
0x62: {  	_ =	shalt  }
0x63: {  	_ =	shalt  }
0x64: {  	_ =	shalt  }
0x65: {  	_ =	shalt  }
0x66: {  	_ =	shalt  }
0x67: {  	_ =	shalt  }
0x68: {  	_ =	shalt  }
0x69: {  	_ =	shalt  }
0x6a: {  	_ =	shalt  }
0x6b: {  	_ =	shalt  }
0x6c: {  	_ =	shalt  }
0x6d: {  	_ =	shalt  }
0x6e: {  	_ =	shalt  }
0x6f: {  	_ =	shalt  }
0x70: {  	_ =	shalt  }
0x71: {  	_ =	shalt  }
0x72: {  	_ =	shalt  }
0x73: {  	_ =	shalt  }
0x74: {  	_ =	shalt  }
0x75: {  	_ =	shalt  }
0x76: {  	_ =	shalt  }
0x77: {  	_ =	shalt  }
0x78: {  	_ =	shalt  }
0x79: {  	_ =	shalt  }
0x7a: {  	_ =	shalt  }
0x7b: {  	_ =	shalt  }
0x7c: {  	_ =	shalt  }
0x7d: {  	_ =	shalt  }
0x7e: {  	_ =	shalt  }
0x7f: {  	_ =	shalt  }
0x80: {  	_ =	shalt  }
0x81: {  	_ =	shalt  }
0x82: {  	_ =	shalt  }
0x83: {  	_ =	shalt  }
0x84: {  	_ =	shalt  }
0x85: {  	_ =	shalt  }
0x86: {  	_ =	shalt  }
0x87: {  	_ =	shalt  }
.Lfunc_end0:
.L_simem_size_0:
called_computation.1_lowered:
.L_overlay_start_0:
0x88: {  	s2 =	sld [smem:$0x3FD9]  }
0x89: {  	s3 =	sld [smem:$0x3FFE];
	_ =	sdelay $0x1  }
0x8a: {  	s1 =	srdreg.scid  }
0x8b: {  	s0 =	sand.u32 $0x1, s1  }
0x8c: {  	s17 =	sshll.u32 s0, $0xA;
	s2 =	sadd.s32 s3, s2  }
0x8d: {  	s2 =	sadd.s32 s2, s17  }
0x8e: {  	[smem:$0x3FB0] =	sst s2  }
0x8f: {  	_ = 	snop  }
0x90: {  	s2 =	sld [smem:$0x3FD0];
	(tm) =	ssettm $0x1  }
0x91: {  	s18 =	sld [smem:$0x3FFB];
	_ =	sdelay $0x3  }
0x92: {  	_ =	strace s18  }
0x93: {  	s3 =	sld [smem:$0x3FFC];
	_ =	sdelay $0x3  }
0x94: {  	_ =	strace s3  }
0x95: {  	s3 =	sld [smem:$0x3FFD];
	_ =	sdelay $0x3  }
0x96: {  	_ =	strace s3  }
0x97: {  	_ =	strace $0x8FFFFFFF  }
0x98: {  	s19 =	sld [smem:$0x3FDB];
	_ =	sdelay $0x1  }
0x99: {  	s4 =	simm.s32 $_scs_section_size  }
0x9a: {  	s5 =	simm.s32 $_size__tile_overlayer_lowered;
	s6 =	simm.s32 $_tile_overlayer_lowered  }
0x9b: {  	s22 =	simm.s32 $0x1BFF;
	s21 =	sshll.u32 s6, $0x1;
	s3 =	sadd.s32 s4, s19  }
0x9c: {  	s7 =	simm.s32 $0x0;
	s20 =	sshll.u32 s5, $0x1;
	s5 =	sadd.s32 s21, s3  }
0x9d: {  	[timem:s7], [sflag:s22] =	dma.local [hbm:s5], s20  }
0x9e: {  	_ =	swait.ge [sflag:s22], s20  }
0x9f: {  	s4 =	ssub.s32 $0x0, s20;
	[sflag:s22] =	ssyncset.done $0x0  }
0xa0: {  	[sflag:s22] =	ssyncadd.s32 s4;
	_ =	sdelay $0x1  }
0xa1: {  	s23 =	simm.s32 $0x1B8B  }
0xa2: {  	_ =	swait.ge [sflag:s23], $0x1  }
0xa3: {  	[sflag:s23] =	ssyncset.done $0x0  }
0xa4: {  	s25 =	simm.s32 $0x1B8E;
	s24 =	sld [smem:$0x3FFE];
	[sflag:s23] =	ssyncadd.s32 $0xFFFFFFFF  }
0xa5: {  	s26 =	simm.s32 $execute0_lowered;
	[smem:$0x3FD2] =	sst s25  }
0xa6: {  	s5 =	sshll.u32 s26, $0x1;
	_ =	strace $0x8000004F;
	[dreg:$0x1] =	wrdreg $0xFFFFFFFF  }
0xa7: {  	s28 =	simm.s32 $_size_execute0_lowered;
	s3 =	sadd.s32 s3, s5;
	[dreg:$0x0] =	wrdreg $0x0  }
0xa8: {  	s5 =	sshll.u32 s28, $0x1;
	[dreg:$0x2] =	wrdreg s3  }
0xa9: {  	[dreg:$0x3] =	wrdreg s5  }
0xaa: {  	[dreg:$0x4] =	wrdreg $0xC0  }
0xab: {  	_ =	task [dreg:s7], $0x5FFFF  }
0xac: {  	[dreg:$0x1] =	wrdreg $0xFFFFFFFF  }
0xad: {  	[dreg:$0x0] =	wrdreg $0x60  }
0xae: {  	[dreg:$0x2] =	wrdreg s2  }
0xaf: {  	[dreg:$0x3] =	wrdreg s24  }
0xb0: {  	[dreg:$0x4] =	wrdreg $0xA5000  }
0xb1: {  	[dreg:$0x5] =	wrdreg $0x145000  }
0xb2: {  	[dreg:$0x6] =	wrdreg $0x9  }
0xb3: {  	_ =	task.clear_ibuf [dreg:s7], $0x7FFFF;
	_ =	strace $0x9000004F  }
0xb4: {  	s29 =	simm.s32 $0x9;
	_ =	strace $0x80000051  }
0xb5: {  	_ =	swait.ge [sflag:s29], $0x1  }
0xb6: {  	[sflag:s29] =	ssyncadd.s32 $0xFFFFFFFF  }
0xb7: {  	_ =	strace $0x90000051  }
0xb8: {  	_ =	sfence  }
0xb9: {  	s30 =	sld [smem:$0x0];
	_ =	sdelay $0x2  }
0xba: {  	s31 =	sshll.u32 s1, $0xD;
	s1 =	sshrl.u32 s1, $0x2  }
0xbb: {  	s3 =	sand.u32 $0x4000, s31;
	s1 =	sadd.s32 s1, s30  }
0xbc: {  	s0 =	sor.u32 s3, s0;
	s1 =	sshll.u32 s1, $0x11  }
0xbd: {  	s0 =	sor.u32 s1, s0  }
0xbe: {  	s0 =	sadd.s32 $0x8F2B, s0  }
0xbf: {  	[sflag:s0] =	ssyncadd.remote.s32 $0x1  }
0xc0: {  	_ =	sfence.sel $0xFFFF  }
0xc1: {  	[dreg:$0x0] =	wrdreg $0xFFFFFFFF;
	(pc) =	sbr.abs _section_cstart, $3  }
0xc2: {  	[dreg:$0x1] =	wrdreg $0xFFFFFFFF  }
0xc3: {  	_ =	task.clear_ibuf [dreg:s7], $0x2FFFF;
	_ =	strace $0x9FFFFFFF  }
0xc4: {  	(tm) =	ssettm $0x7FFFFFFF  }
0xc5: {  	_ =	shalt  }
tec
execute0_lowered:
.L_overlay_start_1:
0x0: {  	(tag) =	ssettag $0x1  }
0x1: {  	s1 =	rddreg [dreg:$0x0]  }
0x2: {  	s0 =	rddreg [dreg:$0x1]  }
0x3: {  	s3 =	rddreg [dreg:$0x2]  }
0x4: {  	s4 =	rddreg [dreg:$0x3];
	s5 =	simm.s32 $0x0  }
0x5: {  	s13 =	stileid.u32;
	s2 =	srdreg.scid;
	s16 =	simm.s32 $0x3  }
0x6: {  	s17 =	simm.s32 $0x200;
	s18 =	simm.s32 $0x2980;
	s28 =	simm.s32 $0x5500  }
0x7: {  	s29 =	simm.s32 $0x1;
	s30 =	simm.s32 $0x2;
	s31 =	simm.s32 $0x2B00  }
0x8: {  	[smem:$0x7FF] =	sst s5;
	s7 =	smul.u32 $0xA000, s13;
	s2 =	sand.u32 $0x1, s2  }
0x9: {  	s6 =	sadd.s32 $0x20C00, s0;
	s9 =	sadd.s32 $0x23400, s0;
	s19 =	sadd.s32 $0x22E00, s0  }
0xa: {  	s20 =	sadd.s32 $0x23600, s0;
	_ =	strace $0x80000050;
	[dreg:$0x5] =	wrdreg s9  }
0xb: {  	s12 =	smul.u32 $0xEA60, s13;
	s26 =	sshll.u32 s13, $0x6;
	[dreg:$0x6] =	wrdreg s19  }
0xc: {  	s8 =	smul.u32 $0xA0000, s2;
	[dreg:$0x7] =	wrdreg s20;
	s10 =	ssub.s32 $0x2, s2  }
0xd: {  	s2 =	smul.u32 $0xFFFFEC00, s2;
	s19 =	sor.u32 $0x1C03, s26;
	s26 =	simm.s32 $0x2C00  }
0xe: {  	s21 =	sshrl.u32 s7, $0x3;
	s11 =	sshrl.u32 s10, $0x1;
	s23 =	sadd.s32 s7, s3  }
0xf: {  	s8 =	sadd.s32 s7, s8;
	s9 =	sadd.s32 s21, s0;
	s22 =	ssub.s32 s10, s11  }
0x10: {  	s7 =	sadd.s32 s7, s4;
	s20 =	sshrl.u32 s23, $0x3;
	s23 =	simm.s32 $0x50  }
0x11: {  	v0 =	vmov s2;
	s2 =	simm.s32 $0x7D00;
	s8 =	sshrl.u32 s8, $0x3;
	s24 =	sadd.s32 $0x37800, s9  }
0x12: {  	s9 =	sadd.s32 $0x23800, s9;
	s15 =	smax.u32 s22, $0x1;
	s21 =	sshrl.u32 s7, $0x3  }
0x13: {  	s22 =	simm.s32 $0x2A00;
	s0 =	sadd.s32 s8, s0;
	[dreg:$0x8] =	wrdreg s24  }
0x14: {  	s7 =	simm.s32 $0x0;
	[dreg:$0x9] =	wrdreg s9;
	s25 =	sadd.s32 $0x4B800, s0  }
0x15: {  	s24 =	simm.s32 $0x2B80;
	s0 =	sadd.s32 $0x73800, s0;
	[dreg:$0xa] =	wrdreg s25  }
0x16: {  	[dreg:$0xb] =	wrdreg s0;
	s25 =	simm.s32 $0x2D00;
	s0 =	simm.s32 $0x2C80  }
.LBB2_1:
0x17: {  	s8 =	rddreg [dreg:$0x5]  }
0x18: {  	[tilespmem:s5], [sflag:$0x3] =	stream.linear.gather [hbm4b:s8+s5], $0x200, $0x38;
	[tilespmem:$0x15900] =	vst v63  }
0x19: {  	_ =	swait.ge [sflag:s16], $0x200  }
0x1a: {  	[sflag:s16] =	ssyncset.done $0x0  }
0x1b: {  	s10 =	rddreg [dreg:$0x6];
	[sflag:s16] =	ssyncadd.s32 $0xFFFFFE00  }
0x1c: {  	[tilespmem:s17], [sflag:$0x3] =	stream.linear.gather [hbm4b:s10+s5], $0x2780, $0x38;
	[tilespmem:$0x15900] =	vst v63  }
0x1d: {  	_ =	swait.ge [sflag:s16], $0x2780  }
0x1e: {  	[sflag:s16] =	ssyncset.done $0x0  }
0x1f: {  	s11 =	rddreg [dreg:$0x7];
	[sflag:s16] =	ssyncadd.s32 $0xFFFFD880  }
0x20: {  	[tilespmem:s18], [sflag:$0x3] =	stream.linear.gather [hbm4b:s11+s5], $0x80, $0x38;
	[tilespmem:$0x15900] =	vst v63  }
0x21: {  	_ =	swait.ge [sflag:s16], $0x80  }
0x22: {  	[sflag:s16] =	ssyncset.done $0x0  }
0x23: {  	s13 =	rddreg [dreg:$0x8];
	[sflag:s16] =	ssyncadd.s32 $0xFFFFFF80  }
0x24: {  	[spmem:s20], [sflag:s19] =	dma.local [hbm:s13], $0x1400  }
0x25: {  	_ =	swait.ge [sflag:s16], $0x1400  }
0x26: {  	[sflag:s16] =	ssyncset.done $0x0  }
0x27: {  	s14 =	rddreg [dreg:$0x9];
	[sflag:s16] =	ssyncadd.s32 $0xFFFFEC00  }
0x28: {  	[spmem:s21], [sflag:s19] =	dma.local [hbm:s14], $0x1400  }
0x29: {  	_ =	swait.ge [sflag:s16], $0x1400  }
0x2a: {  	[sflag:s16] =	ssyncset.done $0x0  }
0x2b: {  	[sflag:s16] =	ssyncadd.s32 $0xFFFFEC00  }
0x2c: {  	s8 =	simm.s32 $0x0;
	[bflag:$0x0] =	sbarrier.arrive $0xFFFF  }
.LBB2_2:
0x2d: {  	s9 =	smul.u32 $0xF0, s8;
	_ =	sdelay $0x1  }
0x2e: {  	s9 =	sadd.s32 s12, s9  }
0x2f: {  	s9 =	sshrl.u32 s9, $0x3  }
0x30: {  	s9 =	sadd.s32 s1, s9  }
0x31: {  	[tilespmem:s22], [sflag:$0x3] =	stream.linear.gather [hbm4b:s9+s5], $0xF0, $0x38;
	[tilespmem:$0x15900] =	vst v63  }
0x32: {  	s9 =	simm.s32 $0x3  }
0x33: {  	_ =	swait.ge [sflag:s9], $0xF0  }
0x34: {  	[sflag:s9] =	ssyncset.done $0x0  }
0x35: {  	[sflag:s9] =	ssyncadd.s32 $0xFFFFFF10  }
0x36: {  	v1 =	vld [tilespmem:$0x2A00]  }
0x37: {  	v2 =	vld [tilespmem:$0x2A50];
	_ =	sdelay $0x1  }
0x38: {  	v3 =	vld [tilespmem:$0x2AA0];
	_ =	sdelay $0x4  }
0x39: {  	v4 =	vld.idx.msk [tilespmem:v1+s5+$0x0], $0xffff  }
0x3a: {  	v5 =	vld.idx.msk [tilespmem:v2+s17+$0x0], $0xffff;
	_ =	sdelay $0x1  }
0x3b: {  	v6 =	vld.idx.msk [tilespmem:v3+s18+$0x0], $0xffff;
	_ =	sdelay $0x2  }
0x3c: {  	v4 =	vadd.f32 v5, v4;
	_ =	sdelay $0x1  }
0x3d: {  	v4 =	vadd.f32 v6, v4;
	_ =	sdelay $0x1  }
0x3e: {  	v51 =	vmul.f32 $2.000000030e-01, v4  }
0x3f: {  	vm0 =	vgt.f32 v4, $0.0e+00  }
0x40: {  	v4 =	vsel vm0, v4, v51  }
0x41: {  	v4 =	vmul.f32 $1.442695020e+00, v4;
	_ =	sdelay $0x1  }
0x42: {  	(erf) = vpow2.f32 v4;
	_ =	sdelay $0x3  }
0x43: {  	v52 =	vld [tilespmem:$0x2A10]  }
0x44: {  	v53 =	vld [tilespmem:$0x2A60]  }
0x45: {  	v2 =	vadd.s32 v0, v2  }
0x46: {  	v7 =	vld [tilespmem:$0x2AB0];
	vm15 =	vgt.s32 v2, $0x0  }
0x47: {  	[tilespmem:$0x2B80] =	vst v1;
	v1 =	vadd.s32 $0x1F4, v3;
	vm14 =	vlt.u32 v2, $0x1400;
	v2 =	vnsel vm15, $0x0, v2  }
0x48: {  	[tilespmem:$0x2C00] =	vst v1;
	v2 =	vmin.u32 v2, $0x13FF;
	v54 =	vpop (erf)  }
0x49: {  	[tilespmem:$0x2C80] =	vst v2;
	v6 =	vnsel vm14, $0x0, v54  }
0x4a: {  	[tilespmem:$0x2B00] =	vst v6  }
0x4b: {  	v1 =	vld.idx.msk [tilespmem:v52+s5+$0x0], $0xffff  }
0x4c: {  	v2 =	vld.idx.msk [tilespmem:v53+s17+$0x0], $0xffff;
	_ =	sdelay $0x1  }
0x4d: {  	v3 =	vld.idx.msk [tilespmem:v7+s18+$0x0], $0xffff;
	_ =	sdelay $0x2  }
0x4e: {  	v1 =	vadd.f32 v2, v1;
	_ =	sdelay $0x1  }
0x4f: {  	v1 =	vadd.f32 v3, v1;
	_ =	sdelay $0x1  }
0x50: {  	v2 =	vmul.f32 $2.000000030e-01, v1  }
0x51: {  	vm4 =	vgt.f32 v1, $0.0e+00  }
0x52: {  	v1 =	vsel vm4, v1, v2  }
0x53: {  	v1 =	vmul.f32 $1.442695020e+00, v1;
	_ =	sdelay $0x1  }
0x54: {  	(erf) = vpow2.f32 v1;
	_ =	sdelay $0x3  }
0x55: {  	v1 =	vld [tilespmem:$0x2A20]  }
0x56: {  	v3 =	vld [tilespmem:$0x2A70];
	v2 =	vadd.s32 v0, v53  }
0x57: {  	vm6 =	vgt.s32 v2, $0x0  }
0x58: {  	v56 =	vld [tilespmem:$0x2AC0];
	vm5 =	vlt.u32 v2, $0x1400;
	v2 =	vnsel vm6, $0x0, v2  }
0x59: {  	[tilespmem:$0x2B90] =	vst v52;
	v2 =	vmin.u32 v2, $0x13FF  }
0x5a: {  	[tilespmem:$0x2C90] =	vst v2;
	v2 =	vadd.s32 $0x1F4, v7;
	v55 =	vpop (erf)  }
0x5b: {  	[tilespmem:$0x2C10] =	vst v2;
	v5 =	vnsel vm5, $0x0, v55  }
0x5c: {  	[tilespmem:$0x2B10] =	vst v5  }
0x5d: {  	v2 =	vld.idx.msk [tilespmem:v1+s5+$0x0], $0xffff  }
0x5e: {  	v4 =	vld.idx.msk [tilespmem:v3+s17+$0x0], $0xffff;
	_ =	sdelay $0x1  }
0x5f: {  	v5 =	vld.idx.msk [tilespmem:v56+s18+$0x0], $0xffff;
	_ =	sdelay $0x2  }
0x60: {  	v2 =	vadd.f32 v4, v2;
	_ =	sdelay $0x1  }
0x61: {  	v2 =	vadd.f32 v5, v2;
	_ =	sdelay $0x1  }
0x62: {  	v57 =	vmul.f32 $2.000000030e-01, v2  }
0x63: {  	vm7 =	vgt.f32 v2, $0.0e+00  }
0x64: {  	v2 =	vsel vm7, v2, v57  }
0x65: {  	v2 =	vmul.f32 $1.442695020e+00, v2;
	_ =	sdelay $0x1  }
0x66: {  	(erf) = vpow2.f32 v2;
	_ =	sdelay $0x3  }
0x67: {  	v2 =	vld [tilespmem:$0x2A30]  }
0x68: {  	v58 =	vld [tilespmem:$0x2A80]  }
0x69: {  	v3 =	vadd.s32 v0, v3  }
0x6a: {  	v60 =	vld [tilespmem:$0x2AD0];
	vm9 =	vgt.s32 v3, $0x0  }
0x6b: {  	[tilespmem:$0x2BA0] =	vst v1;
	v1 =	vadd.s32 $0x1F4, v56;
	vm8 =	vlt.u32 v3, $0x1400;
	v3 =	vnsel vm9, $0x0, v3  }
0x6c: {  	[tilespmem:$0x2C20] =	vst v1;
	v3 =	vmin.u32 v3, $0x13FF;
	v59 =	vpop (erf)  }
0x6d: {  	[tilespmem:$0x2CA0] =	vst v3;
	v5 =	vnsel vm8, $0x0, v59  }
0x6e: {  	[tilespmem:$0x2B20] =	vst v5  }
0x6f: {  	v1 =	vld.idx.msk [tilespmem:v2+s5+$0x0], $0xffff  }
0x70: {  	v3 =	vld.idx.msk [tilespmem:v58+s17+$0x0], $0xffff;
	_ =	sdelay $0x1  }
0x71: {  	v5 =	vld.idx.msk [tilespmem:v60+s18+$0x0], $0xffff;
	_ =	sdelay $0x2  }
0x72: {  	v1 =	vadd.f32 v3, v1;
	_ =	sdelay $0x1  }
0x73: {  	v1 =	vadd.f32 v5, v1;
	_ =	sdelay $0x1  }
0x74: {  	v3 =	vmul.f32 $2.000000030e-01, v1  }
0x75: {  	vm10 =	vgt.f32 v1, $0.0e+00  }
0x76: {  	v1 =	vsel vm10, v1, v3  }
0x77: {  	v1 =	vmul.f32 $1.442695020e+00, v1;
	_ =	sdelay $0x1  }
0x78: {  	(erf) = vpow2.f32 v1;
	_ =	sdelay $0x3  }
0x79: {  	v1 =	vld [tilespmem:$0x2A40]  }
0x7a: {  	v61 =	vld [tilespmem:$0x2A90]  }
0x7b: {  	v3 =	vadd.s32 v0, v58  }
0x7c: {  	v63 =	vld [tilespmem:$0x2AE0];
	vm12 =	vgt.s32 v3, $0x0  }
0x7d: {  	[tilespmem:$0x2BB0] =	vst v2;
	v2 =	vadd.s32 $0x1F4, v60;
	vm11 =	vlt.u32 v3, $0x1400;
	v3 =	vnsel vm12, $0x0, v3  }
0x7e: {  	[tilespmem:$0x2C30] =	vst v2;
	v3 =	vmin.u32 v3, $0x13FF;
	v62 =	vpop (erf)  }
0x7f: {  	[tilespmem:$0x2CB0] =	vst v3;
	v5 =	vnsel vm11, $0x0, v62  }
0x80: {  	[tilespmem:$0x2B30] =	vst v5  }
0x81: {  	v2 =	vld.idx.msk [tilespmem:v1+s5+$0x0], $0xffff  }
0x82: {  	v3 =	vld.idx.msk [tilespmem:v61+s17+$0x0], $0xffff;
	_ =	sdelay $0x1  }
0x83: {  	v5 =	vld.idx.msk [tilespmem:v63+s18+$0x0], $0xffff;
	_ =	sdelay $0x2  }
0x84: {  	v2 =	vadd.f32 v3, v2;
	_ =	sdelay $0x1  }
0x85: {  	v2 =	vadd.f32 v5, v2;
	_ =	sdelay $0x1  }
0x86: {  	v3 =	vmul.f32 $2.000000030e-01, v2  }
0x87: {  	vm13 =	vgt.f32 v2, $0.0e+00  }
0x88: {  	v2 =	vsel vm13, v2, v3  }
0x89: {  	v2 =	vmul.f32 $1.442695020e+00, v2;
	_ =	sdelay $0x1  }
0x8a: {  	(erf) = vpow2.f32 v2;
	_ =	sdelay $0x5  }
0x8b: {  	v2 =	vadd.s32 v0, v61  }
0x8c: {  	vm15 =	vgt.s32 v2, $0x0  }
0x8d: {  	[tilespmem:$0x2BC0] =	vst v1;
	v1 =	vadd.s32 $0x1F4, v63;
	vm14 =	vlt.u32 v2, $0x1400;
	v2 =	vnsel vm15, $0x0, v2  }
0x8e: {  	[tilespmem:$0x2C40] =	vst v1;
	v2 =	vmin.u32 v2, $0x13FF;
	v3 =	vpop (erf)  }
0x8f: {  	[tilespmem:$0x2CC0] =	vst v2;
	v3 =	vnsel vm14, $0x0, v3  }
0x90: {  	[tilespmem:$0x2B40] =	vst v3  }
0x91: {  	[tilespmem:s25], [sflag:$0x1] =	stream.indirect.gather [hbm4b:s6+s23], $0x80, s24, s23, $0xb8;
	[tilespmem:$0x15900] =	vst v63  }
0x92: {  	_ = 	snop  }
0x93: {  	[tilespmem:s28], [sflag:$0x2] =	stream.indirect.gather [hbm4b:s6+s23], $0x80, s26, s23, $0xb8;
	[tilespmem:$0x15900] =	vst v63  }
0x94: {  	_ =	swait.ge [sflag:s29], $0x2800  }
0x95: {  	[sflag:s29] =	ssyncset.done $0x0  }
0x96: {  	[sflag:s29] =	ssyncadd.s32 $0xFFFFD800  }
0x97: {  	_ =	swait.ge [sflag:s30], $0x2800  }
0x98: {  	s10 =	simm.s32 $0x7E00;
	[sflag:s30] =	ssyncset.done $0x0  }
0x99: {  	s11 =	simm.s32 $0x2E00;
	s13 =	simm.s32 $0x5600;
	[sflag:s30] =	ssyncadd.s32 $0xFFFFD800  }
.LBB2_3:
0x9a: {  	s14 =	sadd.s32 $0xFFFFFFFD, s9  }
0x9b: {  	v1 =	vmov s14  }
0x9c: {  	v1 =	vand.u32 $0xFFFFFFFC, v1  }
0x9d: {  	v1 =	vbroadcast v1, $0x0;
	_ =	sdelay $0x5  }
0x9e: {  	v1 =	vld.idx.msk [tilespmem:v1+s31+$0x0], $0xffff;
	_ =	sdelay $0x4  }
0x9f: {  	[tilespmem:s10+$0xFFFFFF00] =	vst v1  }
0xa0: {  	v2 =	vld [tilespmem:s11+$0xFFFFFF00]  }
0xa1: {  	v3 =	vld [tilespmem:s13+$0xFFFFFF00];
	_ =	sdelay $0x4  }
0xa2: {  	v2 =	vadd.f32 v3, v2;
	_ =	sdelay $0x1  }
0xa3: {  	v2 =	vmul.f32 v2, v1;
	_ =	sdelay $0x1  }
0xa4: {  	[tilespmem:s11+$0xFFFFFF00] =	vst v2;
	v2 =	vld [tilespmem:s11+$0xFFFFFF10]  }
0xa5: {  	v3 =	vld [tilespmem:s13+$0xFFFFFF10];
	_ =	sdelay $0x4  }
0xa6: {  	v2 =	vadd.f32 v3, v2;
	_ =	sdelay $0x1  }
0xa7: {  	v2 =	vmul.f32 v2, v1;
	_ =	sdelay $0x1  }
0xa8: {  	[tilespmem:s11+$0xFFFFFF10] =	vst v2;
	v2 =	vld [tilespmem:s11+$0xFFFFFF20]  }
0xa9: {  	v3 =	vld [tilespmem:s13+$0xFFFFFF20];
	_ =	sdelay $0x4  }
0xaa: {  	v2 =	vadd.f32 v3, v2;
	_ =	sdelay $0x1  }
0xab: {  	v2 =	vmul.f32 v2, v1;
	_ =	sdelay $0x1  }
0xac: {  	[tilespmem:s11+$0xFFFFFF20] =	vst v2;
	v2 =	vld [tilespmem:s11+$0xFFFFFF30]  }
0xad: {  	v3 =	vld [tilespmem:s13+$0xFFFFFF30];
	_ =	sdelay $0x4  }
0xae: {  	v2 =	vadd.f32 v3, v2;
	_ =	sdelay $0x1  }
0xaf: {  	v2 =	vmul.f32 v2, v1;
	_ =	sdelay $0x1  }
0xb0: {  	[tilespmem:s11+$0xFFFFFF30] =	vst v2;
	v2 =	vld [tilespmem:s11+$0xFFFFFF40]  }
0xb1: {  	v3 =	vld [tilespmem:s13+$0xFFFFFF40];
	_ =	sdelay $0x4  }
0xb2: {  	v2 =	vadd.f32 v3, v2;
	_ =	sdelay $0x1  }
0xb3: {  	v2 =	vmul.f32 v2, v1;
	_ =	sdelay $0x1  }
0xb4: {  	[tilespmem:s11+$0xFFFFFF40] =	vst v2;
	v2 =	vld [tilespmem:s11+$0xFFFFFF50]  }
0xb5: {  	v3 =	vld [tilespmem:s13+$0xFFFFFF50];
	_ =	sdelay $0x4  }
0xb6: {  	v2 =	vadd.f32 v3, v2;
	_ =	sdelay $0x1  }
0xb7: {  	v2 =	vmul.f32 v2, v1;
	_ =	sdelay $0x1  }
0xb8: {  	[tilespmem:s11+$0xFFFFFF50] =	vst v2;
	v2 =	vld [tilespmem:s11+$0xFFFFFF60]  }
0xb9: {  	v3 =	vld [tilespmem:s13+$0xFFFFFF60];
	_ =	sdelay $0x4  }
0xba: {  	v2 =	vadd.f32 v3, v2;
	_ =	sdelay $0x1  }
0xbb: {  	v2 =	vmul.f32 v2, v1;
	_ =	sdelay $0x1  }
0xbc: {  	[tilespmem:s11+$0xFFFFFF60] =	vst v2;
	v2 =	vld [tilespmem:s11+$0xFFFFFF70]  }
0xbd: {  	v3 =	vld [tilespmem:s13+$0xFFFFFF70]  }
0xbe: {  	s14 =	sadd.s32 $0xFFFFFFFE, s9  }
0xbf: {  	v4 =	vmov s14  }
0xc0: {  	v4 =	vand.u32 $0xFFFFFFFD, v4  }
0xc1: {  	v4 =	vbroadcast v4, $0x0  }
0xc2: {  	v2 =	vadd.f32 v3, v2;
	_ =	sdelay $0x1  }
0xc3: {  	v1 =	vmul.f32 v2, v1;
	_ =	sdelay $0x1  }
0xc4: {  	[tilespmem:s11+$0xFFFFFF70] =	vst v1  }
0xc5: {  	v1 =	vld.idx.msk [tilespmem:v4+s31+$0x0], $0xffff;
	_ =	sdelay $0x4  }
0xc6: {  	[tilespmem:s10+$0xFFFFFF80] =	vst v1  }
0xc7: {  	v2 =	vld [tilespmem:s11+$0xFFFFFF80]  }
0xc8: {  	v3 =	vld [tilespmem:s13+$0xFFFFFF80];
	_ =	sdelay $0x4  }
0xc9: {  	v2 =	vadd.f32 v3, v2;
	_ =	sdelay $0x1  }
0xca: {  	v2 =	vmul.f32 v2, v1;
	_ =	sdelay $0x1  }
0xcb: {  	[tilespmem:s11+$0xFFFFFF80] =	vst v2;
	v2 =	vld [tilespmem:s11+$0xFFFFFF90]  }
0xcc: {  	v3 =	vld [tilespmem:s13+$0xFFFFFF90];
	_ =	sdelay $0x4  }
0xcd: {  	v2 =	vadd.f32 v3, v2;
	_ =	sdelay $0x1  }
0xce: {  	v2 =	vmul.f32 v2, v1;
	_ =	sdelay $0x1  }
0xcf: {  	[tilespmem:s11+$0xFFFFFF90] =	vst v2;
	v2 =	vld [tilespmem:s11+$0xFFFFFFA0]  }
0xd0: {  	v3 =	vld [tilespmem:s13+$0xFFFFFFA0];
	_ =	sdelay $0x4  }
0xd1: {  	v2 =	vadd.f32 v3, v2;
	_ =	sdelay $0x1  }
0xd2: {  	v2 =	vmul.f32 v2, v1;
	_ =	sdelay $0x1  }
0xd3: {  	[tilespmem:s11+$0xFFFFFFA0] =	vst v2;
	v2 =	vld [tilespmem:s11+$0xFFFFFFB0]  }
0xd4: {  	v3 =	vld [tilespmem:s13+$0xFFFFFFB0];
	_ =	sdelay $0x4  }
0xd5: {  	v2 =	vadd.f32 v3, v2;
	_ =	sdelay $0x1  }
0xd6: {  	v2 =	vmul.f32 v2, v1;
	_ =	sdelay $0x1  }
0xd7: {  	[tilespmem:s11+$0xFFFFFFB0] =	vst v2;
	v2 =	vld [tilespmem:s11+$0xFFFFFFC0]  }
0xd8: {  	v3 =	vld [tilespmem:s13+$0xFFFFFFC0];
	_ =	sdelay $0x4  }
0xd9: {  	v2 =	vadd.f32 v3, v2;
	_ =	sdelay $0x1  }
0xda: {  	v2 =	vmul.f32 v2, v1;
	_ =	sdelay $0x1  }
0xdb: {  	[tilespmem:s11+$0xFFFFFFC0] =	vst v2;
	v2 =	vld [tilespmem:s11+$0xFFFFFFD0]  }
0xdc: {  	v3 =	vld [tilespmem:s13+$0xFFFFFFD0];
	_ =	sdelay $0x4  }
0xdd: {  	v2 =	vadd.f32 v3, v2;
	_ =	sdelay $0x1  }
0xde: {  	v2 =	vmul.f32 v2, v1;
	_ =	sdelay $0x1  }
0xdf: {  	[tilespmem:s11+$0xFFFFFFD0] =	vst v2;
	v2 =	vld [tilespmem:s11+$0xFFFFFFE0]  }
0xe0: {  	v3 =	vld [tilespmem:s13+$0xFFFFFFE0];
	_ =	sdelay $0x4  }
0xe1: {  	v2 =	vadd.f32 v3, v2;
	_ =	sdelay $0x1  }
0xe2: {  	v2 =	vmul.f32 v2, v1;
	_ =	sdelay $0x1  }
0xe3: {  	[tilespmem:s11+$0xFFFFFFE0] =	vst v2;
	v2 =	vld [tilespmem:s11+$0xFFFFFFF0]  }
0xe4: {  	v3 =	vld [tilespmem:s13+$0xFFFFFFF0]  }
0xe5: {  	s14 =	sadd.s32 $0xFFFFFFFF, s9  }
0xe6: {  	v63 =	vmov s14  }
0xe7: {  	v4 =	vand.u32 $0xFFFFFFFE, v63  }
0xe8: {  	v4 =	vbroadcast v4, $0x0  }
0xe9: {  	v2 =	vadd.f32 v3, v2;
	_ =	sdelay $0x1  }
0xea: {  	v1 =	vmul.f32 v2, v1;
	_ =	sdelay $0x1  }
0xeb: {  	[tilespmem:s11+$0xFFFFFFF0] =	vst v1  }
0xec: {  	v1 =	vld.idx.msk [tilespmem:v4+s31+$0x0], $0xffff;
	_ =	sdelay $0x4  }
0xed: {  	[tilespmem:s10+$0x0] =	vst v1  }
0xee: {  	v2 =	vld [tilespmem:s11+$0x0]  }
0xef: {  	v3 =	vld [tilespmem:s13+$0x0];
	_ =	sdelay $0x4  }
0xf0: {  	v2 =	vadd.f32 v3, v2;
	_ =	sdelay $0x1  }
0xf1: {  	v2 =	vmul.f32 v2, v1;
	_ =	sdelay $0x1  }
0xf2: {  	[tilespmem:s11+$0x0] =	vst v2;
	v2 =	vld [tilespmem:s11+$0x10]  }
0xf3: {  	v3 =	vld [tilespmem:s13+$0x10];
	_ =	sdelay $0x4  }
0xf4: {  	v2 =	vadd.f32 v3, v2;
	_ =	sdelay $0x1  }
0xf5: {  	v2 =	vmul.f32 v2, v1;
	_ =	sdelay $0x1  }
0xf6: {  	[tilespmem:s11+$0x10] =	vst v2;
	v2 =	vld [tilespmem:s11+$0x20]  }
0xf7: {  	v3 =	vld [tilespmem:s13+$0x20];
	_ =	sdelay $0x4  }
0xf8: {  	v2 =	vadd.f32 v3, v2;
	_ =	sdelay $0x1  }
0xf9: {  	v2 =	vmul.f32 v2, v1;
	_ =	sdelay $0x1  }
0xfa: {  	[tilespmem:s11+$0x20] =	vst v2;
	v2 =	vld [tilespmem:s11+$0x30]  }
0xfb: {  	v3 =	vld [tilespmem:s13+$0x30];
	_ =	sdelay $0x4  }
0xfc: {  	v2 =	vadd.f32 v3, v2;
	_ =	sdelay $0x1  }
0xfd: {  	v2 =	vmul.f32 v2, v1;
	_ =	sdelay $0x1  }
0xfe: {  	[tilespmem:s11+$0x30] =	vst v2;
	v2 =	vld [tilespmem:s11+$0x40]  }
0xff: {  	v3 =	vld [tilespmem:s13+$0x40];
	_ =	sdelay $0x4  }
0x100: {  	v2 =	vadd.f32 v3, v2;
	_ =	sdelay $0x1  }
0x101: {  	v2 =	vmul.f32 v2, v1;
	_ =	sdelay $0x1  }
0x102: {  	[tilespmem:s11+$0x40] =	vst v2;
	v2 =	vld [tilespmem:s11+$0x50]  }
0x103: {  	v3 =	vld [tilespmem:s13+$0x50];
	_ =	sdelay $0x4  }
0x104: {  	v2 =	vadd.f32 v3, v2;
	_ =	sdelay $0x1  }
0x105: {  	v2 =	vmul.f32 v2, v1;
	_ =	sdelay $0x1  }
0x106: {  	[tilespmem:s11+$0x50] =	vst v2;
	v2 =	vld [tilespmem:s11+$0x60]  }
0x107: {  	v3 =	vld [tilespmem:s13+$0x60];
	_ =	sdelay $0x4  }
0x108: {  	v2 =	vadd.f32 v3, v2;
	_ =	sdelay $0x1  }
0x109: {  	v2 =	vmul.f32 v2, v1;
	_ =	sdelay $0x1  }
0x10a: {  	[tilespmem:s11+$0x60] =	vst v2;
	v2 =	vld [tilespmem:s11+$0x70]  }
0x10b: {  	v3 =	vld [tilespmem:s13+$0x70];
	_ =	sdelay $0x4  }
0x10c: {  	v2 =	vadd.f32 v3, v2;
	v3 =	vmov s9;
	_ =	sdelay $0x1  }
0x10d: {  	v1 =	vmul.f32 v2, v1;
	_ =	sdelay $0x1  }
0x10e: {  	[tilespmem:s11+$0x70] =	vst v1  }
0x10f: {  	v1 =	vld.idx.msk [tilespmem:v3+s31+$0x0], $0xffff;
	_ =	sdelay $0x4  }
0x110: {  	[tilespmem:s10+$0x80] =	vst v1  }
0x111: {  	v2 =	vld [tilespmem:s11+$0x80]  }
0x112: {  	v3 =	vld [tilespmem:s13+$0x80];
	_ =	sdelay $0x4  }
0x113: {  	v2 =	vadd.f32 v3, v2;
	_ =	sdelay $0x1  }
0x114: {  	v2 =	vmul.f32 v2, v1;
	_ =	sdelay $0x1  }
0x115: {  	[tilespmem:s11+$0x80] =	vst v2;
	v2 =	vld [tilespmem:s11+$0x90]  }
0x116: {  	v3 =	vld [tilespmem:s13+$0x90];
	_ =	sdelay $0x4  }
0x117: {  	v2 =	vadd.f32 v3, v2;
	_ =	sdelay $0x1  }
0x118: {  	v2 =	vmul.f32 v2, v1;
	_ =	sdelay $0x1  }
0x119: {  	[tilespmem:s11+$0x90] =	vst v2;
	v2 =	vld [tilespmem:s11+$0xA0]  }
0x11a: {  	v3 =	vld [tilespmem:s13+$0xA0];
	_ =	sdelay $0x4  }
0x11b: {  	v2 =	vadd.f32 v3, v2;
	_ =	sdelay $0x1  }
0x11c: {  	v2 =	vmul.f32 v2, v1;
	_ =	sdelay $0x1  }
0x11d: {  	[tilespmem:s11+$0xA0] =	vst v2;
	v2 =	vld [tilespmem:s11+$0xB0]  }
0x11e: {  	v3 =	vld [tilespmem:s13+$0xB0];
	_ =	sdelay $0x4  }
0x11f: {  	v2 =	vadd.f32 v3, v2;
	_ =	sdelay $0x1  }
0x120: {  	v2 =	vmul.f32 v2, v1;
	_ =	sdelay $0x1  }
0x121: {  	[tilespmem:s11+$0xB0] =	vst v2;
	v2 =	vld [tilespmem:s11+$0xC0]  }
0x122: {  	v3 =	vld [tilespmem:s13+$0xC0];
	_ =	sdelay $0x4  }
0x123: {  	v2 =	vadd.f32 v3, v2;
	_ =	sdelay $0x1  }
0x124: {  	v2 =	vmul.f32 v2, v1;
	_ =	sdelay $0x1  }
0x125: {  	[tilespmem:s11+$0xC0] =	vst v2;
	v2 =	vld [tilespmem:s11+$0xD0]  }
0x126: {  	v3 =	vld [tilespmem:s13+$0xD0];
	_ =	sdelay $0x4  }
0x127: {  	v2 =	vadd.f32 v3, v2;
	_ =	sdelay $0x1  }
0x128: {  	v2 =	vmul.f32 v2, v1;
	_ =	sdelay $0x1  }
0x129: {  	[tilespmem:s11+$0xD0] =	vst v2;
	v2 =	vld [tilespmem:s11+$0xE0]  }
0x12a: {  	v3 =	vld [tilespmem:s13+$0xE0];
	_ =	sdelay $0x4  }
0x12b: {  	v2 =	vadd.f32 v3, v2;
	_ =	sdelay $0x1  }
0x12c: {  	v2 =	vmul.f32 v2, v1;
	_ =	sdelay $0x1  }
0x12d: {  	[tilespmem:s11+$0xE0] =	vst v2;
	v2 =	vld [tilespmem:s11+$0xF0]  }
0x12e: {  	v3 =	vld [tilespmem:s13+$0xF0];
	_ =	sdelay $0x3  }
0x12f: {  	p0 =	sne.s32 s9, $0x4F  }
.Ltmp0:
0x130: {  	v2 =	vadd.f32 v3, v2;
	(pc) =	sbr.rel @p0 .LBB2_3-.Ltmp0, $4  }
0x131: {  	_ = 	snop  }
0x132: {  	v1 =	vmul.f32 v2, v1  }
0x133: {  	s9 =	sadd.s32 $0x4, s9  }
0x134: {  	s10 =	sadd.s32 $0x200, s10;
	s13 =	sadd.s32 $0x200, s13;
	[tilespmem:s11+$0xF0] =	vst v1;
	s11 =	sadd.s32 $0x200, s11  }
0x135: {  	[spmem:s3] =	stream.indirect.scatter.add.f32 [tilespmem:s25], [sflag:$0x3], $0x80, s0, s23, $0xb8;
	[tilespmem:$0x15900] =	vst v63  }
0x136: {  	s8 =	sadd.s32 $0x1, s8;
	_ =	swait.ge [sflag:s16], $0x2800  }
0x137: {  	p0 =	sne.s32 s8, $0xFA;
	[sflag:s16] =	ssyncset.done $0x0  }
.Ltmp1:
0x138: {  	[sflag:s16] =	ssyncadd.s32 $0xFFFFD800;
	(pc) =	sbr.rel @p0 .LBB2_2-.Ltmp1, $4  }
0x139: {  	[spmem:s4] =	stream.indirect.scatter.add.f32 [tilespmem:s2], [sflag:$0x3], $0x10, s0, s23, $0xb8;
	[tilespmem:$0x15900] =	vst v63  }
0x13a: {  	_ =	swait.ge [sflag:s16], $0x500  }
0x13b: {  	[sflag:s16] =	ssyncset.done $0x0  }
0x13c: {  	[sflag:s16] =	ssyncadd.s32 $0xFFFFFB00  }
0x13d: {  	[bflag:$0x0] =	sbarrier.arrive $0xFFFF  }
0x13e: {  	s8 =	rddreg [dreg:$0xa]  }
0x13f: {  	[hbm:s8], [sflag:s19] =	dma.local [spmem:s20], $0x1400  }
0x140: {  	s7 =	sadd.s32 $0x1, s7;
	_ =	swait.ge [sflag:s16], $0x1400  }
0x141: {  	p0 =	sne.s32 s7, s15;
	[sflag:s16] =	ssyncset.done $0x0  }
.Ltmp2:
0x142: {  	s14 =	rddreg [dreg:$0xb];
	[sflag:s16] =	ssyncadd.s32 $0xFFFFEC00;
	(pc) =	sbr.rel @p0 .LBB2_1-.Ltmp2, $4  }
0x143: {  	[hbm:s14], [sflag:s19] =	dma.local [spmem:s21], $0x1400  }
0x144: {  	_ =	swait.ge [sflag:s16], $0x1400  }
0x145: {  	[sflag:s16] =	ssyncset.done $0x0  }
0x146: {  	[sflag:s16] =	ssyncadd.s32 $0xFFFFEC00  }
0x147: {  	_ =	sfence.sel $0x180000  }
0x148: {  	[bflag:$0x0] =	sbarrier.arrive $0xFFFF  }
0x149: {  	_ =	strace $0x90000050  }
0x14a: {  	s0 =	stileid.u32;
	[bflag:$0x2] =	sbarrier.arrive $0xFFFF  }
0x14b: {  	p0 =	sne.s32 s0, $0x0;
	s0 =	rddreg [dreg:$0x4]  }
0x14c: {  	s0 =	sadd.s32 @!p0 $0x100000, s0  }
0x14d: {  	[sflag:s0] =	ssyncadd.tile.s32 @!p0 $0x1;
	_ =	shalt  }
.Lfunc_end2:
_tile_overlayer_lowered:
.L_overlay_start_2:
0x14e: {  	(tag) =	ssettag $0x2  }
0x14f: {  	s0 =	rddreg [dreg:$0x0];
	s2 =	stileid.u32  }
0x150: {  	s1 =	rddreg [dreg:$0x1];
	p0 =	sne.s32 s2, $0x0  }
0x151: {  	s3 =	rddreg [dreg:$0x2];
	[bflag:$0x3] =	sbarrier.arrive $0xFFFF;
	s2 =	simm.s32 @!p0 $0x1C03  }
0x152: {  	[timem:s3], [sflag:s2] =	dma.local @!p0 [hbm:s0], s1  }
0x153: {  	s0 =	simm.s32 @!p0 $0x3  }
0x154: {  	_ =	swait.ge @!p0 [sflag:s0], s1  }
0x155: {  	s1 =	ssub.s32 @!p0 $0x0, s1;
	[sflag:s0] =	ssyncset.done @!p0 $0x0  }
0x156: {  	[sflag:s0] =	ssyncadd.s32 @!p0 s1  }
0x157: {  	[bflag:$0x3] =	sbarrier.arrive $0xFFFF  }
0x158: {  	_ =	shalt  }

// kernel: kernel.10.cloned.1.call-start
scs
__scs_entry_jumppad:
0x0: {  	(pc) =	sbr.rel $0x88, $3  }
0x1: {  	(tag) =	ssettag $0x0;
	lr =	simm.s32 $0x1  }
0x2: {  	[smem:$0x3F89] =	sst lr;
	_ =	strace $0xD0000000  }
0x3: {  	_ = 	snop  }
0x4: {  	_ = 	snop  }
0x5: {  	_ = 	snop  }
0x6: {  	_ = 	snop  }
0x7: {  	_ = 	snop  }
__scs_overlays_trampoline_lowered:
0x8: {  	[smem:$0x3F98] =	sst s0  }
0x9: {  	[smem:$0x3F99] =	sst s1  }
0xa: {  	[smem:$0x3F9A] =	sst s2  }
0xb: {  	[smem:$0x3F9B] =	sst s3  }
0xc: {  	[smem:$0x3F9C] =	sst s4  }
0xd: {  	[smem:$0x3F9D] =	sst s5  }
0xe: {  	[smem:$0x3F9E] =	sst s6  }
0xf: {  	[smem:$0x3F9F] =	sst s7  }
0x10: {  	[smem:$0x3FA0] =	sst s8  }
0x11: {  	[smem:$0x3FA1] =	sst s9;
	s0 =	simm.s32 @!p0 $0x0  }
0x12: {  	s1 =	sld [smem:$0x3F87];
	s0 =	simm.s32 @p0 $0x1  }
0x13: {  	[smem:$0x3FA2] =	sst s0;
	s0 =	simm.s32 @!p1 $0x0  }
0x14: {  	s2 =	sld [smem:$0x3F86];
	s0 =	simm.s32 @p1 $0x1  }
0x15: {  	[smem:$0x3FA3] =	sst s0;
	s0 =	simm.s32 @!p2 $0x0  }
0x16: {  	s3 =	sld [smem:$0x3FDB];
	s0 =	simm.s32 @p2 $0x1  }
0x17: {  	s4 =	simm.s32 $0x1BF5;
	[smem:$0x3FA5] =	sst s0  }
0x18: {  	s0 =	sld [smem:$0x3F88];
	_ =	swait.ge [sflag:s4], $0x0  }
0x19: {  	s7 =	sld [smem:$0x3F89]  }
0x1a: {  	s8 =	sadd.s32 $0xFFFFE003, lr  }
0x1b: {  	s9 =	sadd.s32 $0xFFFFFEF7, lr;
	s5 =	simm.s32 $0xFFFFFFFF;
	p2 =	slt.u32 s8, $0xFFFFF086  }
0x1c: {  	p1 =	slt.u32 s9, $0xF7A;
	s5 =	simm.s32 @!p2 $0x0  }
0x1d: {  	s5 =	simm.s32 @p1 $0x1;
	p0 =	seq.s32 s7, s2  }
0x1e: {  	s7 =	smul.u32 @!p0 $0xF7A, s2;
	p2 =	seq.s32 @!p0 s5, $0x0  }
0x1f: {  	s9 =	smul.u32 $0xF7A, s1;
	s8 =	simm.s32 @!p0 $0x1BF5;
	p2 =	por !p2, p0  }
0x20: {  	[sflag:s8] =	ssyncset.s32 @!p0 $0xFFFFF086;
	s6 =	sadd.s32 @!p0 s3, s7;
	s7 =	simm.s32 @!p0 $0x108  }
0x21: {  	s3 =	sadd.s32 s3, s9;
	s6 =	sadd.s32 @!p0 $0x88, s6;
	s7 =	simm.s32 @p2 $0x1082  }
0x22: {  	[simem:s7], [sflag:s8] =	dma.local @!p0 [hbm:s6], $0xF7A  }
0x23: {  	s9 =	sor.u32 $0xD0000000, s2;
	s6 =	simm.s32 $0x108;
	_ =	swait.ge @!p0 [sflag:s8], $0x0  }
0x24: {  	s3 =	sadd.s32 $0x88, s3;
	s6 =	simm.s32 @!p1 $0x1082;
	[sflag:s4] =	ssyncset.s32 $0xFFFFF086  }
0x25: {  	[simem:s6], [sflag:s4] =	dma.local [hbm:s3], $0xF7A  }
0x26: {  	[smem:$0x3F89] =	sst s1;
	(tag) =	ssettag s2;
	_ =	strace s9  }
0x27: {  	s1 =	sld [smem:$0x3F99]  }
0x28: {  	s2 =	sld [smem:$0x3F9A]  }
0x29: {  	s4 =	sld [smem:$0x3F9C]  }
0x2a: {  	p0 =	seq.s32 s5, $0x0;
	s5 =	sld [smem:$0x3F9D]  }
0x2b: {  	s6 =	sld [smem:$0x3F9E]  }
0x2c: {  	s7 =	sld [smem:$0x3F9F]  }
0x2d: {  	s3 =	simm.s32 $0x108;
	s8 =	sld [smem:$0x3FA0]  }
0x2e: {  	s3 =	simm.s32 @!p0 $0x1082;
	s9 =	sld [smem:$0x3FA1]  }
0x2f: {  	lr =	sadd.s32 s0, s3;
	s0 =	sld [smem:$0x3F98]  }
0x30: {  	s3 =	sld [smem:$0x3F9B]  }
0x31: {  	[smem:$0x3FA4] =	sst s10  }
0x32: {  	s10 =	sld [smem:$0x3FA2];
	_ =	sdelay $0x3  }
0x33: {  	p0 =	seq.s32 s10, $0x1;
	s10 =	sld [smem:$0x3FA4];
	_ =	sdelay $0x3  }
0x34: {  	[smem:$0x3FA4] =	sst s10  }
0x35: {  	s10 =	sld [smem:$0x3FA3];
	_ =	sdelay $0x3  }
0x36: {  	p1 =	seq.s32 s10, $0x1;
	s10 =	sld [smem:$0x3FA4];
	_ =	sdelay $0x3  }
0x37: {  	[smem:$0x3FA4] =	sst s10  }
0x38: {  	s10 =	sld [smem:$0x3FA5]  }
0x39: {  	_ = 	snop;
	(pc) =	sbr.ind lr, $3  }
0x3a: {  	_ = 	snop  }
0x3b: {  	_ = 	snop  }
0x3c: {  	p2 =	seq.s32 s10, $0x1;
	s10 =	sld [smem:$0x3FA4]  }
0x3d: {  	_ =	shalt  }
0x3e: {  	_ =	shalt  }
0x3f: {  	_ =	shalt  }
0x40: {  	_ =	shalt  }
0x41: {  	_ =	shalt  }
0x42: {  	_ =	shalt  }
0x43: {  	_ =	shalt  }
0x44: {  	_ =	shalt  }
0x45: {  	_ =	shalt  }
0x46: {  	_ =	shalt  }
0x47: {  	_ =	shalt  }
0x48: {  	_ =	shalt  }
0x49: {  	_ =	shalt  }
0x4a: {  	_ =	shalt  }
0x4b: {  	_ =	shalt  }
0x4c: {  	_ =	shalt  }
0x4d: {  	_ =	shalt  }
0x4e: {  	_ =	shalt  }
0x4f: {  	_ =	shalt  }
0x50: {  	_ =	shalt  }
0x51: {  	_ =	shalt  }
0x52: {  	_ =	shalt  }
0x53: {  	_ =	shalt  }
0x54: {  	_ =	shalt  }
0x55: {  	_ =	shalt  }
0x56: {  	_ =	shalt  }
0x57: {  	_ =	shalt  }
0x58: {  	_ =	shalt  }
0x59: {  	_ =	shalt  }
0x5a: {  	_ =	shalt  }
0x5b: {  	_ =	shalt  }
0x5c: {  	_ =	shalt  }
0x5d: {  	_ =	shalt  }
0x5e: {  	_ =	shalt  }
0x5f: {  	_ =	shalt  }
0x60: {  	_ =	shalt  }
0x61: {  	_ =	shalt  }
0x62: {  	_ =	shalt  }
0x63: {  	_ =	shalt  }
0x64: {  	_ =	shalt  }
0x65: {  	_ =	shalt  }
0x66: {  	_ =	shalt  }
0x67: {  	_ =	shalt  }
0x68: {  	_ =	shalt  }
0x69: {  	_ =	shalt  }
0x6a: {  	_ =	shalt  }
0x6b: {  	_ =	shalt  }
0x6c: {  	_ =	shalt  }
0x6d: {  	_ =	shalt  }
0x6e: {  	_ =	shalt  }
0x6f: {  	_ =	shalt  }
0x70: {  	_ =	shalt  }
0x71: {  	_ =	shalt  }
0x72: {  	_ =	shalt  }
0x73: {  	_ =	shalt  }
0x74: {  	_ =	shalt  }
0x75: {  	_ =	shalt  }
0x76: {  	_ =	shalt  }
0x77: {  	_ =	shalt  }
0x78: {  	_ =	shalt  }
0x79: {  	_ =	shalt  }
0x7a: {  	_ =	shalt  }
0x7b: {  	_ =	shalt  }
0x7c: {  	_ =	shalt  }
0x7d: {  	_ =	shalt  }
0x7e: {  	_ =	shalt  }
0x7f: {  	_ =	shalt  }
0x80: {  	_ =	shalt  }
0x81: {  	_ =	shalt  }
0x82: {  	_ =	shalt  }
0x83: {  	_ =	shalt  }
0x84: {  	_ =	shalt  }
0x85: {  	_ =	shalt  }
0x86: {  	_ =	shalt  }
0x87: {  	_ =	shalt  }
.Lfunc_end0:
.L_simem_size_0:
called_computation.3_lowered:
.L_overlay_start_0:
0x88: {  	s2 =	sld [smem:$0x3FD9]  }
0x89: {  	s3 =	sld [smem:$0x3FFE];
	_ =	sdelay $0x1  }
0x8a: {  	s1 =	srdreg.scid  }
0x8b: {  	s0 =	sand.u32 $0x1, s1  }
0x8c: {  	s17 =	sshll.u32 s0, $0xA;
	s2 =	sadd.s32 s3, s2  }
0x8d: {  	s2 =	sadd.s32 s2, s17  }
0x8e: {  	[smem:$0x3FB0] =	sst s2  }
0x8f: {  	_ = 	snop  }
0x90: {  	s2 =	sld [smem:$0x3FD0];
	(tm) =	ssettm $0x1  }
0x91: {  	s18 =	sld [smem:$0x3FFB];
	_ =	sdelay $0x3  }
0x92: {  	_ =	strace s18  }
0x93: {  	s3 =	sld [smem:$0x3FFC];
	_ =	sdelay $0x3  }
0x94: {  	_ =	strace s3  }
0x95: {  	s3 =	sld [smem:$0x3FFD];
	_ =	sdelay $0x3  }
0x96: {  	_ =	strace s3  }
0x97: {  	_ =	strace $0x8FFFFFFF  }
0x98: {  	s19 =	sld [smem:$0x3FDB];
	_ =	sdelay $0x1  }
0x99: {  	s4 =	simm.s32 $_scs_section_size  }
0x9a: {  	s5 =	simm.s32 $_size__tile_overlayer_lowered;
	s6 =	simm.s32 $_tile_overlayer_lowered  }
0x9b: {  	s22 =	simm.s32 $0x1BFF;
	s21 =	sshll.u32 s6, $0x1;
	s3 =	sadd.s32 s4, s19  }
0x9c: {  	s7 =	simm.s32 $0x0;
	s20 =	sshll.u32 s5, $0x1;
	s5 =	sadd.s32 s21, s3  }
0x9d: {  	[timem:s7], [sflag:s22] =	dma.local [hbm:s5], s20  }
0x9e: {  	_ =	swait.ge [sflag:s22], s20  }
0x9f: {  	s4 =	ssub.s32 $0x0, s20;
	[sflag:s22] =	ssyncset.done $0x0  }
0xa0: {  	[sflag:s22] =	ssyncadd.s32 s4;
	_ =	sdelay $0x1  }
0xa1: {  	s23 =	simm.s32 $0x1B8B  }
0xa2: {  	_ =	swait.ge [sflag:s23], $0x1  }
0xa3: {  	[sflag:s23] =	ssyncset.done $0x0  }
0xa4: {  	s25 =	simm.s32 $0x1B8E;
	s24 =	sld [smem:$0x3FFE];
	[sflag:s23] =	ssyncadd.s32 $0xFFFFFFFF  }
0xa5: {  	s26 =	simm.s32 $execute0_lowered;
	[smem:$0x3FD2] =	sst s25  }
0xa6: {  	s5 =	sshll.u32 s26, $0x1;
	_ =	strace $0x80000049;
	[dreg:$0x1] =	wrdreg $0xFFFFFFFF  }
0xa7: {  	s28 =	simm.s32 $_size_execute0_lowered;
	s3 =	sadd.s32 s3, s5;
	[dreg:$0x0] =	wrdreg $0x0  }
0xa8: {  	s5 =	sshll.u32 s28, $0x1;
	[dreg:$0x2] =	wrdreg s3  }
0xa9: {  	[dreg:$0x3] =	wrdreg s5  }
0xaa: {  	[dreg:$0x4] =	wrdreg $0xC0  }
0xab: {  	_ =	task [dreg:s7], $0x5FFFF  }
0xac: {  	[dreg:$0x1] =	wrdreg $0xFFFFFFFF  }
0xad: {  	[dreg:$0x0] =	wrdreg $0x60  }
0xae: {  	[dreg:$0x2] =	wrdreg s2  }
0xaf: {  	[dreg:$0x3] =	wrdreg s24  }
0xb0: {  	[dreg:$0x4] =	wrdreg $0xA5000  }
0xb1: {  	[dreg:$0x5] =	wrdreg $0x145000  }
0xb2: {  	[dreg:$0x6] =	wrdreg $0x9  }
0xb3: {  	_ =	task.clear_ibuf [dreg:s7], $0x7FFFF;
	_ =	strace $0x90000049  }
0xb4: {  	s29 =	simm.s32 $0x9;
	_ =	strace $0x8000004B  }
0xb5: {  	_ =	swait.ge [sflag:s29], $0x1  }
0xb6: {  	[sflag:s29] =	ssyncadd.s32 $0xFFFFFFFF  }
0xb7: {  	_ =	strace $0x9000004B  }
0xb8: {  	_ =	sfence  }
0xb9: {  	s30 =	sld [smem:$0x0];
	_ =	sdelay $0x2  }
0xba: {  	s31 =	sshll.u32 s1, $0xD;
	s1 =	sshrl.u32 s1, $0x2  }
0xbb: {  	s3 =	sand.u32 $0x4000, s31;
	s1 =	sadd.s32 s1, s30  }
0xbc: {  	s0 =	sor.u32 s3, s0;
	s1 =	sshll.u32 s1, $0x11  }
0xbd: {  	s0 =	sor.u32 s1, s0  }
0xbe: {  	s0 =	sadd.s32 $0x8F2B, s0  }
0xbf: {  	[sflag:s0] =	ssyncadd.remote.s32 $0x1  }
0xc0: {  	_ =	sfence.sel $0xFFFF  }
0xc1: {  	[dreg:$0x0] =	wrdreg $0xFFFFFFFF;
	(pc) =	sbr.abs _section_cstart, $3  }
0xc2: {  	[dreg:$0x1] =	wrdreg $0xFFFFFFFF  }
0xc3: {  	_ =	task.clear_ibuf [dreg:s7], $0x2FFFF;
	_ =	strace $0x9FFFFFFF  }
0xc4: {  	(tm) =	ssettm $0x7FFFFFFF  }
0xc5: {  	_ =	shalt  }
tec
execute0_lowered:
.L_overlay_start_1:
0x0: {  	(tag) =	ssettag $0x1  }
0x1: {  	s1 =	rddreg [dreg:$0x0]  }
0x2: {  	s0 =	rddreg [dreg:$0x1]  }
0x3: {  	s3 =	rddreg [dreg:$0x2]  }
0x4: {  	s4 =	rddreg [dreg:$0x3];
	s5 =	simm.s32 $0x0  }
0x5: {  	s13 =	stileid.u32;
	s2 =	srdreg.scid;
	s16 =	simm.s32 $0x3  }
0x6: {  	s17 =	simm.s32 $0x200;
	s18 =	simm.s32 $0x2980;
	s28 =	simm.s32 $0x5500  }
0x7: {  	s29 =	simm.s32 $0x1;
	s30 =	simm.s32 $0x2;
	s31 =	simm.s32 $0x2B00  }
0x8: {  	[smem:$0x7FF] =	sst s5;
	s7 =	smul.u32 $0xA000, s13;
	s2 =	sand.u32 $0x1, s2  }
0x9: {  	s6 =	sadd.s32 $0x3600, s0;
	s9 =	sadd.s32 $0x5E00, s0;
	s19 =	sadd.s32 $0x5800, s0  }
0xa: {  	s20 =	sadd.s32 $0x6000, s0;
	_ =	strace $0x8000004A;
	[dreg:$0x5] =	wrdreg s9  }
0xb: {  	s12 =	smul.u32 $0xEA60, s13;
	s26 =	sshll.u32 s13, $0x6;
	[dreg:$0x6] =	wrdreg s19  }
0xc: {  	s8 =	smul.u32 $0xA0000, s2;
	[dreg:$0x7] =	wrdreg s20;
	s10 =	ssub.s32 $0x2, s2  }
0xd: {  	s2 =	smul.u32 $0xFFFFEC00, s2;
	s19 =	sor.u32 $0x1C03, s26;
	s26 =	simm.s32 $0x2C00  }
0xe: {  	s21 =	sshrl.u32 s7, $0x3;
	s11 =	sshrl.u32 s10, $0x1;
	s23 =	sadd.s32 s7, s3  }
0xf: {  	s8 =	sadd.s32 s7, s8;
	s9 =	sadd.s32 s21, s0;
	s22 =	ssub.s32 s10, s11  }
0x10: {  	s7 =	sadd.s32 s7, s4;
	s20 =	sshrl.u32 s23, $0x3;
	s23 =	simm.s32 $0x50  }
0x11: {  	v0 =	vmov s2;
	s2 =	simm.s32 $0x7D00;
	s8 =	sshrl.u32 s8, $0x3;
	s24 =	sadd.s32 $0x1A200, s9  }
0x12: {  	s9 =	sadd.s32 $0x6200, s9;
	s15 =	smax.u32 s22, $0x1;
	s21 =	sshrl.u32 s7, $0x3  }
0x13: {  	s22 =	simm.s32 $0x2A00;
	s0 =	sadd.s32 s8, s0;
	[dreg:$0x8] =	wrdreg s24  }
0x14: {  	s7 =	simm.s32 $0x0;
	[dreg:$0x9] =	wrdreg s9;
	s25 =	sadd.s32 $0x2E200, s0  }
0x15: {  	s24 =	simm.s32 $0x2B80;
	s0 =	sadd.s32 $0x56200, s0;
	[dreg:$0xa] =	wrdreg s25  }
0x16: {  	[dreg:$0xb] =	wrdreg s0;
	s25 =	simm.s32 $0x2D00;
	s0 =	simm.s32 $0x2C80  }
.LBB2_1:
0x17: {  	s8 =	rddreg [dreg:$0x5]  }
0x18: {  	[tilespmem:s5], [sflag:$0x3] =	stream.linear.gather [hbm4b:s8+s5], $0x200, $0x38;
	[tilespmem:$0x15900] =	vst v63  }
0x19: {  	_ =	swait.ge [sflag:s16], $0x200  }
0x1a: {  	[sflag:s16] =	ssyncset.done $0x0  }
0x1b: {  	s10 =	rddreg [dreg:$0x6];
	[sflag:s16] =	ssyncadd.s32 $0xFFFFFE00  }
0x1c: {  	[tilespmem:s17], [sflag:$0x3] =	stream.linear.gather [hbm4b:s10+s5], $0x2780, $0x38;
	[tilespmem:$0x15900] =	vst v63  }
0x1d: {  	_ =	swait.ge [sflag:s16], $0x2780  }
0x1e: {  	[sflag:s16] =	ssyncset.done $0x0  }
0x1f: {  	s11 =	rddreg [dreg:$0x7];
	[sflag:s16] =	ssyncadd.s32 $0xFFFFD880  }
0x20: {  	[tilespmem:s18], [sflag:$0x3] =	stream.linear.gather [hbm4b:s11+s5], $0x80, $0x38;
	[tilespmem:$0x15900] =	vst v63  }
0x21: {  	_ =	swait.ge [sflag:s16], $0x80  }
0x22: {  	[sflag:s16] =	ssyncset.done $0x0  }
0x23: {  	s13 =	rddreg [dreg:$0x8];
	[sflag:s16] =	ssyncadd.s32 $0xFFFFFF80  }
0x24: {  	[spmem:s20], [sflag:s19] =	dma.local [hbm:s13], $0x1400  }
0x25: {  	_ =	swait.ge [sflag:s16], $0x1400  }
0x26: {  	[sflag:s16] =	ssyncset.done $0x0  }
0x27: {  	s14 =	rddreg [dreg:$0x9];
	[sflag:s16] =	ssyncadd.s32 $0xFFFFEC00  }
0x28: {  	[spmem:s21], [sflag:s19] =	dma.local [hbm:s14], $0x1400  }
0x29: {  	_ =	swait.ge [sflag:s16], $0x1400  }
0x2a: {  	[sflag:s16] =	ssyncset.done $0x0  }
0x2b: {  	[sflag:s16] =	ssyncadd.s32 $0xFFFFEC00  }
0x2c: {  	s8 =	simm.s32 $0x0;
	[bflag:$0x0] =	sbarrier.arrive $0xFFFF  }
.LBB2_2:
0x2d: {  	s9 =	smul.u32 $0xF0, s8;
	_ =	sdelay $0x1  }
0x2e: {  	s9 =	sadd.s32 s12, s9  }
0x2f: {  	s9 =	sshrl.u32 s9, $0x3  }
0x30: {  	s9 =	sadd.s32 s1, s9  }
0x31: {  	[tilespmem:s22], [sflag:$0x3] =	stream.linear.gather [hbm4b:s9+s5], $0xF0, $0x38;
	[tilespmem:$0x15900] =	vst v63  }
0x32: {  	s9 =	simm.s32 $0x3  }
0x33: {  	_ =	swait.ge [sflag:s9], $0xF0  }
0x34: {  	[sflag:s9] =	ssyncset.done $0x0  }
0x35: {  	[sflag:s9] =	ssyncadd.s32 $0xFFFFFF10  }
0x36: {  	v1 =	vld [tilespmem:$0x2A00]  }
0x37: {  	v2 =	vld [tilespmem:$0x2A50];
	_ =	sdelay $0x1  }
0x38: {  	v3 =	vld [tilespmem:$0x2AA0];
	_ =	sdelay $0x4  }
0x39: {  	v4 =	vld.idx.msk [tilespmem:v1+s5+$0x0], $0xffff  }
0x3a: {  	v5 =	vld.idx.msk [tilespmem:v2+s17+$0x0], $0xffff;
	_ =	sdelay $0x1  }
0x3b: {  	v6 =	vld.idx.msk [tilespmem:v3+s18+$0x0], $0xffff;
	_ =	sdelay $0x2  }
0x3c: {  	v4 =	vadd.f32 v5, v4;
	_ =	sdelay $0x1  }
0x3d: {  	v4 =	vadd.f32 v6, v4;
	_ =	sdelay $0x1  }
0x3e: {  	v51 =	vmul.f32 $2.000000030e-01, v4  }
0x3f: {  	vm0 =	vgt.f32 v4, $0.0e+00  }
0x40: {  	v4 =	vsel vm0, v4, v51  }
0x41: {  	v4 =	vmul.f32 $1.442695020e+00, v4;
	_ =	sdelay $0x1  }
0x42: {  	(erf) = vpow2.f32 v4;
	_ =	sdelay $0x3  }
0x43: {  	v52 =	vld [tilespmem:$0x2A10]  }
0x44: {  	v53 =	vld [tilespmem:$0x2A60]  }
0x45: {  	v2 =	vadd.s32 v0, v2  }
0x46: {  	v7 =	vld [tilespmem:$0x2AB0];
	vm15 =	vgt.s32 v2, $0x0  }
0x47: {  	[tilespmem:$0x2B80] =	vst v1;
	v1 =	vadd.s32 $0x1F4, v3;
	vm14 =	vlt.u32 v2, $0x1400;
	v2 =	vnsel vm15, $0x0, v2  }
0x48: {  	[tilespmem:$0x2C00] =	vst v1;
	v2 =	vmin.u32 v2, $0x13FF;
	v54 =	vpop (erf)  }
0x49: {  	[tilespmem:$0x2C80] =	vst v2;
	v6 =	vnsel vm14, $0x0, v54  }
0x4a: {  	[tilespmem:$0x2B00] =	vst v6  }
0x4b: {  	v1 =	vld.idx.msk [tilespmem:v52+s5+$0x0], $0xffff  }
0x4c: {  	v2 =	vld.idx.msk [tilespmem:v53+s17+$0x0], $0xffff;
	_ =	sdelay $0x1  }
0x4d: {  	v3 =	vld.idx.msk [tilespmem:v7+s18+$0x0], $0xffff;
	_ =	sdelay $0x2  }
0x4e: {  	v1 =	vadd.f32 v2, v1;
	_ =	sdelay $0x1  }
0x4f: {  	v1 =	vadd.f32 v3, v1;
	_ =	sdelay $0x1  }
0x50: {  	v2 =	vmul.f32 $2.000000030e-01, v1  }
0x51: {  	vm4 =	vgt.f32 v1, $0.0e+00  }
0x52: {  	v1 =	vsel vm4, v1, v2  }
0x53: {  	v1 =	vmul.f32 $1.442695020e+00, v1;
	_ =	sdelay $0x1  }
0x54: {  	(erf) = vpow2.f32 v1;
	_ =	sdelay $0x3  }
0x55: {  	v1 =	vld [tilespmem:$0x2A20]  }
0x56: {  	v3 =	vld [tilespmem:$0x2A70];
	v2 =	vadd.s32 v0, v53  }
0x57: {  	vm6 =	vgt.s32 v2, $0x0  }
0x58: {  	v56 =	vld [tilespmem:$0x2AC0];
	vm5 =	vlt.u32 v2, $0x1400;
	v2 =	vnsel vm6, $0x0, v2  }
0x59: {  	[tilespmem:$0x2B90] =	vst v52;
	v2 =	vmin.u32 v2, $0x13FF  }
0x5a: {  	[tilespmem:$0x2C90] =	vst v2;
	v2 =	vadd.s32 $0x1F4, v7;
	v55 =	vpop (erf)  }
0x5b: {  	[tilespmem:$0x2C10] =	vst v2;
	v5 =	vnsel vm5, $0x0, v55  }
0x5c: {  	[tilespmem:$0x2B10] =	vst v5  }
0x5d: {  	v2 =	vld.idx.msk [tilespmem:v1+s5+$0x0], $0xffff  }
0x5e: {  	v4 =	vld.idx.msk [tilespmem:v3+s17+$0x0], $0xffff;
	_ =	sdelay $0x1  }
0x5f: {  	v5 =	vld.idx.msk [tilespmem:v56+s18+$0x0], $0xffff;
	_ =	sdelay $0x2  }
0x60: {  	v2 =	vadd.f32 v4, v2;
	_ =	sdelay $0x1  }
0x61: {  	v2 =	vadd.f32 v5, v2;
	_ =	sdelay $0x1  }
0x62: {  	v57 =	vmul.f32 $2.000000030e-01, v2  }
0x63: {  	vm7 =	vgt.f32 v2, $0.0e+00  }
0x64: {  	v2 =	vsel vm7, v2, v57  }
0x65: {  	v2 =	vmul.f32 $1.442695020e+00, v2;
	_ =	sdelay $0x1  }
0x66: {  	(erf) = vpow2.f32 v2;
	_ =	sdelay $0x3  }
0x67: {  	v2 =	vld [tilespmem:$0x2A30]  }
0x68: {  	v58 =	vld [tilespmem:$0x2A80]  }
0x69: {  	v3 =	vadd.s32 v0, v3  }
0x6a: {  	v60 =	vld [tilespmem:$0x2AD0];
	vm9 =	vgt.s32 v3, $0x0  }
0x6b: {  	[tilespmem:$0x2BA0] =	vst v1;
	v1 =	vadd.s32 $0x1F4, v56;
	vm8 =	vlt.u32 v3, $0x1400;
	v3 =	vnsel vm9, $0x0, v3  }
0x6c: {  	[tilespmem:$0x2C20] =	vst v1;
	v3 =	vmin.u32 v3, $0x13FF;
	v59 =	vpop (erf)  }
0x6d: {  	[tilespmem:$0x2CA0] =	vst v3;
	v5 =	vnsel vm8, $0x0, v59  }
0x6e: {  	[tilespmem:$0x2B20] =	vst v5  }
0x6f: {  	v1 =	vld.idx.msk [tilespmem:v2+s5+$0x0], $0xffff  }
0x70: {  	v3 =	vld.idx.msk [tilespmem:v58+s17+$0x0], $0xffff;
	_ =	sdelay $0x1  }
0x71: {  	v5 =	vld.idx.msk [tilespmem:v60+s18+$0x0], $0xffff;
	_ =	sdelay $0x2  }
0x72: {  	v1 =	vadd.f32 v3, v1;
	_ =	sdelay $0x1  }
0x73: {  	v1 =	vadd.f32 v5, v1;
	_ =	sdelay $0x1  }
0x74: {  	v3 =	vmul.f32 $2.000000030e-01, v1  }
0x75: {  	vm10 =	vgt.f32 v1, $0.0e+00  }
0x76: {  	v1 =	vsel vm10, v1, v3  }
0x77: {  	v1 =	vmul.f32 $1.442695020e+00, v1;
	_ =	sdelay $0x1  }
0x78: {  	(erf) = vpow2.f32 v1;
	_ =	sdelay $0x3  }
0x79: {  	v1 =	vld [tilespmem:$0x2A40]  }
0x7a: {  	v61 =	vld [tilespmem:$0x2A90]  }
0x7b: {  	v3 =	vadd.s32 v0, v58  }
0x7c: {  	v63 =	vld [tilespmem:$0x2AE0];
	vm12 =	vgt.s32 v3, $0x0  }
0x7d: {  	[tilespmem:$0x2BB0] =	vst v2;
	v2 =	vadd.s32 $0x1F4, v60;
	vm11 =	vlt.u32 v3, $0x1400;
	v3 =	vnsel vm12, $0x0, v3  }
0x7e: {  	[tilespmem:$0x2C30] =	vst v2;
	v3 =	vmin.u32 v3, $0x13FF;
	v62 =	vpop (erf)  }
0x7f: {  	[tilespmem:$0x2CB0] =	vst v3;
	v5 =	vnsel vm11, $0x0, v62  }
0x80: {  	[tilespmem:$0x2B30] =	vst v5  }
0x81: {  	v2 =	vld.idx.msk [tilespmem:v1+s5+$0x0], $0xffff  }
0x82: {  	v3 =	vld.idx.msk [tilespmem:v61+s17+$0x0], $0xffff;
	_ =	sdelay $0x1  }
0x83: {  	v5 =	vld.idx.msk [tilespmem:v63+s18+$0x0], $0xffff;
	_ =	sdelay $0x2  }
0x84: {  	v2 =	vadd.f32 v3, v2;
	_ =	sdelay $0x1  }
0x85: {  	v2 =	vadd.f32 v5, v2;
	_ =	sdelay $0x1  }
0x86: {  	v3 =	vmul.f32 $2.000000030e-01, v2  }
0x87: {  	vm13 =	vgt.f32 v2, $0.0e+00  }
0x88: {  	v2 =	vsel vm13, v2, v3  }
0x89: {  	v2 =	vmul.f32 $1.442695020e+00, v2;
	_ =	sdelay $0x1  }
0x8a: {  	(erf) = vpow2.f32 v2;
	_ =	sdelay $0x5  }
0x8b: {  	v2 =	vadd.s32 v0, v61  }
0x8c: {  	vm15 =	vgt.s32 v2, $0x0  }
0x8d: {  	[tilespmem:$0x2BC0] =	vst v1;
	v1 =	vadd.s32 $0x1F4, v63;
	vm14 =	vlt.u32 v2, $0x1400;
	v2 =	vnsel vm15, $0x0, v2  }
0x8e: {  	[tilespmem:$0x2C40] =	vst v1;
	v2 =	vmin.u32 v2, $0x13FF;
	v3 =	vpop (erf)  }
0x8f: {  	[tilespmem:$0x2CC0] =	vst v2;
	v3 =	vnsel vm14, $0x0, v3  }
0x90: {  	[tilespmem:$0x2B40] =	vst v3  }
0x91: {  	[tilespmem:s25], [sflag:$0x1] =	stream.indirect.gather [hbm4b:s6+s23], $0x80, s24, s23, $0xb8;
	[tilespmem:$0x15900] =	vst v63  }
0x92: {  	_ = 	snop  }
0x93: {  	[tilespmem:s28], [sflag:$0x2] =	stream.indirect.gather [hbm4b:s6+s23], $0x80, s26, s23, $0xb8;
	[tilespmem:$0x15900] =	vst v63  }
0x94: {  	_ =	swait.ge [sflag:s29], $0x2800  }
0x95: {  	[sflag:s29] =	ssyncset.done $0x0  }
0x96: {  	[sflag:s29] =	ssyncadd.s32 $0xFFFFD800  }
0x97: {  	_ =	swait.ge [sflag:s30], $0x2800  }
0x98: {  	s10 =	simm.s32 $0x7E00;
	[sflag:s30] =	ssyncset.done $0x0  }
0x99: {  	s11 =	simm.s32 $0x2E00;
	s13 =	simm.s32 $0x5600;
	[sflag:s30] =	ssyncadd.s32 $0xFFFFD800  }
.LBB2_3:
0x9a: {  	s14 =	sadd.s32 $0xFFFFFFFD, s9  }
0x9b: {  	v1 =	vmov s14  }
0x9c: {  	v1 =	vand.u32 $0xFFFFFFFC, v1  }
0x9d: {  	v1 =	vbroadcast v1, $0x0;
	_ =	sdelay $0x5  }
0x9e: {  	v1 =	vld.idx.msk [tilespmem:v1+s31+$0x0], $0xffff;
	_ =	sdelay $0x4  }
0x9f: {  	[tilespmem:s10+$0xFFFFFF00] =	vst v1  }
0xa0: {  	v2 =	vld [tilespmem:s11+$0xFFFFFF00]  }
0xa1: {  	v3 =	vld [tilespmem:s13+$0xFFFFFF00];
	_ =	sdelay $0x4  }
0xa2: {  	v2 =	vadd.f32 v3, v2;
	_ =	sdelay $0x1  }
0xa3: {  	v2 =	vmul.f32 v2, v1;
	_ =	sdelay $0x1  }
0xa4: {  	[tilespmem:s11+$0xFFFFFF00] =	vst v2;
	v2 =	vld [tilespmem:s11+$0xFFFFFF10]  }
0xa5: {  	v3 =	vld [tilespmem:s13+$0xFFFFFF10];
	_ =	sdelay $0x4  }
0xa6: {  	v2 =	vadd.f32 v3, v2;
	_ =	sdelay $0x1  }
0xa7: {  	v2 =	vmul.f32 v2, v1;
	_ =	sdelay $0x1  }
0xa8: {  	[tilespmem:s11+$0xFFFFFF10] =	vst v2;
	v2 =	vld [tilespmem:s11+$0xFFFFFF20]  }
0xa9: {  	v3 =	vld [tilespmem:s13+$0xFFFFFF20];
	_ =	sdelay $0x4  }
0xaa: {  	v2 =	vadd.f32 v3, v2;
	_ =	sdelay $0x1  }
0xab: {  	v2 =	vmul.f32 v2, v1;
	_ =	sdelay $0x1  }
0xac: {  	[tilespmem:s11+$0xFFFFFF20] =	vst v2;
	v2 =	vld [tilespmem:s11+$0xFFFFFF30]  }
0xad: {  	v3 =	vld [tilespmem:s13+$0xFFFFFF30];
	_ =	sdelay $0x4  }
0xae: {  	v2 =	vadd.f32 v3, v2;
	_ =	sdelay $0x1  }
0xaf: {  	v2 =	vmul.f32 v2, v1;
	_ =	sdelay $0x1  }
0xb0: {  	[tilespmem:s11+$0xFFFFFF30] =	vst v2;
	v2 =	vld [tilespmem:s11+$0xFFFFFF40]  }
0xb1: {  	v3 =	vld [tilespmem:s13+$0xFFFFFF40];
	_ =	sdelay $0x4  }
0xb2: {  	v2 =	vadd.f32 v3, v2;
	_ =	sdelay $0x1  }
0xb3: {  	v2 =	vmul.f32 v2, v1;
	_ =	sdelay $0x1  }
0xb4: {  	[tilespmem:s11+$0xFFFFFF40] =	vst v2;
	v2 =	vld [tilespmem:s11+$0xFFFFFF50]  }
0xb5: {  	v3 =	vld [tilespmem:s13+$0xFFFFFF50];
	_ =	sdelay $0x4  }
0xb6: {  	v2 =	vadd.f32 v3, v2;
	_ =	sdelay $0x1  }
0xb7: {  	v2 =	vmul.f32 v2, v1;
	_ =	sdelay $0x1  }
0xb8: {  	[tilespmem:s11+$0xFFFFFF50] =	vst v2;
	v2 =	vld [tilespmem:s11+$0xFFFFFF60]  }
0xb9: {  	v3 =	vld [tilespmem:s13+$0xFFFFFF60];
	_ =	sdelay $0x4  }
0xba: {  	v2 =	vadd.f32 v3, v2;
	_ =	sdelay $0x1  }
0xbb: {  	v2 =	vmul.f32 v2, v1;
	_ =	sdelay $0x1  }
0xbc: {  	[tilespmem:s11+$0xFFFFFF60] =	vst v2;
	v2 =	vld [tilespmem:s11+$0xFFFFFF70]  }
0xbd: {  	v3 =	vld [tilespmem:s13+$0xFFFFFF70]  }
0xbe: {  	s14 =	sadd.s32 $0xFFFFFFFE, s9  }
0xbf: {  	v4 =	vmov s14  }
0xc0: {  	v4 =	vand.u32 $0xFFFFFFFD, v4  }
0xc1: {  	v4 =	vbroadcast v4, $0x0  }
0xc2: {  	v2 =	vadd.f32 v3, v2;
	_ =	sdelay $0x1  }
0xc3: {  	v1 =	vmul.f32 v2, v1;
	_ =	sdelay $0x1  }
0xc4: {  	[tilespmem:s11+$0xFFFFFF70] =	vst v1  }
0xc5: {  	v1 =	vld.idx.msk [tilespmem:v4+s31+$0x0], $0xffff;
	_ =	sdelay $0x4  }
0xc6: {  	[tilespmem:s10+$0xFFFFFF80] =	vst v1  }
0xc7: {  	v2 =	vld [tilespmem:s11+$0xFFFFFF80]  }
0xc8: {  	v3 =	vld [tilespmem:s13+$0xFFFFFF80];
	_ =	sdelay $0x4  }
0xc9: {  	v2 =	vadd.f32 v3, v2;
	_ =	sdelay $0x1  }
0xca: {  	v2 =	vmul.f32 v2, v1;
	_ =	sdelay $0x1  }
0xcb: {  	[tilespmem:s11+$0xFFFFFF80] =	vst v2;
	v2 =	vld [tilespmem:s11+$0xFFFFFF90]  }
0xcc: {  	v3 =	vld [tilespmem:s13+$0xFFFFFF90];
	_ =	sdelay $0x4  }
0xcd: {  	v2 =	vadd.f32 v3, v2;
	_ =	sdelay $0x1  }
0xce: {  	v2 =	vmul.f32 v2, v1;
	_ =	sdelay $0x1  }
0xcf: {  	[tilespmem:s11+$0xFFFFFF90] =	vst v2;
	v2 =	vld [tilespmem:s11+$0xFFFFFFA0]  }
0xd0: {  	v3 =	vld [tilespmem:s13+$0xFFFFFFA0];
	_ =	sdelay $0x4  }
0xd1: {  	v2 =	vadd.f32 v3, v2;
	_ =	sdelay $0x1  }
0xd2: {  	v2 =	vmul.f32 v2, v1;
	_ =	sdelay $0x1  }
0xd3: {  	[tilespmem:s11+$0xFFFFFFA0] =	vst v2;
	v2 =	vld [tilespmem:s11+$0xFFFFFFB0]  }
0xd4: {  	v3 =	vld [tilespmem:s13+$0xFFFFFFB0];
	_ =	sdelay $0x4  }
0xd5: {  	v2 =	vadd.f32 v3, v2;
	_ =	sdelay $0x1  }
0xd6: {  	v2 =	vmul.f32 v2, v1;
	_ =	sdelay $0x1  }
0xd7: {  	[tilespmem:s11+$0xFFFFFFB0] =	vst v2;
	v2 =	vld [tilespmem:s11+$0xFFFFFFC0]  }
0xd8: {  	v3 =	vld [tilespmem:s13+$0xFFFFFFC0];
	_ =	sdelay $0x4  }
0xd9: {  	v2 =	vadd.f32 v3, v2;
	_ =	sdelay $0x1  }
0xda: {  	v2 =	vmul.f32 v2, v1;
	_ =	sdelay $0x1  }
0xdb: {  	[tilespmem:s11+$0xFFFFFFC0] =	vst v2;
	v2 =	vld [tilespmem:s11+$0xFFFFFFD0]  }
0xdc: {  	v3 =	vld [tilespmem:s13+$0xFFFFFFD0];
	_ =	sdelay $0x4  }
0xdd: {  	v2 =	vadd.f32 v3, v2;
	_ =	sdelay $0x1  }
0xde: {  	v2 =	vmul.f32 v2, v1;
	_ =	sdelay $0x1  }
0xdf: {  	[tilespmem:s11+$0xFFFFFFD0] =	vst v2;
	v2 =	vld [tilespmem:s11+$0xFFFFFFE0]  }
0xe0: {  	v3 =	vld [tilespmem:s13+$0xFFFFFFE0];
	_ =	sdelay $0x4  }
0xe1: {  	v2 =	vadd.f32 v3, v2;
	_ =	sdelay $0x1  }
0xe2: {  	v2 =	vmul.f32 v2, v1;
	_ =	sdelay $0x1  }
0xe3: {  	[tilespmem:s11+$0xFFFFFFE0] =	vst v2;
	v2 =	vld [tilespmem:s11+$0xFFFFFFF0]  }
0xe4: {  	v3 =	vld [tilespmem:s13+$0xFFFFFFF0]  }
0xe5: {  	s14 =	sadd.s32 $0xFFFFFFFF, s9  }
0xe6: {  	v63 =	vmov s14  }
0xe7: {  	v4 =	vand.u32 $0xFFFFFFFE, v63  }
0xe8: {  	v4 =	vbroadcast v4, $0x0  }
0xe9: {  	v2 =	vadd.f32 v3, v2;
	_ =	sdelay $0x1  }
0xea: {  	v1 =	vmul.f32 v2, v1;
	_ =	sdelay $0x1  }
0xeb: {  	[tilespmem:s11+$0xFFFFFFF0] =	vst v1  }
0xec: {  	v1 =	vld.idx.msk [tilespmem:v4+s31+$0x0], $0xffff;
	_ =	sdelay $0x4  }
0xed: {  	[tilespmem:s10+$0x0] =	vst v1  }
0xee: {  	v2 =	vld [tilespmem:s11+$0x0]  }
0xef: {  	v3 =	vld [tilespmem:s13+$0x0];
	_ =	sdelay $0x4  }
0xf0: {  	v2 =	vadd.f32 v3, v2;
	_ =	sdelay $0x1  }
0xf1: {  	v2 =	vmul.f32 v2, v1;
	_ =	sdelay $0x1  }
0xf2: {  	[tilespmem:s11+$0x0] =	vst v2;
	v2 =	vld [tilespmem:s11+$0x10]  }
0xf3: {  	v3 =	vld [tilespmem:s13+$0x10];
	_ =	sdelay $0x4  }
0xf4: {  	v2 =	vadd.f32 v3, v2;
	_ =	sdelay $0x1  }
0xf5: {  	v2 =	vmul.f32 v2, v1;
	_ =	sdelay $0x1  }
0xf6: {  	[tilespmem:s11+$0x10] =	vst v2;
	v2 =	vld [tilespmem:s11+$0x20]  }
0xf7: {  	v3 =	vld [tilespmem:s13+$0x20];
	_ =	sdelay $0x4  }
0xf8: {  	v2 =	vadd.f32 v3, v2;
	_ =	sdelay $0x1  }
0xf9: {  	v2 =	vmul.f32 v2, v1;
	_ =	sdelay $0x1  }
0xfa: {  	[tilespmem:s11+$0x20] =	vst v2;
	v2 =	vld [tilespmem:s11+$0x30]  }
0xfb: {  	v3 =	vld [tilespmem:s13+$0x30];
	_ =	sdelay $0x4  }
0xfc: {  	v2 =	vadd.f32 v3, v2;
	_ =	sdelay $0x1  }
0xfd: {  	v2 =	vmul.f32 v2, v1;
	_ =	sdelay $0x1  }
0xfe: {  	[tilespmem:s11+$0x30] =	vst v2;
	v2 =	vld [tilespmem:s11+$0x40]  }
0xff: {  	v3 =	vld [tilespmem:s13+$0x40];
	_ =	sdelay $0x4  }
0x100: {  	v2 =	vadd.f32 v3, v2;
	_ =	sdelay $0x1  }
0x101: {  	v2 =	vmul.f32 v2, v1;
	_ =	sdelay $0x1  }
0x102: {  	[tilespmem:s11+$0x40] =	vst v2;
	v2 =	vld [tilespmem:s11+$0x50]  }
0x103: {  	v3 =	vld [tilespmem:s13+$0x50];
	_ =	sdelay $0x4  }
0x104: {  	v2 =	vadd.f32 v3, v2;
	_ =	sdelay $0x1  }
0x105: {  	v2 =	vmul.f32 v2, v1;
	_ =	sdelay $0x1  }
0x106: {  	[tilespmem:s11+$0x50] =	vst v2;
	v2 =	vld [tilespmem:s11+$0x60]  }
0x107: {  	v3 =	vld [tilespmem:s13+$0x60];
	_ =	sdelay $0x4  }
0x108: {  	v2 =	vadd.f32 v3, v2;
	_ =	sdelay $0x1  }
0x109: {  	v2 =	vmul.f32 v2, v1;
	_ =	sdelay $0x1  }
0x10a: {  	[tilespmem:s11+$0x60] =	vst v2;
	v2 =	vld [tilespmem:s11+$0x70]  }
0x10b: {  	v3 =	vld [tilespmem:s13+$0x70];
	_ =	sdelay $0x4  }
0x10c: {  	v2 =	vadd.f32 v3, v2;
	v3 =	vmov s9;
	_ =	sdelay $0x1  }
0x10d: {  	v1 =	vmul.f32 v2, v1;
	_ =	sdelay $0x1  }
0x10e: {  	[tilespmem:s11+$0x70] =	vst v1  }
0x10f: {  	v1 =	vld.idx.msk [tilespmem:v3+s31+$0x0], $0xffff;
	_ =	sdelay $0x4  }
0x110: {  	[tilespmem:s10+$0x80] =	vst v1  }
0x111: {  	v2 =	vld [tilespmem:s11+$0x80]  }
0x112: {  	v3 =	vld [tilespmem:s13+$0x80];
	_ =	sdelay $0x4  }
0x113: {  	v2 =	vadd.f32 v3, v2;
	_ =	sdelay $0x1  }
0x114: {  	v2 =	vmul.f32 v2, v1;
	_ =	sdelay $0x1  }
0x115: {  	[tilespmem:s11+$0x80] =	vst v2;
	v2 =	vld [tilespmem:s11+$0x90]  }
0x116: {  	v3 =	vld [tilespmem:s13+$0x90];
	_ =	sdelay $0x4  }
0x117: {  	v2 =	vadd.f32 v3, v2;
	_ =	sdelay $0x1  }
0x118: {  	v2 =	vmul.f32 v2, v1;
	_ =	sdelay $0x1  }
0x119: {  	[tilespmem:s11+$0x90] =	vst v2;
	v2 =	vld [tilespmem:s11+$0xA0]  }
0x11a: {  	v3 =	vld [tilespmem:s13+$0xA0];
	_ =	sdelay $0x4  }
0x11b: {  	v2 =	vadd.f32 v3, v2;
	_ =	sdelay $0x1  }
0x11c: {  	v2 =	vmul.f32 v2, v1;
	_ =	sdelay $0x1  }
0x11d: {  	[tilespmem:s11+$0xA0] =	vst v2;
	v2 =	vld [tilespmem:s11+$0xB0]  }
0x11e: {  	v3 =	vld [tilespmem:s13+$0xB0];
	_ =	sdelay $0x4  }
0x11f: {  	v2 =	vadd.f32 v3, v2;
	_ =	sdelay $0x1  }
0x120: {  	v2 =	vmul.f32 v2, v1;
	_ =	sdelay $0x1  }
0x121: {  	[tilespmem:s11+$0xB0] =	vst v2;
	v2 =	vld [tilespmem:s11+$0xC0]  }
0x122: {  	v3 =	vld [tilespmem:s13+$0xC0];
	_ =	sdelay $0x4  }
0x123: {  	v2 =	vadd.f32 v3, v2;
	_ =	sdelay $0x1  }
0x124: {  	v2 =	vmul.f32 v2, v1;
	_ =	sdelay $0x1  }
0x125: {  	[tilespmem:s11+$0xC0] =	vst v2;
	v2 =	vld [tilespmem:s11+$0xD0]  }
0x126: {  	v3 =	vld [tilespmem:s13+$0xD0];
	_ =	sdelay $0x4  }
0x127: {  	v2 =	vadd.f32 v3, v2;
	_ =	sdelay $0x1  }
0x128: {  	v2 =	vmul.f32 v2, v1;
	_ =	sdelay $0x1  }
0x129: {  	[tilespmem:s11+$0xD0] =	vst v2;
	v2 =	vld [tilespmem:s11+$0xE0]  }
0x12a: {  	v3 =	vld [tilespmem:s13+$0xE0];
	_ =	sdelay $0x4  }
0x12b: {  	v2 =	vadd.f32 v3, v2;
	_ =	sdelay $0x1  }
0x12c: {  	v2 =	vmul.f32 v2, v1;
	_ =	sdelay $0x1  }
0x12d: {  	[tilespmem:s11+$0xE0] =	vst v2;
	v2 =	vld [tilespmem:s11+$0xF0]  }
0x12e: {  	v3 =	vld [tilespmem:s13+$0xF0];
	_ =	sdelay $0x3  }
0x12f: {  	p0 =	sne.s32 s9, $0x4F  }
.Ltmp0:
0x130: {  	v2 =	vadd.f32 v3, v2;
	(pc) =	sbr.rel @p0 .LBB2_3-.Ltmp0, $4  }
0x131: {  	_ = 	snop  }
0x132: {  	v1 =	vmul.f32 v2, v1  }
0x133: {  	s9 =	sadd.s32 $0x4, s9  }
0x134: {  	s10 =	sadd.s32 $0x200, s10;
	s13 =	sadd.s32 $0x200, s13;
	[tilespmem:s11+$0xF0] =	vst v1;
	s11 =	sadd.s32 $0x200, s11  }
0x135: {  	[spmem:s3] =	stream.indirect.scatter.add.f32 [tilespmem:s25], [sflag:$0x3], $0x80, s0, s23, $0xb8;
	[tilespmem:$0x15900] =	vst v63  }
0x136: {  	s8 =	sadd.s32 $0x1, s8;
	_ =	swait.ge [sflag:s16], $0x2800  }
0x137: {  	p0 =	sne.s32 s8, $0xFA;
	[sflag:s16] =	ssyncset.done $0x0  }
.Ltmp1:
0x138: {  	[sflag:s16] =	ssyncadd.s32 $0xFFFFD800;
	(pc) =	sbr.rel @p0 .LBB2_2-.Ltmp1, $4  }
0x139: {  	[spmem:s4] =	stream.indirect.scatter.add.f32 [tilespmem:s2], [sflag:$0x3], $0x10, s0, s23, $0xb8;
	[tilespmem:$0x15900] =	vst v63  }
0x13a: {  	_ =	swait.ge [sflag:s16], $0x500  }
0x13b: {  	[sflag:s16] =	ssyncset.done $0x0  }
0x13c: {  	[sflag:s16] =	ssyncadd.s32 $0xFFFFFB00  }
0x13d: {  	[bflag:$0x0] =	sbarrier.arrive $0xFFFF  }
0x13e: {  	s8 =	rddreg [dreg:$0xa]  }
0x13f: {  	[hbm:s8], [sflag:s19] =	dma.local [spmem:s20], $0x1400  }
0x140: {  	s7 =	sadd.s32 $0x1, s7;
	_ =	swait.ge [sflag:s16], $0x1400  }
0x141: {  	p0 =	sne.s32 s7, s15;
	[sflag:s16] =	ssyncset.done $0x0  }
.Ltmp2:
0x142: {  	s14 =	rddreg [dreg:$0xb];
	[sflag:s16] =	ssyncadd.s32 $0xFFFFEC00;
	(pc) =	sbr.rel @p0 .LBB2_1-.Ltmp2, $4  }
0x143: {  	[hbm:s14], [sflag:s19] =	dma.local [spmem:s21], $0x1400  }
0x144: {  	_ =	swait.ge [sflag:s16], $0x1400  }
0x145: {  	[sflag:s16] =	ssyncset.done $0x0  }
0x146: {  	[sflag:s16] =	ssyncadd.s32 $0xFFFFEC00  }
0x147: {  	_ =	sfence.sel $0x180000  }
0x148: {  	[bflag:$0x0] =	sbarrier.arrive $0xFFFF  }
0x149: {  	_ =	strace $0x9000004A  }
0x14a: {  	s0 =	stileid.u32;
	[bflag:$0x2] =	sbarrier.arrive $0xFFFF  }
0x14b: {  	p0 =	sne.s32 s0, $0x0;
	s0 =	rddreg [dreg:$0x4]  }
0x14c: {  	s0 =	sadd.s32 @!p0 $0x100000, s0  }
0x14d: {  	[sflag:s0] =	ssyncadd.tile.s32 @!p0 $0x1;
	_ =	shalt  }
.Lfunc_end2:
_tile_overlayer_lowered:
.L_overlay_start_2:
0x14e: {  	(tag) =	ssettag $0x2  }
0x14f: {  	s0 =	rddreg [dreg:$0x0];
	s2 =	stileid.u32  }
0x150: {  	s1 =	rddreg [dreg:$0x1];
	p0 =	sne.s32 s2, $0x0  }
0x151: {  	s3 =	rddreg [dreg:$0x2];
	[bflag:$0x3] =	sbarrier.arrive $0xFFFF;
	s2 =	simm.s32 @!p0 $0x1C03  }
0x152: {  	[timem:s3], [sflag:s2] =	dma.local @!p0 [hbm:s0], s1  }
0x153: {  	s0 =	simm.s32 @!p0 $0x3  }
0x154: {  	_ =	swait.ge @!p0 [sflag:s0], s1  }
0x155: {  	s1 =	ssub.s32 @!p0 $0x0, s1;
	[sflag:s0] =	ssyncset.done @!p0 $0x0  }
0x156: {  	[sflag:s0] =	ssyncadd.s32 @!p0 s1  }
0x157: {  	[bflag:$0x3] =	sbarrier.arrive $0xFFFF  }
0x158: {  	_ =	shalt  }

// kernel: kernel.7.cloned.1.call-start
scs
__scs_entry_jumppad:
0x0: {  	(pc) =	sbr.rel $0x88, $3  }
0x1: {  	(tag) =	ssettag $0x0;
	lr =	simm.s32 $0x1  }
0x2: {  	[smem:$0x3F89] =	sst lr;
	_ =	strace $0xD0000000  }
0x3: {  	_ = 	snop  }
0x4: {  	_ = 	snop  }
0x5: {  	_ = 	snop  }
0x6: {  	_ = 	snop  }
0x7: {  	_ = 	snop  }
__scs_overlays_trampoline_lowered:
0x8: {  	[smem:$0x3F98] =	sst s0  }
0x9: {  	[smem:$0x3F99] =	sst s1  }
0xa: {  	[smem:$0x3F9A] =	sst s2  }
0xb: {  	[smem:$0x3F9B] =	sst s3  }
0xc: {  	[smem:$0x3F9C] =	sst s4  }
0xd: {  	[smem:$0x3F9D] =	sst s5  }
0xe: {  	[smem:$0x3F9E] =	sst s6  }
0xf: {  	[smem:$0x3F9F] =	sst s7  }
0x10: {  	[smem:$0x3FA0] =	sst s8  }
0x11: {  	[smem:$0x3FA1] =	sst s9;
	s0 =	simm.s32 @!p0 $0x0  }
0x12: {  	s1 =	sld [smem:$0x3F87];
	s0 =	simm.s32 @p0 $0x1  }
0x13: {  	[smem:$0x3FA2] =	sst s0;
	s0 =	simm.s32 @!p1 $0x0  }
0x14: {  	s2 =	sld [smem:$0x3F86];
	s0 =	simm.s32 @p1 $0x1  }
0x15: {  	[smem:$0x3FA3] =	sst s0;
	s0 =	simm.s32 @!p2 $0x0  }
0x16: {  	s3 =	sld [smem:$0x3FDB];
	s0 =	simm.s32 @p2 $0x1  }
0x17: {  	s4 =	simm.s32 $0x1BF5;
	[smem:$0x3FA5] =	sst s0  }
0x18: {  	s0 =	sld [smem:$0x3F88];
	_ =	swait.ge [sflag:s4], $0x0  }
0x19: {  	s7 =	sld [smem:$0x3F89]  }
0x1a: {  	s8 =	sadd.s32 $0xFFFFE003, lr  }
0x1b: {  	s9 =	sadd.s32 $0xFFFFFEF7, lr;
	s5 =	simm.s32 $0xFFFFFFFF;
	p2 =	slt.u32 s8, $0xFFFFF086  }
0x1c: {  	p1 =	slt.u32 s9, $0xF7A;
	s5 =	simm.s32 @!p2 $0x0  }
0x1d: {  	s5 =	simm.s32 @p1 $0x1;
	p0 =	seq.s32 s7, s2  }
0x1e: {  	s7 =	smul.u32 @!p0 $0xF7A, s2;
	p2 =	seq.s32 @!p0 s5, $0x0  }
0x1f: {  	s9 =	smul.u32 $0xF7A, s1;
	s8 =	simm.s32 @!p0 $0x1BF5;
	p2 =	por !p2, p0  }
0x20: {  	[sflag:s8] =	ssyncset.s32 @!p0 $0xFFFFF086;
	s6 =	sadd.s32 @!p0 s3, s7;
	s7 =	simm.s32 @!p0 $0x108  }
0x21: {  	s3 =	sadd.s32 s3, s9;
	s6 =	sadd.s32 @!p0 $0x88, s6;
	s7 =	simm.s32 @p2 $0x1082  }
0x22: {  	[simem:s7], [sflag:s8] =	dma.local @!p0 [hbm:s6], $0xF7A  }
0x23: {  	s9 =	sor.u32 $0xD0000000, s2;
	s6 =	simm.s32 $0x108;
	_ =	swait.ge @!p0 [sflag:s8], $0x0  }
0x24: {  	s3 =	sadd.s32 $0x88, s3;
	s6 =	simm.s32 @!p1 $0x1082;
	[sflag:s4] =	ssyncset.s32 $0xFFFFF086  }
0x25: {  	[simem:s6], [sflag:s4] =	dma.local [hbm:s3], $0xF7A  }
0x26: {  	[smem:$0x3F89] =	sst s1;
	(tag) =	ssettag s2;
	_ =	strace s9  }
0x27: {  	s1 =	sld [smem:$0x3F99]  }
0x28: {  	s2 =	sld [smem:$0x3F9A]  }
0x29: {  	s4 =	sld [smem:$0x3F9C]  }
0x2a: {  	p0 =	seq.s32 s5, $0x0;
	s5 =	sld [smem:$0x3F9D]  }
0x2b: {  	s6 =	sld [smem:$0x3F9E]  }
0x2c: {  	s7 =	sld [smem:$0x3F9F]  }
0x2d: {  	s3 =	simm.s32 $0x108;
	s8 =	sld [smem:$0x3FA0]  }
0x2e: {  	s3 =	simm.s32 @!p0 $0x1082;
	s9 =	sld [smem:$0x3FA1]  }
0x2f: {  	lr =	sadd.s32 s0, s3;
	s0 =	sld [smem:$0x3F98]  }
0x30: {  	s3 =	sld [smem:$0x3F9B]  }
0x31: {  	[smem:$0x3FA4] =	sst s10  }
0x32: {  	s10 =	sld [smem:$0x3FA2];
	_ =	sdelay $0x3  }
0x33: {  	p0 =	seq.s32 s10, $0x1;
	s10 =	sld [smem:$0x3FA4];
	_ =	sdelay $0x3  }
0x34: {  	[smem:$0x3FA4] =	sst s10  }
0x35: {  	s10 =	sld [smem:$0x3FA3];
	_ =	sdelay $0x3  }
0x36: {  	p1 =	seq.s32 s10, $0x1;
	s10 =	sld [smem:$0x3FA4];
	_ =	sdelay $0x3  }
0x37: {  	[smem:$0x3FA4] =	sst s10  }
0x38: {  	s10 =	sld [smem:$0x3FA5]  }
0x39: {  	_ = 	snop;
	(pc) =	sbr.ind lr, $3  }
0x3a: {  	_ = 	snop  }
0x3b: {  	_ = 	snop  }
0x3c: {  	p2 =	seq.s32 s10, $0x1;
	s10 =	sld [smem:$0x3FA4]  }
0x3d: {  	_ =	shalt  }
0x3e: {  	_ =	shalt  }
0x3f: {  	_ =	shalt  }
0x40: {  	_ =	shalt  }
0x41: {  	_ =	shalt  }
0x42: {  	_ =	shalt  }
0x43: {  	_ =	shalt  }
0x44: {  	_ =	shalt  }
0x45: {  	_ =	shalt  }
0x46: {  	_ =	shalt  }
0x47: {  	_ =	shalt  }
0x48: {  	_ =	shalt  }
0x49: {  	_ =	shalt  }
0x4a: {  	_ =	shalt  }
0x4b: {  	_ =	shalt  }
0x4c: {  	_ =	shalt  }
0x4d: {  	_ =	shalt  }
0x4e: {  	_ =	shalt  }
0x4f: {  	_ =	shalt  }
0x50: {  	_ =	shalt  }
0x51: {  	_ =	shalt  }
0x52: {  	_ =	shalt  }
0x53: {  	_ =	shalt  }
0x54: {  	_ =	shalt  }
0x55: {  	_ =	shalt  }
0x56: {  	_ =	shalt  }
0x57: {  	_ =	shalt  }
0x58: {  	_ =	shalt  }
0x59: {  	_ =	shalt  }
0x5a: {  	_ =	shalt  }
0x5b: {  	_ =	shalt  }
0x5c: {  	_ =	shalt  }
0x5d: {  	_ =	shalt  }
0x5e: {  	_ =	shalt  }
0x5f: {  	_ =	shalt  }
0x60: {  	_ =	shalt  }
0x61: {  	_ =	shalt  }
0x62: {  	_ =	shalt  }
0x63: {  	_ =	shalt  }
0x64: {  	_ =	shalt  }
0x65: {  	_ =	shalt  }
0x66: {  	_ =	shalt  }
0x67: {  	_ =	shalt  }
0x68: {  	_ =	shalt  }
0x69: {  	_ =	shalt  }
0x6a: {  	_ =	shalt  }
0x6b: {  	_ =	shalt  }
0x6c: {  	_ =	shalt  }
0x6d: {  	_ =	shalt  }
0x6e: {  	_ =	shalt  }
0x6f: {  	_ =	shalt  }
0x70: {  	_ =	shalt  }
0x71: {  	_ =	shalt  }
0x72: {  	_ =	shalt  }
0x73: {  	_ =	shalt  }
0x74: {  	_ =	shalt  }
0x75: {  	_ =	shalt  }
0x76: {  	_ =	shalt  }
0x77: {  	_ =	shalt  }
0x78: {  	_ =	shalt  }
0x79: {  	_ =	shalt  }
0x7a: {  	_ =	shalt  }
0x7b: {  	_ =	shalt  }
0x7c: {  	_ =	shalt  }
0x7d: {  	_ =	shalt  }
0x7e: {  	_ =	shalt  }
0x7f: {  	_ =	shalt  }
0x80: {  	_ =	shalt  }
0x81: {  	_ =	shalt  }
0x82: {  	_ =	shalt  }
0x83: {  	_ =	shalt  }
0x84: {  	_ =	shalt  }
0x85: {  	_ =	shalt  }
0x86: {  	_ =	shalt  }
0x87: {  	_ =	shalt  }
.Lfunc_end0:
.L_simem_size_0:
called_computation.2_lowered:
.L_overlay_start_0:
0x88: {  	s2 =	sld [smem:$0x3FD9]  }
0x89: {  	s3 =	sld [smem:$0x3FFE];
	_ =	sdelay $0x1  }
0x8a: {  	s1 =	srdreg.scid  }
0x8b: {  	s0 =	sand.u32 $0x1, s1  }
0x8c: {  	s17 =	sshll.u32 s0, $0xA;
	s2 =	sadd.s32 s3, s2  }
0x8d: {  	s2 =	sadd.s32 s2, s17  }
0x8e: {  	[smem:$0x3FB0] =	sst s2  }
0x8f: {  	_ = 	snop  }
0x90: {  	s2 =	sld [smem:$0x3FC4];
	(tm) =	ssettm $0x1  }
0x91: {  	s18 =	sld [smem:$0x3FFB];
	_ =	sdelay $0x3  }
0x92: {  	_ =	strace s18  }
0x93: {  	s3 =	sld [smem:$0x3FFC];
	_ =	sdelay $0x3  }
0x94: {  	_ =	strace s3  }
0x95: {  	s3 =	sld [smem:$0x3FFD];
	_ =	sdelay $0x3  }
0x96: {  	_ =	strace s3  }
0x97: {  	_ =	strace $0x8FFFFFFF  }
0x98: {  	s19 =	sld [smem:$0x3FDB];
	_ =	sdelay $0x1  }
0x99: {  	s4 =	simm.s32 $_scs_section_size  }
0x9a: {  	s5 =	simm.s32 $_size__tile_overlayer_lowered;
	s6 =	simm.s32 $_tile_overlayer_lowered  }
0x9b: {  	s22 =	simm.s32 $0x1BFF;
	s21 =	sshll.u32 s6, $0x1;
	s3 =	sadd.s32 s4, s19  }
0x9c: {  	s7 =	simm.s32 $0x0;
	s20 =	sshll.u32 s5, $0x1;
	s5 =	sadd.s32 s21, s3  }
0x9d: {  	[timem:s7], [sflag:s22] =	dma.local [hbm:s5], s20  }
0x9e: {  	_ =	swait.ge [sflag:s22], s20  }
0x9f: {  	s4 =	ssub.s32 $0x0, s20;
	[sflag:s22] =	ssyncset.done $0x0  }
0xa0: {  	[sflag:s22] =	ssyncadd.s32 s4;
	_ =	sdelay $0x1  }
0xa1: {  	s23 =	simm.s32 $0x1B8B  }
0xa2: {  	_ =	swait.ge [sflag:s23], $0x1  }
0xa3: {  	[sflag:s23] =	ssyncset.done $0x0  }
0xa4: {  	s25 =	simm.s32 $0x1B8E;
	s24 =	sld [smem:$0x3FFE];
	[sflag:s23] =	ssyncadd.s32 $0xFFFFFFFF  }
0xa5: {  	s26 =	simm.s32 $execute0_lowered;
	[smem:$0x3FD2] =	sst s25  }
0xa6: {  	s5 =	sshll.u32 s26, $0x1;
	_ =	strace $0x80000046;
	[dreg:$0x1] =	wrdreg $0xFFFFFFFF  }
0xa7: {  	s28 =	simm.s32 $_size_execute0_lowered;
	s3 =	sadd.s32 s3, s5;
	[dreg:$0x0] =	wrdreg $0x0  }
0xa8: {  	s5 =	sshll.u32 s28, $0x1;
	[dreg:$0x2] =	wrdreg s3  }
0xa9: {  	[dreg:$0x3] =	wrdreg s5  }
0xaa: {  	[dreg:$0x4] =	wrdreg $0xC0  }
0xab: {  	_ =	task [dreg:s7], $0x5FFFF  }
0xac: {  	[dreg:$0x1] =	wrdreg $0xFFFFFFFF  }
0xad: {  	[dreg:$0x0] =	wrdreg $0x60  }
0xae: {  	[dreg:$0x2] =	wrdreg s2  }
0xaf: {  	[dreg:$0x3] =	wrdreg s24  }
0xb0: {  	[dreg:$0x4] =	wrdreg $0x9  }
0xb1: {  	_ =	task.clear_ibuf [dreg:s7], $0x5FFFF;
	_ =	strace $0x90000046  }
0xb2: {  	s29 =	simm.s32 $0x9;
	_ =	strace $0x80000048  }
0xb3: {  	_ =	swait.ge [sflag:s29], $0x1  }
0xb4: {  	[sflag:s29] =	ssyncadd.s32 $0xFFFFFFFF  }
0xb5: {  	_ =	strace $0x90000048  }
0xb6: {  	_ =	sfence  }
0xb7: {  	s30 =	sld [smem:$0x0];
	_ =	sdelay $0x2  }
0xb8: {  	s31 =	sshll.u32 s1, $0xD;
	s1 =	sshrl.u32 s1, $0x2  }
0xb9: {  	s3 =	sand.u32 $0x4000, s31;
	s1 =	sadd.s32 s1, s30  }
0xba: {  	s0 =	sor.u32 s3, s0;
	s1 =	sshll.u32 s1, $0x11  }
0xbb: {  	s0 =	sor.u32 s1, s0  }
0xbc: {  	s0 =	sadd.s32 $0x8F2B, s0  }
0xbd: {  	[sflag:s0] =	ssyncadd.remote.s32 $0x1  }
0xbe: {  	_ =	sfence.sel $0xFFFF  }
0xbf: {  	[dreg:$0x0] =	wrdreg $0xFFFFFFFF;
	(pc) =	sbr.abs _section_cstart, $3  }
0xc0: {  	[dreg:$0x1] =	wrdreg $0xFFFFFFFF  }
0xc1: {  	_ =	task.clear_ibuf [dreg:s7], $0x2FFFF;
	_ =	strace $0x9FFFFFFF  }
0xc2: {  	(tm) =	ssettm $0x7FFFFFFF  }
0xc3: {  	_ =	shalt  }
tec
execute0_lowered:
.L_overlay_start_1:
0x0: {  	(tag) =	ssettag $0x1  }
0x1: {  	s1 =	srdreg.scid;
	s0 =	stileid.u32  }
0x2: {  	s2 =	rddreg [dreg:$0x0];
	s6 =	sand.u32 $0x1, s1;
	s30 =	sshll.u32 s0, $0x1  }
0x3: {  	s9 =	rddreg [dreg:$0x1];
	s7 =	sor.u32 s6, s30  }
0x4: {  	s3 =	simm.s32 $0x0;
	s1 =	rddreg [dreg:$0x2];
	s4 =	smul.u32 $0x28, s7  }
0x5: {  	s8 =	simm.s32 $0x1;
	[smem:$0x7FF] =	sst s3  }
0x6: {  	_ =	strace $0x80000047;
	s11 =	ssub.s32 $0x2, s6;
	s4 =	sadd.s32 s4, s9  }
0x7: {  	s6 =	simm.s32 $0x140;
	s5 =	sadd.s32 $0x3600, s4;
	s4 =	simm.s32 $0x2  }
0x8: {  	[tilespmem:s3], [sflag:$0x2] =	stream.linear.gather [hbm4b:s5+s3], $0x140, $0x38;
	[tilespmem:$0xA180] =	vst v63  }
0x9: {  	s10 =	smul.u32 $0x1400, s7;
	s12 =	sshrl.u32 s11, $0x1;
	_ =	swait.ge [sflag:s4], $0x140  }
0xa: {  	s7 =	simm.s32 $0x180;
	s31 =	ssub.s32 s11, s12;
	[sflag:s4] =	ssyncset.done $0x0  }
0xb: {  	s9 =	sadd.s32 s10, s9;
	s10 =	smax.u32 s31, $0x1;
	[sflag:s4] =	ssyncadd.s32 $0xFFFFFEC0  }
0xc: {  	[tilespmem:s7], [sflag:$0x1] =	stream.indirect.gather [hbm4b:s2+s6], $0x80, s3, s6, $0xb8;
	[tilespmem:$0xA180] =	vst v63  }
0xd: {  	p0 =	sne.s32 s10, $0x1;
	_ =	swait.ge [sflag:s8], $0xA000  }
.Ltmp0:
0xe: {  	[sflag:s8] =	ssyncset.done $0x0;
	(pc) =	sbr.rel @!p0 .LBB2_2-.Ltmp0, $4  }
0xf: {  	s9 =	sadd.s32 $0x3C00, s9;
	[sflag:s8] =	ssyncadd.s32 $0xFFFF6000  }
0x10: {  	[hbm4b:s9+s3] =	stream.linear.scatter [tilespmem:s7], [sflag:$0x2], $0xA000, $0x38;
	[tilespmem:$0xA180] =	vst v63  }
0x11: {  	_ =	swait.ge [sflag:s4], $0xA000  }
0x12: {  	s10 =	sadd.s32 $0xFFFFFFFF, s10;
	[sflag:s4] =	ssyncset.done $0x0  }
.LBB2_1:
0x13: {  	p0 =	sne.s32 s10, $0x1;
	s10 =	sadd.s32 $0xFFFFFFFF, s10;
	[sflag:s4] =	ssyncadd.s32 $0xFFFF6000  }
0x14: {  	[tilespmem:s3], [sflag:$0x2] =	stream.linear.gather [hbm4b:s5+s3], $0x140, $0x38;
	[tilespmem:$0xA180] =	vst v63  }
0x15: {  	_ =	swait.ge [sflag:s4], $0x140  }
0x16: {  	[sflag:s4] =	ssyncset.done $0x0  }
0x17: {  	[sflag:s4] =	ssyncadd.s32 $0xFFFFFEC0  }
0x18: {  	[tilespmem:s7], [sflag:$0x1] =	stream.indirect.gather [hbm4b:s2+s6], $0x80, s3, s6, $0xb8;
	[tilespmem:$0xA180] =	vst v63  }
0x19: {  	_ =	swait.ge [sflag:s8], $0xA000  }
.Ltmp1:
0x1a: {  	[sflag:s8] =	ssyncset.done $0x0;
	(pc) =	sbr.rel @p0 .LBB2_1-.Ltmp1, $4  }
0x1b: {  	[sflag:s8] =	ssyncadd.s32 $0xFFFF6000  }
0x1c: {  	[hbm4b:s9+s3] =	stream.linear.scatter [tilespmem:s7], [sflag:$0x2], $0xA000, $0x38;
	[tilespmem:$0xA180] =	vst v63  }
0x1d: {  	_ =	swait.ge [sflag:s4], $0xA000  }
0x1e: {  	[sflag:s4] =	ssyncset.done $0x0  }
.LBB2_2:
0x1f: {  	[sflag:s4] =	ssyncadd.s32 $0xFFFF6000  }
0x20: {  	_ =	sfence.sel $0x180000  }
0x21: {  	[bflag:$0x0] =	sbarrier.arrive $0xFFFF  }
0x22: {  	p0 =	sne.s32 s0, $0x0;
	_ =	strace $0x90000047  }
0x23: {  	s0 =	sadd.s32 @!p0 $0x100000, s1;
	[bflag:$0x2] =	sbarrier.arrive $0xFFFF  }
0x24: {  	[sflag:s0] =	ssyncadd.tile.s32 @!p0 $0x1;
	_ =	shalt  }
.Lfunc_end2:
_tile_overlayer_lowered:
.L_overlay_start_2:
0x25: {  	(tag) =	ssettag $0x2  }
0x26: {  	s0 =	rddreg [dreg:$0x0];
	s2 =	stileid.u32  }
0x27: {  	s1 =	rddreg [dreg:$0x1];
	p0 =	sne.s32 s2, $0x0  }
0x28: {  	s3 =	rddreg [dreg:$0x2];
	[bflag:$0x3] =	sbarrier.arrive $0xFFFF;
	s2 =	simm.s32 @!p0 $0x1C02  }
0x29: {  	[timem:s3], [sflag:s2] =	dma.local @!p0 [hbm:s0], s1  }
0x2a: {  	s0 =	simm.s32 @!p0 $0x2  }
0x2b: {  	_ =	swait.ge @!p0 [sflag:s0], s1  }
0x2c: {  	s1 =	ssub.s32 @!p0 $0x0, s1;
	[sflag:s0] =	ssyncset.done @!p0 $0x0  }
0x2d: {  	[sflag:s0] =	ssyncadd.s32 @!p0 s1  }
0x2e: {  	[bflag:$0x3] =	sbarrier.arrive $0xFFFF  }
0x2f: {  	_ =	shalt  }

</sc_bundles>
